<compile_context>
chip_gen: v7x
topology: tpu7x:2x2x1
jax: 0.10.2.dev20260603
libtpu: 0.0.44.dev20260713+nightly
codegen_flags: <defaults>
</compile_context>

<pallas_src>
import functools
import math

import jax
import jax.numpy as jnp
from jax import lax
from jax.experimental import pallas as pl
from jax.experimental.pallas import tpu as pltpu
from jax.experimental.pallas import tpu_sc as plsc

DEPTH_L = 18
NUM_LEAVES = 2 ** DEPTH_L
NUM_NODES_K = NUM_LEAVES - 1
BATCH = 2000000
SCALE = float(NUM_LEAVES)
BONUS = DEPTH_L * math.log(2.0)

NC, NS, LANES = 2, 16, 16
NW = NC * NS

_LOG_C = (0.043428907822139526, -0.4048671744191854, 1.5939013634991297,
          -3.49249427987935, 5.046876044975941, -2.786812953867443)
_LN2 = math.log(2.0)

TPB = NUM_LEAVES // NW
_OFFN = [2 ** (DEPTH_L - 1 - m) - 1 for m in range(DEPTH_L)]
_NLEV = 8
_NSPAN = [max(TPB >> (m + 1), 1) + 1 for m in range(_NLEV)]
_H = [(-(-(s + 16) // 16)) * 16 for s in _NSPAN]
_BASE = [2 * sum(_H[:m]) for m in range(_NLEV)]
_TOPB = 2 * sum(_H)
_TOPH = 1024
STAGE_TOTAL = _TOPB + 2 * _TOPH
_LEN0 = 4103
COARSE = TPB // LANES

CHUNK = 8000
NCHUNKS = BATCH // CHUNK
MAX_ITERS = -(-NCHUNKS // NW)

_MESH = plsc.VectorSubcoreMesh(
    core_axis_name="c", subcore_axis_name="s", num_cores=NC, num_subcores=NS)
_PARAMS = pltpu.CompilerParams(
    needs_layout_passes=False, use_tc_tiling_on_sc=False)


def _vlog(v):
    bits = plsc.bitcast(v, jnp.int32)
    e = jnp.right_shift(bits, 23) - 127
    mant = plsc.bitcast(
        jnp.bitwise_or(jnp.bitwise_and(bits, 0x007FFFFF), 0x3F800000),
        jnp.float32)
    acc = mant * _LOG_C[0] + _LOG_C[1]
    for coef in _LOG_C[2:]:
        acc = acc * mant + coef
    return (acc + e.astype(jnp.float32)) * _LN2


@functools.partial(
    pl.kernel,
    out_type=jax.ShapeDtypeStruct((NUM_LEAVES,), jnp.float32),
    mesh=_MESH,
    compiler_params=_PARAMS,
    scratch_types=[
        pltpu.VMEM((STAGE_TOTAL,), jnp.float32),
        pltpu.VMEM((STAGE_TOTAL,), jnp.float32),
        pltpu.VMEM((COARSE,), jnp.float32),
        pltpu.VMEM((TPB,), jnp.float32),
        pltpu.SemaphoreType.DMA,
    ],
)
def _build_table(th0_hbm, th1_hbm, s_hbm, stage_v, inter_v, coarse_v, out_v,
                 sem):
    wid = lax.axis_index("s") * NC + lax.axis_index("c")
    c0 = wid * TPB

    cols = (th0_hbm, th1_hbm)
    descs = []
    nas = [None] * _NLEV
    nas[0] = pl.multiple_of(c0 // 2 + 131064, 8)
    for b in (0, 1):
        descs.append(pltpu.async_copy(
            cols[b].at[pl.ds(nas[0], _LEN0)],
            stage_v.at[pl.ds(_BASE[0] + b * _H[0], _LEN0)], sem))
    for m in range(1, _NLEV):
        n0 = _OFFN[m] + jnp.right_shift(c0, m + 1)
        nas[m] = pl.multiple_of(jnp.bitwise_and(n0, jnp.int32(-8)), 8)
        for b in (0, 1):
            descs.append(pltpu.async_copy(
                cols[b].at[pl.ds(nas[m], _H[m])],
                stage_v.at[pl.ds(_BASE[m] + b * _H[m], _H[m])], sem))
    for b in (0, 1):
        descs.append(pltpu.async_copy(
            cols[b].at[pl.ds(0, _TOPH)],
            stage_v.at[pl.ds(_TOPB + b * _TOPH, _TOPH)], sem))
    for d in descs:
        d.wait()

    iota = lax.iota(jnp.int32, LANES)

    for base, half in [(_BASE[m], _H[m]) for m in range(_NLEV)] + [
            (_TOPB, _TOPH)]:
        @plsc.parallel_loop(0, half // LANES, unroll=4)
        def _log_loop(j, base=base, half=half):
            j16 = j * LANES
            v0 = stage_v[pl.ds(base + j16, LANES)]
            v1 = stage_v[pl.ds(base + half + j16, LANES)]
            pos = base + 2 * j16 + 2 * iota
            plsc.store_scatter(inter_v, [pos], _vlog(v0 + 1e-20))
            plsc.store_scatter(inter_v, [pos + 1], _vlog(v1 + 1e-20))

    iadjs = [_BASE[m] + 2 * _OFFN[m] - 2 * nas[m] for m in range(_NLEV)]
    iadjs += [_TOPB + 2 * _OFFN[m] for m in range(_NLEV, DEPTH_L)]

    def _acc_level(acc, m, sh):
        return acc + plsc.load_gather(inter_v, [sh + iadjs[m]])

    h0 = jnp.right_shift(c0, 4)

    @plsc.parallel_loop(0, COARSE // LANES, unroll=2)
    def _coarse_loop(u):
        h_vec = h0 + u * LANES + iota
        acc = jnp.full((LANES,), BONUS, jnp.float32)
        for m in range(4, DEPTH_L):
            acc = _acc_level(acc, m, jnp.right_shift(h_vec, m - 4))
        coarse_v[pl.ds(u * LANES, LANES)] = acc

    @plsc.parallel_loop(0, TPB // LANES, unroll=2)
    def _fine_loop(t):
        c_vec = c0 + t * LANES + iota
        acc = plsc.load_gather(coarse_v, [jnp.broadcast_to(t, (LANES,))])
        for m in range(4):
            acc = _acc_level(acc, m, jnp.right_shift(c_vec, m))
        out_v[pl.ds(t * LANES, LANES)] = acc

    pltpu.sync_copy(out_v, s_hbm.at[pl.ds(c0, TPB)])


@functools.partial(
    pl.kernel,
    out_type=jax.ShapeDtypeStruct((BATCH,), jnp.float32),
    mesh=_MESH,
    compiler_params=_PARAMS,
    scratch_types=[
        pltpu.VMEM((CHUNK,), jnp.float32),
        pltpu.VMEM((CHUNK,), jnp.float32),
        pltpu.VMEM((CHUNK,), jnp.int32),
        pltpu.VMEM((CHUNK,), jnp.int32),
        pltpu.VMEM((CHUNK,), jnp.float32),
        pltpu.VMEM((CHUNK,), jnp.float32),
        pltpu.VMEM_SHARED((NUM_LEAVES,), jnp.float32),
        pltpu.SemaphoreType.DMA,
        pltpu.SemaphoreType.DMA,
        pltpu.SemaphoreType.DMA,
        pltpu.SemaphoreType.DMA,
        pltpu.SemaphoreType.DMA,
    ],
)
def _gather_leaves(x_hbm, s_hbm, out_hbm,
                   x0, x1, i0, i1, r0, r1, s_sh, sx0, sx1, sg, ss0, ss1):
    wid = lax.axis_index("s") * NC + lax.axis_index("c")
    sid = lax.axis_index("s")
    xs, idxs, rs = (x0, x1), (i0, i1), (r0, r1)
    sxs, sss = (sx0, sx1), (ss0, ss1)

    seg = NUM_LEAVES // NS
    pltpu.sync_copy(s_hbm.at[pl.ds(sid * seg, seg)],
                    s_sh.at[pl.ds(sid * seg, seg)])
    plsc.subcore_barrier()

    def chunk_base(k):
        cid = k * NW + wid
        cid = jnp.where(cid < NCHUNKS, cid, cid - NW)
        return pl.multiple_of(cid * CHUNK, 8)

    def idx_compute(b):
        @plsc.parallel_loop(0, CHUNK // LANES, unroll=8)
        def _idx_loop(t):
            xv = xs[b][pl.ds(t * LANES, LANES)]
            ci = (xv * SCALE).astype(jnp.int32)
            ci = jnp.minimum(jnp.maximum(ci, 0), NUM_LEAVES - 1)
            idxs[b][pl.ds(t * LANES, LANES)] = ci

    dx = [None, None]
    dg = [None, None]
    dst = [None, None]
    dx[0] = pltpu.async_copy(
        x_hbm.at[pl.ds(chunk_base(0), CHUNK)], xs[0], sxs[0])
    for k in range(MAX_ITERS):
        b = k & 1
        if k + 1 < MAX_ITERS:
            dx[1 - b] = pltpu.async_copy(
                x_hbm.at[pl.ds(chunk_base(k + 1), CHUNK)], xs[1 - b],
                sxs[1 - b])
        dx[b].wait()
        idx_compute(b)
        if k >= 1:
            dg[1 - b].wait()
            dst[1 - b] = pltpu.async_copy(
                rs[1 - b], out_hbm.at[pl.ds(chunk_base(k - 1), CHUNK)],
                sss[1 - b])
        if k >= 2:
            dst[b].wait()
        dg[b] = pltpu.async_copy(s_sh.at[idxs[b]], rs[b], sg)
    bl = (MAX_ITERS - 1) & 1
    dg[bl].wait()
    dst[bl] = pltpu.async_copy(
        rs[bl], out_hbm.at[pl.ds(chunk_base(MAX_ITERS - 1), CHUNK)], sss[bl])
    dst[1 - bl].wait()
    dst[bl].wait()


def kernel(x, theta):
    s_table = _build_table(theta[:, 0], theta[:, 1])
    return _gather_leaves(x, s_table)

# --- scband reference (transcript-rebuilt; emitter-appended) ---
"""Pipeline reference for scband-polya-tree1-d-73160472920417 (READ-ONLY COPY).

The authoritative reference and input builder live on the scoring server;
editing this copy changes nothing except your own understanding.
"""

import jax, jax.numpy as jnp
import numpy as np
import math

DEPTH = 18
NUM_NODES = 2 ** DEPTH - 1  # 262143
B = 2000000


def setup_inputs(seed: int = 0) -> dict:
    key = jax.random.key(seed)
    k1, k2 = jax.random.split(key)
    x = jax.random.uniform(k1, (B,), dtype=jnp.float32)
    theta = jax.random.uniform(k2, (NUM_NODES, 2), dtype=jnp.float32)
    return {"x": x, "theta": theta}


def reference(x, theta):
    # Finite-depth 1D Polya tree log-density (piecewise constant on dyadic bins)
    x = jnp.clip(x, 0.0, 1.0 - 1e-08)
    log_mass = jnp.zeros(x.shape[0], dtype=theta.dtype)
    for l in range(DEPTH):
        bins_l = jnp.floor(x * (2 ** l)).astype(jnp.int32)
        node_offset = 2 ** l - 1
        node_indices = node_offset + bins_l
        child_bins = jnp.floor(x * (2 ** (l + 1))).astype(jnp.int32)
        branches = child_bins - 2 * bins_l
        log_theta = jnp.log(theta[node_indices, branches] + 1e-20)
        log_mass = log_mass + log_theta
    log_density = log_mass + DEPTH * math.log(2.0)
    return log_density

if __name__ == "__main__":
    import jax
    _d = setup_inputs()
    print(jax.jit(kernel)(*tuple(_d.values())))

</pallas_src>

<mosaic_0001>
#map = affine_map<(d0, d1) -> (0)>
module attributes {stable_mosaic.version = 14 : i64} {
  func.func @_build_table(%arg0: i32, %arg1: i32, %arg2: memref<262143xf32, #tpu.memory_space<hbm>>, %arg3: memref<262143xf32, #tpu.memory_space<hbm>>, %arg4: memref<262144xf32, #tpu.memory_space<hbm>>, %arg5: memref<18880xf32, #tpu.memory_space<vmem>>, %arg6: memref<18880xf32, #tpu.memory_space<vmem>>, %arg7: memref<512xf32, #tpu.memory_space<vmem>>, %arg8: memref<8192xf32, #tpu.memory_space<vmem>>, %arg9: memref<!tpu.dma_semaphore, #tpu.memory_space<semaphore_mem>>) attributes {dimension_semantics = [#tpu.dimension_semantics<core_parallel>, #tpu.dimension_semantics<subcore_parallel>], iteration_bounds = array<i64: 2, 16>, scalar_prefetch = 0 : i64, scratch_operands = 5 : i64, tpu.core_type = #tpu.core_type<sc_vector_subcore>, window_params = [{transform_indices = #map}, {transform_indices = #map}, {transform_indices = #map}]} {
    %mul3A = arith.constant 2 : i32
    %mul3A_0 = arith.muli %arg1, %mul3A : i32
    %add3A = arith.addi %mul3A_0, %arg0 : i32
    %mul3A_1 = arith.constant 8192 : i32
    %mul3A_2 = arith.muli %add3A, %mul3A_1 : i32
    %jit3A = arith.constant 2 : i32
    %div3A = arith.divsi %mul3A_2, %jit3A : i32
    %sign3A = arith.constant 0 : i32
    %sign3A_3 = arith.cmpi sgt, %mul3A_2, %sign3A : i32
    %sign3A_4 = arith.extui %sign3A_3 : i1 to i32
    %sign3A_5 = arith.constant 0 : i32
    %sign3A_6 = arith.cmpi slt, %mul3A_2, %sign3A_5 : i32
    %sign3A_7 = arith.extui %sign3A_6 : i1 to i32
    %sign3A_8 = arith.subi %sign3A_4, %sign3A_7 : i32
    %sign3A_9 = arith.constant 0 : i32
    %sign3A_10 = arith.cmpi sgt, %jit3A, %sign3A_9 : i32
    %sign3A_11 = arith.extui %sign3A_10 : i1 to i32
    %sign3A_12 = arith.constant 0 : i32
    %sign3A_13 = arith.cmpi slt, %jit3A, %sign3A_12 : i32
    %sign3A_14 = arith.extui %sign3A_13 : i1 to i32
    %sign3A_15 = arith.subi %sign3A_11, %sign3A_14 : i32
    %ne3A = arith.cmpi ne, %sign3A_8, %sign3A_15 : i32
    %rem3A = arith.remsi %mul3A_2, %jit3A : i32
    %ne3A_16 = arith.constant 0 : i32
    %ne3A_17 = arith.cmpi ne, %rem3A, %ne3A_16 : i32
    %and3A = arith.andi %ne3A, %ne3A_17 : i1
    %sub3A = arith.constant 1 : i32
    %sub3A_18 = arith.subi %div3A, %sub3A : i32
    %select_n3A = arith.select %and3A, %sub3A_18, %div3A : i32
    %add3A_19 = arith.constant 131064 : i32
    %add3A_20 = arith.addi %select_n3A, %add3A_19 : i32
    %multiple_of3A = tpu.assume_multiple %add3A_20, 8 : i32
    %dma_start3A = arith.constant 0 : i32
    %dma_start3A_21 = tpu.memref_slice %arg5[%dma_start3A] : memref<18880xf32, #tpu.memory_space<vmem>> -> memref<4103xf32, #tpu.memory_space<vmem>>
    %dma_start3A_22 = tpu.memref_slice %arg2[%multiple_of3A] : memref<262143xf32, #tpu.memory_space<hbm>> -> memref<4103xf32, #tpu.memory_space<hbm>>
    %dma_start3A_23 = arith.constant 0 : i32
    %dma_start3A_24 = tpu.memref_slice %arg5[%dma_start3A_23] : memref<18880xf32, #tpu.memory_space<vmem>> -> memref<4103xf32, #tpu.memory_space<vmem>>
    %dma_start3A_25 = tpu.memref_slice %arg2[%multiple_of3A] : memref<262143xf32, #tpu.memory_space<hbm>> -> memref<4103xf32, #tpu.memory_space<hbm>>
    tpu.enqueue_dma source(%dma_start3A_25 : memref<4103xf32, #tpu.memory_space<hbm>>) target(%dma_start3A_24 : memref<4103xf32, #tpu.memory_space<vmem>>) target_semaphore(%arg9 : memref<!tpu.dma_semaphore, #tpu.memory_space<semaphore_mem>>)
    %dma_start3A_26 = arith.constant 4128 : i32
    %dma_start3A_27 = tpu.memref_slice %arg5[%dma_start3A_26] : memref<18880xf32, #tpu.memory_space<vmem>> -> memref<4103xf32, #tpu.memory_space<vmem>>
    %dma_start3A_28 = tpu.memref_slice %arg3[%multiple_of3A] : memref<262143xf32, #tpu.memory_space<hbm>> -> memref<4103xf32, #tpu.memory_space<hbm>>
    %dma_start3A_29 = arith.constant 4128 : i32
    %dma_start3A_30 = tpu.memref_slice %arg5[%dma_start3A_29] : memref<18880xf32, #tpu.memory_space<vmem>> -> memref<4103xf32, #tpu.memory_space<vmem>>
    %dma_start3A_31 = tpu.memref_slice %arg3[%multiple_of3A] : memref<262143xf32, #tpu.memory_space<hbm>> -> memref<4103xf32, #tpu.memory_space<hbm>>
    tpu.enqueue_dma source(%dma_start3A_31 : memref<4103xf32, #tpu.memory_space<hbm>>) target(%dma_start3A_30 : memref<4103xf32, #tpu.memory_space<vmem>>) target_semaphore(%arg9 : memref<!tpu.dma_semaphore, #tpu.memory_space<semaphore_mem>>)
    %shift_right_arithmetic3A = arith.constant 2 : i32
    %shift_right_arithmetic3A_32 = arith.shrsi %mul3A_2, %shift_right_arithmetic3A : i32
    %add3A_33 = arith.constant 65535 : i32
    %add3A_34 = arith.addi %add3A_33, %shift_right_arithmetic3A_32 : i32
    %and3A_35 = arith.constant -8 : i32
    %and3A_36 = arith.andi %add3A_34, %and3A_35 : i32
    %multiple_of3A_37 = tpu.assume_multiple %and3A_36, 8 : i32
    %dma_start3A_38 = arith.constant 8256 : i32
    %dma_start3A_39 = tpu.memref_slice %arg5[%dma_start3A_38] : memref<18880xf32, #tpu.memory_space<vmem>> -> memref<2080xf32, #tpu.memory_space<vmem>>
    %dma_start3A_40 = tpu.memref_slice %arg2[%multiple_of3A_37] : memref<262143xf32, #tpu.memory_space<hbm>> -> memref<2080xf32, #tpu.memory_space<hbm>>
    %dma_start3A_41 = arith.constant 8256 : i32
    %dma_start3A_42 = tpu.memref_slice %arg5[%dma_start3A_41] : memref<18880xf32, #tpu.memory_space<vmem>> -> memref<2080xf32, #tpu.memory_space<vmem>>
    %dma_start3A_43 = tpu.memref_slice %arg2[%multiple_of3A_37] : memref<262143xf32, #tpu.memory_space<hbm>> -> memref<2080xf32, #tpu.memory_space<hbm>>
    tpu.enqueue_dma source(%dma_start3A_43 : memref<2080xf32, #tpu.memory_space<hbm>>) target(%dma_start3A_42 : memref<2080xf32, #tpu.memory_space<vmem>>) target_semaphore(%arg9 : memref<!tpu.dma_semaphore, #tpu.memory_space<semaphore_mem>>)
    %dma_start3A_44 = arith.constant 10336 : i32
    %dma_start3A_45 = tpu.memref_slice %arg5[%dma_start3A_44] : memref<18880xf32, #tpu.memory_space<vmem>> -> memref<2080xf32, #tpu.memory_space<vmem>>
    %dma_start3A_46 = tpu.memref_slice %arg3[%multiple_of3A_37] : memref<262143xf32, #tpu.memory_space<hbm>> -> memref<2080xf32, #tpu.memory_space<hbm>>
    %dma_start3A_47 = arith.constant 10336 : i32
    %dma_start3A_48 = tpu.memref_slice %arg5[%dma_start3A_47] : memref<18880xf32, #tpu.memory_space<vmem>> -> memref<2080xf32, #tpu.memory_space<vmem>>
    %dma_start3A_49 = tpu.memref_slice %arg3[%multiple_of3A_37] : memref<262143xf32, #tpu.memory_space<hbm>> -> memref<2080xf32, #tpu.memory_space<hbm>>
    tpu.enqueue_dma source(%dma_start3A_49 : memref<2080xf32, #tpu.memory_space<hbm>>) target(%dma_start3A_48 : memref<2080xf32, #tpu.memory_space<vmem>>) target_semaphore(%arg9 : memref<!tpu.dma_semaphore, #tpu.memory_space<semaphore_mem>>)
    %shift_right_arithmetic3A_50 = arith.constant 3 : i32
    %shift_right_arithmetic3A_51 = arith.shrsi %mul3A_2, %shift_right_arithmetic3A_50 : i32
    %add3A_52 = arith.constant 32767 : i32
    %add3A_53 = arith.addi %add3A_52, %shift_right_arithmetic3A_51 : i32
    %and3A_54 = arith.constant -8 : i32
    %and3A_55 = arith.andi %add3A_53, %and3A_54 : i32
    %multiple_of3A_56 = tpu.assume_multiple %and3A_55, 8 : i32
    %dma_start3A_57 = arith.constant 12416 : i32
    %dma_start3A_58 = tpu.memref_slice %arg5[%dma_start3A_57] : memref<18880xf32, #tpu.memory_space<vmem>> -> memref<1056xf32, #tpu.memory_space<vmem>>
    %dma_start3A_59 = tpu.memref_slice %arg2[%multiple_of3A_56] : memref<262143xf32, #tpu.memory_space<hbm>> -> memref<1056xf32, #tpu.memory_space<hbm>>
    %dma_start3A_60 = arith.constant 12416 : i32
    %dma_start3A_61 = tpu.memref_slice %arg5[%dma_start3A_60] : memref<18880xf32, #tpu.memory_space<vmem>> -> memref<1056xf32, #tpu.memory_space<vmem>>
    %dma_start3A_62 = tpu.memref_slice %arg2[%multiple_of3A_56] : memref<262143xf32, #tpu.memory_space<hbm>> -> memref<1056xf32, #tpu.memory_space<hbm>>
    tpu.enqueue_dma source(%dma_start3A_62 : memref<1056xf32, #tpu.memory_space<hbm>>) target(%dma_start3A_61 : memref<1056xf32, #tpu.memory_space<vmem>>) target_semaphore(%arg9 : memref<!tpu.dma_semaphore, #tpu.memory_space<semaphore_mem>>)
    %dma_start3A_63 = arith.constant 13472 : i32
    %dma_start3A_64 = tpu.memref_slice %arg5[%dma_start3A_63] : memref<18880xf32, #tpu.memory_space<vmem>> -> memref<1056xf32, #tpu.memory_space<vmem>>
    %dma_start3A_65 = tpu.memref_slice %arg3[%multiple_of3A_56] : memref<262143xf32, #tpu.memory_space<hbm>> -> memref<1056xf32, #tpu.memory_space<hbm>>
    %dma_start3A_66 = arith.constant 13472 : i32
    %dma_start3A_67 = tpu.memref_slice %arg5[%dma_start3A_66] : memref<18880xf32, #tpu.memory_space<vmem>> -> memref<1056xf32, #tpu.memory_space<vmem>>
    %dma_start3A_68 = tpu.memref_slice %arg3[%multiple_of3A_56] : memref<262143xf32, #tpu.memory_space<hbm>> -> memref<1056xf32, #tpu.memory_space<hbm>>
    tpu.enqueue_dma source(%dma_start3A_68 : memref<1056xf32, #tpu.memory_space<hbm>>) target(%dma_start3A_67 : memref<1056xf32, #tpu.memory_space<vmem>>) target_semaphore(%arg9 : memref<!tpu.dma_semaphore, #tpu.memory_space<semaphore_mem>>)
    %shift_right_arithmetic3A_69 = arith.constant 4 : i32
    %shift_right_arithmetic3A_70 = arith.shrsi %mul3A_2, %shift_right_arithmetic3A_69 : i32
    %add3A_71 = arith.constant 16383 : i32
    %add3A_72 = arith.addi %add3A_71, %shift_right_arithmetic3A_70 : i32
    %and3A_73 = arith.constant -8 : i32
    %and3A_74 = arith.andi %add3A_72, %and3A_73 : i32
    %multiple_of3A_75 = tpu.assume_multiple %and3A_74, 8 : i32
    %dma_start3A_76 = arith.constant 14528 : i32
    %dma_start3A_77 = tpu.memref_slice %arg5[%dma_start3A_76] : memref<18880xf32, #tpu.memory_space<vmem>> -> memref<544xf32, #tpu.memory_space<vmem>>
    %dma_start3A_78 = tpu.memref_slice %arg2[%multiple_of3A_75] : memref<262143xf32, #tpu.memory_space<hbm>> -> memref<544xf32, #tpu.memory_space<hbm>>
    %dma_start3A_79 = arith.constant 14528 : i32
    %dma_start3A_80 = tpu.memref_slice %arg5[%dma_start3A_79] : memref<18880xf32, #tpu.memory_space<vmem>> -> memref<544xf32, #tpu.memory_space<vmem>>
    %dma_start3A_81 = tpu.memref_slice %arg2[%multiple_of3A_75] : memref<262143xf32, #tpu.memory_space<hbm>> -> memref<544xf32, #tpu.memory_space<hbm>>
    tpu.enqueue_dma source(%dma_start3A_81 : memref<544xf32, #tpu.memory_space<hbm>>) target(%dma_start3A_80 : memref<544xf32, #tpu.memory_space<vmem>>) target_semaphore(%arg9 : memref<!tpu.dma_semaphore, #tpu.memory_space<semaphore_mem>>)
    %dma_start3A_82 = arith.constant 15072 : i32
    %dma_start3A_83 = tpu.memref_slice %arg5[%dma_start3A_82] : memref<18880xf32, #tpu.memory_space<vmem>> -> memref<544xf32, #tpu.memory_space<vmem>>
    %dma_start3A_84 = tpu.memref_slice %arg3[%multiple_of3A_75] : memref<262143xf32, #tpu.memory_space<hbm>> -> memref<544xf32, #tpu.memory_space<hbm>>
    %dma_start3A_85 = arith.constant 15072 : i32
    %dma_start3A_86 = tpu.memref_slice %arg5[%dma_start3A_85] : memref<18880xf32, #tpu.memory_space<vmem>> -> memref<544xf32, #tpu.memory_space<vmem>>
    %dma_start3A_87 = tpu.memref_slice %arg3[%multiple_of3A_75] : memref<262143xf32, #tpu.memory_space<hbm>> -> memref<544xf32, #tpu.memory_space<hbm>>
    tpu.enqueue_dma source(%dma_start3A_87 : memref<544xf32, #tpu.memory_space<hbm>>) target(%dma_start3A_86 : memref<544xf32, #tpu.memory_space<vmem>>) target_semaphore(%arg9 : memref<!tpu.dma_semaphore, #tpu.memory_space<semaphore_mem>>)
    %shift_right_arithmetic3A_88 = arith.constant 5 : i32
    %shift_right_arithmetic3A_89 = arith.shrsi %mul3A_2, %shift_right_arithmetic3A_88 : i32
    %add3A_90 = arith.constant 8191 : i32
    %add3A_91 = arith.addi %add3A_90, %shift_right_arithmetic3A_89 : i32
    %and3A_92 = arith.constant -8 : i32
    %and3A_93 = arith.andi %add3A_91, %and3A_92 : i32
    %multiple_of3A_94 = tpu.assume_multiple %and3A_93, 8 : i32
    %dma_start3A_95 = arith.constant 15616 : i32
    %dma_start3A_96 = tpu.memref_slice %arg5[%dma_start3A_95] : memref<18880xf32, #tpu.memory_space<vmem>> -> memref<288xf32, #tpu.memory_space<vmem>>
    %dma_start3A_97 = tpu.memref_slice %arg2[%multiple_of3A_94] : memref<262143xf32, #tpu.memory_space<hbm>> -> memref<288xf32, #tpu.memory_space<hbm>>
    %dma_start3A_98 = arith.constant 15616 : i32
    %dma_start3A_99 = tpu.memref_slice %arg5[%dma_start3A_98] : memref<18880xf32, #tpu.memory_space<vmem>> -> memref<288xf32, #tpu.memory_space<vmem>>
    %dma_start3A_100 = tpu.memref_slice %arg2[%multiple_of3A_94] : memref<262143xf32, #tpu.memory_space<hbm>> -> memref<288xf32, #tpu.memory_space<hbm>>
    tpu.enqueue_dma source(%dma_start3A_100 : memref<288xf32, #tpu.memory_space<hbm>>) target(%dma_start3A_99 : memref<288xf32, #tpu.memory_space<vmem>>) target_semaphore(%arg9 : memref<!tpu.dma_semaphore, #tpu.memory_space<semaphore_mem>>)
    %dma_start3A_101 = arith.constant 15904 : i32
    %dma_start3A_102 = tpu.memref_slice %arg5[%dma_start3A_101] : memref<18880xf32, #tpu.memory_space<vmem>> -> memref<288xf32, #tpu.memory_space<vmem>>
    %dma_start3A_103 = tpu.memref_slice %arg3[%multiple_of3A_94] : memref<262143xf32, #tpu.memory_space<hbm>> -> memref<288xf32, #tpu.memory_space<hbm>>
    %dma_start3A_104 = arith.constant 15904 : i32
    %dma_start3A_105 = tpu.memref_slice %arg5[%dma_start3A_104] : memref<18880xf32, #tpu.memory_space<vmem>> -> memref<288xf32, #tpu.memory_space<vmem>>
    %dma_start3A_106 = tpu.memref_slice %arg3[%multiple_of3A_94] : memref<262143xf32, #tpu.memory_space<hbm>> -> memref<288xf32, #tpu.memory_space<hbm>>
    tpu.enqueue_dma source(%dma_start3A_106 : memref<288xf32, #tpu.memory_space<hbm>>) target(%dma_start3A_105 : memref<288xf32, #tpu.memory_space<vmem>>) target_semaphore(%arg9 : memref<!tpu.dma_semaphore, #tpu.memory_space<semaphore_mem>>)
    %shift_right_arithmetic3A_107 = arith.constant 6 : i32
    %shift_right_arithmetic3A_108 = arith.shrsi %mul3A_2, %shift_right_arithmetic3A_107 : i32
    %add3A_109 = arith.constant 4095 : i32
    %add3A_110 = arith.addi %add3A_109, %shift_right_arithmetic3A_108 : i32
    %and3A_111 = arith.constant -8 : i32
    %and3A_112 = arith.andi %add3A_110, %and3A_111 : i32
    %multiple_of3A_113 = tpu.assume_multiple %and3A_112, 8 : i32
    %dma_start3A_114 = arith.constant 16192 : i32
    %dma_start3A_115 = tpu.memref_slice %arg5[%dma_start3A_114] : memref<18880xf32, #tpu.memory_space<vmem>> -> memref<160xf32, #tpu.memory_space<vmem>>
    %dma_start3A_116 = tpu.memref_slice %arg2[%multiple_of3A_113] : memref<262143xf32, #tpu.memory_space<hbm>> -> memref<160xf32, #tpu.memory_space<hbm>>
    %dma_start3A_117 = arith.constant 16192 : i32
    %dma_start3A_118 = tpu.memref_slice %arg5[%dma_start3A_117] : memref<18880xf32, #tpu.memory_space<vmem>> -> memref<160xf32, #tpu.memory_space<vmem>>
    %dma_start3A_119 = tpu.memref_slice %arg2[%multiple_of3A_113] : memref<262143xf32, #tpu.memory_space<hbm>> -> memref<160xf32, #tpu.memory_space<hbm>>
    tpu.enqueue_dma source(%dma_start3A_119 : memref<160xf32, #tpu.memory_space<hbm>>) target(%dma_start3A_118 : memref<160xf32, #tpu.memory_space<vmem>>) target_semaphore(%arg9 : memref<!tpu.dma_semaphore, #tpu.memory_space<semaphore_mem>>)
    %dma_start3A_120 = arith.constant 16352 : i32
    %dma_start3A_121 = tpu.memref_slice %arg5[%dma_start3A_120] : memref<18880xf32, #tpu.memory_space<vmem>> -> memref<160xf32, #tpu.memory_space<vmem>>
    %dma_start3A_122 = tpu.memref_slice %arg3[%multiple_of3A_113] : memref<262143xf32, #tpu.memory_space<hbm>> -> memref<160xf32, #tpu.memory_space<hbm>>
    %dma_start3A_123 = arith.constant 16352 : i32
    %dma_start3A_124 = tpu.memref_slice %arg5[%dma_start3A_123] : memref<18880xf32, #tpu.memory_space<vmem>> -> memref<160xf32, #tpu.memory_space<vmem>>
    %dma_start3A_125 = tpu.memref_slice %arg3[%multiple_of3A_113] : memref<262143xf32, #tpu.memory_space<hbm>> -> memref<160xf32, #tpu.memory_space<hbm>>
    tpu.enqueue_dma source(%dma_start3A_125 : memref<160xf32, #tpu.memory_space<hbm>>) target(%dma_start3A_124 : memref<160xf32, #tpu.memory_space<vmem>>) target_semaphore(%arg9 : memref<!tpu.dma_semaphore, #tpu.memory_space<semaphore_mem>>)
    %shift_right_arithmetic3A_126 = arith.constant 7 : i32
    %shift_right_arithmetic3A_127 = arith.shrsi %mul3A_2, %shift_right_arithmetic3A_126 : i32
    %add3A_128 = arith.constant 2047 : i32
    %add3A_129 = arith.addi %add3A_128, %shift_right_arithmetic3A_127 : i32
    %and3A_130 = arith.constant -8 : i32
    %and3A_131 = arith.andi %add3A_129, %and3A_130 : i32
    %multiple_of3A_132 = tpu.assume_multiple %and3A_131, 8 : i32
    %dma_start3A_133 = arith.constant 16512 : i32
    %dma_start3A_134 = tpu.memref_slice %arg5[%dma_start3A_133] : memref<18880xf32, #tpu.memory_space<vmem>> -> memref<96xf32, #tpu.memory_space<vmem>>
    %dma_start3A_135 = tpu.memref_slice %arg2[%multiple_of3A_132] : memref<262143xf32, #tpu.memory_space<hbm>> -> memref<96xf32, #tpu.memory_space<hbm>>
    %dma_start3A_136 = arith.constant 16512 : i32
    %dma_start3A_137 = tpu.memref_slice %arg5[%dma_start3A_136] : memref<18880xf32, #tpu.memory_space<vmem>> -> memref<96xf32, #tpu.memory_space<vmem>>
    %dma_start3A_138 = tpu.memref_slice %arg2[%multiple_of3A_132] : memref<262143xf32, #tpu.memory_space<hbm>> -> memref<96xf32, #tpu.memory_space<hbm>>
    tpu.enqueue_dma source(%dma_start3A_138 : memref<96xf32, #tpu.memory_space<hbm>>) target(%dma_start3A_137 : memref<96xf32, #tpu.memory_space<vmem>>) target_semaphore(%arg9 : memref<!tpu.dma_semaphore, #tpu.memory_space<semaphore_mem>>)
    %dma_start3A_139 = arith.constant 16608 : i32
    %dma_start3A_140 = tpu.memref_slice %arg5[%dma_start3A_139] : memref<18880xf32, #tpu.memory_space<vmem>> -> memref<96xf32, #tpu.memory_space<vmem>>
    %dma_start3A_141 = tpu.memref_slice %arg3[%multiple_of3A_132] : memref<262143xf32, #tpu.memory_space<hbm>> -> memref<96xf32, #tpu.memory_space<hbm>>
    %dma_start3A_142 = arith.constant 16608 : i32
    %dma_start3A_143 = tpu.memref_slice %arg5[%dma_start3A_142] : memref<18880xf32, #tpu.memory_space<vmem>> -> memref<96xf32, #tpu.memory_space<vmem>>
    %dma_start3A_144 = tpu.memref_slice %arg3[%multiple_of3A_132] : memref<262143xf32, #tpu.memory_space<hbm>> -> memref<96xf32, #tpu.memory_space<hbm>>
    tpu.enqueue_dma source(%dma_start3A_144 : memref<96xf32, #tpu.memory_space<hbm>>) target(%dma_start3A_143 : memref<96xf32, #tpu.memory_space<vmem>>) target_semaphore(%arg9 : memref<!tpu.dma_semaphore, #tpu.memory_space<semaphore_mem>>)
    %shift_right_arithmetic3A_145 = arith.constant 8 : i32
    %shift_right_arithmetic3A_146 = arith.shrsi %mul3A_2, %shift_right_arithmetic3A_145 : i32
    %add3A_147 = arith.constant 1023 : i32
    %add3A_148 = arith.addi %add3A_147, %shift_right_arithmetic3A_146 : i32
    %and3A_149 = arith.constant -8 : i32
    %and3A_150 = arith.andi %add3A_148, %and3A_149 : i32
    %multiple_of3A_151 = tpu.assume_multiple %and3A_150, 8 : i32
    %dma_start3A_152 = arith.constant 16704 : i32
    %dma_start3A_153 = tpu.memref_slice %arg5[%dma_start3A_152] : memref<18880xf32, #tpu.memory_space<vmem>> -> memref<64xf32, #tpu.memory_space<vmem>>
    %dma_start3A_154 = tpu.memref_slice %arg2[%multiple_of3A_151] : memref<262143xf32, #tpu.memory_space<hbm>> -> memref<64xf32, #tpu.memory_space<hbm>>
    %dma_start3A_155 = arith.constant 16704 : i32
    %dma_start3A_156 = tpu.memref_slice %arg5[%dma_start3A_155] : memref<18880xf32, #tpu.memory_space<vmem>> -> memref<64xf32, #tpu.memory_space<vmem>>
    %dma_start3A_157 = tpu.memref_slice %arg2[%multiple_of3A_151] : memref<262143xf32, #tpu.memory_space<hbm>> -> memref<64xf32, #tpu.memory_space<hbm>>
    tpu.enqueue_dma source(%dma_start3A_157 : memref<64xf32, #tpu.memory_space<hbm>>) target(%dma_start3A_156 : memref<64xf32, #tpu.memory_space<vmem>>) target_semaphore(%arg9 : memref<!tpu.dma_semaphore, #tpu.memory_space<semaphore_mem>>)
    %dma_start3A_158 = arith.constant 16768 : i32
    %dma_start3A_159 = tpu.memref_slice %arg5[%dma_start3A_158] : memref<18880xf32, #tpu.memory_space<vmem>> -> memref<64xf32, #tpu.memory_space<vmem>>
    %dma_start3A_160 = tpu.memref_slice %arg3[%multiple_of3A_151] : memref<262143xf32, #tpu.memory_space<hbm>> -> memref<64xf32, #tpu.memory_space<hbm>>
    %dma_start3A_161 = arith.constant 16768 : i32
    %dma_start3A_162 = tpu.memref_slice %arg5[%dma_start3A_161] : memref<18880xf32, #tpu.memory_space<vmem>> -> memref<64xf32, #tpu.memory_space<vmem>>
    %dma_start3A_163 = tpu.memref_slice %arg3[%multiple_of3A_151] : memref<262143xf32, #tpu.memory_space<hbm>> -> memref<64xf32, #tpu.memory_space<hbm>>
    tpu.enqueue_dma source(%dma_start3A_163 : memref<64xf32, #tpu.memory_space<hbm>>) target(%dma_start3A_162 : memref<64xf32, #tpu.memory_space<vmem>>) target_semaphore(%arg9 : memref<!tpu.dma_semaphore, #tpu.memory_space<semaphore_mem>>)
    %dma_start3A_164 = arith.constant 16832 : i32
    %dma_start3A_165 = tpu.memref_slice %arg5[%dma_start3A_164] : memref<18880xf32, #tpu.memory_space<vmem>> -> memref<1024xf32, #tpu.memory_space<vmem>>
    %dma_start3A_166 = arith.constant 0 : i32
    %dma_start3A_167 = tpu.memref_slice %arg2[%dma_start3A_166] : memref<262143xf32, #tpu.memory_space<hbm>> -> memref<1024xf32, #tpu.memory_space<hbm>>
    %dma_start3A_168 = arith.constant 16832 : i32
    %dma_start3A_169 = tpu.memref_slice %arg5[%dma_start3A_168] : memref<18880xf32, #tpu.memory_space<vmem>> -> memref<1024xf32, #tpu.memory_space<vmem>>
    %dma_start3A_170 = arith.constant 0 : i32
    %dma_start3A_171 = tpu.memref_slice %arg2[%dma_start3A_170] : memref<262143xf32, #tpu.memory_space<hbm>> -> memref<1024xf32, #tpu.memory_space<hbm>>
    tpu.enqueue_dma source(%dma_start3A_171 : memref<1024xf32, #tpu.memory_space<hbm>>) target(%dma_start3A_169 : memref<1024xf32, #tpu.memory_space<vmem>>) target_semaphore(%arg9 : memref<!tpu.dma_semaphore, #tpu.memory_space<semaphore_mem>>)
    %dma_start3A_172 = arith.constant 17856 : i32
    %dma_start3A_173 = tpu.memref_slice %arg5[%dma_start3A_172] : memref<18880xf32, #tpu.memory_space<vmem>> -> memref<1024xf32, #tpu.memory_space<vmem>>
    %dma_start3A_174 = arith.constant 0 : i32
    %dma_start3A_175 = tpu.memref_slice %arg3[%dma_start3A_174] : memref<262143xf32, #tpu.memory_space<hbm>> -> memref<1024xf32, #tpu.memory_space<hbm>>
    %dma_start3A_176 = arith.constant 17856 : i32
    %dma_start3A_177 = tpu.memref_slice %arg5[%dma_start3A_176] : memref<18880xf32, #tpu.memory_space<vmem>> -> memref<1024xf32, #tpu.memory_space<vmem>>
    %dma_start3A_178 = arith.constant 0 : i32
    %dma_start3A_179 = tpu.memref_slice %arg3[%dma_start3A_178] : memref<262143xf32, #tpu.memory_space<hbm>> -> memref<1024xf32, #tpu.memory_space<hbm>>
    tpu.enqueue_dma source(%dma_start3A_179 : memref<1024xf32, #tpu.memory_space<hbm>>) target(%dma_start3A_177 : memref<1024xf32, #tpu.memory_space<vmem>>) target_semaphore(%arg9 : memref<!tpu.dma_semaphore, #tpu.memory_space<semaphore_mem>>)
    %dma_wait3A = arith.constant 0 : i32
    %dma_wait3A_180 = tpu.memref_slice %arg5[%dma_wait3A] : memref<18880xf32, #tpu.memory_space<vmem>> -> memref<4103xf32, #tpu.memory_space<vmem>>
    %dma_wait3A_181 = tpu.memref_slice %arg2[%multiple_of3A] : memref<262143xf32, #tpu.memory_space<hbm>> -> memref<4103xf32, #tpu.memory_space<hbm>>
    %dma_wait3A_182 = arith.constant 0 : i32
    %dma_wait3A_183 = tpu.memref_slice %arg5[%dma_wait3A_182] : memref<18880xf32, #tpu.memory_space<vmem>> -> memref<4103xf32, #tpu.memory_space<vmem>>
    %dma_wait3A_184 = tpu.memref_slice %arg2[%multiple_of3A] : memref<262143xf32, #tpu.memory_space<hbm>> -> memref<4103xf32, #tpu.memory_space<hbm>>
    tpu.wait_dma2 semaphore(%arg9 : memref<!tpu.dma_semaphore, #tpu.memory_space<semaphore_mem>>) src(%dma_wait3A_184 : memref<4103xf32, #tpu.memory_space<hbm>>) dst(%dma_wait3A_183 : memref<4103xf32, #tpu.memory_space<vmem>>)
    %dma_wait3A_185 = arith.constant 4128 : i32
    %dma_wait3A_186 = tpu.memref_slice %arg5[%dma_wait3A_185] : memref<18880xf32, #tpu.memory_space<vmem>> -> memref<4103xf32, #tpu.memory_space<vmem>>
    %dma_wait3A_187 = tpu.memref_slice %arg3[%multiple_of3A] : memref<262143xf32, #tpu.memory_space<hbm>> -> memref<4103xf32, #tpu.memory_space<hbm>>
    %dma_wait3A_188 = arith.constant 4128 : i32
    %dma_wait3A_189 = tpu.memref_slice %arg5[%dma_wait3A_188] : memref<18880xf32, #tpu.memory_space<vmem>> -> memref<4103xf32, #tpu.memory_space<vmem>>
    %dma_wait3A_190 = tpu.memref_slice %arg3[%multiple_of3A] : memref<262143xf32, #tpu.memory_space<hbm>> -> memref<4103xf32, #tpu.memory_space<hbm>>
    tpu.wait_dma2 semaphore(%arg9 : memref<!tpu.dma_semaphore, #tpu.memory_space<semaphore_mem>>) src(%dma_wait3A_190 : memref<4103xf32, #tpu.memory_space<hbm>>) dst(%dma_wait3A_189 : memref<4103xf32, #tpu.memory_space<vmem>>)
    %dma_wait3A_191 = arith.constant 8256 : i32
    %dma_wait3A_192 = tpu.memref_slice %arg5[%dma_wait3A_191] : memref<18880xf32, #tpu.memory_space<vmem>> -> memref<2080xf32, #tpu.memory_space<vmem>>
    %dma_wait3A_193 = tpu.memref_slice %arg2[%multiple_of3A_37] : memref<262143xf32, #tpu.memory_space<hbm>> -> memref<2080xf32, #tpu.memory_space<hbm>>
    %dma_wait3A_194 = arith.constant 8256 : i32
    %dma_wait3A_195 = tpu.memref_slice %arg5[%dma_wait3A_194] : memref<18880xf32, #tpu.memory_space<vmem>> -> memref<2080xf32, #tpu.memory_space<vmem>>
    %dma_wait3A_196 = tpu.memref_slice %arg2[%multiple_of3A_37] : memref<262143xf32, #tpu.memory_space<hbm>> -> memref<2080xf32, #tpu.memory_space<hbm>>
    tpu.wait_dma2 semaphore(%arg9 : memref<!tpu.dma_semaphore, #tpu.memory_space<semaphore_mem>>) src(%dma_wait3A_196 : memref<2080xf32, #tpu.memory_space<hbm>>) dst(%dma_wait3A_195 : memref<2080xf32, #tpu.memory_space<vmem>>)
    %dma_wait3A_197 = arith.constant 10336 : i32
    %dma_wait3A_198 = tpu.memref_slice %arg5[%dma_wait3A_197] : memref<18880xf32, #tpu.memory_space<vmem>> -> memref<2080xf32, #tpu.memory_space<vmem>>
    %dma_wait3A_199 = tpu.memref_slice %arg3[%multiple_of3A_37] : memref<262143xf32, #tpu.memory_space<hbm>> -> memref<2080xf32, #tpu.memory_space<hbm>>
    %dma_wait3A_200 = arith.constant 10336 : i32
    %dma_wait3A_201 = tpu.memref_slice %arg5[%dma_wait3A_200] : memref<18880xf32, #tpu.memory_space<vmem>> -> memref<2080xf32, #tpu.memory_space<vmem>>
    %dma_wait3A_202 = tpu.memref_slice %arg3[%multiple_of3A_37] : memref<262143xf32, #tpu.memory_space<hbm>> -> memref<2080xf32, #tpu.memory_space<hbm>>
    tpu.wait_dma2 semaphore(%arg9 : memref<!tpu.dma_semaphore, #tpu.memory_space<semaphore_mem>>) src(%dma_wait3A_202 : memref<2080xf32, #tpu.memory_space<hbm>>) dst(%dma_wait3A_201 : memref<2080xf32, #tpu.memory_space<vmem>>)
    %dma_wait3A_203 = arith.constant 12416 : i32
    %dma_wait3A_204 = tpu.memref_slice %arg5[%dma_wait3A_203] : memref<18880xf32, #tpu.memory_space<vmem>> -> memref<1056xf32, #tpu.memory_space<vmem>>
    %dma_wait3A_205 = tpu.memref_slice %arg2[%multiple_of3A_56] : memref<262143xf32, #tpu.memory_space<hbm>> -> memref<1056xf32, #tpu.memory_space<hbm>>
    %dma_wait3A_206 = arith.constant 12416 : i32
    %dma_wait3A_207 = tpu.memref_slice %arg5[%dma_wait3A_206] : memref<18880xf32, #tpu.memory_space<vmem>> -> memref<1056xf32, #tpu.memory_space<vmem>>
    %dma_wait3A_208 = tpu.memref_slice %arg2[%multiple_of3A_56] : memref<262143xf32, #tpu.memory_space<hbm>> -> memref<1056xf32, #tpu.memory_space<hbm>>
    tpu.wait_dma2 semaphore(%arg9 : memref<!tpu.dma_semaphore, #tpu.memory_space<semaphore_mem>>) src(%dma_wait3A_208 : memref<1056xf32, #tpu.memory_space<hbm>>) dst(%dma_wait3A_207 : memref<1056xf32, #tpu.memory_space<vmem>>)
    %dma_wait3A_209 = arith.constant 13472 : i32
    %dma_wait3A_210 = tpu.memref_slice %arg5[%dma_wait3A_209] : memref<18880xf32, #tpu.memory_space<vmem>> -> memref<1056xf32, #tpu.memory_space<vmem>>
    %dma_wait3A_211 = tpu.memref_slice %arg3[%multiple_of3A_56] : memref<262143xf32, #tpu.memory_space<hbm>> -> memref<1056xf32, #tpu.memory_space<hbm>>
    %dma_wait3A_212 = arith.constant 13472 : i32
    %dma_wait3A_213 = tpu.memref_slice %arg5[%dma_wait3A_212] : memref<18880xf32, #tpu.memory_space<vmem>> -> memref<1056xf32, #tpu.memory_space<vmem>>
    %dma_wait3A_214 = tpu.memref_slice %arg3[%multiple_of3A_56] : memref<262143xf32, #tpu.memory_space<hbm>> -> memref<1056xf32, #tpu.memory_space<hbm>>
    tpu.wait_dma2 semaphore(%arg9 : memref<!tpu.dma_semaphore, #tpu.memory_space<semaphore_mem>>) src(%dma_wait3A_214 : memref<1056xf32, #tpu.memory_space<hbm>>) dst(%dma_wait3A_213 : memref<1056xf32, #tpu.memory_space<vmem>>)
    %dma_wait3A_215 = arith.constant 14528 : i32
    %dma_wait3A_216 = tpu.memref_slice %arg5[%dma_wait3A_215] : memref<18880xf32, #tpu.memory_space<vmem>> -> memref<544xf32, #tpu.memory_space<vmem>>
    %dma_wait3A_217 = tpu.memref_slice %arg2[%multiple_of3A_75] : memref<262143xf32, #tpu.memory_space<hbm>> -> memref<544xf32, #tpu.memory_space<hbm>>
    %dma_wait3A_218 = arith.constant 14528 : i32
    %dma_wait3A_219 = tpu.memref_slice %arg5[%dma_wait3A_218] : memref<18880xf32, #tpu.memory_space<vmem>> -> memref<544xf32, #tpu.memory_space<vmem>>
    %dma_wait3A_220 = tpu.memref_slice %arg2[%multiple_of3A_75] : memref<262143xf32, #tpu.memory_space<hbm>> -> memref<544xf32, #tpu.memory_space<hbm>>
    tpu.wait_dma2 semaphore(%arg9 : memref<!tpu.dma_semaphore, #tpu.memory_space<semaphore_mem>>) src(%dma_wait3A_220 : memref<544xf32, #tpu.memory_space<hbm>>) dst(%dma_wait3A_219 : memref<544xf32, #tpu.memory_space<vmem>>)
    %dma_wait3A_221 = arith.constant 15072 : i32
    %dma_wait3A_222 = tpu.memref_slice %arg5[%dma_wait3A_221] : memref<18880xf32, #tpu.memory_space<vmem>> -> memref<544xf32, #tpu.memory_space<vmem>>
    %dma_wait3A_223 = tpu.memref_slice %arg3[%multiple_of3A_75] : memref<262143xf32, #tpu.memory_space<hbm>> -> memref<544xf32, #tpu.memory_space<hbm>>
    %dma_wait3A_224 = arith.constant 15072 : i32
    %dma_wait3A_225 = tpu.memref_slice %arg5[%dma_wait3A_224] : memref<18880xf32, #tpu.memory_space<vmem>> -> memref<544xf32, #tpu.memory_space<vmem>>
    %dma_wait3A_226 = tpu.memref_slice %arg3[%multiple_of3A_75] : memref<262143xf32, #tpu.memory_space<hbm>> -> memref<544xf32, #tpu.memory_space<hbm>>
    tpu.wait_dma2 semaphore(%arg9 : memref<!tpu.dma_semaphore, #tpu.memory_space<semaphore_mem>>) src(%dma_wait3A_226 : memref<544xf32, #tpu.memory_space<hbm>>) dst(%dma_wait3A_225 : memref<544xf32, #tpu.memory_space<vmem>>)
    %dma_wait3A_227 = arith.constant 15616 : i32
    %dma_wait3A_228 = tpu.memref_slice %arg5[%dma_wait3A_227] : memref<18880xf32, #tpu.memory_space<vmem>> -> memref<288xf32, #tpu.memory_space<vmem>>
    %dma_wait3A_229 = tpu.memref_slice %arg2[%multiple_of3A_94] : memref<262143xf32, #tpu.memory_space<hbm>> -> memref<288xf32, #tpu.memory_space<hbm>>
    %dma_wait3A_230 = arith.constant 15616 : i32
    %dma_wait3A_231 = tpu.memref_slice %arg5[%dma_wait3A_230] : memref<18880xf32, #tpu.memory_space<vmem>> -> memref<288xf32, #tpu.memory_space<vmem>>
    %dma_wait3A_232 = tpu.memref_slice %arg2[%multiple_of3A_94] : memref<262143xf32, #tpu.memory_space<hbm>> -> memref<288xf32, #tpu.memory_space<hbm>>
    tpu.wait_dma2 semaphore(%arg9 : memref<!tpu.dma_semaphore, #tpu.memory_space<semaphore_mem>>) src(%dma_wait3A_232 : memref<288xf32, #tpu.memory_space<hbm>>) dst(%dma_wait3A_231 : memref<288xf32, #tpu.memory_space<vmem>>)
    %dma_wait3A_233 = arith.constant 15904 : i32
    %dma_wait3A_234 = tpu.memref_slice %arg5[%dma_wait3A_233] : memref<18880xf32, #tpu.memory_space<vmem>> -> memref<288xf32, #tpu.memory_space<vmem>>
    %dma_wait3A_235 = tpu.memref_slice %arg3[%multiple_of3A_94] : memref<262143xf32, #tpu.memory_space<hbm>> -> memref<288xf32, #tpu.memory_space<hbm>>
    %dma_wait3A_236 = arith.constant 15904 : i32
    %dma_wait3A_237 = tpu.memref_slice %arg5[%dma_wait3A_236] : memref<18880xf32, #tpu.memory_space<vmem>> -> memref<288xf32, #tpu.memory_space<vmem>>
    %dma_wait3A_238 = tpu.memref_slice %arg3[%multiple_of3A_94] : memref<262143xf32, #tpu.memory_space<hbm>> -> memref<288xf32, #tpu.memory_space<hbm>>
    tpu.wait_dma2 semaphore(%arg9 : memref<!tpu.dma_semaphore, #tpu.memory_space<semaphore_mem>>) src(%dma_wait3A_238 : memref<288xf32, #tpu.memory_space<hbm>>) dst(%dma_wait3A_237 : memref<288xf32, #tpu.memory_space<vmem>>)
    %dma_wait3A_239 = arith.constant 16192 : i32
    %dma_wait3A_240 = tpu.memref_slice %arg5[%dma_wait3A_239] : memref<18880xf32, #tpu.memory_space<vmem>> -> memref<160xf32, #tpu.memory_space<vmem>>
    %dma_wait3A_241 = tpu.memref_slice %arg2[%multiple_of3A_113] : memref<262143xf32, #tpu.memory_space<hbm>> -> memref<160xf32, #tpu.memory_space<hbm>>
    %dma_wait3A_242 = arith.constant 16192 : i32
    %dma_wait3A_243 = tpu.memref_slice %arg5[%dma_wait3A_242] : memref<18880xf32, #tpu.memory_space<vmem>> -> memref<160xf32, #tpu.memory_space<vmem>>
    %dma_wait3A_244 = tpu.memref_slice %arg2[%multiple_of3A_113] : memref<262143xf32, #tpu.memory_space<hbm>> -> memref<160xf32, #tpu.memory_space<hbm>>
    tpu.wait_dma2 semaphore(%arg9 : memref<!tpu.dma_semaphore, #tpu.memory_space<semaphore_mem>>) src(%dma_wait3A_244 : memref<160xf32, #tpu.memory_space<hbm>>) dst(%dma_wait3A_243 : memref<160xf32, #tpu.memory_space<vmem>>)
    %dma_wait3A_245 = arith.constant 16352 : i32
    %dma_wait3A_246 = tpu.memref_slice %arg5[%dma_wait3A_245] : memref<18880xf32, #tpu.memory_space<vmem>> -> memref<160xf32, #tpu.memory_space<vmem>>
    %dma_wait3A_247 = tpu.memref_slice %arg3[%multiple_of3A_113] : memref<262143xf32, #tpu.memory_space<hbm>> -> memref<160xf32, #tpu.memory_space<hbm>>
    %dma_wait3A_248 = arith.constant 16352 : i32
    %dma_wait3A_249 = tpu.memref_slice %arg5[%dma_wait3A_248] : memref<18880xf32, #tpu.memory_space<vmem>> -> memref<160xf32, #tpu.memory_space<vmem>>
    %dma_wait3A_250 = tpu.memref_slice %arg3[%multiple_of3A_113] : memref<262143xf32, #tpu.memory_space<hbm>> -> memref<160xf32, #tpu.memory_space<hbm>>
    tpu.wait_dma2 semaphore(%arg9 : memref<!tpu.dma_semaphore, #tpu.memory_space<semaphore_mem>>) src(%dma_wait3A_250 : memref<160xf32, #tpu.memory_space<hbm>>) dst(%dma_wait3A_249 : memref<160xf32, #tpu.memory_space<vmem>>)
    %dma_wait3A_251 = arith.constant 16512 : i32
    %dma_wait3A_252 = tpu.memref_slice %arg5[%dma_wait3A_251] : memref<18880xf32, #tpu.memory_space<vmem>> -> memref<96xf32, #tpu.memory_space<vmem>>
    %dma_wait3A_253 = tpu.memref_slice %arg2[%multiple_of3A_132] : memref<262143xf32, #tpu.memory_space<hbm>> -> memref<96xf32, #tpu.memory_space<hbm>>
    %dma_wait3A_254 = arith.constant 16512 : i32
    %dma_wait3A_255 = tpu.memref_slice %arg5[%dma_wait3A_254] : memref<18880xf32, #tpu.memory_space<vmem>> -> memref<96xf32, #tpu.memory_space<vmem>>
    %dma_wait3A_256 = tpu.memref_slice %arg2[%multiple_of3A_132] : memref<262143xf32, #tpu.memory_space<hbm>> -> memref<96xf32, #tpu.memory_space<hbm>>
    tpu.wait_dma2 semaphore(%arg9 : memref<!tpu.dma_semaphore, #tpu.memory_space<semaphore_mem>>) src(%dma_wait3A_256 : memref<96xf32, #tpu.memory_space<hbm>>) dst(%dma_wait3A_255 : memref<96xf32, #tpu.memory_space<vmem>>)
    %dma_wait3A_257 = arith.constant 16608 : i32
    %dma_wait3A_258 = tpu.memref_slice %arg5[%dma_wait3A_257] : memref<18880xf32, #tpu.memory_space<vmem>> -> memref<96xf32, #tpu.memory_space<vmem>>
    %dma_wait3A_259 = tpu.memref_slice %arg3[%multiple_of3A_132] : memref<262143xf32, #tpu.memory_space<hbm>> -> memref<96xf32, #tpu.memory_space<hbm>>
    %dma_wait3A_260 = arith.constant 16608 : i32
    %dma_wait3A_261 = tpu.memref_slice %arg5[%dma_wait3A_260] : memref<18880xf32, #tpu.memory_space<vmem>> -> memref<96xf32, #tpu.memory_space<vmem>>
    %dma_wait3A_262 = tpu.memref_slice %arg3[%multiple_of3A_132] : memref<262143xf32, #tpu.memory_space<hbm>> -> memref<96xf32, #tpu.memory_space<hbm>>
    tpu.wait_dma2 semaphore(%arg9 : memref<!tpu.dma_semaphore, #tpu.memory_space<semaphore_mem>>) src(%dma_wait3A_262 : memref<96xf32, #tpu.memory_space<hbm>>) dst(%dma_wait3A_261 : memref<96xf32, #tpu.memory_space<vmem>>)
    %dma_wait3A_263 = arith.constant 16704 : i32
    %dma_wait3A_264 = tpu.memref_slice %arg5[%dma_wait3A_263] : memref<18880xf32, #tpu.memory_space<vmem>> -> memref<64xf32, #tpu.memory_space<vmem>>
    %dma_wait3A_265 = tpu.memref_slice %arg2[%multiple_of3A_151] : memref<262143xf32, #tpu.memory_space<hbm>> -> memref<64xf32, #tpu.memory_space<hbm>>
    %dma_wait3A_266 = arith.constant 16704 : i32
    %dma_wait3A_267 = tpu.memref_slice %arg5[%dma_wait3A_266] : memref<18880xf32, #tpu.memory_space<vmem>> -> memref<64xf32, #tpu.memory_space<vmem>>
    %dma_wait3A_268 = tpu.memref_slice %arg2[%multiple_of3A_151] : memref<262143xf32, #tpu.memory_space<hbm>> -> memref<64xf32, #tpu.memory_space<hbm>>
    tpu.wait_dma2 semaphore(%arg9 : memref<!tpu.dma_semaphore, #tpu.memory_space<semaphore_mem>>) src(%dma_wait3A_268 : memref<64xf32, #tpu.memory_space<hbm>>) dst(%dma_wait3A_267 : memref<64xf32, #tpu.memory_space<vmem>>)
    %dma_wait3A_269 = arith.constant 16768 : i32
    %dma_wait3A_270 = tpu.memref_slice %arg5[%dma_wait3A_269] : memref<18880xf32, #tpu.memory_space<vmem>> -> memref<64xf32, #tpu.memory_space<vmem>>
    %dma_wait3A_271 = tpu.memref_slice %arg3[%multiple_of3A_151] : memref<262143xf32, #tpu.memory_space<hbm>> -> memref<64xf32, #tpu.memory_space<hbm>>
    %dma_wait3A_272 = arith.constant 16768 : i32
    %dma_wait3A_273 = tpu.memref_slice %arg5[%dma_wait3A_272] : memref<18880xf32, #tpu.memory_space<vmem>> -> memref<64xf32, #tpu.memory_space<vmem>>
    %dma_wait3A_274 = tpu.memref_slice %arg3[%multiple_of3A_151] : memref<262143xf32, #tpu.memory_space<hbm>> -> memref<64xf32, #tpu.memory_space<hbm>>
    tpu.wait_dma2 semaphore(%arg9 : memref<!tpu.dma_semaphore, #tpu.memory_space<semaphore_mem>>) src(%dma_wait3A_274 : memref<64xf32, #tpu.memory_space<hbm>>) dst(%dma_wait3A_273 : memref<64xf32, #tpu.memory_space<vmem>>)
    %dma_wait3A_275 = arith.constant 16832 : i32
    %dma_wait3A_276 = tpu.memref_slice %arg5[%dma_wait3A_275] : memref<18880xf32, #tpu.memory_space<vmem>> -> memref<1024xf32, #tpu.memory_space<vmem>>
    %dma_wait3A_277 = arith.constant 0 : i32
    %dma_wait3A_278 = tpu.memref_slice %arg2[%dma_wait3A_277] : memref<262143xf32, #tpu.memory_space<hbm>> -> memref<1024xf32, #tpu.memory_space<hbm>>
    %dma_wait3A_279 = arith.constant 16832 : i32
    %dma_wait3A_280 = tpu.memref_slice %arg5[%dma_wait3A_279] : memref<18880xf32, #tpu.memory_space<vmem>> -> memref<1024xf32, #tpu.memory_space<vmem>>
    %dma_wait3A_281 = arith.constant 0 : i32
    %dma_wait3A_282 = tpu.memref_slice %arg2[%dma_wait3A_281] : memref<262143xf32, #tpu.memory_space<hbm>> -> memref<1024xf32, #tpu.memory_space<hbm>>
    tpu.wait_dma2 semaphore(%arg9 : memref<!tpu.dma_semaphore, #tpu.memory_space<semaphore_mem>>) src(%dma_wait3A_282 : memref<1024xf32, #tpu.memory_space<hbm>>) dst(%dma_wait3A_280 : memref<1024xf32, #tpu.memory_space<vmem>>)
    %dma_wait3A_283 = arith.constant 17856 : i32
    %dma_wait3A_284 = tpu.memref_slice %arg5[%dma_wait3A_283] : memref<18880xf32, #tpu.memory_space<vmem>> -> memref<1024xf32, #tpu.memory_space<vmem>>
    %dma_wait3A_285 = arith.constant 0 : i32
    %dma_wait3A_286 = tpu.memref_slice %arg3[%dma_wait3A_285] : memref<262143xf32, #tpu.memory_space<hbm>> -> memref<1024xf32, #tpu.memory_space<hbm>>
    %dma_wait3A_287 = arith.constant 17856 : i32
    %dma_wait3A_288 = tpu.memref_slice %arg5[%dma_wait3A_287] : memref<18880xf32, #tpu.memory_space<vmem>> -> memref<1024xf32, #tpu.memory_space<vmem>>
    %dma_wait3A_289 = arith.constant 0 : i32
    %dma_wait3A_290 = tpu.memref_slice %arg3[%dma_wait3A_289] : memref<262143xf32, #tpu.memory_space<hbm>> -> memref<1024xf32, #tpu.memory_space<hbm>>
    tpu.wait_dma2 semaphore(%arg9 : memref<!tpu.dma_semaphore, #tpu.memory_space<semaphore_mem>>) src(%dma_wait3A_290 : memref<1024xf32, #tpu.memory_space<hbm>>) dst(%dma_wait3A_288 : memref<1024xf32, #tpu.memory_space<vmem>>)
    %iota3A = tpu.iota {dimensions = array<i32: 0>} : vector<16xi32>
    %parallel_loop3A = arith.constant 0 : i32
    %parallel_loop3A_291 = arith.constant 258 : i32
    %parallel_loop3A_292 = arith.constant 1 : i32
    scf.for %parallel_loop3A_357 = %parallel_loop3A to %parallel_loop3A_291 step %parallel_loop3A_292  : i32 {
      %parallel_loop3A_358 = arith.constant 16 : i32
      %parallel_loop3A_359 = arith.muli %parallel_loop3A_357, %parallel_loop3A_358 : i32
      %parallel_loop3A_360 = arith.constant 0 : i32
      %parallel_loop3A_361 = arith.addi %parallel_loop3A_360, %parallel_loop3A_359 : i32
      %parallel_loop3A_362 = arith.index_cast %parallel_loop3A_361 : i32 to index
      %parallel_loop3A_363 = tpu.vector_load %arg5[%parallel_loop3A_362] {strides = array<i32>} : memref<18880xf32, #tpu.memory_space<vmem>>, vector<16xf32>,
      %parallel_loop3A_364 = arith.constant 4128 : i32
      %parallel_loop3A_365 = arith.addi %parallel_loop3A_364, %parallel_loop3A_359 : i32
      %parallel_loop3A_366 = arith.index_cast %parallel_loop3A_365 : i32 to index
      %parallel_loop3A_367 = tpu.vector_load %arg5[%parallel_loop3A_366] {strides = array<i32>} : memref<18880xf32, #tpu.memory_space<vmem>>, vector<16xf32>,
      %parallel_loop3A_368 = arith.constant 2 : i32
      %parallel_loop3A_369 = arith.muli %parallel_loop3A_368, %parallel_loop3A_359 : i32
      %parallel_loop3A_370 = arith.constant 0 : i32
      %parallel_loop3A_371 = arith.addi %parallel_loop3A_370, %parallel_loop3A_369 : i32
      %parallel_loop3A_372 = arith.constant 2 : i32
      %parallel_loop3A_373 = vector.broadcast %parallel_loop3A_372 : i32 to vector<16xi32>
      %parallel_loop3A_374 = arith.muli %parallel_loop3A_373, %iota3A : vector<16xi32>
      %parallel_loop3A_375 = vector.broadcast %parallel_loop3A_371 : i32 to vector<16xi32>
      %parallel_loop3A_376 = arith.addi %parallel_loop3A_375, %parallel_loop3A_374 : vector<16xi32>
      %parallel_loop3A_377 = arith.constant 9.99999968E-21 : f32
      %parallel_loop3A_378 = vector.broadcast %parallel_loop3A_377 : f32 to vector<16xf32>
      %parallel_loop3A_379 = arith.addf %parallel_loop3A_363, %parallel_loop3A_378 : vector<16xf32>
      %parallel_loop3A_380 = vector.bitcast %parallel_loop3A_379 : vector<16xf32> to vector<16xi32>
      %parallel_loop3A_381 = arith.constant 23 : i32
      %parallel_loop3A_382 = vector.broadcast %parallel_loop3A_381 : i32 to vector<16xi32>
      %parallel_loop3A_383 = arith.shrsi %parallel_loop3A_380, %parallel_loop3A_382 : vector<16xi32>
      %parallel_loop3A_384 = arith.constant 127 : i32
      %parallel_loop3A_385 = vector.broadcast %parallel_loop3A_384 : i32 to vector<16xi32>
      %parallel_loop3A_386 = arith.subi %parallel_loop3A_383, %parallel_loop3A_385 : vector<16xi32>
      %parallel_loop3A_387 = arith.constant 8388607 : i32
      %parallel_loop3A_388 = vector.broadcast %parallel_loop3A_387 : i32 to vector<16xi32>
      %parallel_loop3A_389 = arith.andi %parallel_loop3A_380, %parallel_loop3A_388 : vector<16xi32>
      %parallel_loop3A_390 = arith.constant 1065353216 : i32
      %parallel_loop3A_391 = vector.broadcast %parallel_loop3A_390 : i32 to vector<16xi32>
      %parallel_loop3A_392 = arith.ori %parallel_loop3A_389, %parallel_loop3A_391 : vector<16xi32>
      %parallel_loop3A_393 = vector.bitcast %parallel_loop3A_392 : vector<16xi32> to vector<16xf32>
      %parallel_loop3A_394 = arith.constant 0.043428909 : f32
      %parallel_loop3A_395 = vector.broadcast %parallel_loop3A_394 : f32 to vector<16xf32>
      %parallel_loop3A_396 = arith.mulf %parallel_loop3A_393, %parallel_loop3A_395 : vector<16xf32>
      %parallel_loop3A_397 = arith.constant -0.404867172 : f32
      %parallel_loop3A_398 = vector.broadcast %parallel_loop3A_397 : f32 to vector<16xf32>
      %parallel_loop3A_399 = arith.addf %parallel_loop3A_396, %parallel_loop3A_398 : vector<16xf32>
      %parallel_loop3A_400 = arith.mulf %parallel_loop3A_399, %parallel_loop3A_393 : vector<16xf32>
      %parallel_loop3A_401 = arith.constant 1.5939014 : f32
      %parallel_loop3A_402 = vector.broadcast %parallel_loop3A_401 : f32 to vector<16xf32>
      %parallel_loop3A_403 = arith.addf %parallel_loop3A_400, %parallel_loop3A_402 : vector<16xf32>
      %parallel_loop3A_404 = arith.mulf %parallel_loop3A_403, %parallel_loop3A_393 : vector<16xf32>
      %parallel_loop3A_405 = arith.constant -3.49249434 : f32
      %parallel_loop3A_406 = vector.broadcast %parallel_loop3A_405 : f32 to vector<16xf32>
      %parallel_loop3A_407 = arith.addf %parallel_loop3A_404, %parallel_loop3A_406 : vector<16xf32>
      %parallel_loop3A_408 = arith.mulf %parallel_loop3A_407, %parallel_loop3A_393 : vector<16xf32>
      %parallel_loop3A_409 = arith.constant 5.04687595 : f32
      %parallel_loop3A_410 = vector.broadcast %parallel_loop3A_409 : f32 to vector<16xf32>
      %parallel_loop3A_411 = arith.addf %parallel_loop3A_408, %parallel_loop3A_410 : vector<16xf32>
      %parallel_loop3A_412 = arith.mulf %parallel_loop3A_411, %parallel_loop3A_393 : vector<16xf32>
      %parallel_loop3A_413 = arith.constant -2.78681302 : f32
      %parallel_loop3A_414 = vector.broadcast %parallel_loop3A_413 : f32 to vector<16xf32>
      %parallel_loop3A_415 = arith.addf %parallel_loop3A_412, %parallel_loop3A_414 : vector<16xf32>
      %parallel_loop3A_416 = arith.sitofp %parallel_loop3A_386 : vector<16xi32> to vector<16xf32>
      %parallel_loop3A_417 = arith.addf %parallel_loop3A_415, %parallel_loop3A_416 : vector<16xf32>
      %parallel_loop3A_418 = arith.constant 0.693147182 : f32
      %parallel_loop3A_419 = vector.broadcast %parallel_loop3A_418 : f32 to vector<16xf32>
      %parallel_loop3A_420 = arith.mulf %parallel_loop3A_417, %parallel_loop3A_419 : vector<16xf32>
      tpu.vector_store_idx %arg6[%parallel_loop3A_376], %parallel_loop3A_420 : memref<18880xf32, #tpu.memory_space<vmem>>[vector<16xi32>], vector<16xf32>,
      %parallel_loop3A_421 = arith.constant 1 : i32
      %parallel_loop3A_422 = vector.broadcast %parallel_loop3A_421 : i32 to vector<16xi32>
      %parallel_loop3A_423 = arith.addi %parallel_loop3A_376, %parallel_loop3A_422 : vector<16xi32>
      %parallel_loop3A_424 = arith.constant 9.99999968E-21 : f32
      %parallel_loop3A_425 = vector.broadcast %parallel_loop3A_424 : f32 to vector<16xf32>
      %parallel_loop3A_426 = arith.addf %parallel_loop3A_367, %parallel_loop3A_425 : vector<16xf32>
      %parallel_loop3A_427 = vector.bitcast %parallel_loop3A_426 : vector<16xf32> to vector<16xi32>
      %parallel_loop3A_428 = arith.constant 23 : i32
      %parallel_loop3A_429 = vector.broadcast %parallel_loop3A_428 : i32 to vector<16xi32>
      %parallel_loop3A_430 = arith.shrsi %parallel_loop3A_427, %parallel_loop3A_429 : vector<16xi32>
      %parallel_loop3A_431 = arith.constant 127 : i32
      %parallel_loop3A_432 = vector.broadcast %parallel_loop3A_431 : i32 to vector<16xi32>
      %parallel_loop3A_433 = arith.subi %parallel_loop3A_430, %parallel_loop3A_432 : vector<16xi32>
      %parallel_loop3A_434 = arith.constant 8388607 : i32
      %parallel_loop3A_435 = vector.broadcast %parallel_loop3A_434 : i32 to vector<16xi32>
      %parallel_loop3A_436 = arith.andi %parallel_loop3A_427, %parallel_loop3A_435 : vector<16xi32>
      %parallel_loop3A_437 = arith.constant 1065353216 : i32
      %parallel_loop3A_438 = vector.broadcast %parallel_loop3A_437 : i32 to vector<16xi32>
      %parallel_loop3A_439 = arith.ori %parallel_loop3A_436, %parallel_loop3A_438 : vector<16xi32>
      %parallel_loop3A_440 = vector.bitcast %parallel_loop3A_439 : vector<16xi32> to vector<16xf32>
      %parallel_loop3A_441 = arith.constant 0.043428909 : f32
      %parallel_loop3A_442 = vector.broadcast %parallel_loop3A_441 : f32 to vector<16xf32>
      %parallel_loop3A_443 = arith.mulf %parallel_loop3A_440, %parallel_loop3A_442 : vector<16xf32>
      %parallel_loop3A_444 = arith.constant -0.404867172 : f32
      %parallel_loop3A_445 = vector.broadcast %parallel_loop3A_444 : f32 to vector<16xf32>
      %parallel_loop3A_446 = arith.addf %parallel_loop3A_443, %parallel_loop3A_445 : vector<16xf32>
      %parallel_loop3A_447 = arith.mulf %parallel_loop3A_446, %parallel_loop3A_440 : vector<16xf32>
      %parallel_loop3A_448 = arith.constant 1.5939014 : f32
      %parallel_loop3A_449 = vector.broadcast %parallel_loop3A_448 : f32 to vector<16xf32>
      %parallel_loop3A_450 = arith.addf %parallel_loop3A_447, %parallel_loop3A_449 : vector<16xf32>
      %parallel_loop3A_451 = arith.mulf %parallel_loop3A_450, %parallel_loop3A_440 : vector<16xf32>
      %parallel_loop3A_452 = arith.constant -3.49249434 : f32
      %parallel_loop3A_453 = vector.broadcast %parallel_loop3A_452 : f32 to vector<16xf32>
      %parallel_loop3A_454 = arith.addf %parallel_loop3A_451, %parallel_loop3A_453 : vector<16xf32>
      %parallel_loop3A_455 = arith.mulf %parallel_loop3A_454, %parallel_loop3A_440 : vector<16xf32>
      %parallel_loop3A_456 = arith.constant 5.04687595 : f32
      %parallel_loop3A_457 = vector.broadcast %parallel_loop3A_456 : f32 to vector<16xf32>
      %parallel_loop3A_458 = arith.addf %parallel_loop3A_455, %parallel_loop3A_457 : vector<16xf32>
      %parallel_loop3A_459 = arith.mulf %parallel_loop3A_458, %parallel_loop3A_440 : vector<16xf32>
      %parallel_loop3A_460 = arith.constant -2.78681302 : f32
      %parallel_loop3A_461 = vector.broadcast %parallel_loop3A_460 : f32 to vector<16xf32>
      %parallel_loop3A_462 = arith.addf %parallel_loop3A_459, %parallel_loop3A_461 : vector<16xf32>
      %parallel_loop3A_463 = arith.sitofp %parallel_loop3A_433 : vector<16xi32> to vector<16xf32>
      %parallel_loop3A_464 = arith.addf %parallel_loop3A_462, %parallel_loop3A_463 : vector<16xf32>
      %parallel_loop3A_465 = arith.constant 0.693147182 : f32
      %parallel_loop3A_466 = vector.broadcast %parallel_loop3A_465 : f32 to vector<16xf32>
      %parallel_loop3A_467 = arith.mulf %parallel_loop3A_464, %parallel_loop3A_466 : vector<16xf32>
      tpu.vector_store_idx %arg6[%parallel_loop3A_423], %parallel_loop3A_467 : memref<18880xf32, #tpu.memory_space<vmem>>[vector<16xi32>], vector<16xf32>,
    } {sc.loop_unroll_factor = 4 : i64, sc.parallel_access}
    %parallel_loop3A_293 = arith.constant 0 : i32
    %parallel_loop3A_294 = arith.constant 130 : i32
    %parallel_loop3A_295 = arith.constant 1 : i32
    scf.for %parallel_loop3A_357 = %parallel_loop3A_293 to %parallel_loop3A_294 step %parallel_loop3A_295  : i32 {
      %parallel_loop3A_358 = arith.constant 16 : i32
      %parallel_loop3A_359 = arith.muli %parallel_loop3A_357, %parallel_loop3A_358 : i32
      %parallel_loop3A_360 = arith.constant 8256 : i32
      %parallel_loop3A_361 = arith.addi %parallel_loop3A_360, %parallel_loop3A_359 : i32
      %parallel_loop3A_362 = arith.index_cast %parallel_loop3A_361 : i32 to index
      %parallel_loop3A_363 = tpu.vector_load %arg5[%parallel_loop3A_362] {strides = array<i32>} : memref<18880xf32, #tpu.memory_space<vmem>>, vector<16xf32>,
      %parallel_loop3A_364 = arith.constant 10336 : i32
      %parallel_loop3A_365 = arith.addi %parallel_loop3A_364, %parallel_loop3A_359 : i32
      %parallel_loop3A_366 = arith.index_cast %parallel_loop3A_365 : i32 to index
      %parallel_loop3A_367 = tpu.vector_load %arg5[%parallel_loop3A_366] {strides = array<i32>} : memref<18880xf32, #tpu.memory_space<vmem>>, vector<16xf32>,
      %parallel_loop3A_368 = arith.constant 2 : i32
      %parallel_loop3A_369 = arith.muli %parallel_loop3A_368, %parallel_loop3A_359 : i32
      %parallel_loop3A_370 = arith.constant 8256 : i32
      %parallel_loop3A_371 = arith.addi %parallel_loop3A_370, %parallel_loop3A_369 : i32
      %parallel_loop3A_372 = arith.constant 2 : i32
      %parallel_loop3A_373 = vector.broadcast %parallel_loop3A_372 : i32 to vector<16xi32>
      %parallel_loop3A_374 = arith.muli %parallel_loop3A_373, %iota3A : vector<16xi32>
      %parallel_loop3A_375 = vector.broadcast %parallel_loop3A_371 : i32 to vector<16xi32>
      %parallel_loop3A_376 = arith.addi %parallel_loop3A_375, %parallel_loop3A_374 : vector<16xi32>
      %parallel_loop3A_377 = arith.constant 9.99999968E-21 : f32
      %parallel_loop3A_378 = vector.broadcast %parallel_loop3A_377 : f32 to vector<16xf32>
      %parallel_loop3A_379 = arith.addf %parallel_loop3A_363, %parallel_loop3A_378 : vector<16xf32>
      %parallel_loop3A_380 = vector.bitcast %parallel_loop3A_379 : vector<16xf32> to vector<16xi32>
      %parallel_loop3A_381 = arith.constant 23 : i32
      %parallel_loop3A_382 = vector.broadcast %parallel_loop3A_381 : i32 to vector<16xi32>
      %parallel_loop3A_383 = arith.shrsi %parallel_loop3A_380, %parallel_loop3A_382 : vector<16xi32>
      %parallel_loop3A_384 = arith.constant 127 : i32
      %parallel_loop3A_385 = vector.broadcast %parallel_loop3A_384 : i32 to vector<16xi32>
      %parallel_loop3A_386 = arith.subi %parallel_loop3A_383, %parallel_loop3A_385 : vector<16xi32>
      %parallel_loop3A_387 = arith.constant 8388607 : i32
      %parallel_loop3A_388 = vector.broadcast %parallel_loop3A_387 : i32 to vector<16xi32>
      %parallel_loop3A_389 = arith.andi %parallel_loop3A_380, %parallel_loop3A_388 : vector<16xi32>
      %parallel_loop3A_390 = arith.constant 1065353216 : i32
      %parallel_loop3A_391 = vector.broadcast %parallel_loop3A_390 : i32 to vector<16xi32>
      %parallel_loop3A_392 = arith.ori %parallel_loop3A_389, %parallel_loop3A_391 : vector<16xi32>
      %parallel_loop3A_393 = vector.bitcast %parallel_loop3A_392 : vector<16xi32> to vector<16xf32>
      %parallel_loop3A_394 = arith.constant 0.043428909 : f32
      %parallel_loop3A_395 = vector.broadcast %parallel_loop3A_394 : f32 to vector<16xf32>
      %parallel_loop3A_396 = arith.mulf %parallel_loop3A_393, %parallel_loop3A_395 : vector<16xf32>
      %parallel_loop3A_397 = arith.constant -0.404867172 : f32
      %parallel_loop3A_398 = vector.broadcast %parallel_loop3A_397 : f32 to vector<16xf32>
      %parallel_loop3A_399 = arith.addf %parallel_loop3A_396, %parallel_loop3A_398 : vector<16xf32>
      %parallel_loop3A_400 = arith.mulf %parallel_loop3A_399, %parallel_loop3A_393 : vector<16xf32>
      %parallel_loop3A_401 = arith.constant 1.5939014 : f32
      %parallel_loop3A_402 = vector.broadcast %parallel_loop3A_401 : f32 to vector<16xf32>
      %parallel_loop3A_403 = arith.addf %parallel_loop3A_400, %parallel_loop3A_402 : vector<16xf32>
      %parallel_loop3A_404 = arith.mulf %parallel_loop3A_403, %parallel_loop3A_393 : vector<16xf32>
      %parallel_loop3A_405 = arith.constant -3.49249434 : f32
      %parallel_loop3A_406 = vector.broadcast %parallel_loop3A_405 : f32 to vector<16xf32>
      %parallel_loop3A_407 = arith.addf %parallel_loop3A_404, %parallel_loop3A_406 : vector<16xf32>
      %parallel_loop3A_408 = arith.mulf %parallel_loop3A_407, %parallel_loop3A_393 : vector<16xf32>
      %parallel_loop3A_409 = arith.constant 5.04687595 : f32
      %parallel_loop3A_410 = vector.broadcast %parallel_loop3A_409 : f32 to vector<16xf32>
      %parallel_loop3A_411 = arith.addf %parallel_loop3A_408, %parallel_loop3A_410 : vector<16xf32>
      %parallel_loop3A_412 = arith.mulf %parallel_loop3A_411, %parallel_loop3A_393 : vector<16xf32>
      %parallel_loop3A_413 = arith.constant -2.78681302 : f32
      %parallel_loop3A_414 = vector.broadcast %parallel_loop3A_413 : f32 to vector<16xf32>
      %parallel_loop3A_415 = arith.addf %parallel_loop3A_412, %parallel_loop3A_414 : vector<16xf32>
      %parallel_loop3A_416 = arith.sitofp %parallel_loop3A_386 : vector<16xi32> to vector<16xf32>
      %parallel_loop3A_417 = arith.addf %parallel_loop3A_415, %parallel_loop3A_416 : vector<16xf32>
      %parallel_loop3A_418 = arith.constant 0.693147182 : f32
      %parallel_loop3A_419 = vector.broadcast %parallel_loop3A_418 : f32 to vector<16xf32>
      %parallel_loop3A_420 = arith.mulf %parallel_loop3A_417, %parallel_loop3A_419 : vector<16xf32>
      tpu.vector_store_idx %arg6[%parallel_loop3A_376], %parallel_loop3A_420 : memref<18880xf32, #tpu.memory_space<vmem>>[vector<16xi32>], vector<16xf32>,
      %parallel_loop3A_421 = arith.constant 1 : i32
      %parallel_loop3A_422 = vector.broadcast %parallel_loop3A_421 : i32 to vector<16xi32>
      %parallel_loop3A_423 = arith.addi %parallel_loop3A_376, %parallel_loop3A_422 : vector<16xi32>
      %parallel_loop3A_424 = arith.constant 9.99999968E-21 : f32
      %parallel_loop3A_425 = vector.broadcast %parallel_loop3A_424 : f32 to vector<16xf32>
      %parallel_loop3A_426 = arith.addf %parallel_loop3A_367, %parallel_loop3A_425 : vector<16xf32>
      %parallel_loop3A_427 = vector.bitcast %parallel_loop3A_426 : vector<16xf32> to vector<16xi32>
      %parallel_loop3A_428 = arith.constant 23 : i32
      %parallel_loop3A_429 = vector.broadcast %parallel_loop3A_428 : i32 to vector<16xi32>
      %parallel_loop3A_430 = arith.shrsi %parallel_loop3A_427, %parallel_loop3A_429 : vector<16xi32>
      %parallel_loop3A_431 = arith.constant 127 : i32
      %parallel_loop3A_432 = vector.broadcast %parallel_loop3A_431 : i32 to vector<16xi32>
      %parallel_loop3A_433 = arith.subi %parallel_loop3A_430, %parallel_loop3A_432 : vector<16xi32>
      %parallel_loop3A_434 = arith.constant 8388607 : i32
      %parallel_loop3A_435 = vector.broadcast %parallel_loop3A_434 : i32 to vector<16xi32>
      %parallel_loop3A_436 = arith.andi %parallel_loop3A_427, %parallel_loop3A_435 : vector<16xi32>
      %parallel_loop3A_437 = arith.constant 1065353216 : i32
      %parallel_loop3A_438 = vector.broadcast %parallel_loop3A_437 : i32 to vector<16xi32>
      %parallel_loop3A_439 = arith.ori %parallel_loop3A_436, %parallel_loop3A_438 : vector<16xi32>
      %parallel_loop3A_440 = vector.bitcast %parallel_loop3A_439 : vector<16xi32> to vector<16xf32>
      %parallel_loop3A_441 = arith.constant 0.043428909 : f32
      %parallel_loop3A_442 = vector.broadcast %parallel_loop3A_441 : f32 to vector<16xf32>
      %parallel_loop3A_443 = arith.mulf %parallel_loop3A_440, %parallel_loop3A_442 : vector<16xf32>
      %parallel_loop3A_444 = arith.constant -0.404867172 : f32
      %parallel_loop3A_445 = vector.broadcast %parallel_loop3A_444 : f32 to vector<16xf32>
      %parallel_loop3A_446 = arith.addf %parallel_loop3A_443, %parallel_loop3A_445 : vector<16xf32>
      %parallel_loop3A_447 = arith.mulf %parallel_loop3A_446, %parallel_loop3A_440 : vector<16xf32>
      %parallel_loop3A_448 = arith.constant 1.5939014 : f32
      %parallel_loop3A_449 = vector.broadcast %parallel_loop3A_448 : f32 to vector<16xf32>
      %parallel_loop3A_450 = arith.addf %parallel_loop3A_447, %parallel_loop3A_449 : vector<16xf32>
      %parallel_loop3A_451 = arith.mulf %parallel_loop3A_450, %parallel_loop3A_440 : vector<16xf32>
      %parallel_loop3A_452 = arith.constant -3.49249434 : f32
      %parallel_loop3A_453 = vector.broadcast %parallel_loop3A_452 : f32 to vector<16xf32>
      %parallel_loop3A_454 = arith.addf %parallel_loop3A_451, %parallel_loop3A_453 : vector<16xf32>
      %parallel_loop3A_455 = arith.mulf %parallel_loop3A_454, %parallel_loop3A_440 : vector<16xf32>
      %parallel_loop3A_456 = arith.constant 5.04687595 : f32
      %parallel_loop3A_457 = vector.broadcast %parallel_loop3A_456 : f32 to vector<16xf32>
      %parallel_loop3A_458 = arith.addf %parallel_loop3A_455, %parallel_loop3A_457 : vector<16xf32>
      %parallel_loop3A_459 = arith.mulf %parallel_loop3A_458, %parallel_loop3A_440 : vector<16xf32>
      %parallel_loop3A_460 = arith.constant -2.78681302 : f32
      %parallel_loop3A_461 = vector.broadcast %parallel_loop3A_460 : f32 to vector<16xf32>
      %parallel_loop3A_462 = arith.addf %parallel_loop3A_459, %parallel_loop3A_461 : vector<16xf32>
      %parallel_loop3A_463 = arith.sitofp %parallel_loop3A_433 : vector<16xi32> to vector<16xf32>
      %parallel_loop3A_464 = arith.addf %parallel_loop3A_462, %parallel_loop3A_463 : vector<16xf32>
      %parallel_loop3A_465 = arith.constant 0.693147182 : f32
      %parallel_loop3A_466 = vector.broadcast %parallel_loop3A_465 : f32 to vector<16xf32>
      %parallel_loop3A_467 = arith.mulf %parallel_loop3A_464, %parallel_loop3A_466 : vector<16xf32>
      tpu.vector_store_idx %arg6[%parallel_loop3A_423], %parallel_loop3A_467 : memref<18880xf32, #tpu.memory_space<vmem>>[vector<16xi32>], vector<16xf32>,
    } {sc.loop_unroll_factor = 4 : i64, sc.parallel_access}
    %parallel_loop3A_296 = arith.constant 0 : i32
    %parallel_loop3A_297 = arith.constant 66 : i32
    %parallel_loop3A_298 = arith.constant 1 : i32
    scf.for %parallel_loop3A_357 = %parallel_loop3A_296 to %parallel_loop3A_297 step %parallel_loop3A_298  : i32 {
      %parallel_loop3A_358 = arith.constant 16 : i32
      %parallel_loop3A_359 = arith.muli %parallel_loop3A_357, %parallel_loop3A_358 : i32
      %parallel_loop3A_360 = arith.constant 12416 : i32
      %parallel_loop3A_361 = arith.addi %parallel_loop3A_360, %parallel_loop3A_359 : i32
      %parallel_loop3A_362 = arith.index_cast %parallel_loop3A_361 : i32 to index
      %parallel_loop3A_363 = tpu.vector_load %arg5[%parallel_loop3A_362] {strides = array<i32>} : memref<18880xf32, #tpu.memory_space<vmem>>, vector<16xf32>,
      %parallel_loop3A_364 = arith.constant 13472 : i32
      %parallel_loop3A_365 = arith.addi %parallel_loop3A_364, %parallel_loop3A_359 : i32
      %parallel_loop3A_366 = arith.index_cast %parallel_loop3A_365 : i32 to index
      %parallel_loop3A_367 = tpu.vector_load %arg5[%parallel_loop3A_366] {strides = array<i32>} : memref<18880xf32, #tpu.memory_space<vmem>>, vector<16xf32>,
      %parallel_loop3A_368 = arith.constant 2 : i32
      %parallel_loop3A_369 = arith.muli %parallel_loop3A_368, %parallel_loop3A_359 : i32
      %parallel_loop3A_370 = arith.constant 12416 : i32
      %parallel_loop3A_371 = arith.addi %parallel_loop3A_370, %parallel_loop3A_369 : i32
      %parallel_loop3A_372 = arith.constant 2 : i32
      %parallel_loop3A_373 = vector.broadcast %parallel_loop3A_372 : i32 to vector<16xi32>
      %parallel_loop3A_374 = arith.muli %parallel_loop3A_373, %iota3A : vector<16xi32>
      %parallel_loop3A_375 = vector.broadcast %parallel_loop3A_371 : i32 to vector<16xi32>
      %parallel_loop3A_376 = arith.addi %parallel_loop3A_375, %parallel_loop3A_374 : vector<16xi32>
      %parallel_loop3A_377 = arith.constant 9.99999968E-21 : f32
      %parallel_loop3A_378 = vector.broadcast %parallel_loop3A_377 : f32 to vector<16xf32>
      %parallel_loop3A_379 = arith.addf %parallel_loop3A_363, %parallel_loop3A_378 : vector<16xf32>
      %parallel_loop3A_380 = vector.bitcast %parallel_loop3A_379 : vector<16xf32> to vector<16xi32>
      %parallel_loop3A_381 = arith.constant 23 : i32
      %parallel_loop3A_382 = vector.broadcast %parallel_loop3A_381 : i32 to vector<16xi32>
      %parallel_loop3A_383 = arith.shrsi %parallel_loop3A_380, %parallel_loop3A_382 : vector<16xi32>
      %parallel_loop3A_384 = arith.constant 127 : i32
      %parallel_loop3A_385 = vector.broadcast %parallel_loop3A_384 : i32 to vector<16xi32>
      %parallel_loop3A_386 = arith.subi %parallel_loop3A_383, %parallel_loop3A_385 : vector<16xi32>
      %parallel_loop3A_387 = arith.constant 8388607 : i32
      %parallel_loop3A_388 = vector.broadcast %parallel_loop3A_387 : i32 to vector<16xi32>
      %parallel_loop3A_389 = arith.andi %parallel_loop3A_380, %parallel_loop3A_388 : vector<16xi32>
      %parallel_loop3A_390 = arith.constant 1065353216 : i32
      %parallel_loop3A_391 = vector.broadcast %parallel_loop3A_390 : i32 to vector<16xi32>
      %parallel_loop3A_392 = arith.ori %parallel_loop3A_389, %parallel_loop3A_391 : vector<16xi32>
      %parallel_loop3A_393 = vector.bitcast %parallel_loop3A_392 : vector<16xi32> to vector<16xf32>
      %parallel_loop3A_394 = arith.constant 0.043428909 : f32
      %parallel_loop3A_395 = vector.broadcast %parallel_loop3A_394 : f32 to vector<16xf32>
      %parallel_loop3A_396 = arith.mulf %parallel_loop3A_393, %parallel_loop3A_395 : vector<16xf32>
      %parallel_loop3A_397 = arith.constant -0.404867172 : f32
      %parallel_loop3A_398 = vector.broadcast %parallel_loop3A_397 : f32 to vector<16xf32>
      %parallel_loop3A_399 = arith.addf %parallel_loop3A_396, %parallel_loop3A_398 : vector<16xf32>
      %parallel_loop3A_400 = arith.mulf %parallel_loop3A_399, %parallel_loop3A_393 : vector<16xf32>
      %parallel_loop3A_401 = arith.constant 1.5939014 : f32
      %parallel_loop3A_402 = vector.broadcast %parallel_loop3A_401 : f32 to vector<16xf32>
      %parallel_loop3A_403 = arith.addf %parallel_loop3A_400, %parallel_loop3A_402 : vector<16xf32>
      %parallel_loop3A_404 = arith.mulf %parallel_loop3A_403, %parallel_loop3A_393 : vector<16xf32>
      %parallel_loop3A_405 = arith.constant -3.49249434 : f32
      %parallel_loop3A_406 = vector.broadcast %parallel_loop3A_405 : f32 to vector<16xf32>
      %parallel_loop3A_407 = arith.addf %parallel_loop3A_404, %parallel_loop3A_406 : vector<16xf32>
      %parallel_loop3A_408 = arith.mulf %parallel_loop3A_407, %parallel_loop3A_393 : vector<16xf32>
      %parallel_loop3A_409 = arith.constant 5.04687595 : f32
      %parallel_loop3A_410 = vector.broadcast %parallel_loop3A_409 : f32 to vector<16xf32>
      %parallel_loop3A_411 = arith.addf %parallel_loop3A_408, %parallel_loop3A_410 : vector<16xf32>
      %parallel_loop3A_412 = arith.mulf %parallel_loop3A_411, %parallel_loop3A_393 : vector<16xf32>
      %parallel_loop3A_413 = arith.constant -2.78681302 : f32
      %parallel_loop3A_414 = vector.broadcast %parallel_loop3A_413 : f32 to vector<16xf32>
      %parallel_loop3A_415 = arith.addf %parallel_loop3A_412, %parallel_loop3A_414 : vector<16xf32>
      %parallel_loop3A_416 = arith.sitofp %parallel_loop3A_386 : vector<16xi32> to vector<16xf32>
      %parallel_loop3A_417 = arith.addf %parallel_loop3A_415, %parallel_loop3A_416 : vector<16xf32>
      %parallel_loop3A_418 = arith.constant 0.693147182 : f32
      %parallel_loop3A_419 = vector.broadcast %parallel_loop3A_418 : f32 to vector<16xf32>
      %parallel_loop3A_420 = arith.mulf %parallel_loop3A_417, %parallel_loop3A_419 : vector<16xf32>
      tpu.vector_store_idx %arg6[%parallel_loop3A_376], %parallel_loop3A_420 : memref<18880xf32, #tpu.memory_space<vmem>>[vector<16xi32>], vector<16xf32>,
      %parallel_loop3A_421 = arith.constant 1 : i32
      %parallel_loop3A_422 = vector.broadcast %parallel_loop3A_421 : i32 to vector<16xi32>
      %parallel_loop3A_423 = arith.addi %parallel_loop3A_376, %parallel_loop3A_422 : vector<16xi32>
      %parallel_loop3A_424 = arith.constant 9.99999968E-21 : f32
      %parallel_loop3A_425 = vector.broadcast %parallel_loop3A_424 : f32 to vector<16xf32>
      %parallel_loop3A_426 = arith.addf %parallel_loop3A_367, %parallel_loop3A_425 : vector<16xf32>
      %parallel_loop3A_427 = vector.bitcast %parallel_loop3A_426 : vector<16xf32> to vector<16xi32>
      %parallel_loop3A_428 = arith.constant 23 : i32
      %parallel_loop3A_429 = vector.broadcast %parallel_loop3A_428 : i32 to vector<16xi32>
      %parallel_loop3A_430 = arith.shrsi %parallel_loop3A_427, %parallel_loop3A_429 : vector<16xi32>
      %parallel_loop3A_431 = arith.constant 127 : i32
      %parallel_loop3A_432 = vector.broadcast %parallel_loop3A_431 : i32 to vector<16xi32>
      %parallel_loop3A_433 = arith.subi %parallel_loop3A_430, %parallel_loop3A_432 : vector<16xi32>
      %parallel_loop3A_434 = arith.constant 8388607 : i32
      %parallel_loop3A_435 = vector.broadcast %parallel_loop3A_434 : i32 to vector<16xi32>
      %parallel_loop3A_436 = arith.andi %parallel_loop3A_427, %parallel_loop3A_435 : vector<16xi32>
      %parallel_loop3A_437 = arith.constant 1065353216 : i32
      %parallel_loop3A_438 = vector.broadcast %parallel_loop3A_437 : i32 to vector<16xi32>
      %parallel_loop3A_439 = arith.ori %parallel_loop3A_436, %parallel_loop3A_438 : vector<16xi32>
      %parallel_loop3A_440 = vector.bitcast %parallel_loop3A_439 : vector<16xi32> to vector<16xf32>
      %parallel_loop3A_441 = arith.constant 0.043428909 : f32
      %parallel_loop3A_442 = vector.broadcast %parallel_loop3A_441 : f32 to vector<16xf32>
      %parallel_loop3A_443 = arith.mulf %parallel_loop3A_440, %parallel_loop3A_442 : vector<16xf32>
      %parallel_loop3A_444 = arith.constant -0.404867172 : f32
      %parallel_loop3A_445 = vector.broadcast %parallel_loop3A_444 : f32 to vector<16xf32>
      %parallel_loop3A_446 = arith.addf %parallel_loop3A_443, %parallel_loop3A_445 : vector<16xf32>
      %parallel_loop3A_447 = arith.mulf %parallel_loop3A_446, %parallel_loop3A_440 : vector<16xf32>
      %parallel_loop3A_448 = arith.constant 1.5939014 : f32
      %parallel_loop3A_449 = vector.broadcast %parallel_loop3A_448 : f32 to vector<16xf32>
      %parallel_loop3A_450 = arith.addf %parallel_loop3A_447, %parallel_loop3A_449 : vector<16xf32>
      %parallel_loop3A_451 = arith.mulf %parallel_loop3A_450, %parallel_loop3A_440 : vector<16xf32>
      %parallel_loop3A_452 = arith.constant -3.49249434 : f32
      %parallel_loop3A_453 = vector.broadcast %parallel_loop3A_452 : f32 to vector<16xf32>
      %parallel_loop3A_454 = arith.addf %parallel_loop3A_451, %parallel_loop3A_453 : vector<16xf32>
      %parallel_loop3A_455 = arith.mulf %parallel_loop3A_454, %parallel_loop3A_440 : vector<16xf32>
      %parallel_loop3A_456 = arith.constant 5.04687595 : f32
      %parallel_loop3A_457 = vector.broadcast %parallel_loop3A_456 : f32 to vector<16xf32>
      %parallel_loop3A_458 = arith.addf %parallel_loop3A_455, %parallel_loop3A_457 : vector<16xf32>
      %parallel_loop3A_459 = arith.mulf %parallel_loop3A_458, %parallel_loop3A_440 : vector<16xf32>
      %parallel_loop3A_460 = arith.constant -2.78681302 : f32
      %parallel_loop3A_461 = vector.broadcast %parallel_loop3A_460 : f32 to vector<16xf32>
      %parallel_loop3A_462 = arith.addf %parallel_loop3A_459, %parallel_loop3A_461 : vector<16xf32>
      %parallel_loop3A_463 = arith.sitofp %parallel_loop3A_433 : vector<16xi32> to vector<16xf32>
      %parallel_loop3A_464 = arith.addf %parallel_loop3A_462, %parallel_loop3A_463 : vector<16xf32>
      %parallel_loop3A_465 = arith.constant 0.693147182 : f32
      %parallel_loop3A_466 = vector.broadcast %parallel_loop3A_465 : f32 to vector<16xf32>
      %parallel_loop3A_467 = arith.mulf %parallel_loop3A_464, %parallel_loop3A_466 : vector<16xf32>
      tpu.vector_store_idx %arg6[%parallel_loop3A_423], %parallel_loop3A_467 : memref<18880xf32, #tpu.memory_space<vmem>>[vector<16xi32>], vector<16xf32>,
    } {sc.loop_unroll_factor = 4 : i64, sc.parallel_access}
    %parallel_loop3A_299 = arith.constant 0 : i32
    %parallel_loop3A_300 = arith.constant 34 : i32
    %parallel_loop3A_301 = arith.constant 1 : i32
    scf.for %parallel_loop3A_357 = %parallel_loop3A_299 to %parallel_loop3A_300 step %parallel_loop3A_301  : i32 {
      %parallel_loop3A_358 = arith.constant 16 : i32
      %parallel_loop3A_359 = arith.muli %parallel_loop3A_357, %parallel_loop3A_358 : i32
      %parallel_loop3A_360 = arith.constant 14528 : i32
      %parallel_loop3A_361 = arith.addi %parallel_loop3A_360, %parallel_loop3A_359 : i32
      %parallel_loop3A_362 = arith.index_cast %parallel_loop3A_361 : i32 to index
      %parallel_loop3A_363 = tpu.vector_load %arg5[%parallel_loop3A_362] {strides = array<i32>} : memref<18880xf32, #tpu.memory_space<vmem>>, vector<16xf32>,
      %parallel_loop3A_364 = arith.constant 15072 : i32
      %parallel_loop3A_365 = arith.addi %parallel_loop3A_364, %parallel_loop3A_359 : i32
      %parallel_loop3A_366 = arith.index_cast %parallel_loop3A_365 : i32 to index
      %parallel_loop3A_367 = tpu.vector_load %arg5[%parallel_loop3A_366] {strides = array<i32>} : memref<18880xf32, #tpu.memory_space<vmem>>, vector<16xf32>,
      %parallel_loop3A_368 = arith.constant 2 : i32
      %parallel_loop3A_369 = arith.muli %parallel_loop3A_368, %parallel_loop3A_359 : i32
      %parallel_loop3A_370 = arith.constant 14528 : i32
      %parallel_loop3A_371 = arith.addi %parallel_loop3A_370, %parallel_loop3A_369 : i32
      %parallel_loop3A_372 = arith.constant 2 : i32
      %parallel_loop3A_373 = vector.broadcast %parallel_loop3A_372 : i32 to vector<16xi32>
      %parallel_loop3A_374 = arith.muli %parallel_loop3A_373, %iota3A : vector<16xi32>
      %parallel_loop3A_375 = vector.broadcast %parallel_loop3A_371 : i32 to vector<16xi32>
      %parallel_loop3A_376 = arith.addi %parallel_loop3A_375, %parallel_loop3A_374 : vector<16xi32>
      %parallel_loop3A_377 = arith.constant 9.99999968E-21 : f32
      %parallel_loop3A_378 = vector.broadcast %parallel_loop3A_377 : f32 to vector<16xf32>
      %parallel_loop3A_379 = arith.addf %parallel_loop3A_363, %parallel_loop3A_378 : vector<16xf32>
      %parallel_loop3A_380 = vector.bitcast %parallel_loop3A_379 : vector<16xf32> to vector<16xi32>
      %parallel_loop3A_381 = arith.constant 23 : i32
      %parallel_loop3A_382 = vector.broadcast %parallel_loop3A_381 : i32 to vector<16xi32>
      %parallel_loop3A_383 = arith.shrsi %parallel_loop3A_380, %parallel_loop3A_382 : vector<16xi32>
      %parallel_loop3A_384 = arith.constant 127 : i32
      %parallel_loop3A_385 = vector.broadcast %parallel_loop3A_384 : i32 to vector<16xi32>
      %parallel_loop3A_386 = arith.subi %parallel_loop3A_383, %parallel_loop3A_385 : vector<16xi32>
      %parallel_loop3A_387 = arith.constant 8388607 : i32
      %parallel_loop3A_388 = vector.broadcast %parallel_loop3A_387 : i32 to vector<16xi32>
      %parallel_loop3A_389 = arith.andi %parallel_loop3A_380, %parallel_loop3A_388 : vector<16xi32>
      %parallel_loop3A_390 = arith.constant 1065353216 : i32
      %parallel_loop3A_391 = vector.broadcast %parallel_loop3A_390 : i32 to vector<16xi32>
      %parallel_loop3A_392 = arith.ori %parallel_loop3A_389, %parallel_loop3A_391 : vector<16xi32>
      %parallel_loop3A_393 = vector.bitcast %parallel_loop3A_392 : vector<16xi32> to vector<16xf32>
      %parallel_loop3A_394 = arith.constant 0.043428909 : f32
      %parallel_loop3A_395 = vector.broadcast %parallel_loop3A_394 : f32 to vector<16xf32>
      %parallel_loop3A_396 = arith.mulf %parallel_loop3A_393, %parallel_loop3A_395 : vector<16xf32>
      %parallel_loop3A_397 = arith.constant -0.404867172 : f32
      %parallel_loop3A_398 = vector.broadcast %parallel_loop3A_397 : f32 to vector<16xf32>
      %parallel_loop3A_399 = arith.addf %parallel_loop3A_396, %parallel_loop3A_398 : vector<16xf32>
      %parallel_loop3A_400 = arith.mulf %parallel_loop3A_399, %parallel_loop3A_393 : vector<16xf32>
      %parallel_loop3A_401 = arith.constant 1.5939014 : f32
      %parallel_loop3A_402 = vector.broadcast %parallel_loop3A_401 : f32 to vector<16xf32>
      %parallel_loop3A_403 = arith.addf %parallel_loop3A_400, %parallel_loop3A_402 : vector<16xf32>
      %parallel_loop3A_404 = arith.mulf %parallel_loop3A_403, %parallel_loop3A_393 : vector<16xf32>
      %parallel_loop3A_405 = arith.constant -3.49249434 : f32
      %parallel_loop3A_406 = vector.broadcast %parallel_loop3A_405 : f32 to vector<16xf32>
      %parallel_loop3A_407 = arith.addf %parallel_loop3A_404, %parallel_loop3A_406 : vector<16xf32>
      %parallel_loop3A_408 = arith.mulf %parallel_loop3A_407, %parallel_loop3A_393 : vector<16xf32>
      %parallel_loop3A_409 = arith.constant 5.04687595 : f32
      %parallel_loop3A_410 = vector.broadcast %parallel_loop3A_409 : f32 to vector<16xf32>
      %parallel_loop3A_411 = arith.addf %parallel_loop3A_408, %parallel_loop3A_410 : vector<16xf32>
      %parallel_loop3A_412 = arith.mulf %parallel_loop3A_411, %parallel_loop3A_393 : vector<16xf32>
      %parallel_loop3A_413 = arith.constant -2.78681302 : f32
      %parallel_loop3A_414 = vector.broadcast %parallel_loop3A_413 : f32 to vector<16xf32>
      %parallel_loop3A_415 = arith.addf %parallel_loop3A_412, %parallel_loop3A_414 : vector<16xf32>
      %parallel_loop3A_416 = arith.sitofp %parallel_loop3A_386 : vector<16xi32> to vector<16xf32>
      %parallel_loop3A_417 = arith.addf %parallel_loop3A_415, %parallel_loop3A_416 : vector<16xf32>
      %parallel_loop3A_418 = arith.constant 0.693147182 : f32
      %parallel_loop3A_419 = vector.broadcast %parallel_loop3A_418 : f32 to vector<16xf32>
      %parallel_loop3A_420 = arith.mulf %parallel_loop3A_417, %parallel_loop3A_419 : vector<16xf32>
      tpu.vector_store_idx %arg6[%parallel_loop3A_376], %parallel_loop3A_420 : memref<18880xf32, #tpu.memory_space<vmem>>[vector<16xi32>], vector<16xf32>,
      %parallel_loop3A_421 = arith.constant 1 : i32
      %parallel_loop3A_422 = vector.broadcast %parallel_loop3A_421 : i32 to vector<16xi32>
      %parallel_loop3A_423 = arith.addi %parallel_loop3A_376, %parallel_loop3A_422 : vector<16xi32>
      %parallel_loop3A_424 = arith.constant 9.99999968E-21 : f32
      %parallel_loop3A_425 = vector.broadcast %parallel_loop3A_424 : f32 to vector<16xf32>
      %parallel_loop3A_426 = arith.addf %parallel_loop3A_367, %parallel_loop3A_425 : vector<16xf32>
      %parallel_loop3A_427 = vector.bitcast %parallel_loop3A_426 : vector<16xf32> to vector<16xi32>
      %parallel_loop3A_428 = arith.constant 23 : i32
      %parallel_loop3A_429 = vector.broadcast %parallel_loop3A_428 : i32 to vector<16xi32>
      %parallel_loop3A_430 = arith.shrsi %parallel_loop3A_427, %parallel_loop3A_429 : vector<16xi32>
      %parallel_loop3A_431 = arith.constant 127 : i32
      %parallel_loop3A_432 = vector.broadcast %parallel_loop3A_431 : i32 to vector<16xi32>
      %parallel_loop3A_433 = arith.subi %parallel_loop3A_430, %parallel_loop3A_432 : vector<16xi32>
      %parallel_loop3A_434 = arith.constant 8388607 : i32
      %parallel_loop3A_435 = vector.broadcast %parallel_loop3A_434 : i32 to vector<16xi32>
      %parallel_loop3A_436 = arith.andi %parallel_loop3A_427, %parallel_loop3A_435 : vector<16xi32>
      %parallel_loop3A_437 = arith.constant 1065353216 : i32
      %parallel_loop3A_438 = vector.broadcast %parallel_loop3A_437 : i32 to vector<16xi32>
      %parallel_loop3A_439 = arith.ori %parallel_loop3A_436, %parallel_loop3A_438 : vector<16xi32>
      %parallel_loop3A_440 = vector.bitcast %parallel_loop3A_439 : vector<16xi32> to vector<16xf32>
      %parallel_loop3A_441 = arith.constant 0.043428909 : f32
      %parallel_loop3A_442 = vector.broadcast %parallel_loop3A_441 : f32 to vector<16xf32>
      %parallel_loop3A_443 = arith.mulf %parallel_loop3A_440, %parallel_loop3A_442 : vector<16xf32>
      %parallel_loop3A_444 = arith.constant -0.404867172 : f32
      %parallel_loop3A_445 = vector.broadcast %parallel_loop3A_444 : f32 to vector<16xf32>
      %parallel_loop3A_446 = arith.addf %parallel_loop3A_443, %parallel_loop3A_445 : vector<16xf32>
      %parallel_loop3A_447 = arith.mulf %parallel_loop3A_446, %parallel_loop3A_440 : vector<16xf32>
      %parallel_loop3A_448 = arith.constant 1.5939014 : f32
      %parallel_loop3A_449 = vector.broadcast %parallel_loop3A_448 : f32 to vector<16xf32>
      %parallel_loop3A_450 = arith.addf %parallel_loop3A_447, %parallel_loop3A_449 : vector<16xf32>
      %parallel_loop3A_451 = arith.mulf %parallel_loop3A_450, %parallel_loop3A_440 : vector<16xf32>
      %parallel_loop3A_452 = arith.constant -3.49249434 : f32
      %parallel_loop3A_453 = vector.broadcast %parallel_loop3A_452 : f32 to vector<16xf32>
      %parallel_loop3A_454 = arith.addf %parallel_loop3A_451, %parallel_loop3A_453 : vector<16xf32>
      %parallel_loop3A_455 = arith.mulf %parallel_loop3A_454, %parallel_loop3A_440 : vector<16xf32>
      %parallel_loop3A_456 = arith.constant 5.04687595 : f32
      %parallel_loop3A_457 = vector.broadcast %parallel_loop3A_456 : f32 to vector<16xf32>
      %parallel_loop3A_458 = arith.addf %parallel_loop3A_455, %parallel_loop3A_457 : vector<16xf32>
      %parallel_loop3A_459 = arith.mulf %parallel_loop3A_458, %parallel_loop3A_440 : vector<16xf32>
      %parallel_loop3A_460 = arith.constant -2.78681302 : f32
      %parallel_loop3A_461 = vector.broadcast %parallel_loop3A_460 : f32 to vector<16xf32>
      %parallel_loop3A_462 = arith.addf %parallel_loop3A_459, %parallel_loop3A_461 : vector<16xf32>
      %parallel_loop3A_463 = arith.sitofp %parallel_loop3A_433 : vector<16xi32> to vector<16xf32>
      %parallel_loop3A_464 = arith.addf %parallel_loop3A_462, %parallel_loop3A_463 : vector<16xf32>
      %parallel_loop3A_465 = arith.constant 0.693147182 : f32
      %parallel_loop3A_466 = vector.broadcast %parallel_loop3A_465 : f32 to vector<16xf32>
      %parallel_loop3A_467 = arith.mulf %parallel_loop3A_464, %parallel_loop3A_466 : vector<16xf32>
      tpu.vector_store_idx %arg6[%parallel_loop3A_423], %parallel_loop3A_467 : memref<18880xf32, #tpu.memory_space<vmem>>[vector<16xi32>], vector<16xf32>,
    } {sc.loop_unroll_factor = 4 : i64, sc.parallel_access}
    %parallel_loop3A_302 = arith.constant 0 : i32
    %parallel_loop3A_303 = arith.constant 18 : i32
    %parallel_loop3A_304 = arith.constant 1 : i32
    scf.for %parallel_loop3A_357 = %parallel_loop3A_302 to %parallel_loop3A_303 step %parallel_loop3A_304  : i32 {
      %parallel_loop3A_358 = arith.constant 16 : i32
      %parallel_loop3A_359 = arith.muli %parallel_loop3A_357, %parallel_loop3A_358 : i32
      %parallel_loop3A_360 = arith.constant 15616 : i32
      %parallel_loop3A_361 = arith.addi %parallel_loop3A_360, %parallel_loop3A_359 : i32
      %parallel_loop3A_362 = arith.index_cast %parallel_loop3A_361 : i32 to index
      %parallel_loop3A_363 = tpu.vector_load %arg5[%parallel_loop3A_362] {strides = array<i32>} : memref<18880xf32, #tpu.memory_space<vmem>>, vector<16xf32>,
      %parallel_loop3A_364 = arith.constant 15904 : i32
      %parallel_loop3A_365 = arith.addi %parallel_loop3A_364, %parallel_loop3A_359 : i32
      %parallel_loop3A_366 = arith.index_cast %parallel_loop3A_365 : i32 to index
      %parallel_loop3A_367 = tpu.vector_load %arg5[%parallel_loop3A_366] {strides = array<i32>} : memref<18880xf32, #tpu.memory_space<vmem>>, vector<16xf32>,
      %parallel_loop3A_368 = arith.constant 2 : i32
      %parallel_loop3A_369 = arith.muli %parallel_loop3A_368, %parallel_loop3A_359 : i32
      %parallel_loop3A_370 = arith.constant 15616 : i32
      %parallel_loop3A_371 = arith.addi %parallel_loop3A_370, %parallel_loop3A_369 : i32
      %parallel_loop3A_372 = arith.constant 2 : i32
      %parallel_loop3A_373 = vector.broadcast %parallel_loop3A_372 : i32 to vector<16xi32>
      %parallel_loop3A_374 = arith.muli %parallel_loop3A_373, %iota3A : vector<16xi32>
      %parallel_loop3A_375 = vector.broadcast %parallel_loop3A_371 : i32 to vector<16xi32>
      %parallel_loop3A_376 = arith.addi %parallel_loop3A_375, %parallel_loop3A_374 : vector<16xi32>
      %parallel_loop3A_377 = arith.constant 9.99999968E-21 : f32
      %parallel_loop3A_378 = vector.broadcast %parallel_loop3A_377 : f32 to vector<16xf32>
      %parallel_loop3A_379 = arith.addf %parallel_loop3A_363, %parallel_loop3A_378 : vector<16xf32>
      %parallel_loop3A_380 = vector.bitcast %parallel_loop3A_379 : vector<16xf32> to vector<16xi32>
      %parallel_loop3A_381 = arith.constant 23 : i32
      %parallel_loop3A_382 = vector.broadcast %parallel_loop3A_381 : i32 to vector<16xi32>
      %parallel_loop3A_383 = arith.shrsi %parallel_loop3A_380, %parallel_loop3A_382 : vector<16xi32>
      %parallel_loop3A_384 = arith.constant 127 : i32
      %parallel_loop3A_385 = vector.broadcast %parallel_loop3A_384 : i32 to vector<16xi32>
      %parallel_loop3A_386 = arith.subi %parallel_loop3A_383, %parallel_loop3A_385 : vector<16xi32>
      %parallel_loop3A_387 = arith.constant 8388607 : i32
      %parallel_loop3A_388 = vector.broadcast %parallel_loop3A_387 : i32 to vector<16xi32>
      %parallel_loop3A_389 = arith.andi %parallel_loop3A_380, %parallel_loop3A_388 : vector<16xi32>
      %parallel_loop3A_390 = arith.constant 1065353216 : i32
      %parallel_loop3A_391 = vector.broadcast %parallel_loop3A_390 : i32 to vector<16xi32>
      %parallel_loop3A_392 = arith.ori %parallel_loop3A_389, %parallel_loop3A_391 : vector<16xi32>
      %parallel_loop3A_393 = vector.bitcast %parallel_loop3A_392 : vector<16xi32> to vector<16xf32>
      %parallel_loop3A_394 = arith.constant 0.043428909 : f32
      %parallel_loop3A_395 = vector.broadcast %parallel_loop3A_394 : f32 to vector<16xf32>
      %parallel_loop3A_396 = arith.mulf %parallel_loop3A_393, %parallel_loop3A_395 : vector<16xf32>
      %parallel_loop3A_397 = arith.constant -0.404867172 : f32
      %parallel_loop3A_398 = vector.broadcast %parallel_loop3A_397 : f32 to vector<16xf32>
      %parallel_loop3A_399 = arith.addf %parallel_loop3A_396, %parallel_loop3A_398 : vector<16xf32>
      %parallel_loop3A_400 = arith.mulf %parallel_loop3A_399, %parallel_loop3A_393 : vector<16xf32>
      %parallel_loop3A_401 = arith.constant 1.5939014 : f32
      %parallel_loop3A_402 = vector.broadcast %parallel_loop3A_401 : f32 to vector<16xf32>
      %parallel_loop3A_403 = arith.addf %parallel_loop3A_400, %parallel_loop3A_402 : vector<16xf32>
      %parallel_loop3A_404 = arith.mulf %parallel_loop3A_403, %parallel_loop3A_393 : vector<16xf32>
      %parallel_loop3A_405 = arith.constant -3.49249434 : f32
      %parallel_loop3A_406 = vector.broadcast %parallel_loop3A_405 : f32 to vector<16xf32>
      %parallel_loop3A_407 = arith.addf %parallel_loop3A_404, %parallel_loop3A_406 : vector<16xf32>
      %parallel_loop3A_408 = arith.mulf %parallel_loop3A_407, %parallel_loop3A_393 : vector<16xf32>
      %parallel_loop3A_409 = arith.constant 5.04687595 : f32
      %parallel_loop3A_410 = vector.broadcast %parallel_loop3A_409 : f32 to vector<16xf32>
      %parallel_loop3A_411 = arith.addf %parallel_loop3A_408, %parallel_loop3A_410 : vector<16xf32>
      %parallel_loop3A_412 = arith.mulf %parallel_loop3A_411, %parallel_loop3A_393 : vector<16xf32>
      %parallel_loop3A_413 = arith.constant -2.78681302 : f32
      %parallel_loop3A_414 = vector.broadcast %parallel_loop3A_413 : f32 to vector<16xf32>
      %parallel_loop3A_415 = arith.addf %parallel_loop3A_412, %parallel_loop3A_414 : vector<16xf32>
      %parallel_loop3A_416 = arith.sitofp %parallel_loop3A_386 : vector<16xi32> to vector<16xf32>
      %parallel_loop3A_417 = arith.addf %parallel_loop3A_415, %parallel_loop3A_416 : vector<16xf32>
      %parallel_loop3A_418 = arith.constant 0.693147182 : f32
      %parallel_loop3A_419 = vector.broadcast %parallel_loop3A_418 : f32 to vector<16xf32>
      %parallel_loop3A_420 = arith.mulf %parallel_loop3A_417, %parallel_loop3A_419 : vector<16xf32>
      tpu.vector_store_idx %arg6[%parallel_loop3A_376], %parallel_loop3A_420 : memref<18880xf32, #tpu.memory_space<vmem>>[vector<16xi32>], vector<16xf32>,
      %parallel_loop3A_421 = arith.constant 1 : i32
      %parallel_loop3A_422 = vector.broadcast %parallel_loop3A_421 : i32 to vector<16xi32>
      %parallel_loop3A_423 = arith.addi %parallel_loop3A_376, %parallel_loop3A_422 : vector<16xi32>
      %parallel_loop3A_424 = arith.constant 9.99999968E-21 : f32
      %parallel_loop3A_425 = vector.broadcast %parallel_loop3A_424 : f32 to vector<16xf32>
      %parallel_loop3A_426 = arith.addf %parallel_loop3A_367, %parallel_loop3A_425 : vector<16xf32>
      %parallel_loop3A_427 = vector.bitcast %parallel_loop3A_426 : vector<16xf32> to vector<16xi32>
      %parallel_loop3A_428 = arith.constant 23 : i32
      %parallel_loop3A_429 = vector.broadcast %parallel_loop3A_428 : i32 to vector<16xi32>
      %parallel_loop3A_430 = arith.shrsi %parallel_loop3A_427, %parallel_loop3A_429 : vector<16xi32>
      %parallel_loop3A_431 = arith.constant 127 : i32
      %parallel_loop3A_432 = vector.broadcast %parallel_loop3A_431 : i32 to vector<16xi32>
      %parallel_loop3A_433 = arith.subi %parallel_loop3A_430, %parallel_loop3A_432 : vector<16xi32>
      %parallel_loop3A_434 = arith.constant 8388607 : i32
      %parallel_loop3A_435 = vector.broadcast %parallel_loop3A_434 : i32 to vector<16xi32>
      %parallel_loop3A_436 = arith.andi %parallel_loop3A_427, %parallel_loop3A_435 : vector<16xi32>
      %parallel_loop3A_437 = arith.constant 1065353216 : i32
      %parallel_loop3A_438 = vector.broadcast %parallel_loop3A_437 : i32 to vector<16xi32>
      %parallel_loop3A_439 = arith.ori %parallel_loop3A_436, %parallel_loop3A_438 : vector<16xi32>
      %parallel_loop3A_440 = vector.bitcast %parallel_loop3A_439 : vector<16xi32> to vector<16xf32>
      %parallel_loop3A_441 = arith.constant 0.043428909 : f32
      %parallel_loop3A_442 = vector.broadcast %parallel_loop3A_441 : f32 to vector<16xf32>
      %parallel_loop3A_443 = arith.mulf %parallel_loop3A_440, %parallel_loop3A_442 : vector<16xf32>
      %parallel_loop3A_444 = arith.constant -0.404867172 : f32
      %parallel_loop3A_445 = vector.broadcast %parallel_loop3A_444 : f32 to vector<16xf32>
      %parallel_loop3A_446 = arith.addf %parallel_loop3A_443, %parallel_loop3A_445 : vector<16xf32>
      %parallel_loop3A_447 = arith.mulf %parallel_loop3A_446, %parallel_loop3A_440 : vector<16xf32>
      %parallel_loop3A_448 = arith.constant 1.5939014 : f32
      %parallel_loop3A_449 = vector.broadcast %parallel_loop3A_448 : f32 to vector<16xf32>
      %parallel_loop3A_450 = arith.addf %parallel_loop3A_447, %parallel_loop3A_449 : vector<16xf32>
      %parallel_loop3A_451 = arith.mulf %parallel_loop3A_450, %parallel_loop3A_440 : vector<16xf32>
      %parallel_loop3A_452 = arith.constant -3.49249434 : f32
      %parallel_loop3A_453 = vector.broadcast %parallel_loop3A_452 : f32 to vector<16xf32>
      %parallel_loop3A_454 = arith.addf %parallel_loop3A_451, %parallel_loop3A_453 : vector<16xf32>
      %parallel_loop3A_455 = arith.mulf %parallel_loop3A_454, %parallel_loop3A_440 : vector<16xf32>
      %parallel_loop3A_456 = arith.constant 5.04687595 : f32
      %parallel_loop3A_457 = vector.broadcast %parallel_loop3A_456 : f32 to vector<16xf32>
      %parallel_loop3A_458 = arith.addf %parallel_loop3A_455, %parallel_loop3A_457 : vector<16xf32>
      %parallel_loop3A_459 = arith.mulf %parallel_loop3A_458, %parallel_loop3A_440 : vector<16xf32>
      %parallel_loop3A_460 = arith.constant -2.78681302 : f32
      %parallel_loop3A_461 = vector.broadcast %parallel_loop3A_460 : f32 to vector<16xf32>
      %parallel_loop3A_462 = arith.addf %parallel_loop3A_459, %parallel_loop3A_461 : vector<16xf32>
      %parallel_loop3A_463 = arith.sitofp %parallel_loop3A_433 : vector<16xi32> to vector<16xf32>
      %parallel_loop3A_464 = arith.addf %parallel_loop3A_462, %parallel_loop3A_463 : vector<16xf32>
      %parallel_loop3A_465 = arith.constant 0.693147182 : f32
      %parallel_loop3A_466 = vector.broadcast %parallel_loop3A_465 : f32 to vector<16xf32>
      %parallel_loop3A_467 = arith.mulf %parallel_loop3A_464, %parallel_loop3A_466 : vector<16xf32>
      tpu.vector_store_idx %arg6[%parallel_loop3A_423], %parallel_loop3A_467 : memref<18880xf32, #tpu.memory_space<vmem>>[vector<16xi32>], vector<16xf32>,
    } {sc.loop_unroll_factor = 4 : i64, sc.parallel_access}
    %parallel_loop3A_305 = arith.constant 0 : i32
    %parallel_loop3A_306 = arith.constant 10 : i32
    %parallel_loop3A_307 = arith.constant 1 : i32
    scf.for %parallel_loop3A_357 = %parallel_loop3A_305 to %parallel_loop3A_306 step %parallel_loop3A_307  : i32 {
      %parallel_loop3A_358 = arith.constant 16 : i32
      %parallel_loop3A_359 = arith.muli %parallel_loop3A_357, %parallel_loop3A_358 : i32
      %parallel_loop3A_360 = arith.constant 16192 : i32
      %parallel_loop3A_361 = arith.addi %parallel_loop3A_360, %parallel_loop3A_359 : i32
      %parallel_loop3A_362 = arith.index_cast %parallel_loop3A_361 : i32 to index
      %parallel_loop3A_363 = tpu.vector_load %arg5[%parallel_loop3A_362] {strides = array<i32>} : memref<18880xf32, #tpu.memory_space<vmem>>, vector<16xf32>,
      %parallel_loop3A_364 = arith.constant 16352 : i32
      %parallel_loop3A_365 = arith.addi %parallel_loop3A_364, %parallel_loop3A_359 : i32
      %parallel_loop3A_366 = arith.index_cast %parallel_loop3A_365 : i32 to index
      %parallel_loop3A_367 = tpu.vector_load %arg5[%parallel_loop3A_366] {strides = array<i32>} : memref<18880xf32, #tpu.memory_space<vmem>>, vector<16xf32>,
      %parallel_loop3A_368 = arith.constant 2 : i32
      %parallel_loop3A_369 = arith.muli %parallel_loop3A_368, %parallel_loop3A_359 : i32
      %parallel_loop3A_370 = arith.constant 16192 : i32
      %parallel_loop3A_371 = arith.addi %parallel_loop3A_370, %parallel_loop3A_369 : i32
      %parallel_loop3A_372 = arith.constant 2 : i32
      %parallel_loop3A_373 = vector.broadcast %parallel_loop3A_372 : i32 to vector<16xi32>
      %parallel_loop3A_374 = arith.muli %parallel_loop3A_373, %iota3A : vector<16xi32>
      %parallel_loop3A_375 = vector.broadcast %parallel_loop3A_371 : i32 to vector<16xi32>
      %parallel_loop3A_376 = arith.addi %parallel_loop3A_375, %parallel_loop3A_374 : vector<16xi32>
      %parallel_loop3A_377 = arith.constant 9.99999968E-21 : f32
      %parallel_loop3A_378 = vector.broadcast %parallel_loop3A_377 : f32 to vector<16xf32>
      %parallel_loop3A_379 = arith.addf %parallel_loop3A_363, %parallel_loop3A_378 : vector<16xf32>
      %parallel_loop3A_380 = vector.bitcast %parallel_loop3A_379 : vector<16xf32> to vector<16xi32>
      %parallel_loop3A_381 = arith.constant 23 : i32
      %parallel_loop3A_382 = vector.broadcast %parallel_loop3A_381 : i32 to vector<16xi32>
      %parallel_loop3A_383 = arith.shrsi %parallel_loop3A_380, %parallel_loop3A_382 : vector<16xi32>
      %parallel_loop3A_384 = arith.constant 127 : i32
      %parallel_loop3A_385 = vector.broadcast %parallel_loop3A_384 : i32 to vector<16xi32>
      %parallel_loop3A_386 = arith.subi %parallel_loop3A_383, %parallel_loop3A_385 : vector<16xi32>
      %parallel_loop3A_387 = arith.constant 8388607 : i32
      %parallel_loop3A_388 = vector.broadcast %parallel_loop3A_387 : i32 to vector<16xi32>
      %parallel_loop3A_389 = arith.andi %parallel_loop3A_380, %parallel_loop3A_388 : vector<16xi32>
      %parallel_loop3A_390 = arith.constant 1065353216 : i32
      %parallel_loop3A_391 = vector.broadcast %parallel_loop3A_390 : i32 to vector<16xi32>
      %parallel_loop3A_392 = arith.ori %parallel_loop3A_389, %parallel_loop3A_391 : vector<16xi32>
      %parallel_loop3A_393 = vector.bitcast %parallel_loop3A_392 : vector<16xi32> to vector<16xf32>
      %parallel_loop3A_394 = arith.constant 0.043428909 : f32
      %parallel_loop3A_395 = vector.broadcast %parallel_loop3A_394 : f32 to vector<16xf32>
      %parallel_loop3A_396 = arith.mulf %parallel_loop3A_393, %parallel_loop3A_395 : vector<16xf32>
      %parallel_loop3A_397 = arith.constant -0.404867172 : f32
      %parallel_loop3A_398 = vector.broadcast %parallel_loop3A_397 : f32 to vector<16xf32>
      %parallel_loop3A_399 = arith.addf %parallel_loop3A_396, %parallel_loop3A_398 : vector<16xf32>
      %parallel_loop3A_400 = arith.mulf %parallel_loop3A_399, %parallel_loop3A_393 : vector<16xf32>
      %parallel_loop3A_401 = arith.constant 1.5939014 : f32
      %parallel_loop3A_402 = vector.broadcast %parallel_loop3A_401 : f32 to vector<16xf32>
      %parallel_loop3A_403 = arith.addf %parallel_loop3A_400, %parallel_loop3A_402 : vector<16xf32>
      %parallel_loop3A_404 = arith.mulf %parallel_loop3A_403, %parallel_loop3A_393 : vector<16xf32>
      %parallel_loop3A_405 = arith.constant -3.49249434 : f32
      %parallel_loop3A_406 = vector.broadcast %parallel_loop3A_405 : f32 to vector<16xf32>
      %parallel_loop3A_407 = arith.addf %parallel_loop3A_404, %parallel_loop3A_406 : vector<16xf32>
      %parallel_loop3A_408 = arith.mulf %parallel_loop3A_407, %parallel_loop3A_393 : vector<16xf32>
      %parallel_loop3A_409 = arith.constant 5.04687595 : f32
      %parallel_loop3A_410 = vector.broadcast %parallel_loop3A_409 : f32 to vector<16xf32>
      %parallel_loop3A_411 = arith.addf %parallel_loop3A_408, %parallel_loop3A_410 : vector<16xf32>
      %parallel_loop3A_412 = arith.mulf %parallel_loop3A_411, %parallel_loop3A_393 : vector<16xf32>
      %parallel_loop3A_413 = arith.constant -2.78681302 : f32
      %parallel_loop3A_414 = vector.broadcast %parallel_loop3A_413 : f32 to vector<16xf32>
      %parallel_loop3A_415 = arith.addf %parallel_loop3A_412, %parallel_loop3A_414 : vector<16xf32>
      %parallel_loop3A_416 = arith.sitofp %parallel_loop3A_386 : vector<16xi32> to vector<16xf32>
      %parallel_loop3A_417 = arith.addf %parallel_loop3A_415, %parallel_loop3A_416 : vector<16xf32>
      %parallel_loop3A_418 = arith.constant 0.693147182 : f32
      %parallel_loop3A_419 = vector.broadcast %parallel_loop3A_418 : f32 to vector<16xf32>
      %parallel_loop3A_420 = arith.mulf %parallel_loop3A_417, %parallel_loop3A_419 : vector<16xf32>
      tpu.vector_store_idx %arg6[%parallel_loop3A_376], %parallel_loop3A_420 : memref<18880xf32, #tpu.memory_space<vmem>>[vector<16xi32>], vector<16xf32>,
      %parallel_loop3A_421 = arith.constant 1 : i32
      %parallel_loop3A_422 = vector.broadcast %parallel_loop3A_421 : i32 to vector<16xi32>
      %parallel_loop3A_423 = arith.addi %parallel_loop3A_376, %parallel_loop3A_422 : vector<16xi32>
      %parallel_loop3A_424 = arith.constant 9.99999968E-21 : f32
      %parallel_loop3A_425 = vector.broadcast %parallel_loop3A_424 : f32 to vector<16xf32>
      %parallel_loop3A_426 = arith.addf %parallel_loop3A_367, %parallel_loop3A_425 : vector<16xf32>
      %parallel_loop3A_427 = vector.bitcast %parallel_loop3A_426 : vector<16xf32> to vector<16xi32>
      %parallel_loop3A_428 = arith.constant 23 : i32
      %parallel_loop3A_429 = vector.broadcast %parallel_loop3A_428 : i32 to vector<16xi32>
      %parallel_loop3A_430 = arith.shrsi %parallel_loop3A_427, %parallel_loop3A_429 : vector<16xi32>
      %parallel_loop3A_431 = arith.constant 127 : i32
      %parallel_loop3A_432 = vector.broadcast %parallel_loop3A_431 : i32 to vector<16xi32>
      %parallel_loop3A_433 = arith.subi %parallel_loop3A_430, %parallel_loop3A_432 : vector<16xi32>
      %parallel_loop3A_434 = arith.constant 8388607 : i32
      %parallel_loop3A_435 = vector.broadcast %parallel_loop3A_434 : i32 to vector<16xi32>
      %parallel_loop3A_436 = arith.andi %parallel_loop3A_427, %parallel_loop3A_435 : vector<16xi32>
      %parallel_loop3A_437 = arith.constant 1065353216 : i32
      %parallel_loop3A_438 = vector.broadcast %parallel_loop3A_437 : i32 to vector<16xi32>
      %parallel_loop3A_439 = arith.ori %parallel_loop3A_436, %parallel_loop3A_438 : vector<16xi32>
      %parallel_loop3A_440 = vector.bitcast %parallel_loop3A_439 : vector<16xi32> to vector<16xf32>
      %parallel_loop3A_441 = arith.constant 0.043428909 : f32
      %parallel_loop3A_442 = vector.broadcast %parallel_loop3A_441 : f32 to vector<16xf32>
      %parallel_loop3A_443 = arith.mulf %parallel_loop3A_440, %parallel_loop3A_442 : vector<16xf32>
      %parallel_loop3A_444 = arith.constant -0.404867172 : f32
      %parallel_loop3A_445 = vector.broadcast %parallel_loop3A_444 : f32 to vector<16xf32>
      %parallel_loop3A_446 = arith.addf %parallel_loop3A_443, %parallel_loop3A_445 : vector<16xf32>
      %parallel_loop3A_447 = arith.mulf %parallel_loop3A_446, %parallel_loop3A_440 : vector<16xf32>
      %parallel_loop3A_448 = arith.constant 1.5939014 : f32
      %parallel_loop3A_449 = vector.broadcast %parallel_loop3A_448 : f32 to vector<16xf32>
      %parallel_loop3A_450 = arith.addf %parallel_loop3A_447, %parallel_loop3A_449 : vector<16xf32>
      %parallel_loop3A_451 = arith.mulf %parallel_loop3A_450, %parallel_loop3A_440 : vector<16xf32>
      %parallel_loop3A_452 = arith.constant -3.49249434 : f32
      %parallel_loop3A_453 = vector.broadcast %parallel_loop3A_452 : f32 to vector<16xf32>
      %parallel_loop3A_454 = arith.addf %parallel_loop3A_451, %parallel_loop3A_453 : vector<16xf32>
      %parallel_loop3A_455 = arith.mulf %parallel_loop3A_454, %parallel_loop3A_440 : vector<16xf32>
      %parallel_loop3A_456 = arith.constant 5.04687595 : f32
      %parallel_loop3A_457 = vector.broadcast %parallel_loop3A_456 : f32 to vector<16xf32>
      %parallel_loop3A_458 = arith.addf %parallel_loop3A_455, %parallel_loop3A_457 : vector<16xf32>
      %parallel_loop3A_459 = arith.mulf %parallel_loop3A_458, %parallel_loop3A_440 : vector<16xf32>
      %parallel_loop3A_460 = arith.constant -2.78681302 : f32
      %parallel_loop3A_461 = vector.broadcast %parallel_loop3A_460 : f32 to vector<16xf32>
      %parallel_loop3A_462 = arith.addf %parallel_loop3A_459, %parallel_loop3A_461 : vector<16xf32>
      %parallel_loop3A_463 = arith.sitofp %parallel_loop3A_433 : vector<16xi32> to vector<16xf32>
      %parallel_loop3A_464 = arith.addf %parallel_loop3A_462, %parallel_loop3A_463 : vector<16xf32>
      %parallel_loop3A_465 = arith.constant 0.693147182 : f32
      %parallel_loop3A_466 = vector.broadcast %parallel_loop3A_465 : f32 to vector<16xf32>
      %parallel_loop3A_467 = arith.mulf %parallel_loop3A_464, %parallel_loop3A_466 : vector<16xf32>
      tpu.vector_store_idx %arg6[%parallel_loop3A_423], %parallel_loop3A_467 : memref<18880xf32, #tpu.memory_space<vmem>>[vector<16xi32>], vector<16xf32>,
    } {sc.loop_unroll_factor = 4 : i64, sc.parallel_access}
    %parallel_loop3A_308 = arith.constant 0 : i32
    %parallel_loop3A_309 = arith.constant 6 : i32
    %parallel_loop3A_310 = arith.constant 1 : i32
    scf.for %parallel_loop3A_357 = %parallel_loop3A_308 to %parallel_loop3A_309 step %parallel_loop3A_310  : i32 {
      %parallel_loop3A_358 = arith.constant 16 : i32
      %parallel_loop3A_359 = arith.muli %parallel_loop3A_357, %parallel_loop3A_358 : i32
      %parallel_loop3A_360 = arith.constant 16512 : i32
      %parallel_loop3A_361 = arith.addi %parallel_loop3A_360, %parallel_loop3A_359 : i32
      %parallel_loop3A_362 = arith.index_cast %parallel_loop3A_361 : i32 to index
      %parallel_loop3A_363 = tpu.vector_load %arg5[%parallel_loop3A_362] {strides = array<i32>} : memref<18880xf32, #tpu.memory_space<vmem>>, vector<16xf32>,
      %parallel_loop3A_364 = arith.constant 16608 : i32
      %parallel_loop3A_365 = arith.addi %parallel_loop3A_364, %parallel_loop3A_359 : i32
      %parallel_loop3A_366 = arith.index_cast %parallel_loop3A_365 : i32 to index
      %parallel_loop3A_367 = tpu.vector_load %arg5[%parallel_loop3A_366] {strides = array<i32>} : memref<18880xf32, #tpu.memory_space<vmem>>, vector<16xf32>,
      %parallel_loop3A_368 = arith.constant 2 : i32
      %parallel_loop3A_369 = arith.muli %parallel_loop3A_368, %parallel_loop3A_359 : i32
      %parallel_loop3A_370 = arith.constant 16512 : i32
      %parallel_loop3A_371 = arith.addi %parallel_loop3A_370, %parallel_loop3A_369 : i32
      %parallel_loop3A_372 = arith.constant 2 : i32
      %parallel_loop3A_373 = vector.broadcast %parallel_loop3A_372 : i32 to vector<16xi32>
      %parallel_loop3A_374 = arith.muli %parallel_loop3A_373, %iota3A : vector<16xi32>
      %parallel_loop3A_375 = vector.broadcast %parallel_loop3A_371 : i32 to vector<16xi32>
      %parallel_loop3A_376 = arith.addi %parallel_loop3A_375, %parallel_loop3A_374 : vector<16xi32>
      %parallel_loop3A_377 = arith.constant 9.99999968E-21 : f32
      %parallel_loop3A_378 = vector.broadcast %parallel_loop3A_377 : f32 to vector<16xf32>
      %parallel_loop3A_379 = arith.addf %parallel_loop3A_363, %parallel_loop3A_378 : vector<16xf32>
      %parallel_loop3A_380 = vector.bitcast %parallel_loop3A_379 : vector<16xf32> to vector<16xi32>
      %parallel_loop3A_381 = arith.constant 23 : i32
      %parallel_loop3A_382 = vector.broadcast %parallel_loop3A_381 : i32 to vector<16xi32>
      %parallel_loop3A_383 = arith.shrsi %parallel_loop3A_380, %parallel_loop3A_382 : vector<16xi32>
      %parallel_loop3A_384 = arith.constant 127 : i32
      %parallel_loop3A_385 = vector.broadcast %parallel_loop3A_384 : i32 to vector<16xi32>
      %parallel_loop3A_386 = arith.subi %parallel_loop3A_383, %parallel_loop3A_385 : vector<16xi32>
      %parallel_loop3A_387 = arith.constant 8388607 : i32
      %parallel_loop3A_388 = vector.broadcast %parallel_loop3A_387 : i32 to vector<16xi32>
      %parallel_loop3A_389 = arith.andi %parallel_loop3A_380, %parallel_loop3A_388 : vector<16xi32>
      %parallel_loop3A_390 = arith.constant 1065353216 : i32
      %parallel_loop3A_391 = vector.broadcast %parallel_loop3A_390 : i32 to vector<16xi32>
      %parallel_loop3A_392 = arith.ori %parallel_loop3A_389, %parallel_loop3A_391 : vector<16xi32>
      %parallel_loop3A_393 = vector.bitcast %parallel_loop3A_392 : vector<16xi32> to vector<16xf32>
      %parallel_loop3A_394 = arith.constant 0.043428909 : f32
      %parallel_loop3A_395 = vector.broadcast %parallel_loop3A_394 : f32 to vector<16xf32>
      %parallel_loop3A_396 = arith.mulf %parallel_loop3A_393, %parallel_loop3A_395 : vector<16xf32>
      %parallel_loop3A_397 = arith.constant -0.404867172 : f32
      %parallel_loop3A_398 = vector.broadcast %parallel_loop3A_397 : f32 to vector<16xf32>
      %parallel_loop3A_399 = arith.addf %parallel_loop3A_396, %parallel_loop3A_398 : vector<16xf32>
      %parallel_loop3A_400 = arith.mulf %parallel_loop3A_399, %parallel_loop3A_393 : vector<16xf32>
      %parallel_loop3A_401 = arith.constant 1.5939014 : f32
      %parallel_loop3A_402 = vector.broadcast %parallel_loop3A_401 : f32 to vector<16xf32>
      %parallel_loop3A_403 = arith.addf %parallel_loop3A_400, %parallel_loop3A_402 : vector<16xf32>
      %parallel_loop3A_404 = arith.mulf %parallel_loop3A_403, %parallel_loop3A_393 : vector<16xf32>
      %parallel_loop3A_405 = arith.constant -3.49249434 : f32
      %parallel_loop3A_406 = vector.broadcast %parallel_loop3A_405 : f32 to vector<16xf32>
      %parallel_loop3A_407 = arith.addf %parallel_loop3A_404, %parallel_loop3A_406 : vector<16xf32>
      %parallel_loop3A_408 = arith.mulf %parallel_loop3A_407, %parallel_loop3A_393 : vector<16xf32>
      %parallel_loop3A_409 = arith.constant 5.04687595 : f32
      %parallel_loop3A_410 = vector.broadcast %parallel_loop3A_409 : f32 to vector<16xf32>
      %parallel_loop3A_411 = arith.addf %parallel_loop3A_408, %parallel_loop3A_410 : vector<16xf32>
      %parallel_loop3A_412 = arith.mulf %parallel_loop3A_411, %parallel_loop3A_393 : vector<16xf32>
      %parallel_loop3A_413 = arith.constant -2.78681302 : f32
      %parallel_loop3A_414 = vector.broadcast %parallel_loop3A_413 : f32 to vector<16xf32>
      %parallel_loop3A_415 = arith.addf %parallel_loop3A_412, %parallel_loop3A_414 : vector<16xf32>
      %parallel_loop3A_416 = arith.sitofp %parallel_loop3A_386 : vector<16xi32> to vector<16xf32>
      %parallel_loop3A_417 = arith.addf %parallel_loop3A_415, %parallel_loop3A_416 : vector<16xf32>
      %parallel_loop3A_418 = arith.constant 0.693147182 : f32
      %parallel_loop3A_419 = vector.broadcast %parallel_loop3A_418 : f32 to vector<16xf32>
      %parallel_loop3A_420 = arith.mulf %parallel_loop3A_417, %parallel_loop3A_419 : vector<16xf32>
      tpu.vector_store_idx %arg6[%parallel_loop3A_376], %parallel_loop3A_420 : memref<18880xf32, #tpu.memory_space<vmem>>[vector<16xi32>], vector<16xf32>,
      %parallel_loop3A_421 = arith.constant 1 : i32
      %parallel_loop3A_422 = vector.broadcast %parallel_loop3A_421 : i32 to vector<16xi32>
      %parallel_loop3A_423 = arith.addi %parallel_loop3A_376, %parallel_loop3A_422 : vector<16xi32>
      %parallel_loop3A_424 = arith.constant 9.99999968E-21 : f32
      %parallel_loop3A_425 = vector.broadcast %parallel_loop3A_424 : f32 to vector<16xf32>
      %parallel_loop3A_426 = arith.addf %parallel_loop3A_367, %parallel_loop3A_425 : vector<16xf32>
      %parallel_loop3A_427 = vector.bitcast %parallel_loop3A_426 : vector<16xf32> to vector<16xi32>
      %parallel_loop3A_428 = arith.constant 23 : i32
      %parallel_loop3A_429 = vector.broadcast %parallel_loop3A_428 : i32 to vector<16xi32>
      %parallel_loop3A_430 = arith.shrsi %parallel_loop3A_427, %parallel_loop3A_429 : vector<16xi32>
      %parallel_loop3A_431 = arith.constant 127 : i32
      %parallel_loop3A_432 = vector.broadcast %parallel_loop3A_431 : i32 to vector<16xi32>
      %parallel_loop3A_433 = arith.subi %parallel_loop3A_430, %parallel_loop3A_432 : vector<16xi32>
      %parallel_loop3A_434 = arith.constant 8388607 : i32
      %parallel_loop3A_435 = vector.broadcast %parallel_loop3A_434 : i32 to vector<16xi32>
      %parallel_loop3A_436 = arith.andi %parallel_loop3A_427, %parallel_loop3A_435 : vector<16xi32>
      %parallel_loop3A_437 = arith.constant 1065353216 : i32
      %parallel_loop3A_438 = vector.broadcast %parallel_loop3A_437 : i32 to vector<16xi32>
      %parallel_loop3A_439 = arith.ori %parallel_loop3A_436, %parallel_loop3A_438 : vector<16xi32>
      %parallel_loop3A_440 = vector.bitcast %parallel_loop3A_439 : vector<16xi32> to vector<16xf32>
      %parallel_loop3A_441 = arith.constant 0.043428909 : f32
      %parallel_loop3A_442 = vector.broadcast %parallel_loop3A_441 : f32 to vector<16xf32>
      %parallel_loop3A_443 = arith.mulf %parallel_loop3A_440, %parallel_loop3A_442 : vector<16xf32>
      %parallel_loop3A_444 = arith.constant -0.404867172 : f32
      %parallel_loop3A_445 = vector.broadcast %parallel_loop3A_444 : f32 to vector<16xf32>
      %parallel_loop3A_446 = arith.addf %parallel_loop3A_443, %parallel_loop3A_445 : vector<16xf32>
      %parallel_loop3A_447 = arith.mulf %parallel_loop3A_446, %parallel_loop3A_440 : vector<16xf32>
      %parallel_loop3A_448 = arith.constant 1.5939014 : f32
      %parallel_loop3A_449 = vector.broadcast %parallel_loop3A_448 : f32 to vector<16xf32>
      %parallel_loop3A_450 = arith.addf %parallel_loop3A_447, %parallel_loop3A_449 : vector<16xf32>
      %parallel_loop3A_451 = arith.mulf %parallel_loop3A_450, %parallel_loop3A_440 : vector<16xf32>
      %parallel_loop3A_452 = arith.constant -3.49249434 : f32
      %parallel_loop3A_453 = vector.broadcast %parallel_loop3A_452 : f32 to vector<16xf32>
      %parallel_loop3A_454 = arith.addf %parallel_loop3A_451, %parallel_loop3A_453 : vector<16xf32>
      %parallel_loop3A_455 = arith.mulf %parallel_loop3A_454, %parallel_loop3A_440 : vector<16xf32>
      %parallel_loop3A_456 = arith.constant 5.04687595 : f32
      %parallel_loop3A_457 = vector.broadcast %parallel_loop3A_456 : f32 to vector<16xf32>
      %parallel_loop3A_458 = arith.addf %parallel_loop3A_455, %parallel_loop3A_457 : vector<16xf32>
      %parallel_loop3A_459 = arith.mulf %parallel_loop3A_458, %parallel_loop3A_440 : vector<16xf32>
      %parallel_loop3A_460 = arith.constant -2.78681302 : f32
      %parallel_loop3A_461 = vector.broadcast %parallel_loop3A_460 : f32 to vector<16xf32>
      %parallel_loop3A_462 = arith.addf %parallel_loop3A_459, %parallel_loop3A_461 : vector<16xf32>
      %parallel_loop3A_463 = arith.sitofp %parallel_loop3A_433 : vector<16xi32> to vector<16xf32>
      %parallel_loop3A_464 = arith.addf %parallel_loop3A_462, %parallel_loop3A_463 : vector<16xf32>
      %parallel_loop3A_465 = arith.constant 0.693147182 : f32
      %parallel_loop3A_466 = vector.broadcast %parallel_loop3A_465 : f32 to vector<16xf32>
      %parallel_loop3A_467 = arith.mulf %parallel_loop3A_464, %parallel_loop3A_466 : vector<16xf32>
      tpu.vector_store_idx %arg6[%parallel_loop3A_423], %parallel_loop3A_467 : memref<18880xf32, #tpu.memory_space<vmem>>[vector<16xi32>], vector<16xf32>,
    } {sc.loop_unroll_factor = 4 : i64, sc.parallel_access}
    %parallel_loop3A_311 = arith.constant 0 : i32
    %parallel_loop3A_312 = arith.constant 4 : i32
    %parallel_loop3A_313 = arith.constant 1 : i32
    scf.for %parallel_loop3A_357 = %parallel_loop3A_311 to %parallel_loop3A_312 step %parallel_loop3A_313  : i32 {
      %parallel_loop3A_358 = arith.constant 16 : i32
      %parallel_loop3A_359 = arith.muli %parallel_loop3A_357, %parallel_loop3A_358 : i32
      %parallel_loop3A_360 = arith.constant 16704 : i32
      %parallel_loop3A_361 = arith.addi %parallel_loop3A_360, %parallel_loop3A_359 : i32
      %parallel_loop3A_362 = arith.index_cast %parallel_loop3A_361 : i32 to index
      %parallel_loop3A_363 = tpu.vector_load %arg5[%parallel_loop3A_362] {strides = array<i32>} : memref<18880xf32, #tpu.memory_space<vmem>>, vector<16xf32>,
      %parallel_loop3A_364 = arith.constant 16768 : i32
      %parallel_loop3A_365 = arith.addi %parallel_loop3A_364, %parallel_loop3A_359 : i32
      %parallel_loop3A_366 = arith.index_cast %parallel_loop3A_365 : i32 to index
      %parallel_loop3A_367 = tpu.vector_load %arg5[%parallel_loop3A_366] {strides = array<i32>} : memref<18880xf32, #tpu.memory_space<vmem>>, vector<16xf32>,
      %parallel_loop3A_368 = arith.constant 2 : i32
      %parallel_loop3A_369 = arith.muli %parallel_loop3A_368, %parallel_loop3A_359 : i32
      %parallel_loop3A_370 = arith.constant 16704 : i32
      %parallel_loop3A_371 = arith.addi %parallel_loop3A_370, %parallel_loop3A_369 : i32
      %parallel_loop3A_372 = arith.constant 2 : i32
      %parallel_loop3A_373 = vector.broadcast %parallel_loop3A_372 : i32 to vector<16xi32>
      %parallel_loop3A_374 = arith.muli %parallel_loop3A_373, %iota3A : vector<16xi32>
      %parallel_loop3A_375 = vector.broadcast %parallel_loop3A_371 : i32 to vector<16xi32>
      %parallel_loop3A_376 = arith.addi %parallel_loop3A_375, %parallel_loop3A_374 : vector<16xi32>
      %parallel_loop3A_377 = arith.constant 9.99999968E-21 : f32
      %parallel_loop3A_378 = vector.broadcast %parallel_loop3A_377 : f32 to vector<16xf32>
      %parallel_loop3A_379 = arith.addf %parallel_loop3A_363, %parallel_loop3A_378 : vector<16xf32>
      %parallel_loop3A_380 = vector.bitcast %parallel_loop3A_379 : vector<16xf32> to vector<16xi32>
      %parallel_loop3A_381 = arith.constant 23 : i32
      %parallel_loop3A_382 = vector.broadcast %parallel_loop3A_381 : i32 to vector<16xi32>
      %parallel_loop3A_383 = arith.shrsi %parallel_loop3A_380, %parallel_loop3A_382 : vector<16xi32>
      %parallel_loop3A_384 = arith.constant 127 : i32
      %parallel_loop3A_385 = vector.broadcast %parallel_loop3A_384 : i32 to vector<16xi32>
      %parallel_loop3A_386 = arith.subi %parallel_loop3A_383, %parallel_loop3A_385 : vector<16xi32>
      %parallel_loop3A_387 = arith.constant 8388607 : i32
      %parallel_loop3A_388 = vector.broadcast %parallel_loop3A_387 : i32 to vector<16xi32>
      %parallel_loop3A_389 = arith.andi %parallel_loop3A_380, %parallel_loop3A_388 : vector<16xi32>
      %parallel_loop3A_390 = arith.constant 1065353216 : i32
      %parallel_loop3A_391 = vector.broadcast %parallel_loop3A_390 : i32 to vector<16xi32>
      %parallel_loop3A_392 = arith.ori %parallel_loop3A_389, %parallel_loop3A_391 : vector<16xi32>
      %parallel_loop3A_393 = vector.bitcast %parallel_loop3A_392 : vector<16xi32> to vector<16xf32>
      %parallel_loop3A_394 = arith.constant 0.043428909 : f32
      %parallel_loop3A_395 = vector.broadcast %parallel_loop3A_394 : f32 to vector<16xf32>
      %parallel_loop3A_396 = arith.mulf %parallel_loop3A_393, %parallel_loop3A_395 : vector<16xf32>
      %parallel_loop3A_397 = arith.constant -0.404867172 : f32
      %parallel_loop3A_398 = vector.broadcast %parallel_loop3A_397 : f32 to vector<16xf32>
      %parallel_loop3A_399 = arith.addf %parallel_loop3A_396, %parallel_loop3A_398 : vector<16xf32>
      %parallel_loop3A_400 = arith.mulf %parallel_loop3A_399, %parallel_loop3A_393 : vector<16xf32>
      %parallel_loop3A_401 = arith.constant 1.5939014 : f32
      %parallel_loop3A_402 = vector.broadcast %parallel_loop3A_401 : f32 to vector<16xf32>
      %parallel_loop3A_403 = arith.addf %parallel_loop3A_400, %parallel_loop3A_402 : vector<16xf32>
      %parallel_loop3A_404 = arith.mulf %parallel_loop3A_403, %parallel_loop3A_393 : vector<16xf32>
      %parallel_loop3A_405 = arith.constant -3.49249434 : f32
      %parallel_loop3A_406 = vector.broadcast %parallel_loop3A_405 : f32 to vector<16xf32>
      %parallel_loop3A_407 = arith.addf %parallel_loop3A_404, %parallel_loop3A_406 : vector<16xf32>
      %parallel_loop3A_408 = arith.mulf %parallel_loop3A_407, %parallel_loop3A_393 : vector<16xf32>
      %parallel_loop3A_409 = arith.constant 5.04687595 : f32
      %parallel_loop3A_410 = vector.broadcast %parallel_loop3A_409 : f32 to vector<16xf32>
      %parallel_loop3A_411 = arith.addf %parallel_loop3A_408, %parallel_loop3A_410 : vector<16xf32>
      %parallel_loop3A_412 = arith.mulf %parallel_loop3A_411, %parallel_loop3A_393 : vector<16xf32>
      %parallel_loop3A_413 = arith.constant -2.78681302 : f32
      %parallel_loop3A_414 = vector.broadcast %parallel_loop3A_413 : f32 to vector<16xf32>
      %parallel_loop3A_415 = arith.addf %parallel_loop3A_412, %parallel_loop3A_414 : vector<16xf32>
      %parallel_loop3A_416 = arith.sitofp %parallel_loop3A_386 : vector<16xi32> to vector<16xf32>
      %parallel_loop3A_417 = arith.addf %parallel_loop3A_415, %parallel_loop3A_416 : vector<16xf32>
      %parallel_loop3A_418 = arith.constant 0.693147182 : f32
      %parallel_loop3A_419 = vector.broadcast %parallel_loop3A_418 : f32 to vector<16xf32>
      %parallel_loop3A_420 = arith.mulf %parallel_loop3A_417, %parallel_loop3A_419 : vector<16xf32>
      tpu.vector_store_idx %arg6[%parallel_loop3A_376], %parallel_loop3A_420 : memref<18880xf32, #tpu.memory_space<vmem>>[vector<16xi32>], vector<16xf32>,
      %parallel_loop3A_421 = arith.constant 1 : i32
      %parallel_loop3A_422 = vector.broadcast %parallel_loop3A_421 : i32 to vector<16xi32>
      %parallel_loop3A_423 = arith.addi %parallel_loop3A_376, %parallel_loop3A_422 : vector<16xi32>
      %parallel_loop3A_424 = arith.constant 9.99999968E-21 : f32
      %parallel_loop3A_425 = vector.broadcast %parallel_loop3A_424 : f32 to vector<16xf32>
      %parallel_loop3A_426 = arith.addf %parallel_loop3A_367, %parallel_loop3A_425 : vector<16xf32>
      %parallel_loop3A_427 = vector.bitcast %parallel_loop3A_426 : vector<16xf32> to vector<16xi32>
      %parallel_loop3A_428 = arith.constant 23 : i32
      %parallel_loop3A_429 = vector.broadcast %parallel_loop3A_428 : i32 to vector<16xi32>
      %parallel_loop3A_430 = arith.shrsi %parallel_loop3A_427, %parallel_loop3A_429 : vector<16xi32>
      %parallel_loop3A_431 = arith.constant 127 : i32
      %parallel_loop3A_432 = vector.broadcast %parallel_loop3A_431 : i32 to vector<16xi32>
      %parallel_loop3A_433 = arith.subi %parallel_loop3A_430, %parallel_loop3A_432 : vector<16xi32>
      %parallel_loop3A_434 = arith.constant 8388607 : i32
      %parallel_loop3A_435 = vector.broadcast %parallel_loop3A_434 : i32 to vector<16xi32>
      %parallel_loop3A_436 = arith.andi %parallel_loop3A_427, %parallel_loop3A_435 : vector<16xi32>
      %parallel_loop3A_437 = arith.constant 1065353216 : i32
      %parallel_loop3A_438 = vector.broadcast %parallel_loop3A_437 : i32 to vector<16xi32>
      %parallel_loop3A_439 = arith.ori %parallel_loop3A_436, %parallel_loop3A_438 : vector<16xi32>
      %parallel_loop3A_440 = vector.bitcast %parallel_loop3A_439 : vector<16xi32> to vector<16xf32>
      %parallel_loop3A_441 = arith.constant 0.043428909 : f32
      %parallel_loop3A_442 = vector.broadcast %parallel_loop3A_441 : f32 to vector<16xf32>
      %parallel_loop3A_443 = arith.mulf %parallel_loop3A_440, %parallel_loop3A_442 : vector<16xf32>
      %parallel_loop3A_444 = arith.constant -0.404867172 : f32
      %parallel_loop3A_445 = vector.broadcast %parallel_loop3A_444 : f32 to vector<16xf32>
      %parallel_loop3A_446 = arith.addf %parallel_loop3A_443, %parallel_loop3A_445 : vector<16xf32>
      %parallel_loop3A_447 = arith.mulf %parallel_loop3A_446, %parallel_loop3A_440 : vector<16xf32>
      %parallel_loop3A_448 = arith.constant 1.5939014 : f32
      %parallel_loop3A_449 = vector.broadcast %parallel_loop3A_448 : f32 to vector<16xf32>
      %parallel_loop3A_450 = arith.addf %parallel_loop3A_447, %parallel_loop3A_449 : vector<16xf32>
      %parallel_loop3A_451 = arith.mulf %parallel_loop3A_450, %parallel_loop3A_440 : vector<16xf32>
      %parallel_loop3A_452 = arith.constant -3.49249434 : f32
      %parallel_loop3A_453 = vector.broadcast %parallel_loop3A_452 : f32 to vector<16xf32>
      %parallel_loop3A_454 = arith.addf %parallel_loop3A_451, %parallel_loop3A_453 : vector<16xf32>
      %parallel_loop3A_455 = arith.mulf %parallel_loop3A_454, %parallel_loop3A_440 : vector<16xf32>
      %parallel_loop3A_456 = arith.constant 5.04687595 : f32
      %parallel_loop3A_457 = vector.broadcast %parallel_loop3A_456 : f32 to vector<16xf32>
      %parallel_loop3A_458 = arith.addf %parallel_loop3A_455, %parallel_loop3A_457 : vector<16xf32>
      %parallel_loop3A_459 = arith.mulf %parallel_loop3A_458, %parallel_loop3A_440 : vector<16xf32>
      %parallel_loop3A_460 = arith.constant -2.78681302 : f32
      %parallel_loop3A_461 = vector.broadcast %parallel_loop3A_460 : f32 to vector<16xf32>
      %parallel_loop3A_462 = arith.addf %parallel_loop3A_459, %parallel_loop3A_461 : vector<16xf32>
      %parallel_loop3A_463 = arith.sitofp %parallel_loop3A_433 : vector<16xi32> to vector<16xf32>
      %parallel_loop3A_464 = arith.addf %parallel_loop3A_462, %parallel_loop3A_463 : vector<16xf32>
      %parallel_loop3A_465 = arith.constant 0.693147182 : f32
      %parallel_loop3A_466 = vector.broadcast %parallel_loop3A_465 : f32 to vector<16xf32>
      %parallel_loop3A_467 = arith.mulf %parallel_loop3A_464, %parallel_loop3A_466 : vector<16xf32>
      tpu.vector_store_idx %arg6[%parallel_loop3A_423], %parallel_loop3A_467 : memref<18880xf32, #tpu.memory_space<vmem>>[vector<16xi32>], vector<16xf32>,
    } {sc.loop_unroll_factor = 4 : i64, sc.parallel_access}
    %parallel_loop3A_314 = arith.constant 0 : i32
    %parallel_loop3A_315 = arith.constant 64 : i32
    %parallel_loop3A_316 = arith.constant 1 : i32
    scf.for %parallel_loop3A_357 = %parallel_loop3A_314 to %parallel_loop3A_315 step %parallel_loop3A_316  : i32 {
      %parallel_loop3A_358 = arith.constant 16 : i32
      %parallel_loop3A_359 = arith.muli %parallel_loop3A_357, %parallel_loop3A_358 : i32
      %parallel_loop3A_360 = arith.constant 16832 : i32
      %parallel_loop3A_361 = arith.addi %parallel_loop3A_360, %parallel_loop3A_359 : i32
      %parallel_loop3A_362 = arith.index_cast %parallel_loop3A_361 : i32 to index
      %parallel_loop3A_363 = tpu.vector_load %arg5[%parallel_loop3A_362] {strides = array<i32>} : memref<18880xf32, #tpu.memory_space<vmem>>, vector<16xf32>,
      %parallel_loop3A_364 = arith.constant 17856 : i32
      %parallel_loop3A_365 = arith.addi %parallel_loop3A_364, %parallel_loop3A_359 : i32
      %parallel_loop3A_366 = arith.index_cast %parallel_loop3A_365 : i32 to index
      %parallel_loop3A_367 = tpu.vector_load %arg5[%parallel_loop3A_366] {strides = array<i32>} : memref<18880xf32, #tpu.memory_space<vmem>>, vector<16xf32>,
      %parallel_loop3A_368 = arith.constant 2 : i32
      %parallel_loop3A_369 = arith.muli %parallel_loop3A_368, %parallel_loop3A_359 : i32
      %parallel_loop3A_370 = arith.constant 16832 : i32
      %parallel_loop3A_371 = arith.addi %parallel_loop3A_370, %parallel_loop3A_369 : i32
      %parallel_loop3A_372 = arith.constant 2 : i32
      %parallel_loop3A_373 = vector.broadcast %parallel_loop3A_372 : i32 to vector<16xi32>
      %parallel_loop3A_374 = arith.muli %parallel_loop3A_373, %iota3A : vector<16xi32>
      %parallel_loop3A_375 = vector.broadcast %parallel_loop3A_371 : i32 to vector<16xi32>
      %parallel_loop3A_376 = arith.addi %parallel_loop3A_375, %parallel_loop3A_374 : vector<16xi32>
      %parallel_loop3A_377 = arith.constant 9.99999968E-21 : f32
      %parallel_loop3A_378 = vector.broadcast %parallel_loop3A_377 : f32 to vector<16xf32>
      %parallel_loop3A_379 = arith.addf %parallel_loop3A_363, %parallel_loop3A_378 : vector<16xf32>
      %parallel_loop3A_380 = vector.bitcast %parallel_loop3A_379 : vector<16xf32> to vector<16xi32>
      %parallel_loop3A_381 = arith.constant 23 : i32
      %parallel_loop3A_382 = vector.broadcast %parallel_loop3A_381 : i32 to vector<16xi32>
      %parallel_loop3A_383 = arith.shrsi %parallel_loop3A_380, %parallel_loop3A_382 : vector<16xi32>
      %parallel_loop3A_384 = arith.constant 127 : i32
      %parallel_loop3A_385 = vector.broadcast %parallel_loop3A_384 : i32 to vector<16xi32>
      %parallel_loop3A_386 = arith.subi %parallel_loop3A_383, %parallel_loop3A_385 : vector<16xi32>
      %parallel_loop3A_387 = arith.constant 8388607 : i32
      %parallel_loop3A_388 = vector.broadcast %parallel_loop3A_387 : i32 to vector<16xi32>
      %parallel_loop3A_389 = arith.andi %parallel_loop3A_380, %parallel_loop3A_388 : vector<16xi32>
      %parallel_loop3A_390 = arith.constant 1065353216 : i32
      %parallel_loop3A_391 = vector.broadcast %parallel_loop3A_390 : i32 to vector<16xi32>
      %parallel_loop3A_392 = arith.ori %parallel_loop3A_389, %parallel_loop3A_391 : vector<16xi32>
      %parallel_loop3A_393 = vector.bitcast %parallel_loop3A_392 : vector<16xi32> to vector<16xf32>
      %parallel_loop3A_394 = arith.constant 0.043428909 : f32
      %parallel_loop3A_395 = vector.broadcast %parallel_loop3A_394 : f32 to vector<16xf32>
      %parallel_loop3A_396 = arith.mulf %parallel_loop3A_393, %parallel_loop3A_395 : vector<16xf32>
      %parallel_loop3A_397 = arith.constant -0.404867172 : f32
      %parallel_loop3A_398 = vector.broadcast %parallel_loop3A_397 : f32 to vector<16xf32>
      %parallel_loop3A_399 = arith.addf %parallel_loop3A_396, %parallel_loop3A_398 : vector<16xf32>
      %parallel_loop3A_400 = arith.mulf %parallel_loop3A_399, %parallel_loop3A_393 : vector<16xf32>
      %parallel_loop3A_401 = arith.constant 1.5939014 : f32
      %parallel_loop3A_402 = vector.broadcast %parallel_loop3A_401 : f32 to vector<16xf32>
      %parallel_loop3A_403 = arith.addf %parallel_loop3A_400, %parallel_loop3A_402 : vector<16xf32>
      %parallel_loop3A_404 = arith.mulf %parallel_loop3A_403, %parallel_loop3A_393 : vector<16xf32>
      %parallel_loop3A_405 = arith.constant -3.49249434 : f32
      %parallel_loop3A_406 = vector.broadcast %parallel_loop3A_405 : f32 to vector<16xf32>
      %parallel_loop3A_407 = arith.addf %parallel_loop3A_404, %parallel_loop3A_406 : vector<16xf32>
      %parallel_loop3A_408 = arith.mulf %parallel_loop3A_407, %parallel_loop3A_393 : vector<16xf32>
      %parallel_loop3A_409 = arith.constant 5.04687595 : f32
      %parallel_loop3A_410 = vector.broadcast %parallel_loop3A_409 : f32 to vector<16xf32>
      %parallel_loop3A_411 = arith.addf %parallel_loop3A_408, %parallel_loop3A_410 : vector<16xf32>
      %parallel_loop3A_412 = arith.mulf %parallel_loop3A_411, %parallel_loop3A_393 : vector<16xf32>
      %parallel_loop3A_413 = arith.constant -2.78681302 : f32
      %parallel_loop3A_414 = vector.broadcast %parallel_loop3A_413 : f32 to vector<16xf32>
      %parallel_loop3A_415 = arith.addf %parallel_loop3A_412, %parallel_loop3A_414 : vector<16xf32>
      %parallel_loop3A_416 = arith.sitofp %parallel_loop3A_386 : vector<16xi32> to vector<16xf32>
      %parallel_loop3A_417 = arith.addf %parallel_loop3A_415, %parallel_loop3A_416 : vector<16xf32>
      %parallel_loop3A_418 = arith.constant 0.693147182 : f32
      %parallel_loop3A_419 = vector.broadcast %parallel_loop3A_418 : f32 to vector<16xf32>
      %parallel_loop3A_420 = arith.mulf %parallel_loop3A_417, %parallel_loop3A_419 : vector<16xf32>
      tpu.vector_store_idx %arg6[%parallel_loop3A_376], %parallel_loop3A_420 : memref<18880xf32, #tpu.memory_space<vmem>>[vector<16xi32>], vector<16xf32>,
      %parallel_loop3A_421 = arith.constant 1 : i32
      %parallel_loop3A_422 = vector.broadcast %parallel_loop3A_421 : i32 to vector<16xi32>
      %parallel_loop3A_423 = arith.addi %parallel_loop3A_376, %parallel_loop3A_422 : vector<16xi32>
      %parallel_loop3A_424 = arith.constant 9.99999968E-21 : f32
      %parallel_loop3A_425 = vector.broadcast %parallel_loop3A_424 : f32 to vector<16xf32>
      %parallel_loop3A_426 = arith.addf %parallel_loop3A_367, %parallel_loop3A_425 : vector<16xf32>
      %parallel_loop3A_427 = vector.bitcast %parallel_loop3A_426 : vector<16xf32> to vector<16xi32>
      %parallel_loop3A_428 = arith.constant 23 : i32
      %parallel_loop3A_429 = vector.broadcast %parallel_loop3A_428 : i32 to vector<16xi32>
      %parallel_loop3A_430 = arith.shrsi %parallel_loop3A_427, %parallel_loop3A_429 : vector<16xi32>
      %parallel_loop3A_431 = arith.constant 127 : i32
      %parallel_loop3A_432 = vector.broadcast %parallel_loop3A_431 : i32 to vector<16xi32>
      %parallel_loop3A_433 = arith.subi %parallel_loop3A_430, %parallel_loop3A_432 : vector<16xi32>
      %parallel_loop3A_434 = arith.constant 8388607 : i32
      %parallel_loop3A_435 = vector.broadcast %parallel_loop3A_434 : i32 to vector<16xi32>
      %parallel_loop3A_436 = arith.andi %parallel_loop3A_427, %parallel_loop3A_435 : vector<16xi32>
      %parallel_loop3A_437 = arith.constant 1065353216 : i32
      %parallel_loop3A_438 = vector.broadcast %parallel_loop3A_437 : i32 to vector<16xi32>
      %parallel_loop3A_439 = arith.ori %parallel_loop3A_436, %parallel_loop3A_438 : vector<16xi32>
      %parallel_loop3A_440 = vector.bitcast %parallel_loop3A_439 : vector<16xi32> to vector<16xf32>
      %parallel_loop3A_441 = arith.constant 0.043428909 : f32
      %parallel_loop3A_442 = vector.broadcast %parallel_loop3A_441 : f32 to vector<16xf32>
      %parallel_loop3A_443 = arith.mulf %parallel_loop3A_440, %parallel_loop3A_442 : vector<16xf32>
      %parallel_loop3A_444 = arith.constant -0.404867172 : f32
      %parallel_loop3A_445 = vector.broadcast %parallel_loop3A_444 : f32 to vector<16xf32>
      %parallel_loop3A_446 = arith.addf %parallel_loop3A_443, %parallel_loop3A_445 : vector<16xf32>
      %parallel_loop3A_447 = arith.mulf %parallel_loop3A_446, %parallel_loop3A_440 : vector<16xf32>
      %parallel_loop3A_448 = arith.constant 1.5939014 : f32
      %parallel_loop3A_449 = vector.broadcast %parallel_loop3A_448 : f32 to vector<16xf32>
      %parallel_loop3A_450 = arith.addf %parallel_loop3A_447, %parallel_loop3A_449 : vector<16xf32>
      %parallel_loop3A_451 = arith.mulf %parallel_loop3A_450, %parallel_loop3A_440 : vector<16xf32>
      %parallel_loop3A_452 = arith.constant -3.49249434 : f32
      %parallel_loop3A_453 = vector.broadcast %parallel_loop3A_452 : f32 to vector<16xf32>
      %parallel_loop3A_454 = arith.addf %parallel_loop3A_451, %parallel_loop3A_453 : vector<16xf32>
      %parallel_loop3A_455 = arith.mulf %parallel_loop3A_454, %parallel_loop3A_440 : vector<16xf32>
      %parallel_loop3A_456 = arith.constant 5.04687595 : f32
      %parallel_loop3A_457 = vector.broadcast %parallel_loop3A_456 : f32 to vector<16xf32>
      %parallel_loop3A_458 = arith.addf %parallel_loop3A_455, %parallel_loop3A_457 : vector<16xf32>
      %parallel_loop3A_459 = arith.mulf %parallel_loop3A_458, %parallel_loop3A_440 : vector<16xf32>
      %parallel_loop3A_460 = arith.constant -2.78681302 : f32
      %parallel_loop3A_461 = vector.broadcast %parallel_loop3A_460 : f32 to vector<16xf32>
      %parallel_loop3A_462 = arith.addf %parallel_loop3A_459, %parallel_loop3A_461 : vector<16xf32>
      %parallel_loop3A_463 = arith.sitofp %parallel_loop3A_433 : vector<16xi32> to vector<16xf32>
      %parallel_loop3A_464 = arith.addf %parallel_loop3A_462, %parallel_loop3A_463 : vector<16xf32>
      %parallel_loop3A_465 = arith.constant 0.693147182 : f32
      %parallel_loop3A_466 = vector.broadcast %parallel_loop3A_465 : f32 to vector<16xf32>
      %parallel_loop3A_467 = arith.mulf %parallel_loop3A_464, %parallel_loop3A_466 : vector<16xf32>
      tpu.vector_store_idx %arg6[%parallel_loop3A_423], %parallel_loop3A_467 : memref<18880xf32, #tpu.memory_space<vmem>>[vector<16xi32>], vector<16xf32>,
    } {sc.loop_unroll_factor = 4 : i64, sc.parallel_access}
    %mul3A_317 = arith.constant 2 : i32
    %mul3A_318 = arith.muli %mul3A_317, %multiple_of3A : i32
    %sub3A_319 = arith.constant 262142 : i32
    %sub3A_320 = arith.subi %sub3A_319, %mul3A_318 : i32
    %mul3A_321 = arith.constant 2 : i32
    %mul3A_322 = arith.muli %mul3A_321, %multiple_of3A_37 : i32
    %sub3A_323 = arith.constant 139326 : i32
    %sub3A_324 = arith.subi %sub3A_323, %mul3A_322 : i32
    %mul3A_325 = arith.constant 2 : i32
    %mul3A_326 = arith.muli %mul3A_325, %multiple_of3A_56 : i32
    %sub3A_327 = arith.constant 77950 : i32
    %sub3A_328 = arith.subi %sub3A_327, %mul3A_326 : i32
    %mul3A_329 = arith.constant 2 : i32
    %mul3A_330 = arith.muli %mul3A_329, %multiple_of3A_75 : i32
    %sub3A_331 = arith.constant 47294 : i32
    %sub3A_332 = arith.subi %sub3A_331, %mul3A_330 : i32
    %mul3A_333 = arith.constant 2 : i32
    %mul3A_334 = arith.muli %mul3A_333, %multiple_of3A_94 : i32
    %sub3A_335 = arith.constant 31998 : i32
    %sub3A_336 = arith.subi %sub3A_335, %mul3A_334 : i32
    %mul3A_337 = arith.constant 2 : i32
    %mul3A_338 = arith.muli %mul3A_337, %multiple_of3A_113 : i32
    %sub3A_339 = arith.constant 24382 : i32
    %sub3A_340 = arith.subi %sub3A_339, %mul3A_338 : i32
    %mul3A_341 = arith.constant 2 : i32
    %mul3A_342 = arith.muli %mul3A_341, %multiple_of3A_132 : i32
    %sub3A_343 = arith.constant 20606 : i32
    %sub3A_344 = arith.subi %sub3A_343, %mul3A_342 : i32
    %mul3A_345 = arith.constant 2 : i32
    %mul3A_346 = arith.muli %mul3A_345, %multiple_of3A_151 : i32
    %sub3A_347 = arith.constant 18750 : i32
    %sub3A_348 = arith.subi %sub3A_347, %mul3A_346 : i32
    %shift_right_arithmetic3A_349 = arith.constant 4 : i32
    %shift_right_arithmetic3A_350 = arith.shrsi %mul3A_2, %shift_right_arithmetic3A_349 : i32
    %parallel_loop3A_351 = arith.constant 0 : i32
    %parallel_loop3A_352 = arith.constant 32 : i32
    %parallel_loop3A_353 = arith.constant 1 : i32
    scf.for %parallel_loop3A_357 = %parallel_loop3A_351 to %parallel_loop3A_352 step %parallel_loop3A_353  : i32 {
      %parallel_loop3A_358 = arith.constant 16 : i32
      %parallel_loop3A_359 = arith.muli %parallel_loop3A_357, %parallel_loop3A_358 : i32
      %parallel_loop3A_360 = arith.addi %shift_right_arithmetic3A_350, %parallel_loop3A_359 : i32
      %parallel_loop3A_361 = vector.broadcast %parallel_loop3A_360 : i32 to vector<16xi32>
      %parallel_loop3A_362 = arith.addi %parallel_loop3A_361, %iota3A : vector<16xi32>
      %parallel_loop3A_363 = arith.constant 12.4766493 : f32
      %parallel_loop3A_364 = vector.broadcast %parallel_loop3A_363 : f32 to vector<16xf32>
      %parallel_loop3A_365 = arith.constant 0 : i32
      %parallel_loop3A_366 = vector.broadcast %parallel_loop3A_365 : i32 to vector<16xi32>
      %parallel_loop3A_367 = arith.shrsi %parallel_loop3A_362, %parallel_loop3A_366 : vector<16xi32>
      %parallel_loop3A_368 = vector.broadcast %sub3A_336 : i32 to vector<16xi32>
      %parallel_loop3A_369 = arith.addi %parallel_loop3A_367, %parallel_loop3A_368 : vector<16xi32>
      %parallel_loop3A_370 = tpu.vector_load_idx %arg6[%parallel_loop3A_369] : memref<18880xf32, #tpu.memory_space<vmem>>[vector<16xi32>], vector<16xf32>,
      %parallel_loop3A_371 = arith.addf %parallel_loop3A_364, %parallel_loop3A_370 : vector<16xf32>
      %parallel_loop3A_372 = arith.constant 1 : i32
      %parallel_loop3A_373 = vector.broadcast %parallel_loop3A_372 : i32 to vector<16xi32>
      %parallel_loop3A_374 = arith.shrsi %parallel_loop3A_362, %parallel_loop3A_373 : vector<16xi32>
      %parallel_loop3A_375 = vector.broadcast %sub3A_340 : i32 to vector<16xi32>
      %parallel_loop3A_376 = arith.addi %parallel_loop3A_374, %parallel_loop3A_375 : vector<16xi32>
      %parallel_loop3A_377 = tpu.vector_load_idx %arg6[%parallel_loop3A_376] : memref<18880xf32, #tpu.memory_space<vmem>>[vector<16xi32>], vector<16xf32>,
      %parallel_loop3A_378 = arith.addf %parallel_loop3A_371, %parallel_loop3A_377 : vector<16xf32>
      %parallel_loop3A_379 = arith.constant 2 : i32
      %parallel_loop3A_380 = vector.broadcast %parallel_loop3A_379 : i32 to vector<16xi32>
      %parallel_loop3A_381 = arith.shrsi %parallel_loop3A_362, %parallel_loop3A_380 : vector<16xi32>
      %parallel_loop3A_382 = vector.broadcast %sub3A_344 : i32 to vector<16xi32>
      %parallel_loop3A_383 = arith.addi %parallel_loop3A_381, %parallel_loop3A_382 : vector<16xi32>
      %parallel_loop3A_384 = tpu.vector_load_idx %arg6[%parallel_loop3A_383] : memref<18880xf32, #tpu.memory_space<vmem>>[vector<16xi32>], vector<16xf32>,
      %parallel_loop3A_385 = arith.addf %parallel_loop3A_378, %parallel_loop3A_384 : vector<16xf32>
      %parallel_loop3A_386 = arith.constant 3 : i32
      %parallel_loop3A_387 = vector.broadcast %parallel_loop3A_386 : i32 to vector<16xi32>
      %parallel_loop3A_388 = arith.shrsi %parallel_loop3A_362, %parallel_loop3A_387 : vector<16xi32>
      %parallel_loop3A_389 = vector.broadcast %sub3A_348 : i32 to vector<16xi32>
      %parallel_loop3A_390 = arith.addi %parallel_loop3A_388, %parallel_loop3A_389 : vector<16xi32>
      %parallel_loop3A_391 = tpu.vector_load_idx %arg6[%parallel_loop3A_390] : memref<18880xf32, #tpu.memory_space<vmem>>[vector<16xi32>], vector<16xf32>,
      %parallel_loop3A_392 = arith.addf %parallel_loop3A_385, %parallel_loop3A_391 : vector<16xf32>
      %parallel_loop3A_393 = arith.constant 4 : i32
      %parallel_loop3A_394 = vector.broadcast %parallel_loop3A_393 : i32 to vector<16xi32>
      %parallel_loop3A_395 = arith.shrsi %parallel_loop3A_362, %parallel_loop3A_394 : vector<16xi32>
      %parallel_loop3A_396 = arith.constant 17854 : i32
      %parallel_loop3A_397 = vector.broadcast %parallel_loop3A_396 : i32 to vector<16xi32>
      %parallel_loop3A_398 = arith.addi %parallel_loop3A_395, %parallel_loop3A_397 : vector<16xi32>
      %parallel_loop3A_399 = tpu.vector_load_idx %arg6[%parallel_loop3A_398] : memref<18880xf32, #tpu.memory_space<vmem>>[vector<16xi32>], vector<16xf32>,
      %parallel_loop3A_400 = arith.addf %parallel_loop3A_392, %parallel_loop3A_399 : vector<16xf32>
      %parallel_loop3A_401 = arith.constant 5 : i32
      %parallel_loop3A_402 = vector.broadcast %parallel_loop3A_401 : i32 to vector<16xi32>
      %parallel_loop3A_403 = arith.shrsi %parallel_loop3A_362, %parallel_loop3A_402 : vector<16xi32>
      %parallel_loop3A_404 = arith.constant 17342 : i32
      %parallel_loop3A_405 = vector.broadcast %parallel_loop3A_404 : i32 to vector<16xi32>
      %parallel_loop3A_406 = arith.addi %parallel_loop3A_403, %parallel_loop3A_405 : vector<16xi32>
      %parallel_loop3A_407 = tpu.vector_load_idx %arg6[%parallel_loop3A_406] : memref<18880xf32, #tpu.memory_space<vmem>>[vector<16xi32>], vector<16xf32>,
      %parallel_loop3A_408 = arith.addf %parallel_loop3A_400, %parallel_loop3A_407 : vector<16xf32>
      %parallel_loop3A_409 = arith.constant 6 : i32
      %parallel_loop3A_410 = vector.broadcast %parallel_loop3A_409 : i32 to vector<16xi32>
      %parallel_loop3A_411 = arith.shrsi %parallel_loop3A_362, %parallel_loop3A_410 : vector<16xi32>
      %parallel_loop3A_412 = arith.constant 17086 : i32
      %parallel_loop3A_413 = vector.broadcast %parallel_loop3A_412 : i32 to vector<16xi32>
      %parallel_loop3A_414 = arith.addi %parallel_loop3A_411, %parallel_loop3A_413 : vector<16xi32>
      %parallel_loop3A_415 = tpu.vector_load_idx %arg6[%parallel_loop3A_414] : memref<18880xf32, #tpu.memory_space<vmem>>[vector<16xi32>], vector<16xf32>,
      %parallel_loop3A_416 = arith.addf %parallel_loop3A_408, %parallel_loop3A_415 : vector<16xf32>
      %parallel_loop3A_417 = arith.constant 7 : i32
      %parallel_loop3A_418 = vector.broadcast %parallel_loop3A_417 : i32 to vector<16xi32>
      %parallel_loop3A_419 = arith.shrsi %parallel_loop3A_362, %parallel_loop3A_418 : vector<16xi32>
      %parallel_loop3A_420 = arith.constant 16958 : i32
      %parallel_loop3A_421 = vector.broadcast %parallel_loop3A_420 : i32 to vector<16xi32>
      %parallel_loop3A_422 = arith.addi %parallel_loop3A_419, %parallel_loop3A_421 : vector<16xi32>
      %parallel_loop3A_423 = tpu.vector_load_idx %arg6[%parallel_loop3A_422] : memref<18880xf32, #tpu.memory_space<vmem>>[vector<16xi32>], vector<16xf32>,
      %parallel_loop3A_424 = arith.addf %parallel_loop3A_416, %parallel_loop3A_423 : vector<16xf32>
      %parallel_loop3A_425 = arith.constant 8 : i32
      %parallel_loop3A_426 = vector.broadcast %parallel_loop3A_425 : i32 to vector<16xi32>
      %parallel_loop3A_427 = arith.shrsi %parallel_loop3A_362, %parallel_loop3A_426 : vector<16xi32>
      %parallel_loop3A_428 = arith.constant 16894 : i32
      %parallel_loop3A_429 = vector.broadcast %parallel_loop3A_428 : i32 to vector<16xi32>
      %parallel_loop3A_430 = arith.addi %parallel_loop3A_427, %parallel_loop3A_429 : vector<16xi32>
      %parallel_loop3A_431 = tpu.vector_load_idx %arg6[%parallel_loop3A_430] : memref<18880xf32, #tpu.memory_space<vmem>>[vector<16xi32>], vector<16xf32>,
      %parallel_loop3A_432 = arith.addf %parallel_loop3A_424, %parallel_loop3A_431 : vector<16xf32>
      %parallel_loop3A_433 = arith.constant 9 : i32
      %parallel_loop3A_434 = vector.broadcast %parallel_loop3A_433 : i32 to vector<16xi32>
      %parallel_loop3A_435 = arith.shrsi %parallel_loop3A_362, %parallel_loop3A_434 : vector<16xi32>
      %parallel_loop3A_436 = arith.constant 16862 : i32
      %parallel_loop3A_437 = vector.broadcast %parallel_loop3A_436 : i32 to vector<16xi32>
      %parallel_loop3A_438 = arith.addi %parallel_loop3A_435, %parallel_loop3A_437 : vector<16xi32>
      %parallel_loop3A_439 = tpu.vector_load_idx %arg6[%parallel_loop3A_438] : memref<18880xf32, #tpu.memory_space<vmem>>[vector<16xi32>], vector<16xf32>,
      %parallel_loop3A_440 = arith.addf %parallel_loop3A_432, %parallel_loop3A_439 : vector<16xf32>
      %parallel_loop3A_441 = arith.constant 10 : i32
      %parallel_loop3A_442 = vector.broadcast %parallel_loop3A_441 : i32 to vector<16xi32>
      %parallel_loop3A_443 = arith.shrsi %parallel_loop3A_362, %parallel_loop3A_442 : vector<16xi32>
      %parallel_loop3A_444 = arith.constant 16846 : i32
      %parallel_loop3A_445 = vector.broadcast %parallel_loop3A_444 : i32 to vector<16xi32>
      %parallel_loop3A_446 = arith.addi %parallel_loop3A_443, %parallel_loop3A_445 : vector<16xi32>
      %parallel_loop3A_447 = tpu.vector_load_idx %arg6[%parallel_loop3A_446] : memref<18880xf32, #tpu.memory_space<vmem>>[vector<16xi32>], vector<16xf32>,
      %parallel_loop3A_448 = arith.addf %parallel_loop3A_440, %parallel_loop3A_447 : vector<16xf32>
      %parallel_loop3A_449 = arith.constant 11 : i32
      %parallel_loop3A_450 = vector.broadcast %parallel_loop3A_449 : i32 to vector<16xi32>
      %parallel_loop3A_451 = arith.shrsi %parallel_loop3A_362, %parallel_loop3A_450 : vector<16xi32>
      %parallel_loop3A_452 = arith.constant 16838 : i32
      %parallel_loop3A_453 = vector.broadcast %parallel_loop3A_452 : i32 to vector<16xi32>
      %parallel_loop3A_454 = arith.addi %parallel_loop3A_451, %parallel_loop3A_453 : vector<16xi32>
      %parallel_loop3A_455 = tpu.vector_load_idx %arg6[%parallel_loop3A_454] : memref<18880xf32, #tpu.memory_space<vmem>>[vector<16xi32>], vector<16xf32>,
      %parallel_loop3A_456 = arith.addf %parallel_loop3A_448, %parallel_loop3A_455 : vector<16xf32>
      %parallel_loop3A_457 = arith.constant 12 : i32
      %parallel_loop3A_458 = vector.broadcast %parallel_loop3A_457 : i32 to vector<16xi32>
      %parallel_loop3A_459 = arith.shrsi %parallel_loop3A_362, %parallel_loop3A_458 : vector<16xi32>
      %parallel_loop3A_460 = arith.constant 16834 : i32
      %parallel_loop3A_461 = vector.broadcast %parallel_loop3A_460 : i32 to vector<16xi32>
      %parallel_loop3A_462 = arith.addi %parallel_loop3A_459, %parallel_loop3A_461 : vector<16xi32>
      %parallel_loop3A_463 = tpu.vector_load_idx %arg6[%parallel_loop3A_462] : memref<18880xf32, #tpu.memory_space<vmem>>[vector<16xi32>], vector<16xf32>,
      %parallel_loop3A_464 = arith.addf %parallel_loop3A_456, %parallel_loop3A_463 : vector<16xf32>
      %parallel_loop3A_465 = arith.constant 13 : i32
      %parallel_loop3A_466 = vector.broadcast %parallel_loop3A_465 : i32 to vector<16xi32>
      %parallel_loop3A_467 = arith.shrsi %parallel_loop3A_362, %parallel_loop3A_466 : vector<16xi32>
      %parallel_loop3A_468 = arith.constant 16832 : i32
      %parallel_loop3A_469 = vector.broadcast %parallel_loop3A_468 : i32 to vector<16xi32>
      %parallel_loop3A_470 = arith.addi %parallel_loop3A_467, %parallel_loop3A_469 : vector<16xi32>
      %parallel_loop3A_471 = tpu.vector_load_idx %arg6[%parallel_loop3A_470] : memref<18880xf32, #tpu.memory_space<vmem>>[vector<16xi32>], vector<16xf32>,
      %parallel_loop3A_472 = arith.addf %parallel_loop3A_464, %parallel_loop3A_471 : vector<16xf32>
      %parallel_loop3A_473 = arith.constant 16 : i32
      %parallel_loop3A_474 = arith.muli %parallel_loop3A_357, %parallel_loop3A_473 : i32
      %parallel_loop3A_475 = arith.index_cast %parallel_loop3A_474 : i32 to index
      %parallel_loop3A_476 = tpu.vector_load %arg7[%parallel_loop3A_475] {strides = array<i32>} : memref<512xf32, #tpu.memory_space<vmem>>, vector<16xf32>,
      tpu.vector_store %arg7[%parallel_loop3A_475], %parallel_loop3A_472 {strides = array<i32>} : memref<512xf32, #tpu.memory_space<vmem>>, vector<16xf32>,
    } {sc.loop_unroll_factor = 2 : i64, sc.parallel_access}
    %parallel_loop3A_354 = arith.constant 0 : i32
    %parallel_loop3A_355 = arith.constant 512 : i32
    %parallel_loop3A_356 = arith.constant 1 : i32
    scf.for %parallel_loop3A_357 = %parallel_loop3A_354 to %parallel_loop3A_355 step %parallel_loop3A_356  : i32 {
      %parallel_loop3A_358 = arith.constant 16 : i32
      %parallel_loop3A_359 = arith.muli %parallel_loop3A_357, %parallel_loop3A_358 : i32
      %parallel_loop3A_360 = arith.addi %mul3A_2, %parallel_loop3A_359 : i32
      %parallel_loop3A_361 = vector.broadcast %parallel_loop3A_360 : i32 to vector<16xi32>
      %parallel_loop3A_362 = arith.addi %parallel_loop3A_361, %iota3A : vector<16xi32>
      %parallel_loop3A_363 = vector.broadcast %parallel_loop3A_357 : i32 to vector<16xi32>
      %parallel_loop3A_364 = tpu.vector_load_idx %arg7[%parallel_loop3A_363] : memref<512xf32, #tpu.memory_space<vmem>>[vector<16xi32>], vector<16xf32>,
      %parallel_loop3A_365 = arith.constant 0 : i32
      %parallel_loop3A_366 = vector.broadcast %parallel_loop3A_365 : i32 to vector<16xi32>
      %parallel_loop3A_367 = arith.shrsi %parallel_loop3A_362, %parallel_loop3A_366 : vector<16xi32>
      %parallel_loop3A_368 = vector.broadcast %sub3A_320 : i32 to vector<16xi32>
      %parallel_loop3A_369 = arith.addi %parallel_loop3A_367, %parallel_loop3A_368 : vector<16xi32>
      %parallel_loop3A_370 = tpu.vector_load_idx %arg6[%parallel_loop3A_369] : memref<18880xf32, #tpu.memory_space<vmem>>[vector<16xi32>], vector<16xf32>,
      %parallel_loop3A_371 = arith.addf %parallel_loop3A_364, %parallel_loop3A_370 : vector<16xf32>
      %parallel_loop3A_372 = arith.constant 1 : i32
      %parallel_loop3A_373 = vector.broadcast %parallel_loop3A_372 : i32 to vector<16xi32>
      %parallel_loop3A_374 = arith.shrsi %parallel_loop3A_362, %parallel_loop3A_373 : vector<16xi32>
      %parallel_loop3A_375 = vector.broadcast %sub3A_324 : i32 to vector<16xi32>
      %parallel_loop3A_376 = arith.addi %parallel_loop3A_374, %parallel_loop3A_375 : vector<16xi32>
      %parallel_loop3A_377 = tpu.vector_load_idx %arg6[%parallel_loop3A_376] : memref<18880xf32, #tpu.memory_space<vmem>>[vector<16xi32>], vector<16xf32>,
      %parallel_loop3A_378 = arith.addf %parallel_loop3A_371, %parallel_loop3A_377 : vector<16xf32>
      %parallel_loop3A_379 = arith.constant 2 : i32
      %parallel_loop3A_380 = vector.broadcast %parallel_loop3A_379 : i32 to vector<16xi32>
      %parallel_loop3A_381 = arith.shrsi %parallel_loop3A_362, %parallel_loop3A_380 : vector<16xi32>
      %parallel_loop3A_382 = vector.broadcast %sub3A_328 : i32 to vector<16xi32>
      %parallel_loop3A_383 = arith.addi %parallel_loop3A_381, %parallel_loop3A_382 : vector<16xi32>
      %parallel_loop3A_384 = tpu.vector_load_idx %arg6[%parallel_loop3A_383] : memref<18880xf32, #tpu.memory_space<vmem>>[vector<16xi32>], vector<16xf32>,
      %parallel_loop3A_385 = arith.addf %parallel_loop3A_378, %parallel_loop3A_384 : vector<16xf32>
      %parallel_loop3A_386 = arith.constant 3 : i32
      %parallel_loop3A_387 = vector.broadcast %parallel_loop3A_386 : i32 to vector<16xi32>
      %parallel_loop3A_388 = arith.shrsi %parallel_loop3A_362, %parallel_loop3A_387 : vector<16xi32>
      %parallel_loop3A_389 = vector.broadcast %sub3A_332 : i32 to vector<16xi32>
      %parallel_loop3A_390 = arith.addi %parallel_loop3A_388, %parallel_loop3A_389 : vector<16xi32>
      %parallel_loop3A_391 = tpu.vector_load_idx %arg6[%parallel_loop3A_390] : memref<18880xf32, #tpu.memory_space<vmem>>[vector<16xi32>], vector<16xf32>,
      %parallel_loop3A_392 = arith.addf %parallel_loop3A_385, %parallel_loop3A_391 : vector<16xf32>
      %parallel_loop3A_393 = arith.constant 16 : i32
      %parallel_loop3A_394 = arith.muli %parallel_loop3A_357, %parallel_loop3A_393 : i32
      %parallel_loop3A_395 = arith.index_cast %parallel_loop3A_394 : i32 to index
      %parallel_loop3A_396 = tpu.vector_load %arg8[%parallel_loop3A_395] {strides = array<i32>} : memref<8192xf32, #tpu.memory_space<vmem>>, vector<16xf32>,
      tpu.vector_store %arg8[%parallel_loop3A_395], %parallel_loop3A_392 {strides = array<i32>} : memref<8192xf32, #tpu.memory_space<vmem>>, vector<16xf32>,
    } {sc.loop_unroll_factor = 2 : i64, sc.parallel_access}
    "tpu.region"() ({
      %run_scoped3A = tpu.sem_alloc : memref<!tpu.dma_semaphore, #tpu.memory_space<semaphore_mem>>
      %dma_start3A_357 = tpu.memref_slice %arg4[%mul3A_2] : memref<262144xf32, #tpu.memory_space<hbm>> -> memref<8192xf32, #tpu.memory_space<hbm>>
      %dma_start3A_358 = tpu.memref_slice %arg4[%mul3A_2] : memref<262144xf32, #tpu.memory_space<hbm>> -> memref<8192xf32, #tpu.memory_space<hbm>>
      tpu.enqueue_dma source(%arg8 : memref<8192xf32, #tpu.memory_space<vmem>>) target(%dma_start3A_358 : memref<8192xf32, #tpu.memory_space<hbm>>) target_semaphore(%run_scoped3A : memref<!tpu.dma_semaphore, #tpu.memory_space<semaphore_mem>>)
      %dma_wait3A_359 = tpu.memref_slice %arg4[%mul3A_2] : memref<262144xf32, #tpu.memory_space<hbm>> -> memref<8192xf32, #tpu.memory_space<hbm>>
      %dma_wait3A_360 = tpu.memref_slice %arg4[%mul3A_2] : memref<262144xf32, #tpu.memory_space<hbm>> -> memref<8192xf32, #tpu.memory_space<hbm>>
      tpu.wait_dma2 semaphore(%run_scoped3A : memref<!tpu.dma_semaphore, #tpu.memory_space<semaphore_mem>>) src(%arg8 : memref<8192xf32, #tpu.memory_space<vmem>>) dst(%dma_wait3A_360 : memref<8192xf32, #tpu.memory_space<hbm>>)
      tpu.yield
    }) : () -> ()
    return
  }
}

#map = affine_map<(d0, d1) -> (0)>
module attributes {stable_mosaic.version = 14 : i64} {
  func.func @_gather_leaves(%arg0: i32, %arg1: i32, %arg2: memref<2000000xf32, #tpu.memory_space<hbm>>, %arg3: memref<262144xf32, #tpu.memory_space<hbm>>, %arg4: memref<2000000xf32, #tpu.memory_space<hbm>>, %arg5: memref<8000xf32, #tpu.memory_space<vmem>>, %arg6: memref<8000xf32, #tpu.memory_space<vmem>>, %arg7: memref<8000xi32, #tpu.memory_space<vmem>>, %arg8: memref<8000xi32, #tpu.memory_space<vmem>>, %arg9: memref<8000xf32, #tpu.memory_space<vmem>>, %arg10: memref<8000xf32, #tpu.memory_space<vmem>>, %arg11: memref<262144xf32, #tpu.memory_space<vmem_shared>>, %arg12: memref<!tpu.dma_semaphore, #tpu.memory_space<semaphore_mem>>, %arg13: memref<!tpu.dma_semaphore, #tpu.memory_space<semaphore_mem>>, %arg14: memref<!tpu.dma_semaphore, #tpu.memory_space<semaphore_mem>>, %arg15: memref<!tpu.dma_semaphore, #tpu.memory_space<semaphore_mem>>, %arg16: memref<!tpu.dma_semaphore, #tpu.memory_space<semaphore_mem>>) attributes {dimension_semantics = [#tpu.dimension_semantics<core_parallel>, #tpu.dimension_semantics<subcore_parallel>], iteration_bounds = array<i64: 2, 16>, scalar_prefetch = 0 : i64, scratch_operands = 12 : i64, tpu.core_type = #tpu.core_type<sc_vector_subcore>, window_params = [{transform_indices = #map}, {transform_indices = #map}, {transform_indices = #map}]} {
    %mul3A = arith.constant 2 : i32
    %mul3A_0 = arith.muli %arg1, %mul3A : i32
    %add3A = arith.addi %mul3A_0, %arg0 : i32
    %mul3A_1 = arith.constant 16384 : i32
    %mul3A_2 = arith.muli %arg1, %mul3A_1 : i32
    %mul3A_3 = arith.constant 16384 : i32
    %mul3A_4 = arith.muli %arg1, %mul3A_3 : i32
    "tpu.region"() ({
      %run_scoped3A = tpu.sem_alloc : memref<!tpu.dma_semaphore, #tpu.memory_space<semaphore_mem>>
      %dma_start3A_278 = tpu.memref_slice %arg11[%mul3A_4] : memref<262144xf32, #tpu.memory_space<vmem_shared>> -> memref<16384xf32, #tpu.memory_space<vmem_shared>>
      %dma_start3A_279 = tpu.memref_slice %arg3[%mul3A_2] : memref<262144xf32, #tpu.memory_space<hbm>> -> memref<16384xf32, #tpu.memory_space<hbm>>
      tpu.enqueue_dma source(%dma_start3A_279 : memref<16384xf32, #tpu.memory_space<hbm>>) target(%dma_start3A_278 : memref<16384xf32, #tpu.memory_space<vmem_shared>>) target_semaphore(%run_scoped3A : memref<!tpu.dma_semaphore, #tpu.memory_space<semaphore_mem>>)
      %dma_wait3A_280 = tpu.memref_slice %arg11[%mul3A_4] : memref<262144xf32, #tpu.memory_space<vmem_shared>> -> memref<16384xf32, #tpu.memory_space<vmem_shared>>
      %dma_wait3A_281 = tpu.memref_slice %arg3[%mul3A_2] : memref<262144xf32, #tpu.memory_space<hbm>> -> memref<16384xf32, #tpu.memory_space<hbm>>
      tpu.wait_dma2 semaphore(%run_scoped3A : memref<!tpu.dma_semaphore, #tpu.memory_space<semaphore_mem>>) src(%dma_wait3A_281 : memref<16384xf32, #tpu.memory_space<hbm>>) dst(%dma_wait3A_280 : memref<16384xf32, #tpu.memory_space<vmem_shared>>)
      tpu.yield
    }) : () -> ()
    %barrier3A = arith.constant 0 : index
    tpu.barrier barrier_id(%barrier3A)
    %add3A_5 = arith.constant 0 : i32
    %add3A_6 = arith.addi %add3A_5, %add3A : i32
    %lt3A = arith.constant 250 : i32
    %lt3A_7 = arith.cmpi slt, %add3A_6, %lt3A : i32
    %sub3A = arith.constant 32 : i32
    %sub3A_8 = arith.subi %add3A_6, %sub3A : i32
    %select_n3A = arith.select %lt3A_7, %add3A_6, %sub3A_8 : i32
    %mul3A_9 = arith.constant 8000 : i32
    %mul3A_10 = arith.muli %select_n3A, %mul3A_9 : i32
    %multiple_of3A = tpu.assume_multiple %mul3A_10, 8 : i32
    %dma_start3A = tpu.memref_slice %arg2[%multiple_of3A] : memref<2000000xf32, #tpu.memory_space<hbm>> -> memref<8000xf32, #tpu.memory_space<hbm>>
    %dma_start3A_11 = tpu.memref_slice %arg2[%multiple_of3A] : memref<2000000xf32, #tpu.memory_space<hbm>> -> memref<8000xf32, #tpu.memory_space<hbm>>
    tpu.enqueue_dma source(%dma_start3A_11 : memref<8000xf32, #tpu.memory_space<hbm>>) target(%arg5 : memref<8000xf32, #tpu.memory_space<vmem>>) target_semaphore(%arg12 : memref<!tpu.dma_semaphore, #tpu.memory_space<semaphore_mem>>)
    %add3A_12 = arith.constant 32 : i32
    %add3A_13 = arith.addi %add3A_12, %add3A : i32
    %lt3A_14 = arith.constant 250 : i32
    %lt3A_15 = arith.cmpi slt, %add3A_13, %lt3A_14 : i32
    %sub3A_16 = arith.constant 32 : i32
    %sub3A_17 = arith.subi %add3A_13, %sub3A_16 : i32
    %select_n3A_18 = arith.select %lt3A_15, %add3A_13, %sub3A_17 : i32
    %mul3A_19 = arith.constant 8000 : i32
    %mul3A_20 = arith.muli %select_n3A_18, %mul3A_19 : i32
    %multiple_of3A_21 = tpu.assume_multiple %mul3A_20, 8 : i32
    %dma_start3A_22 = tpu.memref_slice %arg2[%multiple_of3A_21] : memref<2000000xf32, #tpu.memory_space<hbm>> -> memref<8000xf32, #tpu.memory_space<hbm>>
    %dma_start3A_23 = tpu.memref_slice %arg2[%multiple_of3A_21] : memref<2000000xf32, #tpu.memory_space<hbm>> -> memref<8000xf32, #tpu.memory_space<hbm>>
    tpu.enqueue_dma source(%dma_start3A_23 : memref<8000xf32, #tpu.memory_space<hbm>>) target(%arg6 : memref<8000xf32, #tpu.memory_space<vmem>>) target_semaphore(%arg13 : memref<!tpu.dma_semaphore, #tpu.memory_space<semaphore_mem>>)
    %dma_wait3A = tpu.memref_slice %arg2[%multiple_of3A] : memref<2000000xf32, #tpu.memory_space<hbm>> -> memref<8000xf32, #tpu.memory_space<hbm>>
    %dma_wait3A_24 = tpu.memref_slice %arg2[%multiple_of3A] : memref<2000000xf32, #tpu.memory_space<hbm>> -> memref<8000xf32, #tpu.memory_space<hbm>>
    tpu.wait_dma2 semaphore(%arg12 : memref<!tpu.dma_semaphore, #tpu.memory_space<semaphore_mem>>) src(%dma_wait3A_24 : memref<8000xf32, #tpu.memory_space<hbm>>) dst(%arg5 : memref<8000xf32, #tpu.memory_space<vmem>>)
    %parallel_loop3A = arith.constant 0 : i32
    %parallel_loop3A_25 = arith.constant 500 : i32
    %parallel_loop3A_26 = arith.constant 1 : i32
    scf.for %parallel_loop3A_278 = %parallel_loop3A to %parallel_loop3A_25 step %parallel_loop3A_26  : i32 {
      %parallel_loop3A_279 = arith.constant 16 : i32
      %parallel_loop3A_280 = arith.muli %parallel_loop3A_278, %parallel_loop3A_279 : i32
      %parallel_loop3A_281 = arith.index_cast %parallel_loop3A_280 : i32 to index
      %parallel_loop3A_282 = tpu.vector_load %arg5[%parallel_loop3A_281] {strides = array<i32>} : memref<8000xf32, #tpu.memory_space<vmem>>, vector<16xf32>,
      %parallel_loop3A_283 = arith.constant 2.621440e+05 : f32
      %parallel_loop3A_284 = vector.broadcast %parallel_loop3A_283 : f32 to vector<16xf32>
      %parallel_loop3A_285 = arith.mulf %parallel_loop3A_282, %parallel_loop3A_284 : vector<16xf32>
      %parallel_loop3A_286 = arith.fptosi %parallel_loop3A_285 : vector<16xf32> to vector<16xi32>
      %parallel_loop3A_287 = arith.constant 0 : i32
      %parallel_loop3A_288 = vector.broadcast %parallel_loop3A_287 : i32 to vector<16xi32>
      %parallel_loop3A_289 = arith.maxsi %parallel_loop3A_286, %parallel_loop3A_288 : vector<16xi32>
      %parallel_loop3A_290 = arith.constant 262143 : i32
      %parallel_loop3A_291 = vector.broadcast %parallel_loop3A_290 : i32 to vector<16xi32>
      %parallel_loop3A_292 = arith.minsi %parallel_loop3A_289, %parallel_loop3A_291 : vector<16xi32>
      %parallel_loop3A_293 = arith.constant 16 : i32
      %parallel_loop3A_294 = arith.muli %parallel_loop3A_278, %parallel_loop3A_293 : i32
      %parallel_loop3A_295 = arith.index_cast %parallel_loop3A_294 : i32 to index
      %parallel_loop3A_296 = tpu.vector_load %arg7[%parallel_loop3A_295] {strides = array<i32>} : memref<8000xi32, #tpu.memory_space<vmem>>, vector<16xi32>,
      tpu.vector_store %arg7[%parallel_loop3A_295], %parallel_loop3A_292 {strides = array<i32>} : memref<8000xi32, #tpu.memory_space<vmem>>, vector<16xi32>,
    } {sc.loop_unroll_factor = 8 : i64, sc.parallel_access}
    %dma_start3A_27 = arith.constant 0 : i32
    %dma_start3A_28 = tpu.memref_slice %arg11[%dma_start3A_27] : memref<262144xf32, #tpu.memory_space<vmem_shared>> -> memref<262144xf32, #tpu.memory_space<vmem_shared>>
    tpu.enqueue_indirect_dma source(%dma_start3A_28 : memref<262144xf32, #tpu.memory_space<vmem_shared>>) target(%arg9 : memref<8000xf32, #tpu.memory_space<vmem>>) offsets(%arg7 : memref<8000xi32, #tpu.memory_space<vmem>>) semaphore(%arg14 : memref<!tpu.dma_semaphore, #tpu.memory_space<semaphore_mem>>)
    %add3A_29 = arith.constant 64 : i32
    %add3A_30 = arith.addi %add3A_29, %add3A : i32
    %lt3A_31 = arith.constant 250 : i32
    %lt3A_32 = arith.cmpi slt, %add3A_30, %lt3A_31 : i32
    %sub3A_33 = arith.constant 32 : i32
    %sub3A_34 = arith.subi %add3A_30, %sub3A_33 : i32
    %select_n3A_35 = arith.select %lt3A_32, %add3A_30, %sub3A_34 : i32
    %mul3A_36 = arith.constant 8000 : i32
    %mul3A_37 = arith.muli %select_n3A_35, %mul3A_36 : i32
    %multiple_of3A_38 = tpu.assume_multiple %mul3A_37, 8 : i32
    %dma_start3A_39 = tpu.memref_slice %arg2[%multiple_of3A_38] : memref<2000000xf32, #tpu.memory_space<hbm>> -> memref<8000xf32, #tpu.memory_space<hbm>>
    %dma_start3A_40 = tpu.memref_slice %arg2[%multiple_of3A_38] : memref<2000000xf32, #tpu.memory_space<hbm>> -> memref<8000xf32, #tpu.memory_space<hbm>>
    tpu.enqueue_dma source(%dma_start3A_40 : memref<8000xf32, #tpu.memory_space<hbm>>) target(%arg5 : memref<8000xf32, #tpu.memory_space<vmem>>) target_semaphore(%arg12 : memref<!tpu.dma_semaphore, #tpu.memory_space<semaphore_mem>>)
    %dma_wait3A_41 = tpu.memref_slice %arg2[%multiple_of3A_21] : memref<2000000xf32, #tpu.memory_space<hbm>> -> memref<8000xf32, #tpu.memory_space<hbm>>
    %dma_wait3A_42 = tpu.memref_slice %arg2[%multiple_of3A_21] : memref<2000000xf32, #tpu.memory_space<hbm>> -> memref<8000xf32, #tpu.memory_space<hbm>>
    tpu.wait_dma2 semaphore(%arg13 : memref<!tpu.dma_semaphore, #tpu.memory_space<semaphore_mem>>) src(%dma_wait3A_42 : memref<8000xf32, #tpu.memory_space<hbm>>) dst(%arg6 : memref<8000xf32, #tpu.memory_space<vmem>>)
    %parallel_loop3A_43 = arith.constant 0 : i32
    %parallel_loop3A_44 = arith.constant 500 : i32
    %parallel_loop3A_45 = arith.constant 1 : i32
    scf.for %parallel_loop3A_278 = %parallel_loop3A_43 to %parallel_loop3A_44 step %parallel_loop3A_45  : i32 {
      %parallel_loop3A_279 = arith.constant 16 : i32
      %parallel_loop3A_280 = arith.muli %parallel_loop3A_278, %parallel_loop3A_279 : i32
      %parallel_loop3A_281 = arith.index_cast %parallel_loop3A_280 : i32 to index
      %parallel_loop3A_282 = tpu.vector_load %arg6[%parallel_loop3A_281] {strides = array<i32>} : memref<8000xf32, #tpu.memory_space<vmem>>, vector<16xf32>,
      %parallel_loop3A_283 = arith.constant 2.621440e+05 : f32
      %parallel_loop3A_284 = vector.broadcast %parallel_loop3A_283 : f32 to vector<16xf32>
      %parallel_loop3A_285 = arith.mulf %parallel_loop3A_282, %parallel_loop3A_284 : vector<16xf32>
      %parallel_loop3A_286 = arith.fptosi %parallel_loop3A_285 : vector<16xf32> to vector<16xi32>
      %parallel_loop3A_287 = arith.constant 0 : i32
      %parallel_loop3A_288 = vector.broadcast %parallel_loop3A_287 : i32 to vector<16xi32>
      %parallel_loop3A_289 = arith.maxsi %parallel_loop3A_286, %parallel_loop3A_288 : vector<16xi32>
      %parallel_loop3A_290 = arith.constant 262143 : i32
      %parallel_loop3A_291 = vector.broadcast %parallel_loop3A_290 : i32 to vector<16xi32>
      %parallel_loop3A_292 = arith.minsi %parallel_loop3A_289, %parallel_loop3A_291 : vector<16xi32>
      %parallel_loop3A_293 = arith.constant 16 : i32
      %parallel_loop3A_294 = arith.muli %parallel_loop3A_278, %parallel_loop3A_293 : i32
      %parallel_loop3A_295 = arith.index_cast %parallel_loop3A_294 : i32 to index
      %parallel_loop3A_296 = tpu.vector_load %arg8[%parallel_loop3A_295] {strides = array<i32>} : memref<8000xi32, #tpu.memory_space<vmem>>, vector<16xi32>,
      tpu.vector_store %arg8[%parallel_loop3A_295], %parallel_loop3A_292 {strides = array<i32>} : memref<8000xi32, #tpu.memory_space<vmem>>, vector<16xi32>,
    } {sc.loop_unroll_factor = 8 : i64, sc.parallel_access}
    %dma_wait3A_46 = arith.constant 0 : i32
    %dma_wait3A_47 = tpu.memref_slice %arg11[%dma_wait3A_46] : memref<262144xf32, #tpu.memory_space<vmem_shared>> -> memref<262144xf32, #tpu.memory_space<vmem_shared>>
    tpu.wait_indirect_dma semaphore(%arg14 : memref<!tpu.dma_semaphore, #tpu.memory_space<semaphore_mem>>) src(%dma_wait3A_47 : memref<262144xf32, #tpu.memory_space<vmem_shared>>) dst(%arg9 : memref<8000xf32, #tpu.memory_space<vmem>>)
    %add3A_48 = arith.constant 0 : i32
    %add3A_49 = arith.addi %add3A_48, %add3A : i32
    %lt3A_50 = arith.constant 250 : i32
    %lt3A_51 = arith.cmpi slt, %add3A_49, %lt3A_50 : i32
    %sub3A_52 = arith.constant 32 : i32
    %sub3A_53 = arith.subi %add3A_49, %sub3A_52 : i32
    %select_n3A_54 = arith.select %lt3A_51, %add3A_49, %sub3A_53 : i32
    %mul3A_55 = arith.constant 8000 : i32
    %mul3A_56 = arith.muli %select_n3A_54, %mul3A_55 : i32
    %multiple_of3A_57 = tpu.assume_multiple %mul3A_56, 8 : i32
    %dma_start3A_58 = tpu.memref_slice %arg4[%multiple_of3A_57] : memref<2000000xf32, #tpu.memory_space<hbm>> -> memref<8000xf32, #tpu.memory_space<hbm>>
    %dma_start3A_59 = tpu.memref_slice %arg4[%multiple_of3A_57] : memref<2000000xf32, #tpu.memory_space<hbm>> -> memref<8000xf32, #tpu.memory_space<hbm>>
    tpu.enqueue_dma source(%arg9 : memref<8000xf32, #tpu.memory_space<vmem>>) target(%dma_start3A_59 : memref<8000xf32, #tpu.memory_space<hbm>>) target_semaphore(%arg15 : memref<!tpu.dma_semaphore, #tpu.memory_space<semaphore_mem>>)
    %dma_start3A_60 = arith.constant 0 : i32
    %dma_start3A_61 = tpu.memref_slice %arg11[%dma_start3A_60] : memref<262144xf32, #tpu.memory_space<vmem_shared>> -> memref<262144xf32, #tpu.memory_space<vmem_shared>>
    tpu.enqueue_indirect_dma source(%dma_start3A_61 : memref<262144xf32, #tpu.memory_space<vmem_shared>>) target(%arg10 : memref<8000xf32, #tpu.memory_space<vmem>>) offsets(%arg8 : memref<8000xi32, #tpu.memory_space<vmem>>) semaphore(%arg14 : memref<!tpu.dma_semaphore, #tpu.memory_space<semaphore_mem>>)
    %add3A_62 = arith.constant 96 : i32
    %add3A_63 = arith.addi %add3A_62, %add3A : i32
    %lt3A_64 = arith.constant 250 : i32
    %lt3A_65 = arith.cmpi slt, %add3A_63, %lt3A_64 : i32
    %sub3A_66 = arith.constant 32 : i32
    %sub3A_67 = arith.subi %add3A_63, %sub3A_66 : i32
    %select_n3A_68 = arith.select %lt3A_65, %add3A_63, %sub3A_67 : i32
    %mul3A_69 = arith.constant 8000 : i32
    %mul3A_70 = arith.muli %select_n3A_68, %mul3A_69 : i32
    %multiple_of3A_71 = tpu.assume_multiple %mul3A_70, 8 : i32
    %dma_start3A_72 = tpu.memref_slice %arg2[%multiple_of3A_71] : memref<2000000xf32, #tpu.memory_space<hbm>> -> memref<8000xf32, #tpu.memory_space<hbm>>
    %dma_start3A_73 = tpu.memref_slice %arg2[%multiple_of3A_71] : memref<2000000xf32, #tpu.memory_space<hbm>> -> memref<8000xf32, #tpu.memory_space<hbm>>
    tpu.enqueue_dma source(%dma_start3A_73 : memref<8000xf32, #tpu.memory_space<hbm>>) target(%arg6 : memref<8000xf32, #tpu.memory_space<vmem>>) target_semaphore(%arg13 : memref<!tpu.dma_semaphore, #tpu.memory_space<semaphore_mem>>)
    %dma_wait3A_74 = tpu.memref_slice %arg2[%multiple_of3A_38] : memref<2000000xf32, #tpu.memory_space<hbm>> -> memref<8000xf32, #tpu.memory_space<hbm>>
    %dma_wait3A_75 = tpu.memref_slice %arg2[%multiple_of3A_38] : memref<2000000xf32, #tpu.memory_space<hbm>> -> memref<8000xf32, #tpu.memory_space<hbm>>
    tpu.wait_dma2 semaphore(%arg12 : memref<!tpu.dma_semaphore, #tpu.memory_space<semaphore_mem>>) src(%dma_wait3A_75 : memref<8000xf32, #tpu.memory_space<hbm>>) dst(%arg5 : memref<8000xf32, #tpu.memory_space<vmem>>)
    %parallel_loop3A_76 = arith.constant 0 : i32
    %parallel_loop3A_77 = arith.constant 500 : i32
    %parallel_loop3A_78 = arith.constant 1 : i32
    scf.for %parallel_loop3A_278 = %parallel_loop3A_76 to %parallel_loop3A_77 step %parallel_loop3A_78  : i32 {
      %parallel_loop3A_279 = arith.constant 16 : i32
      %parallel_loop3A_280 = arith.muli %parallel_loop3A_278, %parallel_loop3A_279 : i32
      %parallel_loop3A_281 = arith.index_cast %parallel_loop3A_280 : i32 to index
      %parallel_loop3A_282 = tpu.vector_load %arg5[%parallel_loop3A_281] {strides = array<i32>} : memref<8000xf32, #tpu.memory_space<vmem>>, vector<16xf32>,
      %parallel_loop3A_283 = arith.constant 2.621440e+05 : f32
      %parallel_loop3A_284 = vector.broadcast %parallel_loop3A_283 : f32 to vector<16xf32>
      %parallel_loop3A_285 = arith.mulf %parallel_loop3A_282, %parallel_loop3A_284 : vector<16xf32>
      %parallel_loop3A_286 = arith.fptosi %parallel_loop3A_285 : vector<16xf32> to vector<16xi32>
      %parallel_loop3A_287 = arith.constant 0 : i32
      %parallel_loop3A_288 = vector.broadcast %parallel_loop3A_287 : i32 to vector<16xi32>
      %parallel_loop3A_289 = arith.maxsi %parallel_loop3A_286, %parallel_loop3A_288 : vector<16xi32>
      %parallel_loop3A_290 = arith.constant 262143 : i32
      %parallel_loop3A_291 = vector.broadcast %parallel_loop3A_290 : i32 to vector<16xi32>
      %parallel_loop3A_292 = arith.minsi %parallel_loop3A_289, %parallel_loop3A_291 : vector<16xi32>
      %parallel_loop3A_293 = arith.constant 16 : i32
      %parallel_loop3A_294 = arith.muli %parallel_loop3A_278, %parallel_loop3A_293 : i32
      %parallel_loop3A_295 = arith.index_cast %parallel_loop3A_294 : i32 to index
      %parallel_loop3A_296 = tpu.vector_load %arg7[%parallel_loop3A_295] {strides = array<i32>} : memref<8000xi32, #tpu.memory_space<vmem>>, vector<16xi32>,
      tpu.vector_store %arg7[%parallel_loop3A_295], %parallel_loop3A_292 {strides = array<i32>} : memref<8000xi32, #tpu.memory_space<vmem>>, vector<16xi32>,
    } {sc.loop_unroll_factor = 8 : i64, sc.parallel_access}
    %dma_wait3A_79 = arith.constant 0 : i32
    %dma_wait3A_80 = tpu.memref_slice %arg11[%dma_wait3A_79] : memref<262144xf32, #tpu.memory_space<vmem_shared>> -> memref<262144xf32, #tpu.memory_space<vmem_shared>>
    tpu.wait_indirect_dma semaphore(%arg14 : memref<!tpu.dma_semaphore, #tpu.memory_space<semaphore_mem>>) src(%dma_wait3A_80 : memref<262144xf32, #tpu.memory_space<vmem_shared>>) dst(%arg10 : memref<8000xf32, #tpu.memory_space<vmem>>)
    %add3A_81 = arith.constant 32 : i32
    %add3A_82 = arith.addi %add3A_81, %add3A : i32
    %lt3A_83 = arith.constant 250 : i32
    %lt3A_84 = arith.cmpi slt, %add3A_82, %lt3A_83 : i32
    %sub3A_85 = arith.constant 32 : i32
    %sub3A_86 = arith.subi %add3A_82, %sub3A_85 : i32
    %select_n3A_87 = arith.select %lt3A_84, %add3A_82, %sub3A_86 : i32
    %mul3A_88 = arith.constant 8000 : i32
    %mul3A_89 = arith.muli %select_n3A_87, %mul3A_88 : i32
    %multiple_of3A_90 = tpu.assume_multiple %mul3A_89, 8 : i32
    %dma_start3A_91 = tpu.memref_slice %arg4[%multiple_of3A_90] : memref<2000000xf32, #tpu.memory_space<hbm>> -> memref<8000xf32, #tpu.memory_space<hbm>>
    %dma_start3A_92 = tpu.memref_slice %arg4[%multiple_of3A_90] : memref<2000000xf32, #tpu.memory_space<hbm>> -> memref<8000xf32, #tpu.memory_space<hbm>>
    tpu.enqueue_dma source(%arg10 : memref<8000xf32, #tpu.memory_space<vmem>>) target(%dma_start3A_92 : memref<8000xf32, #tpu.memory_space<hbm>>) target_semaphore(%arg16 : memref<!tpu.dma_semaphore, #tpu.memory_space<semaphore_mem>>)
    %dma_wait3A_93 = tpu.memref_slice %arg4[%multiple_of3A_57] : memref<2000000xf32, #tpu.memory_space<hbm>> -> memref<8000xf32, #tpu.memory_space<hbm>>
    %dma_wait3A_94 = tpu.memref_slice %arg4[%multiple_of3A_57] : memref<2000000xf32, #tpu.memory_space<hbm>> -> memref<8000xf32, #tpu.memory_space<hbm>>
    tpu.wait_dma2 semaphore(%arg15 : memref<!tpu.dma_semaphore, #tpu.memory_space<semaphore_mem>>) src(%arg9 : memref<8000xf32, #tpu.memory_space<vmem>>) dst(%dma_wait3A_94 : memref<8000xf32, #tpu.memory_space<hbm>>)
    %dma_start3A_95 = arith.constant 0 : i32
    %dma_start3A_96 = tpu.memref_slice %arg11[%dma_start3A_95] : memref<262144xf32, #tpu.memory_space<vmem_shared>> -> memref<262144xf32, #tpu.memory_space<vmem_shared>>
    tpu.enqueue_indirect_dma source(%dma_start3A_96 : memref<262144xf32, #tpu.memory_space<vmem_shared>>) target(%arg9 : memref<8000xf32, #tpu.memory_space<vmem>>) offsets(%arg7 : memref<8000xi32, #tpu.memory_space<vmem>>) semaphore(%arg14 : memref<!tpu.dma_semaphore, #tpu.memory_space<semaphore_mem>>)
    %add3A_97 = arith.constant 128 : i32
    %add3A_98 = arith.addi %add3A_97, %add3A : i32
    %lt3A_99 = arith.constant 250 : i32
    %lt3A_100 = arith.cmpi slt, %add3A_98, %lt3A_99 : i32
    %sub3A_101 = arith.constant 32 : i32
    %sub3A_102 = arith.subi %add3A_98, %sub3A_101 : i32
    %select_n3A_103 = arith.select %lt3A_100, %add3A_98, %sub3A_102 : i32
    %mul3A_104 = arith.constant 8000 : i32
    %mul3A_105 = arith.muli %select_n3A_103, %mul3A_104 : i32
    %multiple_of3A_106 = tpu.assume_multiple %mul3A_105, 8 : i32
    %dma_start3A_107 = tpu.memref_slice %arg2[%multiple_of3A_106] : memref<2000000xf32, #tpu.memory_space<hbm>> -> memref<8000xf32, #tpu.memory_space<hbm>>
    %dma_start3A_108 = tpu.memref_slice %arg2[%multiple_of3A_106] : memref<2000000xf32, #tpu.memory_space<hbm>> -> memref<8000xf32, #tpu.memory_space<hbm>>
    tpu.enqueue_dma source(%dma_start3A_108 : memref<8000xf32, #tpu.memory_space<hbm>>) target(%arg5 : memref<8000xf32, #tpu.memory_space<vmem>>) target_semaphore(%arg12 : memref<!tpu.dma_semaphore, #tpu.memory_space<semaphore_mem>>)
    %dma_wait3A_109 = tpu.memref_slice %arg2[%multiple_of3A_71] : memref<2000000xf32, #tpu.memory_space<hbm>> -> memref<8000xf32, #tpu.memory_space<hbm>>
    %dma_wait3A_110 = tpu.memref_slice %arg2[%multiple_of3A_71] : memref<2000000xf32, #tpu.memory_space<hbm>> -> memref<8000xf32, #tpu.memory_space<hbm>>
    tpu.wait_dma2 semaphore(%arg13 : memref<!tpu.dma_semaphore, #tpu.memory_space<semaphore_mem>>) src(%dma_wait3A_110 : memref<8000xf32, #tpu.memory_space<hbm>>) dst(%arg6 : memref<8000xf32, #tpu.memory_space<vmem>>)
    %parallel_loop3A_111 = arith.constant 0 : i32
    %parallel_loop3A_112 = arith.constant 500 : i32
    %parallel_loop3A_113 = arith.constant 1 : i32
    scf.for %parallel_loop3A_278 = %parallel_loop3A_111 to %parallel_loop3A_112 step %parallel_loop3A_113  : i32 {
      %parallel_loop3A_279 = arith.constant 16 : i32
      %parallel_loop3A_280 = arith.muli %parallel_loop3A_278, %parallel_loop3A_279 : i32
      %parallel_loop3A_281 = arith.index_cast %parallel_loop3A_280 : i32 to index
      %parallel_loop3A_282 = tpu.vector_load %arg6[%parallel_loop3A_281] {strides = array<i32>} : memref<8000xf32, #tpu.memory_space<vmem>>, vector<16xf32>,
      %parallel_loop3A_283 = arith.constant 2.621440e+05 : f32
      %parallel_loop3A_284 = vector.broadcast %parallel_loop3A_283 : f32 to vector<16xf32>
      %parallel_loop3A_285 = arith.mulf %parallel_loop3A_282, %parallel_loop3A_284 : vector<16xf32>
      %parallel_loop3A_286 = arith.fptosi %parallel_loop3A_285 : vector<16xf32> to vector<16xi32>
      %parallel_loop3A_287 = arith.constant 0 : i32
      %parallel_loop3A_288 = vector.broadcast %parallel_loop3A_287 : i32 to vector<16xi32>
      %parallel_loop3A_289 = arith.maxsi %parallel_loop3A_286, %parallel_loop3A_288 : vector<16xi32>
      %parallel_loop3A_290 = arith.constant 262143 : i32
      %parallel_loop3A_291 = vector.broadcast %parallel_loop3A_290 : i32 to vector<16xi32>
      %parallel_loop3A_292 = arith.minsi %parallel_loop3A_289, %parallel_loop3A_291 : vector<16xi32>
      %parallel_loop3A_293 = arith.constant 16 : i32
      %parallel_loop3A_294 = arith.muli %parallel_loop3A_278, %parallel_loop3A_293 : i32
      %parallel_loop3A_295 = arith.index_cast %parallel_loop3A_294 : i32 to index
      %parallel_loop3A_296 = tpu.vector_load %arg8[%parallel_loop3A_295] {strides = array<i32>} : memref<8000xi32, #tpu.memory_space<vmem>>, vector<16xi32>,
      tpu.vector_store %arg8[%parallel_loop3A_295], %parallel_loop3A_292 {strides = array<i32>} : memref<8000xi32, #tpu.memory_space<vmem>>, vector<16xi32>,
    } {sc.loop_unroll_factor = 8 : i64, sc.parallel_access}
    %dma_wait3A_114 = arith.constant 0 : i32
    %dma_wait3A_115 = tpu.memref_slice %arg11[%dma_wait3A_114] : memref<262144xf32, #tpu.memory_space<vmem_shared>> -> memref<262144xf32, #tpu.memory_space<vmem_shared>>
    tpu.wait_indirect_dma semaphore(%arg14 : memref<!tpu.dma_semaphore, #tpu.memory_space<semaphore_mem>>) src(%dma_wait3A_115 : memref<262144xf32, #tpu.memory_space<vmem_shared>>) dst(%arg9 : memref<8000xf32, #tpu.memory_space<vmem>>)
    %add3A_116 = arith.constant 64 : i32
    %add3A_117 = arith.addi %add3A_116, %add3A : i32
    %lt3A_118 = arith.constant 250 : i32
    %lt3A_119 = arith.cmpi slt, %add3A_117, %lt3A_118 : i32
    %sub3A_120 = arith.constant 32 : i32
    %sub3A_121 = arith.subi %add3A_117, %sub3A_120 : i32
    %select_n3A_122 = arith.select %lt3A_119, %add3A_117, %sub3A_121 : i32
    %mul3A_123 = arith.constant 8000 : i32
    %mul3A_124 = arith.muli %select_n3A_122, %mul3A_123 : i32
    %multiple_of3A_125 = tpu.assume_multiple %mul3A_124, 8 : i32
    %dma_start3A_126 = tpu.memref_slice %arg4[%multiple_of3A_125] : memref<2000000xf32, #tpu.memory_space<hbm>> -> memref<8000xf32, #tpu.memory_space<hbm>>
    %dma_start3A_127 = tpu.memref_slice %arg4[%multiple_of3A_125] : memref<2000000xf32, #tpu.memory_space<hbm>> -> memref<8000xf32, #tpu.memory_space<hbm>>
    tpu.enqueue_dma source(%arg9 : memref<8000xf32, #tpu.memory_space<vmem>>) target(%dma_start3A_127 : memref<8000xf32, #tpu.memory_space<hbm>>) target_semaphore(%arg15 : memref<!tpu.dma_semaphore, #tpu.memory_space<semaphore_mem>>)
    %dma_wait3A_128 = tpu.memref_slice %arg4[%multiple_of3A_90] : memref<2000000xf32, #tpu.memory_space<hbm>> -> memref<8000xf32, #tpu.memory_space<hbm>>
    %dma_wait3A_129 = tpu.memref_slice %arg4[%multiple_of3A_90] : memref<2000000xf32, #tpu.memory_space<hbm>> -> memref<8000xf32, #tpu.memory_space<hbm>>
    tpu.wait_dma2 semaphore(%arg16 : memref<!tpu.dma_semaphore, #tpu.memory_space<semaphore_mem>>) src(%arg10 : memref<8000xf32, #tpu.memory_space<vmem>>) dst(%dma_wait3A_129 : memref<8000xf32, #tpu.memory_space<hbm>>)
    %dma_start3A_130 = arith.constant 0 : i32
    %dma_start3A_131 = tpu.memref_slice %arg11[%dma_start3A_130] : memref<262144xf32, #tpu.memory_space<vmem_shared>> -> memref<262144xf32, #tpu.memory_space<vmem_shared>>
    tpu.enqueue_indirect_dma source(%dma_start3A_131 : memref<262144xf32, #tpu.memory_space<vmem_shared>>) target(%arg10 : memref<8000xf32, #tpu.memory_space<vmem>>) offsets(%arg8 : memref<8000xi32, #tpu.memory_space<vmem>>) semaphore(%arg14 : memref<!tpu.dma_semaphore, #tpu.memory_space<semaphore_mem>>)
    %add3A_132 = arith.constant 160 : i32
    %add3A_133 = arith.addi %add3A_132, %add3A : i32
    %lt3A_134 = arith.constant 250 : i32
    %lt3A_135 = arith.cmpi slt, %add3A_133, %lt3A_134 : i32
    %sub3A_136 = arith.constant 32 : i32
    %sub3A_137 = arith.subi %add3A_133, %sub3A_136 : i32
    %select_n3A_138 = arith.select %lt3A_135, %add3A_133, %sub3A_137 : i32
    %mul3A_139 = arith.constant 8000 : i32
    %mul3A_140 = arith.muli %select_n3A_138, %mul3A_139 : i32
    %multiple_of3A_141 = tpu.assume_multiple %mul3A_140, 8 : i32
    %dma_start3A_142 = tpu.memref_slice %arg2[%multiple_of3A_141] : memref<2000000xf32, #tpu.memory_space<hbm>> -> memref<8000xf32, #tpu.memory_space<hbm>>
    %dma_start3A_143 = tpu.memref_slice %arg2[%multiple_of3A_141] : memref<2000000xf32, #tpu.memory_space<hbm>> -> memref<8000xf32, #tpu.memory_space<hbm>>
    tpu.enqueue_dma source(%dma_start3A_143 : memref<8000xf32, #tpu.memory_space<hbm>>) target(%arg6 : memref<8000xf32, #tpu.memory_space<vmem>>) target_semaphore(%arg13 : memref<!tpu.dma_semaphore, #tpu.memory_space<semaphore_mem>>)
    %dma_wait3A_144 = tpu.memref_slice %arg2[%multiple_of3A_106] : memref<2000000xf32, #tpu.memory_space<hbm>> -> memref<8000xf32, #tpu.memory_space<hbm>>
    %dma_wait3A_145 = tpu.memref_slice %arg2[%multiple_of3A_106] : memref<2000000xf32, #tpu.memory_space<hbm>> -> memref<8000xf32, #tpu.memory_space<hbm>>
    tpu.wait_dma2 semaphore(%arg12 : memref<!tpu.dma_semaphore, #tpu.memory_space<semaphore_mem>>) src(%dma_wait3A_145 : memref<8000xf32, #tpu.memory_space<hbm>>) dst(%arg5 : memref<8000xf32, #tpu.memory_space<vmem>>)
    %parallel_loop3A_146 = arith.constant 0 : i32
    %parallel_loop3A_147 = arith.constant 500 : i32
    %parallel_loop3A_148 = arith.constant 1 : i32
    scf.for %parallel_loop3A_278 = %parallel_loop3A_146 to %parallel_loop3A_147 step %parallel_loop3A_148  : i32 {
      %parallel_loop3A_279 = arith.constant 16 : i32
      %parallel_loop3A_280 = arith.muli %parallel_loop3A_278, %parallel_loop3A_279 : i32
      %parallel_loop3A_281 = arith.index_cast %parallel_loop3A_280 : i32 to index
      %parallel_loop3A_282 = tpu.vector_load %arg5[%parallel_loop3A_281] {strides = array<i32>} : memref<8000xf32, #tpu.memory_space<vmem>>, vector<16xf32>,
      %parallel_loop3A_283 = arith.constant 2.621440e+05 : f32
      %parallel_loop3A_284 = vector.broadcast %parallel_loop3A_283 : f32 to vector<16xf32>
      %parallel_loop3A_285 = arith.mulf %parallel_loop3A_282, %parallel_loop3A_284 : vector<16xf32>
      %parallel_loop3A_286 = arith.fptosi %parallel_loop3A_285 : vector<16xf32> to vector<16xi32>
      %parallel_loop3A_287 = arith.constant 0 : i32
      %parallel_loop3A_288 = vector.broadcast %parallel_loop3A_287 : i32 to vector<16xi32>
      %parallel_loop3A_289 = arith.maxsi %parallel_loop3A_286, %parallel_loop3A_288 : vector<16xi32>
      %parallel_loop3A_290 = arith.constant 262143 : i32
      %parallel_loop3A_291 = vector.broadcast %parallel_loop3A_290 : i32 to vector<16xi32>
      %parallel_loop3A_292 = arith.minsi %parallel_loop3A_289, %parallel_loop3A_291 : vector<16xi32>
      %parallel_loop3A_293 = arith.constant 16 : i32
      %parallel_loop3A_294 = arith.muli %parallel_loop3A_278, %parallel_loop3A_293 : i32
      %parallel_loop3A_295 = arith.index_cast %parallel_loop3A_294 : i32 to index
      %parallel_loop3A_296 = tpu.vector_load %arg7[%parallel_loop3A_295] {strides = array<i32>} : memref<8000xi32, #tpu.memory_space<vmem>>, vector<16xi32>,
      tpu.vector_store %arg7[%parallel_loop3A_295], %parallel_loop3A_292 {strides = array<i32>} : memref<8000xi32, #tpu.memory_space<vmem>>, vector<16xi32>,
    } {sc.loop_unroll_factor = 8 : i64, sc.parallel_access}
    %dma_wait3A_149 = arith.constant 0 : i32
    %dma_wait3A_150 = tpu.memref_slice %arg11[%dma_wait3A_149] : memref<262144xf32, #tpu.memory_space<vmem_shared>> -> memref<262144xf32, #tpu.memory_space<vmem_shared>>
    tpu.wait_indirect_dma semaphore(%arg14 : memref<!tpu.dma_semaphore, #tpu.memory_space<semaphore_mem>>) src(%dma_wait3A_150 : memref<262144xf32, #tpu.memory_space<vmem_shared>>) dst(%arg10 : memref<8000xf32, #tpu.memory_space<vmem>>)
    %add3A_151 = arith.constant 96 : i32
    %add3A_152 = arith.addi %add3A_151, %add3A : i32
    %lt3A_153 = arith.constant 250 : i32
    %lt3A_154 = arith.cmpi slt, %add3A_152, %lt3A_153 : i32
    %sub3A_155 = arith.constant 32 : i32
    %sub3A_156 = arith.subi %add3A_152, %sub3A_155 : i32
    %select_n3A_157 = arith.select %lt3A_154, %add3A_152, %sub3A_156 : i32
    %mul3A_158 = arith.constant 8000 : i32
    %mul3A_159 = arith.muli %select_n3A_157, %mul3A_158 : i32
    %multiple_of3A_160 = tpu.assume_multiple %mul3A_159, 8 : i32
    %dma_start3A_161 = tpu.memref_slice %arg4[%multiple_of3A_160] : memref<2000000xf32, #tpu.memory_space<hbm>> -> memref<8000xf32, #tpu.memory_space<hbm>>
    %dma_start3A_162 = tpu.memref_slice %arg4[%multiple_of3A_160] : memref<2000000xf32, #tpu.memory_space<hbm>> -> memref<8000xf32, #tpu.memory_space<hbm>>
    tpu.enqueue_dma source(%arg10 : memref<8000xf32, #tpu.memory_space<vmem>>) target(%dma_start3A_162 : memref<8000xf32, #tpu.memory_space<hbm>>) target_semaphore(%arg16 : memref<!tpu.dma_semaphore, #tpu.memory_space<semaphore_mem>>)
    %dma_wait3A_163 = tpu.memref_slice %arg4[%multiple_of3A_125] : memref<2000000xf32, #tpu.memory_space<hbm>> -> memref<8000xf32, #tpu.memory_space<hbm>>
    %dma_wait3A_164 = tpu.memref_slice %arg4[%multiple_of3A_125] : memref<2000000xf32, #tpu.memory_space<hbm>> -> memref<8000xf32, #tpu.memory_space<hbm>>
    tpu.wait_dma2 semaphore(%arg15 : memref<!tpu.dma_semaphore, #tpu.memory_space<semaphore_mem>>) src(%arg9 : memref<8000xf32, #tpu.memory_space<vmem>>) dst(%dma_wait3A_164 : memref<8000xf32, #tpu.memory_space<hbm>>)
    %dma_start3A_165 = arith.constant 0 : i32
    %dma_start3A_166 = tpu.memref_slice %arg11[%dma_start3A_165] : memref<262144xf32, #tpu.memory_space<vmem_shared>> -> memref<262144xf32, #tpu.memory_space<vmem_shared>>
    tpu.enqueue_indirect_dma source(%dma_start3A_166 : memref<262144xf32, #tpu.memory_space<vmem_shared>>) target(%arg9 : memref<8000xf32, #tpu.memory_space<vmem>>) offsets(%arg7 : memref<8000xi32, #tpu.memory_space<vmem>>) semaphore(%arg14 : memref<!tpu.dma_semaphore, #tpu.memory_space<semaphore_mem>>)
    %add3A_167 = arith.constant 192 : i32
    %add3A_168 = arith.addi %add3A_167, %add3A : i32
    %lt3A_169 = arith.constant 250 : i32
    %lt3A_170 = arith.cmpi slt, %add3A_168, %lt3A_169 : i32
    %sub3A_171 = arith.constant 32 : i32
    %sub3A_172 = arith.subi %add3A_168, %sub3A_171 : i32
    %select_n3A_173 = arith.select %lt3A_170, %add3A_168, %sub3A_172 : i32
    %mul3A_174 = arith.constant 8000 : i32
    %mul3A_175 = arith.muli %select_n3A_173, %mul3A_174 : i32
    %multiple_of3A_176 = tpu.assume_multiple %mul3A_175, 8 : i32
    %dma_start3A_177 = tpu.memref_slice %arg2[%multiple_of3A_176] : memref<2000000xf32, #tpu.memory_space<hbm>> -> memref<8000xf32, #tpu.memory_space<hbm>>
    %dma_start3A_178 = tpu.memref_slice %arg2[%multiple_of3A_176] : memref<2000000xf32, #tpu.memory_space<hbm>> -> memref<8000xf32, #tpu.memory_space<hbm>>
    tpu.enqueue_dma source(%dma_start3A_178 : memref<8000xf32, #tpu.memory_space<hbm>>) target(%arg5 : memref<8000xf32, #tpu.memory_space<vmem>>) target_semaphore(%arg12 : memref<!tpu.dma_semaphore, #tpu.memory_space<semaphore_mem>>)
    %dma_wait3A_179 = tpu.memref_slice %arg2[%multiple_of3A_141] : memref<2000000xf32, #tpu.memory_space<hbm>> -> memref<8000xf32, #tpu.memory_space<hbm>>
    %dma_wait3A_180 = tpu.memref_slice %arg2[%multiple_of3A_141] : memref<2000000xf32, #tpu.memory_space<hbm>> -> memref<8000xf32, #tpu.memory_space<hbm>>
    tpu.wait_dma2 semaphore(%arg13 : memref<!tpu.dma_semaphore, #tpu.memory_space<semaphore_mem>>) src(%dma_wait3A_180 : memref<8000xf32, #tpu.memory_space<hbm>>) dst(%arg6 : memref<8000xf32, #tpu.memory_space<vmem>>)
    %parallel_loop3A_181 = arith.constant 0 : i32
    %parallel_loop3A_182 = arith.constant 500 : i32
    %parallel_loop3A_183 = arith.constant 1 : i32
    scf.for %parallel_loop3A_278 = %parallel_loop3A_181 to %parallel_loop3A_182 step %parallel_loop3A_183  : i32 {
      %parallel_loop3A_279 = arith.constant 16 : i32
      %parallel_loop3A_280 = arith.muli %parallel_loop3A_278, %parallel_loop3A_279 : i32
      %parallel_loop3A_281 = arith.index_cast %parallel_loop3A_280 : i32 to index
      %parallel_loop3A_282 = tpu.vector_load %arg6[%parallel_loop3A_281] {strides = array<i32>} : memref<8000xf32, #tpu.memory_space<vmem>>, vector<16xf32>,
      %parallel_loop3A_283 = arith.constant 2.621440e+05 : f32
      %parallel_loop3A_284 = vector.broadcast %parallel_loop3A_283 : f32 to vector<16xf32>
      %parallel_loop3A_285 = arith.mulf %parallel_loop3A_282, %parallel_loop3A_284 : vector<16xf32>
      %parallel_loop3A_286 = arith.fptosi %parallel_loop3A_285 : vector<16xf32> to vector<16xi32>
      %parallel_loop3A_287 = arith.constant 0 : i32
      %parallel_loop3A_288 = vector.broadcast %parallel_loop3A_287 : i32 to vector<16xi32>
      %parallel_loop3A_289 = arith.maxsi %parallel_loop3A_286, %parallel_loop3A_288 : vector<16xi32>
      %parallel_loop3A_290 = arith.constant 262143 : i32
      %parallel_loop3A_291 = vector.broadcast %parallel_loop3A_290 : i32 to vector<16xi32>
      %parallel_loop3A_292 = arith.minsi %parallel_loop3A_289, %parallel_loop3A_291 : vector<16xi32>
      %parallel_loop3A_293 = arith.constant 16 : i32
      %parallel_loop3A_294 = arith.muli %parallel_loop3A_278, %parallel_loop3A_293 : i32
      %parallel_loop3A_295 = arith.index_cast %parallel_loop3A_294 : i32 to index
      %parallel_loop3A_296 = tpu.vector_load %arg8[%parallel_loop3A_295] {strides = array<i32>} : memref<8000xi32, #tpu.memory_space<vmem>>, vector<16xi32>,
      tpu.vector_store %arg8[%parallel_loop3A_295], %parallel_loop3A_292 {strides = array<i32>} : memref<8000xi32, #tpu.memory_space<vmem>>, vector<16xi32>,
    } {sc.loop_unroll_factor = 8 : i64, sc.parallel_access}
    %dma_wait3A_184 = arith.constant 0 : i32
    %dma_wait3A_185 = tpu.memref_slice %arg11[%dma_wait3A_184] : memref<262144xf32, #tpu.memory_space<vmem_shared>> -> memref<262144xf32, #tpu.memory_space<vmem_shared>>
    tpu.wait_indirect_dma semaphore(%arg14 : memref<!tpu.dma_semaphore, #tpu.memory_space<semaphore_mem>>) src(%dma_wait3A_185 : memref<262144xf32, #tpu.memory_space<vmem_shared>>) dst(%arg9 : memref<8000xf32, #tpu.memory_space<vmem>>)
    %add3A_186 = arith.constant 128 : i32
    %add3A_187 = arith.addi %add3A_186, %add3A : i32
    %lt3A_188 = arith.constant 250 : i32
    %lt3A_189 = arith.cmpi slt, %add3A_187, %lt3A_188 : i32
    %sub3A_190 = arith.constant 32 : i32
    %sub3A_191 = arith.subi %add3A_187, %sub3A_190 : i32
    %select_n3A_192 = arith.select %lt3A_189, %add3A_187, %sub3A_191 : i32
    %mul3A_193 = arith.constant 8000 : i32
    %mul3A_194 = arith.muli %select_n3A_192, %mul3A_193 : i32
    %multiple_of3A_195 = tpu.assume_multiple %mul3A_194, 8 : i32
    %dma_start3A_196 = tpu.memref_slice %arg4[%multiple_of3A_195] : memref<2000000xf32, #tpu.memory_space<hbm>> -> memref<8000xf32, #tpu.memory_space<hbm>>
    %dma_start3A_197 = tpu.memref_slice %arg4[%multiple_of3A_195] : memref<2000000xf32, #tpu.memory_space<hbm>> -> memref<8000xf32, #tpu.memory_space<hbm>>
    tpu.enqueue_dma source(%arg9 : memref<8000xf32, #tpu.memory_space<vmem>>) target(%dma_start3A_197 : memref<8000xf32, #tpu.memory_space<hbm>>) target_semaphore(%arg15 : memref<!tpu.dma_semaphore, #tpu.memory_space<semaphore_mem>>)
    %dma_wait3A_198 = tpu.memref_slice %arg4[%multiple_of3A_160] : memref<2000000xf32, #tpu.memory_space<hbm>> -> memref<8000xf32, #tpu.memory_space<hbm>>
    %dma_wait3A_199 = tpu.memref_slice %arg4[%multiple_of3A_160] : memref<2000000xf32, #tpu.memory_space<hbm>> -> memref<8000xf32, #tpu.memory_space<hbm>>
    tpu.wait_dma2 semaphore(%arg16 : memref<!tpu.dma_semaphore, #tpu.memory_space<semaphore_mem>>) src(%arg10 : memref<8000xf32, #tpu.memory_space<vmem>>) dst(%dma_wait3A_199 : memref<8000xf32, #tpu.memory_space<hbm>>)
    %dma_start3A_200 = arith.constant 0 : i32
    %dma_start3A_201 = tpu.memref_slice %arg11[%dma_start3A_200] : memref<262144xf32, #tpu.memory_space<vmem_shared>> -> memref<262144xf32, #tpu.memory_space<vmem_shared>>
    tpu.enqueue_indirect_dma source(%dma_start3A_201 : memref<262144xf32, #tpu.memory_space<vmem_shared>>) target(%arg10 : memref<8000xf32, #tpu.memory_space<vmem>>) offsets(%arg8 : memref<8000xi32, #tpu.memory_space<vmem>>) semaphore(%arg14 : memref<!tpu.dma_semaphore, #tpu.memory_space<semaphore_mem>>)
    %add3A_202 = arith.constant 224 : i32
    %add3A_203 = arith.addi %add3A_202, %add3A : i32
    %lt3A_204 = arith.constant 250 : i32
    %lt3A_205 = arith.cmpi slt, %add3A_203, %lt3A_204 : i32
    %sub3A_206 = arith.constant 32 : i32
    %sub3A_207 = arith.subi %add3A_203, %sub3A_206 : i32
    %select_n3A_208 = arith.select %lt3A_205, %add3A_203, %sub3A_207 : i32
    %mul3A_209 = arith.constant 8000 : i32
    %mul3A_210 = arith.muli %select_n3A_208, %mul3A_209 : i32
    %multiple_of3A_211 = tpu.assume_multiple %mul3A_210, 8 : i32
    %dma_start3A_212 = tpu.memref_slice %arg2[%multiple_of3A_211] : memref<2000000xf32, #tpu.memory_space<hbm>> -> memref<8000xf32, #tpu.memory_space<hbm>>
    %dma_start3A_213 = tpu.memref_slice %arg2[%multiple_of3A_211] : memref<2000000xf32, #tpu.memory_space<hbm>> -> memref<8000xf32, #tpu.memory_space<hbm>>
    tpu.enqueue_dma source(%dma_start3A_213 : memref<8000xf32, #tpu.memory_space<hbm>>) target(%arg6 : memref<8000xf32, #tpu.memory_space<vmem>>) target_semaphore(%arg13 : memref<!tpu.dma_semaphore, #tpu.memory_space<semaphore_mem>>)
    %dma_wait3A_214 = tpu.memref_slice %arg2[%multiple_of3A_176] : memref<2000000xf32, #tpu.memory_space<hbm>> -> memref<8000xf32, #tpu.memory_space<hbm>>
    %dma_wait3A_215 = tpu.memref_slice %arg2[%multiple_of3A_176] : memref<2000000xf32, #tpu.memory_space<hbm>> -> memref<8000xf32, #tpu.memory_space<hbm>>
    tpu.wait_dma2 semaphore(%arg12 : memref<!tpu.dma_semaphore, #tpu.memory_space<semaphore_mem>>) src(%dma_wait3A_215 : memref<8000xf32, #tpu.memory_space<hbm>>) dst(%arg5 : memref<8000xf32, #tpu.memory_space<vmem>>)
    %parallel_loop3A_216 = arith.constant 0 : i32
    %parallel_loop3A_217 = arith.constant 500 : i32
    %parallel_loop3A_218 = arith.constant 1 : i32
    scf.for %parallel_loop3A_278 = %parallel_loop3A_216 to %parallel_loop3A_217 step %parallel_loop3A_218  : i32 {
      %parallel_loop3A_279 = arith.constant 16 : i32
      %parallel_loop3A_280 = arith.muli %parallel_loop3A_278, %parallel_loop3A_279 : i32
      %parallel_loop3A_281 = arith.index_cast %parallel_loop3A_280 : i32 to index
      %parallel_loop3A_282 = tpu.vector_load %arg5[%parallel_loop3A_281] {strides = array<i32>} : memref<8000xf32, #tpu.memory_space<vmem>>, vector<16xf32>,
      %parallel_loop3A_283 = arith.constant 2.621440e+05 : f32
      %parallel_loop3A_284 = vector.broadcast %parallel_loop3A_283 : f32 to vector<16xf32>
      %parallel_loop3A_285 = arith.mulf %parallel_loop3A_282, %parallel_loop3A_284 : vector<16xf32>
      %parallel_loop3A_286 = arith.fptosi %parallel_loop3A_285 : vector<16xf32> to vector<16xi32>
      %parallel_loop3A_287 = arith.constant 0 : i32
      %parallel_loop3A_288 = vector.broadcast %parallel_loop3A_287 : i32 to vector<16xi32>
      %parallel_loop3A_289 = arith.maxsi %parallel_loop3A_286, %parallel_loop3A_288 : vector<16xi32>
      %parallel_loop3A_290 = arith.constant 262143 : i32
      %parallel_loop3A_291 = vector.broadcast %parallel_loop3A_290 : i32 to vector<16xi32>
      %parallel_loop3A_292 = arith.minsi %parallel_loop3A_289, %parallel_loop3A_291 : vector<16xi32>
      %parallel_loop3A_293 = arith.constant 16 : i32
      %parallel_loop3A_294 = arith.muli %parallel_loop3A_278, %parallel_loop3A_293 : i32
      %parallel_loop3A_295 = arith.index_cast %parallel_loop3A_294 : i32 to index
      %parallel_loop3A_296 = tpu.vector_load %arg7[%parallel_loop3A_295] {strides = array<i32>} : memref<8000xi32, #tpu.memory_space<vmem>>, vector<16xi32>,
      tpu.vector_store %arg7[%parallel_loop3A_295], %parallel_loop3A_292 {strides = array<i32>} : memref<8000xi32, #tpu.memory_space<vmem>>, vector<16xi32>,
    } {sc.loop_unroll_factor = 8 : i64, sc.parallel_access}
    %dma_wait3A_219 = arith.constant 0 : i32
    %dma_wait3A_220 = tpu.memref_slice %arg11[%dma_wait3A_219] : memref<262144xf32, #tpu.memory_space<vmem_shared>> -> memref<262144xf32, #tpu.memory_space<vmem_shared>>
    tpu.wait_indirect_dma semaphore(%arg14 : memref<!tpu.dma_semaphore, #tpu.memory_space<semaphore_mem>>) src(%dma_wait3A_220 : memref<262144xf32, #tpu.memory_space<vmem_shared>>) dst(%arg10 : memref<8000xf32, #tpu.memory_space<vmem>>)
    %add3A_221 = arith.constant 160 : i32
    %add3A_222 = arith.addi %add3A_221, %add3A : i32
    %lt3A_223 = arith.constant 250 : i32
    %lt3A_224 = arith.cmpi slt, %add3A_222, %lt3A_223 : i32
    %sub3A_225 = arith.constant 32 : i32
    %sub3A_226 = arith.subi %add3A_222, %sub3A_225 : i32
    %select_n3A_227 = arith.select %lt3A_224, %add3A_222, %sub3A_226 : i32
    %mul3A_228 = arith.constant 8000 : i32
    %mul3A_229 = arith.muli %select_n3A_227, %mul3A_228 : i32
    %multiple_of3A_230 = tpu.assume_multiple %mul3A_229, 8 : i32
    %dma_start3A_231 = tpu.memref_slice %arg4[%multiple_of3A_230] : memref<2000000xf32, #tpu.memory_space<hbm>> -> memref<8000xf32, #tpu.memory_space<hbm>>
    %dma_start3A_232 = tpu.memref_slice %arg4[%multiple_of3A_230] : memref<2000000xf32, #tpu.memory_space<hbm>> -> memref<8000xf32, #tpu.memory_space<hbm>>
    tpu.enqueue_dma source(%arg10 : memref<8000xf32, #tpu.memory_space<vmem>>) target(%dma_start3A_232 : memref<8000xf32, #tpu.memory_space<hbm>>) target_semaphore(%arg16 : memref<!tpu.dma_semaphore, #tpu.memory_space<semaphore_mem>>)
    %dma_wait3A_233 = tpu.memref_slice %arg4[%multiple_of3A_195] : memref<2000000xf32, #tpu.memory_space<hbm>> -> memref<8000xf32, #tpu.memory_space<hbm>>
    %dma_wait3A_234 = tpu.memref_slice %arg4[%multiple_of3A_195] : memref<2000000xf32, #tpu.memory_space<hbm>> -> memref<8000xf32, #tpu.memory_space<hbm>>
    tpu.wait_dma2 semaphore(%arg15 : memref<!tpu.dma_semaphore, #tpu.memory_space<semaphore_mem>>) src(%arg9 : memref<8000xf32, #tpu.memory_space<vmem>>) dst(%dma_wait3A_234 : memref<8000xf32, #tpu.memory_space<hbm>>)
    %dma_start3A_235 = arith.constant 0 : i32
    %dma_start3A_236 = tpu.memref_slice %arg11[%dma_start3A_235] : memref<262144xf32, #tpu.memory_space<vmem_shared>> -> memref<262144xf32, #tpu.memory_space<vmem_shared>>
    tpu.enqueue_indirect_dma source(%dma_start3A_236 : memref<262144xf32, #tpu.memory_space<vmem_shared>>) target(%arg9 : memref<8000xf32, #tpu.memory_space<vmem>>) offsets(%arg7 : memref<8000xi32, #tpu.memory_space<vmem>>) semaphore(%arg14 : memref<!tpu.dma_semaphore, #tpu.memory_space<semaphore_mem>>)
    %dma_wait3A_237 = tpu.memref_slice %arg2[%multiple_of3A_211] : memref<2000000xf32, #tpu.memory_space<hbm>> -> memref<8000xf32, #tpu.memory_space<hbm>>
    %dma_wait3A_238 = tpu.memref_slice %arg2[%multiple_of3A_211] : memref<2000000xf32, #tpu.memory_space<hbm>> -> memref<8000xf32, #tpu.memory_space<hbm>>
    tpu.wait_dma2 semaphore(%arg13 : memref<!tpu.dma_semaphore, #tpu.memory_space<semaphore_mem>>) src(%dma_wait3A_238 : memref<8000xf32, #tpu.memory_space<hbm>>) dst(%arg6 : memref<8000xf32, #tpu.memory_space<vmem>>)
    %parallel_loop3A_239 = arith.constant 0 : i32
    %parallel_loop3A_240 = arith.constant 500 : i32
    %parallel_loop3A_241 = arith.constant 1 : i32
    scf.for %parallel_loop3A_278 = %parallel_loop3A_239 to %parallel_loop3A_240 step %parallel_loop3A_241  : i32 {
      %parallel_loop3A_279 = arith.constant 16 : i32
      %parallel_loop3A_280 = arith.muli %parallel_loop3A_278, %parallel_loop3A_279 : i32
      %parallel_loop3A_281 = arith.index_cast %parallel_loop3A_280 : i32 to index
      %parallel_loop3A_282 = tpu.vector_load %arg6[%parallel_loop3A_281] {strides = array<i32>} : memref<8000xf32, #tpu.memory_space<vmem>>, vector<16xf32>,
      %parallel_loop3A_283 = arith.constant 2.621440e+05 : f32
      %parallel_loop3A_284 = vector.broadcast %parallel_loop3A_283 : f32 to vector<16xf32>
      %parallel_loop3A_285 = arith.mulf %parallel_loop3A_282, %parallel_loop3A_284 : vector<16xf32>
      %parallel_loop3A_286 = arith.fptosi %parallel_loop3A_285 : vector<16xf32> to vector<16xi32>
      %parallel_loop3A_287 = arith.constant 0 : i32
      %parallel_loop3A_288 = vector.broadcast %parallel_loop3A_287 : i32 to vector<16xi32>
      %parallel_loop3A_289 = arith.maxsi %parallel_loop3A_286, %parallel_loop3A_288 : vector<16xi32>
      %parallel_loop3A_290 = arith.constant 262143 : i32
      %parallel_loop3A_291 = vector.broadcast %parallel_loop3A_290 : i32 to vector<16xi32>
      %parallel_loop3A_292 = arith.minsi %parallel_loop3A_289, %parallel_loop3A_291 : vector<16xi32>
      %parallel_loop3A_293 = arith.constant 16 : i32
      %parallel_loop3A_294 = arith.muli %parallel_loop3A_278, %parallel_loop3A_293 : i32
      %parallel_loop3A_295 = arith.index_cast %parallel_loop3A_294 : i32 to index
      %parallel_loop3A_296 = tpu.vector_load %arg8[%parallel_loop3A_295] {strides = array<i32>} : memref<8000xi32, #tpu.memory_space<vmem>>, vector<16xi32>,
      tpu.vector_store %arg8[%parallel_loop3A_295], %parallel_loop3A_292 {strides = array<i32>} : memref<8000xi32, #tpu.memory_space<vmem>>, vector<16xi32>,
    } {sc.loop_unroll_factor = 8 : i64, sc.parallel_access}
    %dma_wait3A_242 = arith.constant 0 : i32
    %dma_wait3A_243 = tpu.memref_slice %arg11[%dma_wait3A_242] : memref<262144xf32, #tpu.memory_space<vmem_shared>> -> memref<262144xf32, #tpu.memory_space<vmem_shared>>
    tpu.wait_indirect_dma semaphore(%arg14 : memref<!tpu.dma_semaphore, #tpu.memory_space<semaphore_mem>>) src(%dma_wait3A_243 : memref<262144xf32, #tpu.memory_space<vmem_shared>>) dst(%arg9 : memref<8000xf32, #tpu.memory_space<vmem>>)
    %add3A_244 = arith.constant 192 : i32
    %add3A_245 = arith.addi %add3A_244, %add3A : i32
    %lt3A_246 = arith.constant 250 : i32
    %lt3A_247 = arith.cmpi slt, %add3A_245, %lt3A_246 : i32
    %sub3A_248 = arith.constant 32 : i32
    %sub3A_249 = arith.subi %add3A_245, %sub3A_248 : i32
    %select_n3A_250 = arith.select %lt3A_247, %add3A_245, %sub3A_249 : i32
    %mul3A_251 = arith.constant 8000 : i32
    %mul3A_252 = arith.muli %select_n3A_250, %mul3A_251 : i32
    %multiple_of3A_253 = tpu.assume_multiple %mul3A_252, 8 : i32
    %dma_start3A_254 = tpu.memref_slice %arg4[%multiple_of3A_253] : memref<2000000xf32, #tpu.memory_space<hbm>> -> memref<8000xf32, #tpu.memory_space<hbm>>
    %dma_start3A_255 = tpu.memref_slice %arg4[%multiple_of3A_253] : memref<2000000xf32, #tpu.memory_space<hbm>> -> memref<8000xf32, #tpu.memory_space<hbm>>
    tpu.enqueue_dma source(%arg9 : memref<8000xf32, #tpu.memory_space<vmem>>) target(%dma_start3A_255 : memref<8000xf32, #tpu.memory_space<hbm>>) target_semaphore(%arg15 : memref<!tpu.dma_semaphore, #tpu.memory_space<semaphore_mem>>)
    %dma_wait3A_256 = tpu.memref_slice %arg4[%multiple_of3A_230] : memref<2000000xf32, #tpu.memory_space<hbm>> -> memref<8000xf32, #tpu.memory_space<hbm>>
    %dma_wait3A_257 = tpu.memref_slice %arg4[%multiple_of3A_230] : memref<2000000xf32, #tpu.memory_space<hbm>> -> memref<8000xf32, #tpu.memory_space<hbm>>
    tpu.wait_dma2 semaphore(%arg16 : memref<!tpu.dma_semaphore, #tpu.memory_space<semaphore_mem>>) src(%arg10 : memref<8000xf32, #tpu.memory_space<vmem>>) dst(%dma_wait3A_257 : memref<8000xf32, #tpu.memory_space<hbm>>)
    %dma_start3A_258 = arith.constant 0 : i32
    %dma_start3A_259 = tpu.memref_slice %arg11[%dma_start3A_258] : memref<262144xf32, #tpu.memory_space<vmem_shared>> -> memref<262144xf32, #tpu.memory_space<vmem_shared>>
    tpu.enqueue_indirect_dma source(%dma_start3A_259 : memref<262144xf32, #tpu.memory_space<vmem_shared>>) target(%arg10 : memref<8000xf32, #tpu.memory_space<vmem>>) offsets(%arg8 : memref<8000xi32, #tpu.memory_space<vmem>>) semaphore(%arg14 : memref<!tpu.dma_semaphore, #tpu.memory_space<semaphore_mem>>)
    %dma_wait3A_260 = arith.constant 0 : i32
    %dma_wait3A_261 = tpu.memref_slice %arg11[%dma_wait3A_260] : memref<262144xf32, #tpu.memory_space<vmem_shared>> -> memref<262144xf32, #tpu.memory_space<vmem_shared>>
    tpu.wait_indirect_dma semaphore(%arg14 : memref<!tpu.dma_semaphore, #tpu.memory_space<semaphore_mem>>) src(%dma_wait3A_261 : memref<262144xf32, #tpu.memory_space<vmem_shared>>) dst(%arg10 : memref<8000xf32, #tpu.memory_space<vmem>>)
    %add3A_262 = arith.constant 224 : i32
    %add3A_263 = arith.addi %add3A_262, %add3A : i32
    %lt3A_264 = arith.constant 250 : i32
    %lt3A_265 = arith.cmpi slt, %add3A_263, %lt3A_264 : i32
    %sub3A_266 = arith.constant 32 : i32
    %sub3A_267 = arith.subi %add3A_263, %sub3A_266 : i32
    %select_n3A_268 = arith.select %lt3A_265, %add3A_263, %sub3A_267 : i32
    %mul3A_269 = arith.constant 8000 : i32
    %mul3A_270 = arith.muli %select_n3A_268, %mul3A_269 : i32
    %multiple_of3A_271 = tpu.assume_multiple %mul3A_270, 8 : i32
    %dma_start3A_272 = tpu.memref_slice %arg4[%multiple_of3A_271] : memref<2000000xf32, #tpu.memory_space<hbm>> -> memref<8000xf32, #tpu.memory_space<hbm>>
    %dma_start3A_273 = tpu.memref_slice %arg4[%multiple_of3A_271] : memref<2000000xf32, #tpu.memory_space<hbm>> -> memref<8000xf32, #tpu.memory_space<hbm>>
    tpu.enqueue_dma source(%arg10 : memref<8000xf32, #tpu.memory_space<vmem>>) target(%dma_start3A_273 : memref<8000xf32, #tpu.memory_space<hbm>>) target_semaphore(%arg16 : memref<!tpu.dma_semaphore, #tpu.memory_space<semaphore_mem>>)
    %dma_wait3A_274 = tpu.memref_slice %arg4[%multiple_of3A_253] : memref<2000000xf32, #tpu.memory_space<hbm>> -> memref<8000xf32, #tpu.memory_space<hbm>>
    %dma_wait3A_275 = tpu.memref_slice %arg4[%multiple_of3A_253] : memref<2000000xf32, #tpu.memory_space<hbm>> -> memref<8000xf32, #tpu.memory_space<hbm>>
    tpu.wait_dma2 semaphore(%arg15 : memref<!tpu.dma_semaphore, #tpu.memory_space<semaphore_mem>>) src(%arg9 : memref<8000xf32, #tpu.memory_space<vmem>>) dst(%dma_wait3A_275 : memref<8000xf32, #tpu.memory_space<hbm>>)
    %dma_wait3A_276 = tpu.memref_slice %arg4[%multiple_of3A_271] : memref<2000000xf32, #tpu.memory_space<hbm>> -> memref<8000xf32, #tpu.memory_space<hbm>>
    %dma_wait3A_277 = tpu.memref_slice %arg4[%multiple_of3A_271] : memref<2000000xf32, #tpu.memory_space<hbm>> -> memref<8000xf32, #tpu.memory_space<hbm>>
    tpu.wait_dma2 semaphore(%arg16 : memref<!tpu.dma_semaphore, #tpu.memory_space<semaphore_mem>>) src(%arg10 : memref<8000xf32, #tpu.memory_space<vmem>>) dst(%dma_wait3A_277 : memref<8000xf32, #tpu.memory_space<hbm>>)
    return
  }
}

</mosaic_0001>

<sc_bundles>
// kernel: kernel.4.cloned.1.call-start
scs
__scs_entry_jumppad:
0x0: {  	(pc) =	sbr.rel $0x88, $3  }
0x1: {  	(tag) =	ssettag $0x0;
	lr =	simm.s32 $0x1  }
0x2: {  	[smem:$0x3F9F] =	sst lr;
	_ =	strace $0xD0000000  }
0x3: {  	_ = 	snop  }
0x4: {  	_ = 	snop  }
0x5: {  	_ = 	snop  }
0x6: {  	_ = 	snop  }
0x7: {  	_ = 	snop  }
__scs_overlays_trampoline_lowered:
0x8: {  	[smem:$0x3FAE] =	sst s0  }
0x9: {  	[smem:$0x3FAF] =	sst s1  }
0xa: {  	[smem:$0x3FB0] =	sst s2  }
0xb: {  	[smem:$0x3FB1] =	sst s3  }
0xc: {  	[smem:$0x3FB2] =	sst s4  }
0xd: {  	[smem:$0x3FB3] =	sst s5  }
0xe: {  	[smem:$0x3FB4] =	sst s6  }
0xf: {  	[smem:$0x3FB5] =	sst s7  }
0x10: {  	[smem:$0x3FB6] =	sst s8  }
0x11: {  	[smem:$0x3FB7] =	sst s9;
	s0 =	simm.s32 @!p0 $0x0  }
0x12: {  	s1 =	sld [smem:$0x3F9D];
	s0 =	simm.s32 @p0 $0x1  }
0x13: {  	[smem:$0x3FB8] =	sst s0;
	s0 =	simm.s32 @!p1 $0x0  }
0x14: {  	s2 =	sld [smem:$0x3F9C];
	s0 =	simm.s32 @p1 $0x1  }
0x15: {  	[smem:$0x3FB9] =	sst s0;
	s0 =	simm.s32 @!p2 $0x0  }
0x16: {  	s3 =	sld [smem:$0x3FDB];
	s0 =	simm.s32 @p2 $0x1  }
0x17: {  	s4 =	simm.s32 $0x1BF5;
	[smem:$0x3FBB] =	sst s0  }
0x18: {  	s0 =	sld [smem:$0x3F9E];
	_ =	swait.ge [sflag:s4], $0x0  }
0x19: {  	s7 =	sld [smem:$0x3F9F]  }
0x1a: {  	s8 =	sadd.s32 $0xFFFFE003, lr  }
0x1b: {  	s9 =	sadd.s32 $0xFFFFFEF7, lr;
	s5 =	simm.s32 $0xFFFFFFFF;
	p2 =	slt.u32 s8, $0xFFFFF086  }
0x1c: {  	p1 =	slt.u32 s9, $0xF7A;
	s5 =	simm.s32 @!p2 $0x0  }
0x1d: {  	s5 =	simm.s32 @p1 $0x1;
	p0 =	seq.s32 s7, s2  }
0x1e: {  	s7 =	smul.u32 @!p0 $0xF7A, s2;
	p2 =	seq.s32 @!p0 s5, $0x0  }
0x1f: {  	s9 =	smul.u32 $0xF7A, s1;
	s8 =	simm.s32 @!p0 $0x1BF5;
	p2 =	por !p2, p0  }
0x20: {  	[sflag:s8] =	ssyncset.s32 @!p0 $0xFFFFF086;
	s6 =	sadd.s32 @!p0 s3, s7;
	s7 =	simm.s32 @!p0 $0x108  }
0x21: {  	s3 =	sadd.s32 s3, s9;
	s6 =	sadd.s32 @!p0 $0x88, s6;
	s7 =	simm.s32 @p2 $0x1082  }
0x22: {  	[simem:s7], [sflag:s8] =	dma.local @!p0 [hbm:s6], $0xF7A  }
0x23: {  	s9 =	sor.u32 $0xD0000000, s2;
	s6 =	simm.s32 $0x108;
	_ =	swait.ge @!p0 [sflag:s8], $0x0  }
0x24: {  	s3 =	sadd.s32 $0x88, s3;
	s6 =	simm.s32 @!p1 $0x1082;
	[sflag:s4] =	ssyncset.s32 $0xFFFFF086  }
0x25: {  	[simem:s6], [sflag:s4] =	dma.local [hbm:s3], $0xF7A  }
0x26: {  	[smem:$0x3F9F] =	sst s1;
	(tag) =	ssettag s2;
	_ =	strace s9  }
0x27: {  	s1 =	sld [smem:$0x3FAF]  }
0x28: {  	s2 =	sld [smem:$0x3FB0]  }
0x29: {  	s4 =	sld [smem:$0x3FB2]  }
0x2a: {  	p0 =	seq.s32 s5, $0x0;
	s5 =	sld [smem:$0x3FB3]  }
0x2b: {  	s6 =	sld [smem:$0x3FB4]  }
0x2c: {  	s7 =	sld [smem:$0x3FB5]  }
0x2d: {  	s3 =	simm.s32 $0x108;
	s8 =	sld [smem:$0x3FB6]  }
0x2e: {  	s3 =	simm.s32 @!p0 $0x1082;
	s9 =	sld [smem:$0x3FB7]  }
0x2f: {  	lr =	sadd.s32 s0, s3;
	s0 =	sld [smem:$0x3FAE]  }
0x30: {  	s3 =	sld [smem:$0x3FB1]  }
0x31: {  	[smem:$0x3FBA] =	sst s10  }
0x32: {  	s10 =	sld [smem:$0x3FB8];
	_ =	sdelay $0x3  }
0x33: {  	p0 =	seq.s32 s10, $0x1;
	s10 =	sld [smem:$0x3FBA];
	_ =	sdelay $0x3  }
0x34: {  	[smem:$0x3FBA] =	sst s10  }
0x35: {  	s10 =	sld [smem:$0x3FB9];
	_ =	sdelay $0x3  }
0x36: {  	p1 =	seq.s32 s10, $0x1;
	s10 =	sld [smem:$0x3FBA];
	_ =	sdelay $0x3  }
0x37: {  	[smem:$0x3FBA] =	sst s10  }
0x38: {  	s10 =	sld [smem:$0x3FBB]  }
0x39: {  	_ = 	snop;
	(pc) =	sbr.ind lr, $3  }
0x3a: {  	_ = 	snop  }
0x3b: {  	_ = 	snop  }
0x3c: {  	p2 =	seq.s32 s10, $0x1;
	s10 =	sld [smem:$0x3FBA]  }
0x3d: {  	_ =	shalt  }
0x3e: {  	_ =	shalt  }
0x3f: {  	_ =	shalt  }
0x40: {  	_ =	shalt  }
0x41: {  	_ =	shalt  }
0x42: {  	_ =	shalt  }
0x43: {  	_ =	shalt  }
0x44: {  	_ =	shalt  }
0x45: {  	_ =	shalt  }
0x46: {  	_ =	shalt  }
0x47: {  	_ =	shalt  }
0x48: {  	_ =	shalt  }
0x49: {  	_ =	shalt  }
0x4a: {  	_ =	shalt  }
0x4b: {  	_ =	shalt  }
0x4c: {  	_ =	shalt  }
0x4d: {  	_ =	shalt  }
0x4e: {  	_ =	shalt  }
0x4f: {  	_ =	shalt  }
0x50: {  	_ =	shalt  }
0x51: {  	_ =	shalt  }
0x52: {  	_ =	shalt  }
0x53: {  	_ =	shalt  }
0x54: {  	_ =	shalt  }
0x55: {  	_ =	shalt  }
0x56: {  	_ =	shalt  }
0x57: {  	_ =	shalt  }
0x58: {  	_ =	shalt  }
0x59: {  	_ =	shalt  }
0x5a: {  	_ =	shalt  }
0x5b: {  	_ =	shalt  }
0x5c: {  	_ =	shalt  }
0x5d: {  	_ =	shalt  }
0x5e: {  	_ =	shalt  }
0x5f: {  	_ =	shalt  }
0x60: {  	_ =	shalt  }
0x61: {  	_ =	shalt  }
0x62: {  	_ =	shalt  }
0x63: {  	_ =	shalt  }
0x64: {  	_ =	shalt  }
0x65: {  	_ =	shalt  }
0x66: {  	_ =	shalt  }
0x67: {  	_ =	shalt  }
0x68: {  	_ =	shalt  }
0x69: {  	_ =	shalt  }
0x6a: {  	_ =	shalt  }
0x6b: {  	_ =	shalt  }
0x6c: {  	_ =	shalt  }
0x6d: {  	_ =	shalt  }
0x6e: {  	_ =	shalt  }
0x6f: {  	_ =	shalt  }
0x70: {  	_ =	shalt  }
0x71: {  	_ =	shalt  }
0x72: {  	_ =	shalt  }
0x73: {  	_ =	shalt  }
0x74: {  	_ =	shalt  }
0x75: {  	_ =	shalt  }
0x76: {  	_ =	shalt  }
0x77: {  	_ =	shalt  }
0x78: {  	_ =	shalt  }
0x79: {  	_ =	shalt  }
0x7a: {  	_ =	shalt  }
0x7b: {  	_ =	shalt  }
0x7c: {  	_ =	shalt  }
0x7d: {  	_ =	shalt  }
0x7e: {  	_ =	shalt  }
0x7f: {  	_ =	shalt  }
0x80: {  	_ =	shalt  }
0x81: {  	_ =	shalt  }
0x82: {  	_ =	shalt  }
0x83: {  	_ =	shalt  }
0x84: {  	_ =	shalt  }
0x85: {  	_ =	shalt  }
0x86: {  	_ =	shalt  }
0x87: {  	_ =	shalt  }
.Lfunc_end0:
.L_simem_size_0:
called_computation_lowered:
.L_overlay_start_0:
0x88: {  	s2 =	sld [smem:$0x3FD9]  }
0x89: {  	s3 =	sld [smem:$0x3FFE];
	_ =	sdelay $0x1  }
0x8a: {  	s1 =	srdreg.scid  }
0x8b: {  	s0 =	sand.u32 $0x1, s1  }
0x8c: {  	s17 =	sshll.u32 s0, $0xA;
	s2 =	sadd.s32 s3, s2  }
0x8d: {  	s2 =	sadd.s32 s2, s17  }
0x8e: {  	[smem:$0x3FC6] =	sst s2  }
0x8f: {  	_ = 	snop  }
0x90: {  	s2 =	sld [smem:$0x3FD0];
	(tm) =	ssettm $0x1  }
0x91: {  	s18 =	sld [smem:$0x3FFB];
	_ =	sdelay $0x3  }
0x92: {  	_ =	strace s18  }
0x93: {  	s3 =	sld [smem:$0x3FFC];
	_ =	sdelay $0x3  }
0x94: {  	_ =	strace s3  }
0x95: {  	s3 =	sld [smem:$0x3FFD];
	_ =	sdelay $0x3  }
0x96: {  	_ =	strace s3  }
0x97: {  	_ =	strace $0x8FFFFFFF  }
0x98: {  	s19 =	sld [smem:$0x3FDB];
	_ =	sdelay $0x1  }
0x99: {  	s4 =	simm.s32 $_scs_section_size  }
0x9a: {  	s5 =	simm.s32 $_size__tile_overlayer_lowered;
	s6 =	simm.s32 $_tile_overlayer_lowered  }
0x9b: {  	s22 =	simm.s32 $0x1BFF;
	s21 =	sshll.u32 s6, $0x1;
	s3 =	sadd.s32 s4, s19  }
0x9c: {  	s7 =	simm.s32 $0x0;
	s20 =	sshll.u32 s5, $0x1;
	s5 =	sadd.s32 s21, s3  }
0x9d: {  	[timem:s7], [sflag:s22] =	dma.local [hbm:s5], s20  }
0x9e: {  	_ =	swait.ge [sflag:s22], s20  }
0x9f: {  	s4 =	ssub.s32 $0x0, s20;
	[sflag:s22] =	ssyncset.done $0x0  }
0xa0: {  	[sflag:s22] =	ssyncadd.s32 s4;
	_ =	sdelay $0x1  }
0xa1: {  	s23 =	simm.s32 $0x1B8B  }
0xa2: {  	_ =	swait.ge [sflag:s23], $0x1  }
0xa3: {  	[sflag:s23] =	ssyncset.done $0x0  }
0xa4: {  	s25 =	simm.s32 $0x1B8E;
	s24 =	sld [smem:$0x3FFE];
	[sflag:s23] =	ssyncadd.s32 $0xFFFFFFFF  }
0xa5: {  	s26 =	simm.s32 $execute0_lowered;
	[smem:$0x3FD2] =	sst s25  }
0xa6: {  	s5 =	sshll.u32 s26, $0x1;
	_ =	strace $0x80000046;
	[dreg:$0x1] =	wrdreg $0xFFFFFFFF  }
0xa7: {  	s28 =	simm.s32 $_size_execute0_lowered;
	s3 =	sadd.s32 s3, s5;
	[dreg:$0x0] =	wrdreg $0x0  }
0xa8: {  	s5 =	sshll.u32 s28, $0x1;
	[dreg:$0x2] =	wrdreg s3  }
0xa9: {  	[dreg:$0x3] =	wrdreg s5  }
0xaa: {  	[dreg:$0x4] =	wrdreg $0xC0  }
0xab: {  	_ =	task [dreg:s7], $0x5FFFF  }
0xac: {  	[dreg:$0x1] =	wrdreg $0xFFFFFFFF  }
0xad: {  	[dreg:$0x0] =	wrdreg $0x60  }
0xae: {  	[dreg:$0x2] =	wrdreg s24  }
0xaf: {  	[dreg:$0x3] =	wrdreg s2  }
0xb0: {  	[dreg:$0x4] =	wrdreg $0x9  }
0xb1: {  	_ =	task.clear_ibuf [dreg:s7], $0x5FFFF;
	_ =	strace $0x90000046  }
0xb2: {  	s29 =	simm.s32 $0x9;
	_ =	strace $0x80000048  }
0xb3: {  	_ =	swait.ge [sflag:s29], $0x1  }
0xb4: {  	[sflag:s29] =	ssyncadd.s32 $0xFFFFFFFF  }
0xb5: {  	_ =	strace $0x90000048  }
0xb6: {  	_ =	sfence  }
0xb7: {  	s30 =	sld [smem:$0x0];
	_ =	sdelay $0x2  }
0xb8: {  	s31 =	sshll.u32 s1, $0xD;
	s1 =	sshrl.u32 s1, $0x2  }
0xb9: {  	s3 =	sand.u32 $0x4000, s31;
	s1 =	sadd.s32 s1, s30  }
0xba: {  	s0 =	sor.u32 s3, s0;
	s1 =	sshll.u32 s1, $0x11  }
0xbb: {  	s0 =	sor.u32 s1, s0  }
0xbc: {  	s0 =	sadd.s32 $0x8F2B, s0  }
0xbd: {  	[sflag:s0] =	ssyncadd.remote.s32 $0x1  }
0xbe: {  	_ =	sfence.sel $0xFFFF  }
0xbf: {  	[dreg:$0x0] =	wrdreg $0xFFFFFFFF;
	(pc) =	sbr.abs _section_cstart, $3  }
0xc0: {  	[dreg:$0x1] =	wrdreg $0xFFFFFFFF  }
0xc1: {  	_ =	task.clear_ibuf [dreg:s7], $0x2FFFF;
	_ =	strace $0x9FFFFFFF  }
0xc2: {  	(tm) =	ssettm $0x7FFFFFFF  }
0xc3: {  	_ =	shalt  }
tec
execute0_lowered:
.L_overlay_start_1:
0x0: {  	(tag) =	ssettag $0x1  }
0x1: {  	s1 =	rddreg [dreg:$0x0]  }
0x2: {  	s26 =	rddreg [dreg:$0x1]  }
0x3: {  	s0 =	srdreg.scid;
	s4 =	stileid.u32  }
0x4: {  	s3 =	simm.s32 $0x0;
	s31 =	simm.s32 $0x2;
	s2 =	sand.u32 $0x1, s0  }
0x5: {  	s19 =	sshll.u32 s4, $0xE;
	[smem:$0x7FF] =	sst s3;
	s20 =	sshll.u32 s2, $0xD  }
0x6: {  	s4 =	sadd.s32 $0xA00, s1;
	s2 =	ssub.s32 $0x2, s2;
	s0 =	sor.u32 s20, s19  }
0x7: {  	_ =	strace $0x80000047;
	s8 =	sshrl.u32 s2, $0x1;
	s5 =	sshrl.u32 s0, $0x3  }
0x8: {  	s6 =	sshrl.u32 s0, $0x1;
	s7 =	sshrl.u32 s0, $0x2;
	s2 =	ssub.s32 s2, s8  }
0x9: {  	s11 =	sshrl.u32 s0, $0x5;
	s15 =	sshrl.u32 s0, $0x6;
	s20 =	sshrl.u32 s0, $0x7  }
0xa: {  	s17 =	sshrl.u32 s0, $0x8;
	s1 =	sadd.s32 s5, s1;
	s6 =	sadd.s32 $0x1FFF8, s6  }
0xb: {  	s7 =	sadd.s32 $0xFFF8, s7;
	s5 =	sadd.s32 $0x7FF8, s5;
	s30 =	sadd.s32 $0xFF8, s15  }
0xc: {  	s9 =	sshrl.u32 s6, $0x3;
	s22 =	sshrl.u32 s7, $0x3;
	s24 =	sshrl.u32 s5, $0x3  }
0xd: {  	s16 =	sshrl.u32 s30, $0x3;
	s6 =	sshll.u32 s6, $0x1;
	s7 =	sshll.u32 s7, $0x1  }
0xe: {  	s5 =	sshll.u32 s5, $0x1;
	s21 =	sadd.s32 s4, s9;
	s9 =	sadd.s32 s26, s9  }
0xf: {  	s23 =	sadd.s32 s4, s22;
	s8 =	sadd.s32 s26, s22;
	s10 =	sadd.s32 s26, s24  }
0x10: {  	s22 =	sadd.s32 $0x1FF8, s11;
	s15 =	sadd.s32 s4, s16;
	[dreg:$0x3] =	wrdreg s21  }
0x11: {  	s16 =	sadd.s32 s26, s16;
	s6 =	ssub.s32 $0x3FFFE, s6;
	[dreg:$0x4] =	wrdreg s9  }
0x12: {  	s7 =	ssub.s32 $0x2203E, s7;
	s5 =	ssub.s32 $0x1307E, s5;
	[dreg:$0x5] =	wrdreg s23  }
0x13: {  	[dreg:$0x6] =	wrdreg s8;
	s23 =	sshrl.u32 s0, $0x4;
	s9 =	sadd.s32 s4, s24  }
0x14: {  	s14 =	sshrl.u32 s22, $0x3;
	s24 =	sadd.s32 $0x7F8, s20;
	s22 =	sshll.u32 s22, $0x1  }
0x15: {  	s8 =	sshll.u32 s30, $0x1;
	s21 =	sadd.s32 $0x3FF8, s23;
	s13 =	sadd.s32 s4, s14  }
0x16: {  	s14 =	sadd.s32 s26, s14;
	s18 =	sshrl.u32 s24, $0x3;
	s28 =	ssub.s32 $0x7CFE, s22  }
0x17: {  	v1 =	vlaneseq.u32;
	s24 =	sshll.u32 s24, $0x1;
	s8 =	ssub.s32 $0x5F3E, s8;
	s22 =	smax.u32 s2, $0x1  }
0x18: {  	v6 =	vand.u32 $0x3, v1;
	s23 =	sor.u32 $0x10, s23;
	s25 =	sshrl.u32 s21, $0x3;
	s21 =	sshll.u32 s21, $0x1  }
0x19: {  	v5 =	vmul.u32 $0x2, v1;
	v14 =	vmul.u32 $0x2, v6;
	s30 =	ssub.s32 $0x507E, s24;
	s24 =	sor.u32 $0x10, s0;
	v0 =	vmov s28;
	s28 =	simm.s32 $0x49C0  }
0x1a: {  	s11 =	sadd.s32 s4, s25;
	s12 =	sadd.s32 s26, s25;
	s25 =	sadd.s32 $0x3F8, s17  }
0x1b: {  	v11 =	vor.u32 $0x1, v5;
	v10 =	vor.u32 $0xFFFFFF98, v14;
	v12 =	vor.u32 $0xFFFFFFB8, v14;
	s0 =	simm.s32 $0x0;
	s17 =	sadd.s32 s4, s18;
	s20 =	sshrl.u32 s25, $0x3  }
0x1c: {  	v13 =	vor.u32 $0xFFFFFFD8, v14;
	v14 =	vor.u32 $0xFFFFFFF8, v14;
	v6 =	vmov s6;
	s18 =	sadd.s32 s26, s18;
	s25 =	sshll.u32 s25, $0x1;
	s19 =	sadd.s32 s4, s20  }
0x1d: {  	v7 =	vmov s7;
	v8 =	vmov s5;
	v2 =	vmov s8;
	s20 =	sadd.s32 s26, s20;
	s26 =	ssub.s32 $0xB8BE, s21;
	s29 =	ssub.s32 $0x493E, s25  }
0x1e: {  	v3 =	vmov s30;
	s21 =	sadd.s32 $0x8A00, s1;
	v4 =	vmov s29;
	v9 =	vmov s26;
	s26 =	simm.s32 $0x1;
	s29 =	simm.s32 $0x9380  }
.LBB2_1:
0x1f: {  	s1 =	rddreg [dreg:$0x3]  }
0x20: {  	[tilespmem:s3], [sflag:$0x1] =	stream.linear.gather [hbm4b:s1+s3], $0x1007, $0x38;
	[tilespmem:$0xB580] =	vst v63  }
0x21: {  	s5 =	rddreg [dreg:$0x4];
	s2 =	simm.s32 $0x1020  }
0x22: {  	[tilespmem:s2], [sflag:$0x1] =	stream.linear.gather [hbm4b:s5+s3], $0x1007, $0x38;
	[tilespmem:$0xB580] =	vst v63  }
0x23: {  	s6 =	rddreg [dreg:$0x5];
	s7 =	simm.s32 $0x2040  }
0x24: {  	[tilespmem:s7], [sflag:$0x1] =	stream.linear.gather [hbm4b:s6+s3], $0x820, $0x38;
	[tilespmem:$0xB580] =	vst v63  }
0x25: {  	s8 =	rddreg [dreg:$0x6];
	s25 =	simm.s32 $0x2860  }
0x26: {  	[tilespmem:s25], [sflag:$0x1] =	stream.linear.gather [hbm4b:s8+s3], $0x820, $0x38;
	[tilespmem:$0xB580] =	vst v63  }
0x27: {  	s5 =	simm.s32 $0x3080  }
0x28: {  	[tilespmem:s5], [sflag:$0x1] =	stream.linear.gather [hbm4b:s9+s3], $0x420, $0x38;
	[tilespmem:$0xB580] =	vst v63  }
0x29: {  	s6 =	simm.s32 $0x34A0  }
0x2a: {  	[tilespmem:s6], [sflag:$0x1] =	stream.linear.gather [hbm4b:s10+s3], $0x420, $0x38;
	[tilespmem:$0xB580] =	vst v63  }
0x2b: {  	s7 =	simm.s32 $0x38C0  }
0x2c: {  	[tilespmem:s7], [sflag:$0x1] =	stream.linear.gather [hbm4b:s11+s3], $0x220, $0x38;
	[tilespmem:$0xB580] =	vst v63  }
0x2d: {  	s8 =	simm.s32 $0x3AE0  }
0x2e: {  	[tilespmem:s8], [sflag:$0x1] =	stream.linear.gather [hbm4b:s12+s3], $0x220, $0x38;
	[tilespmem:$0xB580] =	vst v63  }
0x2f: {  	s25 =	simm.s32 $0x3D00  }
0x30: {  	[tilespmem:s25], [sflag:$0x1] =	stream.linear.gather [hbm4b:s13+s3], $0x120, $0x38;
	[tilespmem:$0xB580] =	vst v63  }
0x31: {  	s2 =	simm.s32 $0x3E20  }
0x32: {  	[tilespmem:s2], [sflag:$0x1] =	stream.linear.gather [hbm4b:s14+s3], $0x120, $0x38;
	[tilespmem:$0xB580] =	vst v63  }
0x33: {  	s5 =	simm.s32 $0x3F40  }
0x34: {  	[tilespmem:s5], [sflag:$0x1] =	stream.linear.gather [hbm4b:s15+s3], $0xA0, $0x38;
	[tilespmem:$0xB580] =	vst v63  }
0x35: {  	s6 =	simm.s32 $0x3FE0  }
0x36: {  	[tilespmem:s6], [sflag:$0x1] =	stream.linear.gather [hbm4b:s16+s3], $0xA0, $0x38;
	[tilespmem:$0xB580] =	vst v63  }
0x37: {  	s7 =	simm.s32 $0x4080  }
0x38: {  	[tilespmem:s7], [sflag:$0x1] =	stream.linear.gather [hbm4b:s17+s3], $0x60, $0x38;
	[tilespmem:$0xB580] =	vst v63  }
0x39: {  	s8 =	simm.s32 $0x40E0  }
0x3a: {  	[tilespmem:s8], [sflag:$0x1] =	stream.linear.gather [hbm4b:s18+s3], $0x60, $0x38;
	[tilespmem:$0xB580] =	vst v63  }
0x3b: {  	s25 =	simm.s32 $0x4140  }
0x3c: {  	[tilespmem:s25], [sflag:$0x1] =	stream.linear.gather [hbm4b:s19+s3], $0x40, $0x38;
	[tilespmem:$0xB580] =	vst v63  }
0x3d: {  	s2 =	simm.s32 $0x4180  }
0x3e: {  	[tilespmem:s2], [sflag:$0x1] =	stream.linear.gather [hbm4b:s20+s3], $0x40, $0x38;
	[tilespmem:$0xB580] =	vst v63  }
0x3f: {  	s5 =	simm.s32 $0x41C0  }
0x40: {  	[tilespmem:s5], [sflag:$0x1] =	stream.linear.gather [hbm4b:s4+s3], $0x400, $0x38;
	[tilespmem:$0xB580] =	vst v63  }
0x41: {  	s6 =	rddreg [dreg:$0x1];
	s7 =	simm.s32 $0x45C0  }
0x42: {  	[tilespmem:s7], [sflag:$0x1] =	stream.linear.gather [hbm4b:s6+s3], $0x400, $0x38;
	[tilespmem:$0xB580] =	vst v63  }
0x43: {  	_ =	swait.ge [sflag:s26], $0x1007  }
0x44: {  	[sflag:s26] =	ssyncset.done $0x0  }
0x45: {  	[sflag:s26] =	ssyncadd.s32 $0xFFFFEFF9  }
0x46: {  	_ =	swait.ge [sflag:s26], $0x1007  }
0x47: {  	[sflag:s26] =	ssyncset.done $0x0  }
0x48: {  	[sflag:s26] =	ssyncadd.s32 $0xFFFFEFF9  }
0x49: {  	_ =	swait.ge [sflag:s26], $0x820  }
0x4a: {  	[sflag:s26] =	ssyncset.done $0x0  }
0x4b: {  	[sflag:s26] =	ssyncadd.s32 $0xFFFFF7E0  }
0x4c: {  	_ =	swait.ge [sflag:s26], $0x820  }
0x4d: {  	[sflag:s26] =	ssyncset.done $0x0  }
0x4e: {  	[sflag:s26] =	ssyncadd.s32 $0xFFFFF7E0  }
0x4f: {  	_ =	swait.ge [sflag:s26], $0x420  }
0x50: {  	[sflag:s26] =	ssyncset.done $0x0  }
0x51: {  	[sflag:s26] =	ssyncadd.s32 $0xFFFFFBE0  }
0x52: {  	_ =	swait.ge [sflag:s26], $0x420  }
0x53: {  	[sflag:s26] =	ssyncset.done $0x0  }
0x54: {  	[sflag:s26] =	ssyncadd.s32 $0xFFFFFBE0  }
0x55: {  	_ =	swait.ge [sflag:s26], $0x220  }
0x56: {  	[sflag:s26] =	ssyncset.done $0x0  }
0x57: {  	[sflag:s26] =	ssyncadd.s32 $0xFFFFFDE0  }
0x58: {  	_ =	swait.ge [sflag:s26], $0x220  }
0x59: {  	[sflag:s26] =	ssyncset.done $0x0  }
0x5a: {  	[sflag:s26] =	ssyncadd.s32 $0xFFFFFDE0  }
0x5b: {  	_ =	swait.ge [sflag:s26], $0x120  }
0x5c: {  	[sflag:s26] =	ssyncset.done $0x0  }
0x5d: {  	[sflag:s26] =	ssyncadd.s32 $0xFFFFFEE0  }
0x5e: {  	_ =	swait.ge [sflag:s26], $0x120  }
0x5f: {  	[sflag:s26] =	ssyncset.done $0x0  }
0x60: {  	[sflag:s26] =	ssyncadd.s32 $0xFFFFFEE0  }
0x61: {  	_ =	swait.ge [sflag:s26], $0xA0  }
0x62: {  	[sflag:s26] =	ssyncset.done $0x0  }
0x63: {  	[sflag:s26] =	ssyncadd.s32 $0xFFFFFF60  }
0x64: {  	_ =	swait.ge [sflag:s26], $0xA0  }
0x65: {  	[sflag:s26] =	ssyncset.done $0x0  }
0x66: {  	[sflag:s26] =	ssyncadd.s32 $0xFFFFFF60  }
0x67: {  	_ =	swait.ge [sflag:s26], $0x60  }
0x68: {  	[sflag:s26] =	ssyncset.done $0x0  }
0x69: {  	[sflag:s26] =	ssyncadd.s32 $0xFFFFFFA0  }
0x6a: {  	_ =	swait.ge [sflag:s26], $0x60  }
0x6b: {  	[sflag:s26] =	ssyncset.done $0x0  }
0x6c: {  	[sflag:s26] =	ssyncadd.s32 $0xFFFFFFA0  }
0x6d: {  	_ =	swait.ge [sflag:s26], $0x40  }
0x6e: {  	[sflag:s26] =	ssyncset.done $0x0  }
0x6f: {  	[sflag:s26] =	ssyncadd.s32 $0xFFFFFFC0  }
0x70: {  	_ =	swait.ge [sflag:s26], $0x40  }
0x71: {  	[sflag:s26] =	ssyncset.done $0x0  }
0x72: {  	[sflag:s26] =	ssyncadd.s32 $0xFFFFFFC0  }
0x73: {  	_ =	swait.ge [sflag:s26], $0x400  }
0x74: {  	[sflag:s26] =	ssyncset.done $0x0  }
0x75: {  	[sflag:s26] =	ssyncadd.s32 $0xFFFFFC00  }
0x76: {  	_ =	swait.ge [sflag:s26], $0x400  }
0x77: {  	[sflag:s26] =	ssyncset.done $0x0  }
0x78: {  	s8 =	simm.s32 $0x1050;
	[sflag:s26] =	ssyncadd.s32 $0xFFFFFC00  }
0x79: {  	v15 =	vld [tilespmem:s8+$0xFFFFEFE0]  }
0x7a: {  	v16 =	vld [tilespmem:s8+$0x0]  }
0x7b: {  	v17 =	vld [tilespmem:s8+$0xFFFFFFD0]  }
0x7c: {  	v18 =	vld [tilespmem:s8+$0xFFFFEFC0]  }
0x7d: {  	v19 =	vld [tilespmem:s8+$0xFFFFFFE0]  }
0x7e: {  	v20 =	vld [tilespmem:s8+$0xFFFFEFD0]  }
0x7f: {  	v21 =	vld [tilespmem:s8+$0xFFFFFFF0]  }
0x80: {  	v22 =	vld [tilespmem:s8+$0xFFFFEFB0];
	_ =	sdelay $0x1  }
0x81: {  	v15 =	vadd.f32 $9.999999680e-21, v15;
	v16 =	vadd.f32 $9.999999680e-21, v16  }
0x82: {  	s25 =	simm.s32 $0x60;
	v17 =	vadd.f32 $9.999999680e-21, v17;
	v18 =	vadd.f32 $9.999999680e-21, v18  }
0x83: {  	v39 =	vor.u32 s25, v5;
	v19 =	vadd.f32 $9.999999680e-21, v19;
	v20 =	vadd.f32 $9.999999680e-21, v20  }
0x84: {  	v21 =	vadd.f32 $9.999999680e-21, v21;
	v22 =	vadd.f32 $9.999999680e-21, v22;
	v23 =	vand.u32 $0x7FFFFF, v15  }
0x85: {  	v24 =	vand.u32 $0x7FFFFF, v16;
	v26 =	vand.u32 $0x7FFFFF, v17;
	v28 =	vand.u32 $0x7FFFFF, v18  }
0x86: {  	v29 =	vand.u32 $0x7FFFFF, v19;
	v30 =	vand.u32 $0x7FFFFF, v20;
	v31 =	vand.u32 $0x7FFFFF, v21  }
0x87: {  	v32 =	vand.u32 $0x7FFFFF, v22;
	v22 =	vshra.s32 v22, $0x17;
	v15 =	vshra.s32 v15, $0x17  }
0x88: {  	v16 =	vshra.s32 v16, $0x17;
	v17 =	vshra.s32 v17, $0x17;
	v18 =	vshra.s32 v18, $0x17  }
0x89: {  	v19 =	vshra.s32 v19, $0x17;
	v20 =	vshra.s32 v20, $0x17;
	v23 =	vor.u32 $0x3F800000, v23  }
0x8a: {  	v21 =	vshra.s32 v21, $0x17;
	v24 =	vor.u32 $0x3F800000, v24;
	v25 =	vmul.f32 $4.342890900e-02, v23  }
0x8b: {  	v26 =	vor.u32 $0x3F800000, v26;
	v32 =	vor.u32 $0x3F800000, v32;
	v27 =	vmul.f32 $4.342890900e-02, v24  }
0x8c: {  	v28 =	vor.u32 $0x3F800000, v28;
	v29 =	vor.u32 $0x3F800000, v29;
	v25 =	vadd.f32 $-4.048671720e-01, v25  }
0x8d: {  	v30 =	vor.u32 $0x3F800000, v30;
	v31 =	vor.u32 $0x3F800000, v31;
	v27 =	vadd.f32 $-4.048671720e-01, v27  }
0x8e: {  	v15 =	vadd.s32 $0xFFFFFF81, v15;
	v16 =	vadd.s32 $0xFFFFFF81, v16;
	v25 =	vmul.f32 v23, v25  }
0x8f: {  	v22 =	vadd.s32 $0xFFFFFF81, v22;
	v58 =	vadd.s32 $0xFFFFFF81, v17;
	v27 =	vmul.f32 v24, v27  }
0x90: {  	v59 =	vadd.s32 $0xFFFFFF81, v18;
	v33 =	vmul.f32 $4.342890900e-02, v32;
	v25 =	vadd.f32 $1.593901400e+00, v25  }
0x91: {  	v34 =	vmul.f32 $4.342890900e-02, v26;
	v35 =	vmul.f32 $4.342890900e-02, v28;
	v27 =	vadd.f32 $1.593901400e+00, v27  }
0x92: {  	v60 =	vadd.s32 $0xFFFFFF81, v19;
	v36 =	vmul.f32 $4.342890900e-02, v29;
	v25 =	vmul.f32 v23, v25  }
0x93: {  	v62 =	vadd.s32 $0xFFFFFF81, v20;
	v37 =	vmul.f32 $4.342890900e-02, v30;
	v27 =	vmul.f32 v24, v27  }
0x94: {  	v38 =	vmul.f32 $4.342890900e-02, v31;
	v15 =	vcvt.s32.f32 v15;
	v25 =	vadd.f32 $-3.492494340e+00, v25  }
0x95: {  	v16 =	vcvt.s32.f32 v16;
	v63 =	vcvt.s32.f32 v22;
	v27 =	vadd.f32 $-3.492494340e+00, v27  }
0x96: {  	v21 =	vadd.s32 $0xFFFFFF81, v21;
	v18 =	vcvt.s32.f32 v58;
	v25 =	vmul.f32 v23, v25  }
0x97: {  	v33 =	vadd.f32 $-4.048671720e-01, v33;
	v34 =	vadd.f32 $-4.048671720e-01, v34;
	v27 =	vmul.f32 v24, v27  }
0x98: {  	v22 =	vcvt.s32.f32 v60;
	v35 =	vadd.f32 $-4.048671720e-01, v35;
	v25 =	vadd.f32 $5.046875950e+00, v25  }
0x99: {  	v21 =	vcvt.s32.f32 v21;
	v37 =	vadd.f32 $-4.048671720e-01, v37;
	v27 =	vadd.f32 $5.046875950e+00, v27  }
0x9a: {  	v36 =	vadd.f32 $-4.048671720e-01, v36;
	v33 =	vmul.f32 v32, v33;
	v23 =	vmul.f32 v23, v25  }
0x9b: {  	v38 =	vadd.f32 $-4.048671720e-01, v38;
	v51 =	vmul.f32 v30, v37;
	v24 =	vmul.f32 v24, v27  }
0x9c: {  	v34 =	vmul.f32 v26, v34;
	v50 =	vmul.f32 v29, v36;
	v23 =	vadd.f32 $-2.786813020e+00, v23  }
0x9d: {  	v52 =	vmul.f32 v31, v38;
	v55 =	vadd.f32 $1.593901400e+00, v51;
	v24 =	vadd.f32 $-2.786813020e+00, v24  }
0x9e: {  	v25 =	vand.u32 v14, v39;
	v27 =	vmul.f32 v28, v35;
	v15 =	vadd.f32 v15, v23  }
0x9f: {  	v35 =	vmul.f32 v30, v55;
	v16 =	vadd.f32 v16, v24;
	v24 =	vadd.f32 $1.593901400e+00, v33  }
0xa0: {  	v27 =	vadd.f32 $1.593901400e+00, v27;
	v53 =	vmul.f32 $6.931471820e-01, v15;
	v15 =	vadd.f32 $1.593901400e+00, v34  }
0xa1: {  	v54 =	vmul.f32 $6.931471820e-01, v16;
	v16 =	vmul.f32 v32, v24;
	v24 =	vadd.f32 $1.593901400e+00, v50  }
0xa2: {  	v27 =	vmul.f32 v28, v27;
	v33 =	vadd.f32 $1.593901400e+00, v52;
	v15 =	vmul.f32 v26, v15  }
0xa3: {  	v35 =	vadd.f32 $-3.492494340e+00, v35;
	v16 =	vadd.f32 $-3.492494340e+00, v16;
	v24 =	vmul.f32 v29, v24  }
0xa4: {  	v27 =	vadd.f32 $-3.492494340e+00, v27;
	v33 =	vmul.f32 v31, v33;
	v15 =	vadd.f32 $-3.492494340e+00, v15  }
0xa5: {  	v23 =	vor.u32 s25, v11;
	v16 =	vmul.f32 v32, v16;
	v24 =	vadd.f32 $-3.492494340e+00, v24  }
0xa6: {  	v27 =	vmul.f32 v28, v27;
	v33 =	vadd.f32 $-3.492494340e+00, v33;
	v15 =	vmul.f32 v26, v15  }
0xa7: {  	v35 =	vmul.f32 v30, v35;
	v16 =	vadd.f32 $5.046875950e+00, v16;
	v24 =	vmul.f32 v29, v24  }
0xa8: {  	v27 =	vadd.f32 $5.046875950e+00, v27;
	v33 =	vmul.f32 v31, v33;
	v15 =	vadd.f32 $5.046875950e+00, v15  }
0xa9: {  	v56 =	vadd.f32 $5.046875950e+00, v35;
	v16 =	vmul.f32 v32, v16;
	v24 =	vadd.f32 $5.046875950e+00, v24  }
0xaa: {  	v15 =	vmul.f32 v26, v15;
	v26 =	vmul.f32 v28, v27;
	v27 =	vadd.f32 $5.046875950e+00, v33  }
0xab: {  	v57 =	vmul.f32 v30, v56;
	v24 =	vmul.f32 v29, v24;
	v61 =	vadd.f32 $-2.786813020e+00, v16  }
0xac: {  	s30 =	simm.s32 $0x0;
	v27 =	vmul.f32 v31, v27;
	v17 =	vadd.f32 $-2.786813020e+00, v15;
	v20 =	vadd.f32 $-2.786813020e+00, v26  }
0xad: {  	s1 =	simm.s32 $0x2000;
	s2 =	simm.s32 $0x0;
	s5 =	simm.s32 $0x1090;
	[tilespmem:v25+s28+$0x0] =	vst.idx.msk $0xffff, v53;
	v25 =	vcvt.s32.f32 v59;
	v19 =	vadd.f32 $-2.786813020e+00, v24;
	v15 =	vadd.f32 $-2.786813020e+00, v57  }
0xae: {  	s7 =	simm.s32 $0x20;
	s6 =	simm.s32 $0x40;
	s25 =	simm.s32 $0x2020;
	[tilespmem:v23+s28+$0x0] =	vst.idx.msk $0xffff, v54;
	v23 =	vcvt.s32.f32 v62;
	v24 =	vadd.f32 v63, v61;
	v16 =	vadd.f32 $-2.786813020e+00, v27  }
.LBB2_2:
0xaf: {  	v26 =	vld [tilespmem:s5+$0xFFFFEFE0];
	v17 =	vadd.f32 v18, v17;
	v18 =	vor.u32 s7, v5;
	v20 =	vadd.f32 v25, v20  }
0xb0: {  	s30 =	sadd.s32 $0x4, s30;
	v19 =	vadd.f32 v22, v19;
	v25 =	vld [tilespmem:s5+$0x0];
	v24 =	vmul.f32 $6.931471820e-01, v24;
	v15 =	vadd.f32 v23, v15  }
0xb1: {  	p0 =	slt.u32 s30, $0xFC;
	v16 =	vadd.f32 v21, v16;
	v22 =	vld [tilespmem:s5+$0xFFFFFFD0];
	v23 =	vmul.f32 $6.931471820e-01, v17;
	v20 =	vmul.f32 $6.931471820e-01, v20  }
0xb2: {  	v21 =	vmul.f32 $6.931471820e-01, v19;
	v19 =	vor.u32 s6, v5;
	v17 =	vld [tilespmem:s5+$0xFFFFEFC0];
	v27 =	vmul.f32 $6.931471820e-01, v15  }
0xb3: {  	v18 =	vand.u32 v12, v18;
	v15 =	vor.u32 s2, v5;
	v29 =	vmul.f32 $6.931471820e-01, v16;
	v28 =	vld [tilespmem:s5+$0xFFFFFFE0]  }
0xb4: {  	v32 =	vand.u32 v13, v19;
	v31 =	vand.u32 v10, v15;
	v30 =	vld [tilespmem:s5+$0xFFFFEFD0];
	v26 =	vadd.f32 $9.999999680e-21, v26  }
0xb5: {  	v33 =	vor.u32 s7, v11;
	v34 =	vor.u32 s6, v11;
	v19 =	vld [tilespmem:s5+$0xFFFFFFF0];
	v25 =	vadd.f32 $9.999999680e-21, v25  }
0xb6: {  	v36 =	vor.u32 s2, v11;
	v35 =	vld [tilespmem:s5+$0xFFFFEFB0];
	v15 =	vadd.f32 $9.999999680e-21, v22;
	v22 =	vand.u32 $0x7FFFFF, v26  }
0xb7: {  	v16 =	vadd.f32 $9.999999680e-21, v17;
	v22 =	vor.u32 $0x3F800000, v22;
	v37 =	vand.u32 $0x7FFFFF, v25  }
0xb8: {  	v17 =	vadd.f32 $9.999999680e-21, v28;
	v28 =	vmul.f32 $4.342890900e-02, v22;
	v37 =	vor.u32 $0x3F800000, v37;
	[tilespmem:v18+s28+$0x0] =	vst.idx.msk $0xffff, v20  }
0xb9: {  	v20 =	vand.u32 $0x7FFFFF, v15;
	v18 =	vadd.f32 $9.999999680e-21, v30;
	v30 =	vmul.f32 $4.342890900e-02, v37;
	[tilespmem:v31+s28+$0x0] =	vst.idx.msk $0xffff, v24  }
0xba: {  	v24 =	vand.u32 $0x7FFFFF, v16;
	v19 =	vadd.f32 $9.999999680e-21, v19;
	v28 =	vadd.f32 $-4.048671720e-01, v28;
	[tilespmem:v33+s28+$0x0] =	vst.idx.msk $0xffff, v21  }
0xbb: {  	v31 =	vand.u32 $0x7FFFFF, v17;
	v21 =	vadd.f32 $9.999999680e-21, v35;
	v30 =	vadd.f32 $-4.048671720e-01, v30;
	[tilespmem:v36+s28+$0x0] =	vst.idx.msk $0xffff, v23  }
0xbc: {  	v23 =	vand.u32 $0x7FFFFF, v18;
	v33 =	vand.u32 $0x7FFFFF, v19;
	v28 =	vmul.f32 v22, v28;
	[tilespmem:v32+s28+$0x0] =	vst.idx.msk $0xffff, v27  }
0xbd: {  	v20 =	vor.u32 $0x3F800000, v20;
	v27 =	vand.u32 $0x7FFFFF, v21;
	v30 =	vmul.f32 v37, v30;
	[tilespmem:v34+s28+$0x0] =	vst.idx.msk $0xffff, v29  }
0xbe: {  	v24 =	vor.u32 $0x3F800000, v24;
	v27 =	vor.u32 $0x3F800000, v27;
	v28 =	vadd.f32 $1.593901400e+00, v28  }
0xbf: {  	v23 =	vor.u32 $0x3F800000, v23;
	v29 =	vor.u32 $0x3F800000, v31;
	v30 =	vadd.f32 $1.593901400e+00, v30  }
0xc0: {  	v32 =	vor.u32 $0x3F800000, v33;
	v31 =	vmul.f32 $4.342890900e-02, v27;
	v28 =	vmul.f32 v22, v28  }
0xc1: {  	v21 =	vshra.s32 v21, $0x17;
	v33 =	vmul.f32 $4.342890900e-02, v20;
	v30 =	vmul.f32 v37, v30  }
0xc2: {  	v34 =	vmul.f32 $4.342890900e-02, v24;
	v35 =	vmul.f32 $4.342890900e-02, v29;
	v28 =	vadd.f32 $-3.492494340e+00, v28  }
0xc3: {  	v36 =	vmul.f32 $4.342890900e-02, v23;
	v38 =	vmul.f32 $4.342890900e-02, v32;
	v30 =	vadd.f32 $-3.492494340e+00, v30  }
0xc4: {  	v33 =	vadd.f32 $-4.048671720e-01, v33;
	v31 =	vadd.f32 $-4.048671720e-01, v31;
	v28 =	vmul.f32 v22, v28  }
0xc5: {  	v34 =	vadd.f32 $-4.048671720e-01, v34;
	v35 =	vadd.f32 $-4.048671720e-01, v35;
	v30 =	vmul.f32 v37, v30  }
0xc6: {  	s2 =	sadd.s32 $0x80, s2;
	v36 =	vadd.f32 $-4.048671720e-01, v36;
	v31 =	vmul.f32 v27, v31;
	v28 =	vadd.f32 $5.046875950e+00, v28  }
0xc7: {  	s7 =	sadd.s32 $0x20, s2;
	s6 =	sadd.s32 $0x40, s2;
	s8 =	sadd.s32 $0x60, s2;
	v38 =	vadd.f32 $-4.048671720e-01, v38;
	v33 =	vmul.f32 v20, v33;
	v30 =	vadd.f32 $5.046875950e+00, v30  }
0xc8: {  	v39 =	vor.u32 s8, v5;
	v26 =	vshra.s32 v26, $0x17;
	v22 =	vmul.f32 v22, v28  }
0xc9: {  	v26 =	vadd.s32 $0xFFFFFF81, v26;
	v25 =	vshra.s32 v25, $0x17;
	v28 =	vmul.f32 v37, v30  }
0xca: {  	v26 =	vcvt.s32.f32 v26;
	v25 =	vadd.s32 $0xFFFFFF81, v25;
	v22 =	vadd.f32 $-2.786813020e+00, v22  }
0xcb: {  	v25 =	vcvt.s32.f32 v25;
	v30 =	vand.u32 v14, v39;
	v28 =	vadd.f32 $-2.786813020e+00, v28  }
0xcc: {  	v34 =	vmul.f32 v24, v34;
	v22 =	vadd.f32 v26, v22;
	v26 =	vor.u32 s8, v11  }
0xcd: {  	v36 =	vmul.f32 v23, v36;
	v35 =	vmul.f32 v29, v35;
	v25 =	vadd.f32 v25, v28  }
0xce: {  	v28 =	vadd.f32 $1.593901400e+00, v31;
	v31 =	vmul.f32 v32, v38;
	v22 =	vmul.f32 $6.931471820e-01, v22  }
0xcf: {  	v33 =	vadd.f32 $1.593901400e+00, v33;
	v34 =	vadd.f32 $1.593901400e+00, v34;
	v25 =	vmul.f32 $6.931471820e-01, v25  }
0xd0: {  	v36 =	vadd.f32 $1.593901400e+00, v36;
	v35 =	vadd.f32 $1.593901400e+00, v35;
	v28 =	vmul.f32 v27, v28;
	[tilespmem:v30+s28+$0x0] =	vst.idx.msk $0xffff, v22  }
0xd1: {  	v31 =	vadd.f32 $1.593901400e+00, v31;
	v22 =	vmul.f32 v20, v33;
	v30 =	vmul.f32 v24, v34;
	[tilespmem:v26+s28+$0x0] =	vst.idx.msk $0xffff, v25  }
0xd2: {  	v25 =	vadd.f32 $-3.492494340e+00, v28;
	v26 =	vmul.f32 v29, v35;
	v28 =	vmul.f32 v23, v36  }
0xd3: {  	v31 =	vmul.f32 v32, v31;
	v22 =	vadd.f32 $-3.492494340e+00, v22;
	v30 =	vadd.f32 $-3.492494340e+00, v30  }
0xd4: {  	v25 =	vmul.f32 v27, v25;
	v26 =	vadd.f32 $-3.492494340e+00, v26;
	v28 =	vadd.f32 $-3.492494340e+00, v28  }
0xd5: {  	v31 =	vadd.f32 $-3.492494340e+00, v31;
	v22 =	vmul.f32 v20, v22;
	v30 =	vmul.f32 v24, v30  }
0xd6: {  	v25 =	vadd.f32 $5.046875950e+00, v25;
	v26 =	vmul.f32 v29, v26;
	v28 =	vmul.f32 v23, v28  }
0xd7: {  	v31 =	vmul.f32 v32, v31;
	v22 =	vadd.f32 $5.046875950e+00, v22;
	v30 =	vadd.f32 $5.046875950e+00, v30  }
0xd8: {  	v25 =	vmul.f32 v27, v25;
	v26 =	vadd.f32 $5.046875950e+00, v26;
	v27 =	vadd.f32 $5.046875950e+00, v28  }
0xd9: {  	v20 =	vmul.f32 v20, v22;
	v22 =	vmul.f32 v24, v30;
	v24 =	vadd.f32 $5.046875950e+00, v31  }
0xda: {  	v15 =	vshra.s32 v15, $0x17;
	v26 =	vmul.f32 v29, v26;
	v23 =	vmul.f32 v23, v27  }
0xdb: {  	v16 =	vshra.s32 v16, $0x17;
	v17 =	vshra.s32 v17, $0x17;
	v24 =	vmul.f32 v32, v24  }
0xdc: {  	v18 =	vshra.s32 v18, $0x17;
	v19 =	vshra.s32 v19, $0x17;
	v21 =	vadd.s32 $0xFFFFFF81, v21  }
0xdd: {  	v15 =	vadd.s32 $0xFFFFFF81, v15;
	v16 =	vadd.s32 $0xFFFFFF81, v16;
	v27 =	vadd.s32 $0xFFFFFF81, v17  }
.Ltmp0:
0xde: {  	v30 =	vadd.s32 $0xFFFFFF81, v19;
	v28 =	vadd.f32 $-2.786813020e+00, v25;
	v29 =	vadd.s32 $0xFFFFFF81, v18;
	(pc) =	sbr.rel @p0 .LBB2_2-.Ltmp0, $4  }
0xdf: {  	v21 =	vcvt.s32.f32 v21;
	v17 =	vadd.f32 $-2.786813020e+00, v20;
	v20 =	vadd.f32 $-2.786813020e+00, v22  }
0xe0: {  	v18 =	vcvt.s32.f32 v15;
	v19 =	vadd.f32 $-2.786813020e+00, v26;
	v15 =	vadd.f32 $-2.786813020e+00, v23  }
0xe1: {  	v25 =	vcvt.s32.f32 v16;
	v22 =	vcvt.s32.f32 v27;
	v16 =	vadd.f32 $-2.786813020e+00, v24  }
0xe2: {  	s5 =	sadd.s32 $0x40, s5;
	v23 =	vcvt.s32.f32 v29;
	v24 =	vadd.f32 v21, v28;
	v21 =	vcvt.s32.f32 v30  }
0xe3: {  	v26 =	vor.u32 s7, v5  }
0xe4: {  	v27 =	vor.u32 s2, v5;
	v26 =	vand.u32 v12, v26  }
0xe5: {  	v20 =	vadd.f32 v25, v20;
	v60 =	vor.u32 s6, v5;
	v58 =	vand.u32 v10, v27  }
0xe6: {  	v62 =	vand.u32 v13, v60  }
0xe7: {  	v59 =	vor.u32 s7, v11;
	v15 =	vadd.f32 v23, v15;
	v20 =	vmul.f32 $6.931471820e-01, v20  }
0xe8: {  	v19 =	vadd.f32 v22, v19;
	v28 =	vor.u32 s2, v11;
	v61 =	vmul.f32 $6.931471820e-01, v24  }
0xe9: {  	v17 =	vadd.f32 v18, v17;
	v63 =	vor.u32 s6, v11;
	v15 =	vmul.f32 $6.931471820e-01, v15;
	[tilespmem:v26+s28+$0x0] =	vst.idx.msk $0xffff, v20  }
0xea: {  	v16 =	vadd.f32 v21, v16;
	v19 =	vmul.f32 $6.931471820e-01, v19;
	[tilespmem:v58+s28+$0x0] =	vst.idx.msk $0xffff, v61  }
0xeb: {  	v17 =	vmul.f32 $6.931471820e-01, v17;
	[tilespmem:v62+s28+$0x0] =	vst.idx.msk $0xffff, v15  }
0xec: {  	v16 =	vmul.f32 $6.931471820e-01, v16;
	[tilespmem:v59+s28+$0x0] =	vst.idx.msk $0xffff, v19  }
0xed: {  	[tilespmem:v28+s28+$0x0] =	vst.idx.msk $0xffff, v17  }
0xee: {  	[tilespmem:v63+s28+$0x0] =	vst.idx.msk $0xffff, v16  }
.LBB2_4:
0xef: {  	v15 =	vld [tilespmem:s25+$0xFFFFEFE0]  }
0xf0: {  	v16 =	vld [tilespmem:s25+$0x0];
	_ =	sdelay $0x3  }
0xf1: {  	v15 =	vadd.f32 $9.999999680e-21, v15  }
0xf2: {  	v16 =	vadd.f32 $9.999999680e-21, v16  }
0xf3: {  	v17 =	vand.u32 $0x7FFFFF, v15  }
0xf4: {  	v18 =	vand.u32 $0x7FFFFF, v16;
	v17 =	vor.u32 $0x3F800000, v17  }
0xf5: {  	v18 =	vor.u32 $0x3F800000, v18;
	v19 =	vmul.f32 $4.342890900e-02, v17  }
0xf6: {  	v20 =	vmul.f32 $4.342890900e-02, v18  }
0xf7: {  	v19 =	vadd.f32 $-4.048671720e-01, v19  }
0xf8: {  	v20 =	vadd.f32 $-4.048671720e-01, v20  }
0xf9: {  	v19 =	vmul.f32 v17, v19  }
0xfa: {  	v20 =	vmul.f32 v18, v20  }
0xfb: {  	v19 =	vadd.f32 $1.593901400e+00, v19  }
0xfc: {  	v20 =	vadd.f32 $1.593901400e+00, v20  }
0xfd: {  	v19 =	vmul.f32 v17, v19  }
0xfe: {  	v20 =	vmul.f32 v18, v20  }
0xff: {  	v19 =	vadd.f32 $-3.492494340e+00, v19  }
0x100: {  	v20 =	vadd.f32 $-3.492494340e+00, v20  }
0x101: {  	v19 =	vmul.f32 v17, v19  }
0x102: {  	v20 =	vmul.f32 v18, v20  }
0x103: {  	v19 =	vadd.f32 $5.046875950e+00, v19  }
0x104: {  	v20 =	vadd.f32 $5.046875950e+00, v20  }
0x105: {  	v62 =	vor.u32 s1, v5;
	v15 =	vshra.s32 v15, $0x17;
	v17 =	vmul.f32 v17, v19  }
0x106: {  	v16 =	vshra.s32 v16, $0x17;
	v15 =	vadd.s32 $0xFFFFFF81, v15;
	v18 =	vmul.f32 v18, v20  }
0x107: {  	v16 =	vadd.s32 $0xFFFFFF81, v16;
	v15 =	vcvt.s32.f32 v15;
	v17 =	vadd.f32 $-2.786813020e+00, v17  }
0x108: {  	v16 =	vcvt.s32.f32 v16;
	v19 =	vand.u32 v14, v62;
	v18 =	vadd.f32 $-2.786813020e+00, v18  }
0x109: {  	v63 =	vor.u32 s1, v11;
	p0 =	sne.s32 s1, $0x2020;
	v15 =	vadd.f32 v15, v17  }
.Ltmp1:
0x10a: {  	v16 =	vadd.f32 v16, v18;
	(pc) =	sbr.rel @p0 .LBB2_4-.Ltmp1, $4  }
0x10b: {  	v15 =	vmul.f32 $6.931471820e-01, v15  }
0x10c: {  	v16 =	vmul.f32 $6.931471820e-01, v16  }
0x10d: {  	[tilespmem:v19+s28+$0x0] =	vst.idx.msk $0xffff, v15  }
0x10e: {  	s25 =	sadd.s32 $0x10, s25;
	s1 =	sadd.s32 $0x20, s1;
	[tilespmem:v63+s28+$0x0] =	vst.idx.msk $0xffff, v16  }
0x10f: {  	s1 =	simm.s32 $0x2890  }
0x110: {  	v15 =	vld [tilespmem:s1+$0xFFFFF7E0]  }
0x111: {  	v16 =	vld [tilespmem:s1+$0x0]  }
0x112: {  	v17 =	vld [tilespmem:s1+$0xFFFFFFD0]  }
0x113: {  	v18 =	vld [tilespmem:s1+$0xFFFFF7C0]  }
0x114: {  	v19 =	vld [tilespmem:s1+$0xFFFFFFE0]  }
0x115: {  	v20 =	vld [tilespmem:s1+$0xFFFFF7D0]  }
0x116: {  	v21 =	vld [tilespmem:s1+$0xFFFFFFF0]  }
0x117: {  	v22 =	vld [tilespmem:s1+$0xFFFFF7B0];
	_ =	sdelay $0x1  }
0x118: {  	v15 =	vadd.f32 $9.999999680e-21, v15;
	v16 =	vadd.f32 $9.999999680e-21, v16  }
0x119: {  	s1 =	simm.s32 $0x20A0;
	v17 =	vadd.f32 $9.999999680e-21, v17;
	v18 =	vadd.f32 $9.999999680e-21, v18  }
0x11a: {  	v39 =	vor.u32 s1, v5;
	v19 =	vadd.f32 $9.999999680e-21, v19;
	v20 =	vadd.f32 $9.999999680e-21, v20  }
0x11b: {  	v21 =	vadd.f32 $9.999999680e-21, v21;
	v22 =	vadd.f32 $9.999999680e-21, v22;
	v23 =	vand.u32 $0x7FFFFF, v15  }
0x11c: {  	v24 =	vand.u32 $0x7FFFFF, v16;
	v26 =	vand.u32 $0x7FFFFF, v17;
	v28 =	vand.u32 $0x7FFFFF, v18  }
0x11d: {  	v29 =	vand.u32 $0x7FFFFF, v19;
	v30 =	vand.u32 $0x7FFFFF, v20;
	v31 =	vand.u32 $0x7FFFFF, v21  }
0x11e: {  	v32 =	vand.u32 $0x7FFFFF, v22;
	v22 =	vshra.s32 v22, $0x17;
	v15 =	vshra.s32 v15, $0x17  }
0x11f: {  	v16 =	vshra.s32 v16, $0x17;
	v17 =	vshra.s32 v17, $0x17;
	v18 =	vshra.s32 v18, $0x17  }
0x120: {  	v19 =	vshra.s32 v19, $0x17;
	v20 =	vshra.s32 v20, $0x17;
	v23 =	vor.u32 $0x3F800000, v23  }
0x121: {  	v21 =	vshra.s32 v21, $0x17;
	v24 =	vor.u32 $0x3F800000, v24;
	v25 =	vmul.f32 $4.342890900e-02, v23  }
0x122: {  	v26 =	vor.u32 $0x3F800000, v26;
	v32 =	vor.u32 $0x3F800000, v32;
	v27 =	vmul.f32 $4.342890900e-02, v24  }
0x123: {  	v28 =	vor.u32 $0x3F800000, v28;
	v29 =	vor.u32 $0x3F800000, v29;
	v25 =	vadd.f32 $-4.048671720e-01, v25  }
0x124: {  	v30 =	vor.u32 $0x3F800000, v30;
	v31 =	vor.u32 $0x3F800000, v31;
	v27 =	vadd.f32 $-4.048671720e-01, v27  }
0x125: {  	v15 =	vadd.s32 $0xFFFFFF81, v15;
	v16 =	vadd.s32 $0xFFFFFF81, v16;
	v25 =	vmul.f32 v23, v25  }
0x126: {  	v22 =	vadd.s32 $0xFFFFFF81, v22;
	v17 =	vadd.s32 $0xFFFFFF81, v17;
	v27 =	vmul.f32 v24, v27  }
0x127: {  	v59 =	vadd.s32 $0xFFFFFF81, v18;
	v33 =	vmul.f32 $4.342890900e-02, v32;
	v25 =	vadd.f32 $1.593901400e+00, v25  }
0x128: {  	v34 =	vmul.f32 $4.342890900e-02, v26;
	v35 =	vmul.f32 $4.342890900e-02, v28;
	v27 =	vadd.f32 $1.593901400e+00, v27  }
0x129: {  	v60 =	vadd.s32 $0xFFFFFF81, v19;
	v36 =	vmul.f32 $4.342890900e-02, v29;
	v25 =	vmul.f32 v23, v25  }
0x12a: {  	v20 =	vadd.s32 $0xFFFFFF81, v20;
	v37 =	vmul.f32 $4.342890900e-02, v30;
	v27 =	vmul.f32 v24, v27  }
0x12b: {  	v38 =	vmul.f32 $4.342890900e-02, v31;
	v15 =	vcvt.s32.f32 v15;
	v25 =	vadd.f32 $-3.492494340e+00, v25  }
0x12c: {  	v16 =	vcvt.s32.f32 v16;
	v63 =	vcvt.s32.f32 v22;
	v27 =	vadd.f32 $-3.492494340e+00, v27  }
0x12d: {  	v62 =	vadd.s32 $0xFFFFFF81, v21;
	v21 =	vcvt.s32.f32 v17;
	v25 =	vmul.f32 v23, v25  }
0x12e: {  	v33 =	vadd.f32 $-4.048671720e-01, v33;
	v34 =	vadd.f32 $-4.048671720e-01, v34;
	v27 =	vmul.f32 v24, v27  }
0x12f: {  	v22 =	vcvt.s32.f32 v60;
	v37 =	vadd.f32 $-4.048671720e-01, v37;
	v25 =	vadd.f32 $5.046875950e+00, v25  }
0x130: {  	v35 =	vadd.f32 $-4.048671720e-01, v35;
	v33 =	vmul.f32 v32, v33;
	v27 =	vadd.f32 $5.046875950e+00, v27  }
0x131: {  	v36 =	vadd.f32 $-4.048671720e-01, v36;
	v52 =	vmul.f32 v30, v37;
	v23 =	vmul.f32 v23, v25  }
0x132: {  	v38 =	vadd.f32 $-4.048671720e-01, v38;
	v34 =	vmul.f32 v26, v34;
	v24 =	vmul.f32 v24, v27  }
0x133: {  	v56 =	vadd.f32 $1.593901400e+00, v52;
	v27 =	vmul.f32 v28, v35;
	v23 =	vadd.f32 $-2.786813020e+00, v23  }
0x134: {  	v51 =	vmul.f32 v29, v36;
	v53 =	vmul.f32 v31, v38;
	v24 =	vadd.f32 $-2.786813020e+00, v24  }
0x135: {  	v35 =	vmul.f32 v30, v56;
	v27 =	vadd.f32 $1.593901400e+00, v27;
	v15 =	vadd.f32 v15, v23  }
0x136: {  	v25 =	vand.u32 v12, v39;
	v16 =	vadd.f32 v16, v24;
	v24 =	vadd.f32 $1.593901400e+00, v33  }
0x137: {  	v35 =	vadd.f32 $-3.492494340e+00, v35;
	v54 =	vmul.f32 $6.931471820e-01, v15;
	v15 =	vadd.f32 $1.593901400e+00, v34  }
0x138: {  	v55 =	vmul.f32 $6.931471820e-01, v16;
	v16 =	vmul.f32 v32, v24;
	v24 =	vadd.f32 $1.593901400e+00, v51  }
0x139: {  	v27 =	vmul.f32 v28, v27;
	v33 =	vadd.f32 $1.593901400e+00, v53;
	v15 =	vmul.f32 v26, v15  }
0x13a: {  	v23 =	vor.u32 s1, v11;
	v16 =	vadd.f32 $-3.492494340e+00, v16;
	v24 =	vmul.f32 v29, v24  }
0x13b: {  	v27 =	vadd.f32 $-3.492494340e+00, v27;
	v33 =	vmul.f32 v31, v33;
	v15 =	vadd.f32 $-3.492494340e+00, v15  }
0x13c: {  	v35 =	vmul.f32 v30, v35;
	v16 =	vmul.f32 v32, v16;
	v24 =	vadd.f32 $-3.492494340e+00, v24  }
0x13d: {  	v27 =	vmul.f32 v28, v27;
	v33 =	vadd.f32 $-3.492494340e+00, v33;
	v15 =	vmul.f32 v26, v15  }
0x13e: {  	v57 =	vadd.f32 $5.046875950e+00, v35;
	v16 =	vadd.f32 $5.046875950e+00, v16;
	v24 =	vmul.f32 v29, v24  }
0x13f: {  	v27 =	vadd.f32 $5.046875950e+00, v27;
	v33 =	vmul.f32 v31, v33;
	v15 =	vadd.f32 $5.046875950e+00, v15  }
0x140: {  	v58 =	vmul.f32 v30, v57;
	v16 =	vmul.f32 v32, v16;
	v24 =	vadd.f32 $5.046875950e+00, v24  }
0x141: {  	[tilespmem:v25+s28+$0x0] =	vst.idx.msk $0xffff, v54;
	v15 =	vmul.f32 v26, v15;
	v26 =	vmul.f32 v28, v27;
	v27 =	vadd.f32 $5.046875950e+00, v33  }
0x142: {  	[tilespmem:v23+s28+$0x0] =	vst.idx.msk $0xffff, v55;
	v23 =	vcvt.s32.f32 v20;
	v24 =	vmul.f32 v29, v24;
	v61 =	vadd.f32 $-2.786813020e+00, v16  }
0x143: {  	s2 =	simm.s32 $0x0;
	v27 =	vmul.f32 v31, v27;
	v18 =	vadd.f32 $-2.786813020e+00, v15;
	v19 =	vadd.f32 $-2.786813020e+00, v26  }
0x144: {  	s8 =	simm.s32 $0x2040;
	s7 =	simm.s32 $0x2060;
	s6 =	simm.s32 $0x2080;
	v17 =	vadd.f32 $-2.786813020e+00, v24;
	v15 =	vadd.f32 $-2.786813020e+00, v58;
	v24 =	vcvt.s32.f32 v59  }
0x145: {  	s25 =	simm.s32 $0x3040;
	s30 =	simm.s32 $0x2840;
	s5 =	simm.s32 $0x28D0;
	v20 =	vcvt.s32.f32 v62;
	v25 =	vadd.f32 v63, v61;
	v16 =	vadd.f32 $-2.786813020e+00, v27  }
.LBB2_6:
0x146: {  	v26 =	vld [tilespmem:s5+$0xFFFFF7E0];
	v27 =	vor.u32 s8, v5;
	v18 =	vadd.f32 v21, v18;
	v19 =	vadd.f32 v24, v19  }
0x147: {  	s2 =	sadd.s32 $0x4, s2;
	v17 =	vadd.f32 v22, v17;
	v21 =	vld [tilespmem:s5+$0x0];
	v24 =	vmul.f32 $6.931471820e-01, v25;
	v15 =	vadd.f32 v23, v15  }
0x148: {  	p0 =	slt.u32 s2, $0x7C;
	v16 =	vadd.f32 v20, v16;
	v22 =	vld [tilespmem:s5+$0xFFFFFFD0];
	v23 =	vmul.f32 $6.931471820e-01, v18;
	v19 =	vmul.f32 $6.931471820e-01, v19  }
0x149: {  	v20 =	vor.u32 s7, v5;
	v25 =	vmul.f32 $6.931471820e-01, v17;
	v18 =	vld [tilespmem:s5+$0xFFFFF7C0];
	v28 =	vmul.f32 $6.931471820e-01, v15  }
0x14a: {  	v27 =	vand.u32 v13, v27;
	v15 =	vor.u32 s6, v5;
	v29 =	vmul.f32 $6.931471820e-01, v16;
	v17 =	vld [tilespmem:s5+$0xFFFFFFE0]  }
0x14b: {  	v20 =	vand.u32 v14, v20;
	v31 =	vand.u32 v12, v15;
	v30 =	vld [tilespmem:s5+$0xFFFFF7D0];
	v26 =	vadd.f32 $9.999999680e-21, v26  }
0x14c: {  	v33 =	vor.u32 s8, v11;
	v34 =	vor.u32 s7, v11;
	v32 =	vld [tilespmem:s5+$0xFFFFFFF0];
	v21 =	vadd.f32 $9.999999680e-21, v21  }
0x14d: {  	v36 =	vor.u32 s6, v11;
	v35 =	vld [tilespmem:s5+$0xFFFFF7B0];
	v15 =	vadd.f32 $9.999999680e-21, v22;
	v22 =	vand.u32 $0x7FFFFF, v26  }
0x14e: {  	v16 =	vadd.f32 $9.999999680e-21, v18;
	v22 =	vor.u32 $0x3F800000, v22;
	v18 =	vand.u32 $0x7FFFFF, v21  }
0x14f: {  	v17 =	vadd.f32 $9.999999680e-21, v17;
	v37 =	vmul.f32 $4.342890900e-02, v22;
	v38 =	vor.u32 $0x3F800000, v18;
	[tilespmem:v27+s28+$0x0] =	vst.idx.msk $0xffff, v24  }
0x150: {  	v24 =	vand.u32 $0x7FFFFF, v15;
	v18 =	vadd.f32 $9.999999680e-21, v30;
	v27 =	vmul.f32 $4.342890900e-02, v38;
	[tilespmem:v20+s28+$0x0] =	vst.idx.msk $0xffff, v19  }
0x151: {  	v20 =	vand.u32 $0x7FFFFF, v16;
	v19 =	vadd.f32 $9.999999680e-21, v32;
	v30 =	vadd.f32 $-4.048671720e-01, v37;
	[tilespmem:v33+s28+$0x0] =	vst.idx.msk $0xffff, v23  }
0x152: {  	v32 =	vand.u32 $0x7FFFFF, v17;
	v23 =	vadd.f32 $9.999999680e-21, v35;
	v27 =	vadd.f32 $-4.048671720e-01, v27;
	[tilespmem:v34+s28+$0x0] =	vst.idx.msk $0xffff, v25  }
0x153: {  	v25 =	vand.u32 $0x7FFFFF, v18;
	v33 =	vand.u32 $0x7FFFFF, v19;
	v30 =	vmul.f32 v22, v30;
	[tilespmem:v31+s28+$0x0] =	vst.idx.msk $0xffff, v28  }
0x154: {  	v24 =	vor.u32 $0x3F800000, v24;
	v28 =	vand.u32 $0x7FFFFF, v23;
	v27 =	vmul.f32 v38, v27;
	[tilespmem:v36+s28+$0x0] =	vst.idx.msk $0xffff, v29  }
0x155: {  	v20 =	vor.u32 $0x3F800000, v20;
	v28 =	vor.u32 $0x3F800000, v28;
	v29 =	vadd.f32 $1.593901400e+00, v30  }
0x156: {  	v25 =	vor.u32 $0x3F800000, v25;
	v30 =	vor.u32 $0x3F800000, v32;
	v27 =	vadd.f32 $1.593901400e+00, v27  }
0x157: {  	v32 =	vor.u32 $0x3F800000, v33;
	v31 =	vmul.f32 $4.342890900e-02, v28;
	v29 =	vmul.f32 v22, v29  }
0x158: {  	v23 =	vshra.s32 v23, $0x17;
	v33 =	vmul.f32 $4.342890900e-02, v24;
	v27 =	vmul.f32 v38, v27  }
0x159: {  	v34 =	vmul.f32 $4.342890900e-02, v20;
	v35 =	vmul.f32 $4.342890900e-02, v30;
	v29 =	vadd.f32 $-3.492494340e+00, v29  }
0x15a: {  	v36 =	vmul.f32 $4.342890900e-02, v25;
	v37 =	vmul.f32 $4.342890900e-02, v32;
	v27 =	vadd.f32 $-3.492494340e+00, v27  }
0x15b: {  	v33 =	vadd.f32 $-4.048671720e-01, v33;
	v31 =	vadd.f32 $-4.048671720e-01, v31;
	v29 =	vmul.f32 v22, v29  }
0x15c: {  	v34 =	vadd.f32 $-4.048671720e-01, v34;
	v35 =	vadd.f32 $-4.048671720e-01, v35;
	v27 =	vmul.f32 v38, v27  }
0x15d: {  	v36 =	vadd.f32 $-4.048671720e-01, v36;
	v31 =	vmul.f32 v28, v31;
	v29 =	vadd.f32 $5.046875950e+00, v29  }
0x15e: {  	s1 =	sadd.s32 $0x80, s1;
	v37 =	vadd.f32 $-4.048671720e-01, v37;
	v33 =	vmul.f32 v24, v33;
	v27 =	vadd.f32 $5.046875950e+00, v27  }
0x15f: {  	s8 =	sadd.s32 $0xFFFFFFA0, s1;
	s7 =	sadd.s32 $0xFFFFFFC0, s1;
	v39 =	vor.u32 s1, v5;
	s6 =	sadd.s32 $0xFFFFFFE0, s1;
	v26 =	vshra.s32 v26, $0x17;
	v22 =	vmul.f32 v22, v29  }
0x160: {  	v26 =	vadd.s32 $0xFFFFFF81, v26;
	v21 =	vshra.s32 v21, $0x17;
	v27 =	vmul.f32 v38, v27  }
0x161: {  	v26 =	vcvt.s32.f32 v26;
	v21 =	vadd.s32 $0xFFFFFF81, v21;
	v22 =	vadd.f32 $-2.786813020e+00, v22  }
0x162: {  	v21 =	vcvt.s32.f32 v21;
	v29 =	vand.u32 v12, v39;
	v27 =	vadd.f32 $-2.786813020e+00, v27  }
0x163: {  	v34 =	vmul.f32 v20, v34;
	v22 =	vadd.f32 v26, v22;
	v26 =	vor.u32 s1, v11  }
0x164: {  	v36 =	vmul.f32 v25, v36;
	v35 =	vmul.f32 v30, v35;
	v21 =	vadd.f32 v21, v27  }
0x165: {  	v27 =	vadd.f32 $1.593901400e+00, v31;
	v31 =	vmul.f32 v32, v37;
	v22 =	vmul.f32 $6.931471820e-01, v22  }
0x166: {  	v34 =	vadd.f32 $1.593901400e+00, v34;
	v33 =	vadd.f32 $1.593901400e+00, v33;
	v21 =	vmul.f32 $6.931471820e-01, v21  }
0x167: {  	v36 =	vadd.f32 $1.593901400e+00, v36;
	v35 =	vadd.f32 $1.593901400e+00, v35;
	v27 =	vmul.f32 v28, v27;
	[tilespmem:v29+s28+$0x0] =	vst.idx.msk $0xffff, v22  }
0x168: {  	v31 =	vadd.f32 $1.593901400e+00, v31;
	v22 =	vmul.f32 v24, v33;
	v29 =	vmul.f32 v20, v34;
	[tilespmem:v26+s28+$0x0] =	vst.idx.msk $0xffff, v21  }
0x169: {  	v21 =	vadd.f32 $-3.492494340e+00, v27;
	v26 =	vmul.f32 v30, v35;
	v27 =	vmul.f32 v25, v36  }
0x16a: {  	v31 =	vmul.f32 v32, v31;
	v22 =	vadd.f32 $-3.492494340e+00, v22;
	v29 =	vadd.f32 $-3.492494340e+00, v29  }
0x16b: {  	v21 =	vmul.f32 v28, v21;
	v26 =	vadd.f32 $-3.492494340e+00, v26;
	v27 =	vadd.f32 $-3.492494340e+00, v27  }
0x16c: {  	v31 =	vadd.f32 $-3.492494340e+00, v31;
	v22 =	vmul.f32 v24, v22;
	v29 =	vmul.f32 v20, v29  }
0x16d: {  	v21 =	vadd.f32 $5.046875950e+00, v21;
	v26 =	vmul.f32 v30, v26;
	v27 =	vmul.f32 v25, v27  }
0x16e: {  	v31 =	vmul.f32 v32, v31;
	v22 =	vadd.f32 $5.046875950e+00, v22;
	v29 =	vadd.f32 $5.046875950e+00, v29  }
0x16f: {  	v21 =	vmul.f32 v28, v21;
	v26 =	vadd.f32 $5.046875950e+00, v26;
	v27 =	vadd.f32 $5.046875950e+00, v27  }
0x170: {  	v22 =	vmul.f32 v24, v22;
	v20 =	vmul.f32 v20, v29;
	v24 =	vadd.f32 $5.046875950e+00, v31  }
0x171: {  	v15 =	vshra.s32 v15, $0x17;
	v26 =	vmul.f32 v30, v26;
	v25 =	vmul.f32 v25, v27  }
0x172: {  	v16 =	vshra.s32 v16, $0x17;
	v17 =	vshra.s32 v17, $0x17;
	v27 =	vmul.f32 v32, v24  }
0x173: {  	v18 =	vshra.s32 v18, $0x17;
	v19 =	vshra.s32 v19, $0x17;
	v23 =	vadd.s32 $0xFFFFFF81, v23  }
0x174: {  	v15 =	vadd.s32 $0xFFFFFF81, v15;
	v16 =	vadd.s32 $0xFFFFFF81, v16;
	v28 =	vadd.s32 $0xFFFFFF81, v17  }
.Ltmp2:
0x175: {  	v31 =	vadd.s32 $0xFFFFFF81, v19;
	v29 =	vadd.f32 $-2.786813020e+00, v21;
	v30 =	vadd.s32 $0xFFFFFF81, v18;
	(pc) =	sbr.rel @p0 .LBB2_6-.Ltmp2, $4  }
0x176: {  	v23 =	vcvt.s32.f32 v23;
	v18 =	vadd.f32 $-2.786813020e+00, v22;
	v19 =	vadd.f32 $-2.786813020e+00, v20  }
0x177: {  	v21 =	vcvt.s32.f32 v15;
	v17 =	vadd.f32 $-2.786813020e+00, v26;
	v15 =	vadd.f32 $-2.786813020e+00, v25  }
0x178: {  	v24 =	vcvt.s32.f32 v16;
	v22 =	vcvt.s32.f32 v28;
	v16 =	vadd.f32 $-2.786813020e+00, v27  }
0x179: {  	s5 =	sadd.s32 $0x40, s5;
	v20 =	vcvt.s32.f32 v31;
	v25 =	vadd.f32 v23, v29;
	v23 =	vcvt.s32.f32 v30  }
0x17a: {  	v26 =	vor.u32 s8, v5  }
0x17b: {  	v27 =	vor.u32 s7, v5;
	v26 =	vand.u32 v13, v26  }
0x17c: {  	v61 =	vor.u32 s6, v5;
	v27 =	vand.u32 v14, v27  }
0x17d: {  	v19 =	vadd.f32 v24, v19;
	v62 =	vand.u32 v12, v61  }
0x17e: {  	v59 =	vor.u32 s8, v11;
	v60 =	vmul.f32 $6.931471820e-01, v25;
	v15 =	vadd.f32 v23, v15  }
0x17f: {  	v18 =	vadd.f32 v21, v18;
	v28 =	vor.u32 s7, v11;
	v19 =	vmul.f32 $6.931471820e-01, v19  }
0x180: {  	v17 =	vadd.f32 v22, v17;
	v63 =	vor.u32 s6, v11;
	v15 =	vmul.f32 $6.931471820e-01, v15;
	[tilespmem:v26+s28+$0x0] =	vst.idx.msk $0xffff, v60  }
0x181: {  	v16 =	vadd.f32 v20, v16;
	v18 =	vmul.f32 $6.931471820e-01, v18;
	[tilespmem:v27+s28+$0x0] =	vst.idx.msk $0xffff, v19  }
0x182: {  	v17 =	vmul.f32 $6.931471820e-01, v17;
	[tilespmem:v62+s28+$0x0] =	vst.idx.msk $0xffff, v15  }
0x183: {  	v16 =	vmul.f32 $6.931471820e-01, v16;
	[tilespmem:v59+s28+$0x0] =	vst.idx.msk $0xffff, v18  }
0x184: {  	[tilespmem:v28+s28+$0x0] =	vst.idx.msk $0xffff, v17  }
0x185: {  	[tilespmem:v63+s28+$0x0] =	vst.idx.msk $0xffff, v16  }
.LBB2_8:
0x186: {  	v15 =	vld [tilespmem:s30+$0x0]  }
0x187: {  	v16 =	vld [tilespmem:s30+$0x820];
	_ =	sdelay $0x3  }
0x188: {  	v15 =	vadd.f32 $9.999999680e-21, v15  }
0x189: {  	v16 =	vadd.f32 $9.999999680e-21, v16  }
0x18a: {  	v17 =	vand.u32 $0x7FFFFF, v15  }
0x18b: {  	v18 =	vand.u32 $0x7FFFFF, v16;
	v17 =	vor.u32 $0x3F800000, v17  }
0x18c: {  	v18 =	vor.u32 $0x3F800000, v18;
	v19 =	vmul.f32 $4.342890900e-02, v17  }
0x18d: {  	v20 =	vmul.f32 $4.342890900e-02, v18  }
0x18e: {  	v19 =	vadd.f32 $-4.048671720e-01, v19  }
0x18f: {  	v20 =	vadd.f32 $-4.048671720e-01, v20  }
0x190: {  	v19 =	vmul.f32 v17, v19  }
0x191: {  	v20 =	vmul.f32 v18, v20  }
0x192: {  	v19 =	vadd.f32 $1.593901400e+00, v19  }
0x193: {  	v20 =	vadd.f32 $1.593901400e+00, v20  }
0x194: {  	v19 =	vmul.f32 v17, v19  }
0x195: {  	v20 =	vmul.f32 v18, v20  }
0x196: {  	v19 =	vadd.f32 $-3.492494340e+00, v19  }
0x197: {  	v20 =	vadd.f32 $-3.492494340e+00, v20  }
0x198: {  	v19 =	vmul.f32 v17, v19  }
0x199: {  	v20 =	vmul.f32 v18, v20  }
0x19a: {  	v19 =	vadd.f32 $5.046875950e+00, v19  }
0x19b: {  	v20 =	vadd.f32 $5.046875950e+00, v20  }
0x19c: {  	v62 =	vor.u32 s25, v5;
	v15 =	vshra.s32 v15, $0x17;
	v17 =	vmul.f32 v17, v19  }
0x19d: {  	v16 =	vshra.s32 v16, $0x17;
	v15 =	vadd.s32 $0xFFFFFF81, v15;
	v18 =	vmul.f32 v18, v20  }
0x19e: {  	v16 =	vadd.s32 $0xFFFFFF81, v16;
	v15 =	vcvt.s32.f32 v15;
	v17 =	vadd.f32 $-2.786813020e+00, v17  }
0x19f: {  	v16 =	vcvt.s32.f32 v16;
	v19 =	vand.u32 v14, v62;
	v18 =	vadd.f32 $-2.786813020e+00, v18  }
0x1a0: {  	v63 =	vor.u32 s25, v11;
	p0 =	sne.s32 s25, $0x3060;
	v15 =	vadd.f32 v15, v17  }
.Ltmp3:
0x1a1: {  	v16 =	vadd.f32 v16, v18;
	(pc) =	sbr.rel @p0 .LBB2_8-.Ltmp3, $4  }
0x1a2: {  	v15 =	vmul.f32 $6.931471820e-01, v15  }
0x1a3: {  	v16 =	vmul.f32 $6.931471820e-01, v16  }
0x1a4: {  	[tilespmem:v19+s28+$0x0] =	vst.idx.msk $0xffff, v15  }
0x1a5: {  	s30 =	sadd.s32 $0x10, s30;
	s25 =	sadd.s32 $0x20, s25;
	[tilespmem:v63+s28+$0x0] =	vst.idx.msk $0xffff, v16  }
0x1a6: {  	s1 =	simm.s32 $0x34D0  }
0x1a7: {  	v15 =	vld [tilespmem:s1+$0xFFFFFBE0]  }
0x1a8: {  	v16 =	vld [tilespmem:s1+$0x0]  }
0x1a9: {  	v17 =	vld [tilespmem:s1+$0xFFFFFFD0]  }
0x1aa: {  	v18 =	vld [tilespmem:s1+$0xFFFFFBC0]  }
0x1ab: {  	v19 =	vld [tilespmem:s1+$0xFFFFFFE0]  }
0x1ac: {  	v20 =	vld [tilespmem:s1+$0xFFFFFBD0]  }
0x1ad: {  	v21 =	vld [tilespmem:s1+$0xFFFFFFF0]  }
0x1ae: {  	v22 =	vld [tilespmem:s1+$0xFFFFFBB0];
	_ =	sdelay $0x1  }
0x1af: {  	v15 =	vadd.f32 $9.999999680e-21, v15;
	v16 =	vadd.f32 $9.999999680e-21, v16  }
0x1b0: {  	s25 =	simm.s32 $0x30E0;
	v17 =	vadd.f32 $9.999999680e-21, v17;
	v18 =	vadd.f32 $9.999999680e-21, v18  }
0x1b1: {  	v39 =	vor.u32 s25, v5;
	v19 =	vadd.f32 $9.999999680e-21, v19;
	v20 =	vadd.f32 $9.999999680e-21, v20  }
0x1b2: {  	v21 =	vadd.f32 $9.999999680e-21, v21;
	v22 =	vadd.f32 $9.999999680e-21, v22;
	v23 =	vand.u32 $0x7FFFFF, v15  }
0x1b3: {  	v24 =	vand.u32 $0x7FFFFF, v16;
	v26 =	vand.u32 $0x7FFFFF, v17;
	v28 =	vand.u32 $0x7FFFFF, v18  }
0x1b4: {  	v29 =	vand.u32 $0x7FFFFF, v19;
	v30 =	vand.u32 $0x7FFFFF, v20;
	v31 =	vand.u32 $0x7FFFFF, v21  }
0x1b5: {  	v32 =	vand.u32 $0x7FFFFF, v22;
	v22 =	vshra.s32 v22, $0x17;
	v15 =	vshra.s32 v15, $0x17  }
0x1b6: {  	v16 =	vshra.s32 v16, $0x17;
	v17 =	vshra.s32 v17, $0x17;
	v18 =	vshra.s32 v18, $0x17  }
0x1b7: {  	v19 =	vshra.s32 v19, $0x17;
	v20 =	vshra.s32 v20, $0x17;
	v23 =	vor.u32 $0x3F800000, v23  }
0x1b8: {  	v21 =	vshra.s32 v21, $0x17;
	v24 =	vor.u32 $0x3F800000, v24;
	v25 =	vmul.f32 $4.342890900e-02, v23  }
0x1b9: {  	v26 =	vor.u32 $0x3F800000, v26;
	v32 =	vor.u32 $0x3F800000, v32;
	v27 =	vmul.f32 $4.342890900e-02, v24  }
0x1ba: {  	v28 =	vor.u32 $0x3F800000, v28;
	v29 =	vor.u32 $0x3F800000, v29;
	v25 =	vadd.f32 $-4.048671720e-01, v25  }
0x1bb: {  	v30 =	vor.u32 $0x3F800000, v30;
	v31 =	vor.u32 $0x3F800000, v31;
	v27 =	vadd.f32 $-4.048671720e-01, v27  }
0x1bc: {  	v15 =	vadd.s32 $0xFFFFFF81, v15;
	v16 =	vadd.s32 $0xFFFFFF81, v16;
	v25 =	vmul.f32 v23, v25  }
0x1bd: {  	v22 =	vadd.s32 $0xFFFFFF81, v22;
	v58 =	vadd.s32 $0xFFFFFF81, v17;
	v27 =	vmul.f32 v24, v27  }
0x1be: {  	v59 =	vadd.s32 $0xFFFFFF81, v18;
	v33 =	vmul.f32 $4.342890900e-02, v32;
	v25 =	vadd.f32 $1.593901400e+00, v25  }
0x1bf: {  	v34 =	vmul.f32 $4.342890900e-02, v26;
	v35 =	vmul.f32 $4.342890900e-02, v28;
	v27 =	vadd.f32 $1.593901400e+00, v27  }
0x1c0: {  	v60 =	vadd.s32 $0xFFFFFF81, v19;
	v36 =	vmul.f32 $4.342890900e-02, v29;
	v25 =	vmul.f32 v23, v25  }
0x1c1: {  	v62 =	vadd.s32 $0xFFFFFF81, v20;
	v37 =	vmul.f32 $4.342890900e-02, v30;
	v27 =	vmul.f32 v24, v27  }
0x1c2: {  	v38 =	vmul.f32 $4.342890900e-02, v31;
	v15 =	vcvt.s32.f32 v15;
	v25 =	vadd.f32 $-3.492494340e+00, v25  }
0x1c3: {  	v16 =	vcvt.s32.f32 v16;
	v63 =	vcvt.s32.f32 v22;
	v27 =	vadd.f32 $-3.492494340e+00, v27  }
0x1c4: {  	v21 =	vadd.s32 $0xFFFFFF81, v21;
	v18 =	vcvt.s32.f32 v58;
	v25 =	vmul.f32 v23, v25  }
0x1c5: {  	v33 =	vadd.f32 $-4.048671720e-01, v33;
	v34 =	vadd.f32 $-4.048671720e-01, v34;
	v27 =	vmul.f32 v24, v27  }
0x1c6: {  	v22 =	vcvt.s32.f32 v60;
	v35 =	vadd.f32 $-4.048671720e-01, v35;
	v25 =	vadd.f32 $5.046875950e+00, v25  }
0x1c7: {  	v21 =	vcvt.s32.f32 v21;
	v37 =	vadd.f32 $-4.048671720e-01, v37;
	v27 =	vadd.f32 $5.046875950e+00, v27  }
0x1c8: {  	v36 =	vadd.f32 $-4.048671720e-01, v36;
	v33 =	vmul.f32 v32, v33;
	v23 =	vmul.f32 v23, v25  }
0x1c9: {  	v38 =	vadd.f32 $-4.048671720e-01, v38;
	v51 =	vmul.f32 v30, v37;
	v24 =	vmul.f32 v24, v27  }
0x1ca: {  	v34 =	vmul.f32 v26, v34;
	v50 =	vmul.f32 v29, v36;
	v23 =	vadd.f32 $-2.786813020e+00, v23  }
0x1cb: {  	v52 =	vmul.f32 v31, v38;
	v55 =	vadd.f32 $1.593901400e+00, v51;
	v24 =	vadd.f32 $-2.786813020e+00, v24  }
0x1cc: {  	v25 =	vand.u32 v14, v39;
	v27 =	vmul.f32 v28, v35;
	v15 =	vadd.f32 v15, v23  }
0x1cd: {  	v35 =	vmul.f32 v30, v55;
	v16 =	vadd.f32 v16, v24;
	v24 =	vadd.f32 $1.593901400e+00, v33  }
0x1ce: {  	v27 =	vadd.f32 $1.593901400e+00, v27;
	v53 =	vmul.f32 $6.931471820e-01, v15;
	v15 =	vadd.f32 $1.593901400e+00, v34  }
0x1cf: {  	v54 =	vmul.f32 $6.931471820e-01, v16;
	v16 =	vmul.f32 v32, v24;
	v24 =	vadd.f32 $1.593901400e+00, v50  }
0x1d0: {  	v27 =	vmul.f32 v28, v27;
	v33 =	vadd.f32 $1.593901400e+00, v52;
	v15 =	vmul.f32 v26, v15  }
0x1d1: {  	v35 =	vadd.f32 $-3.492494340e+00, v35;
	v16 =	vadd.f32 $-3.492494340e+00, v16;
	v24 =	vmul.f32 v29, v24  }
0x1d2: {  	v27 =	vadd.f32 $-3.492494340e+00, v27;
	v33 =	vmul.f32 v31, v33;
	v15 =	vadd.f32 $-3.492494340e+00, v15  }
0x1d3: {  	v23 =	vor.u32 s25, v11;
	v16 =	vmul.f32 v32, v16;
	v24 =	vadd.f32 $-3.492494340e+00, v24  }
0x1d4: {  	v27 =	vmul.f32 v28, v27;
	v33 =	vadd.f32 $-3.492494340e+00, v33;
	v15 =	vmul.f32 v26, v15  }
0x1d5: {  	v35 =	vmul.f32 v30, v35;
	v16 =	vadd.f32 $5.046875950e+00, v16;
	v24 =	vmul.f32 v29, v24  }
0x1d6: {  	v27 =	vadd.f32 $5.046875950e+00, v27;
	v33 =	vmul.f32 v31, v33;
	v15 =	vadd.f32 $5.046875950e+00, v15  }
0x1d7: {  	v56 =	vadd.f32 $5.046875950e+00, v35;
	v16 =	vmul.f32 v32, v16;
	v24 =	vadd.f32 $5.046875950e+00, v24  }
0x1d8: {  	v15 =	vmul.f32 v26, v15;
	v26 =	vmul.f32 v28, v27;
	v27 =	vadd.f32 $5.046875950e+00, v33  }
0x1d9: {  	v57 =	vmul.f32 v30, v56;
	v24 =	vmul.f32 v29, v24;
	v61 =	vadd.f32 $-2.786813020e+00, v16  }
0x1da: {  	s30 =	simm.s32 $0x3080;
	v27 =	vmul.f32 v31, v27;
	v17 =	vadd.f32 $-2.786813020e+00, v15;
	v20 =	vadd.f32 $-2.786813020e+00, v26  }
0x1db: {  	s2 =	simm.s32 $0x0;
	s7 =	simm.s32 $0x30A0;
	s6 =	simm.s32 $0x30C0;
	[tilespmem:v25+s28+$0x0] =	vst.idx.msk $0xffff, v53;
	v25 =	vcvt.s32.f32 v59;
	v19 =	vadd.f32 $-2.786813020e+00, v24;
	v15 =	vadd.f32 $-2.786813020e+00, v57  }
0x1dc: {  	s5 =	simm.s32 $0x3510;
	s1 =	simm.s32 $0x3880;
	s25 =	simm.s32 $0x3480;
	[tilespmem:v23+s28+$0x0] =	vst.idx.msk $0xffff, v54;
	v23 =	vcvt.s32.f32 v62;
	v24 =	vadd.f32 v63, v61;
	v16 =	vadd.f32 $-2.786813020e+00, v27  }
.LBB2_10:
0x1dd: {  	v26 =	vld [tilespmem:s5+$0xFFFFFBE0];
	v17 =	vadd.f32 v18, v17;
	v18 =	vor.u32 s7, v5;
	v20 =	vadd.f32 v25, v20  }
0x1de: {  	s2 =	sadd.s32 $0x4, s2;
	v19 =	vadd.f32 v22, v19;
	v25 =	vld [tilespmem:s5+$0x0];
	v24 =	vmul.f32 $6.931471820e-01, v24;
	v15 =	vadd.f32 v23, v15  }
0x1df: {  	p0 =	slt.u32 s2, $0x3C;
	v16 =	vadd.f32 v21, v16;
	v22 =	vld [tilespmem:s5+$0xFFFFFFD0];
	v23 =	vmul.f32 $6.931471820e-01, v17;
	v20 =	vmul.f32 $6.931471820e-01, v20  }
0x1e0: {  	v21 =	vmul.f32 $6.931471820e-01, v19;
	v19 =	vor.u32 s6, v5;
	v17 =	vld [tilespmem:s5+$0xFFFFFBC0];
	v27 =	vmul.f32 $6.931471820e-01, v15  }
0x1e1: {  	v18 =	vand.u32 v14, v18;
	v15 =	vor.u32 s30, v5;
	v29 =	vmul.f32 $6.931471820e-01, v16;
	v28 =	vld [tilespmem:s5+$0xFFFFFFE0]  }
0x1e2: {  	v32 =	vand.u32 v14, v19;
	v31 =	vand.u32 v10, v15;
	v30 =	vld [tilespmem:s5+$0xFFFFFBD0];
	v26 =	vadd.f32 $9.999999680e-21, v26  }
0x1e3: {  	v33 =	vor.u32 s7, v11;
	v34 =	vor.u32 s6, v11;
	v19 =	vld [tilespmem:s5+$0xFFFFFFF0];
	v25 =	vadd.f32 $9.999999680e-21, v25  }
0x1e4: {  	v36 =	vor.u32 s30, v11;
	v35 =	vld [tilespmem:s5+$0xFFFFFBB0];
	v15 =	vadd.f32 $9.999999680e-21, v22;
	v22 =	vand.u32 $0x7FFFFF, v26  }
0x1e5: {  	v16 =	vadd.f32 $9.999999680e-21, v17;
	v22 =	vor.u32 $0x3F800000, v22;
	v37 =	vand.u32 $0x7FFFFF, v25  }
0x1e6: {  	v17 =	vadd.f32 $9.999999680e-21, v28;
	v28 =	vmul.f32 $4.342890900e-02, v22;
	v37 =	vor.u32 $0x3F800000, v37;
	[tilespmem:v18+s28+$0x0] =	vst.idx.msk $0xffff, v20  }
0x1e7: {  	v20 =	vand.u32 $0x7FFFFF, v15;
	v18 =	vadd.f32 $9.999999680e-21, v30;
	v30 =	vmul.f32 $4.342890900e-02, v37;
	[tilespmem:v31+s28+$0x0] =	vst.idx.msk $0xffff, v24  }
0x1e8: {  	v24 =	vand.u32 $0x7FFFFF, v16;
	v19 =	vadd.f32 $9.999999680e-21, v19;
	v28 =	vadd.f32 $-4.048671720e-01, v28;
	[tilespmem:v33+s28+$0x0] =	vst.idx.msk $0xffff, v21  }
0x1e9: {  	v31 =	vand.u32 $0x7FFFFF, v17;
	v21 =	vadd.f32 $9.999999680e-21, v35;
	v30 =	vadd.f32 $-4.048671720e-01, v30;
	[tilespmem:v36+s28+$0x0] =	vst.idx.msk $0xffff, v23  }
0x1ea: {  	v23 =	vand.u32 $0x7FFFFF, v18;
	v33 =	vand.u32 $0x7FFFFF, v19;
	v28 =	vmul.f32 v22, v28;
	[tilespmem:v32+s28+$0x0] =	vst.idx.msk $0xffff, v27  }
0x1eb: {  	v20 =	vor.u32 $0x3F800000, v20;
	v27 =	vand.u32 $0x7FFFFF, v21;
	v30 =	vmul.f32 v37, v30;
	[tilespmem:v34+s28+$0x0] =	vst.idx.msk $0xffff, v29  }
0x1ec: {  	v24 =	vor.u32 $0x3F800000, v24;
	v27 =	vor.u32 $0x3F800000, v27;
	v28 =	vadd.f32 $1.593901400e+00, v28  }
0x1ed: {  	v23 =	vor.u32 $0x3F800000, v23;
	v29 =	vor.u32 $0x3F800000, v31;
	v30 =	vadd.f32 $1.593901400e+00, v30  }
0x1ee: {  	v32 =	vor.u32 $0x3F800000, v33;
	v31 =	vmul.f32 $4.342890900e-02, v27;
	v28 =	vmul.f32 v22, v28  }
0x1ef: {  	v21 =	vshra.s32 v21, $0x17;
	v33 =	vmul.f32 $4.342890900e-02, v20;
	v30 =	vmul.f32 v37, v30  }
0x1f0: {  	v34 =	vmul.f32 $4.342890900e-02, v24;
	v35 =	vmul.f32 $4.342890900e-02, v29;
	v28 =	vadd.f32 $-3.492494340e+00, v28  }
0x1f1: {  	v36 =	vmul.f32 $4.342890900e-02, v23;
	v38 =	vmul.f32 $4.342890900e-02, v32;
	v30 =	vadd.f32 $-3.492494340e+00, v30  }
0x1f2: {  	v33 =	vadd.f32 $-4.048671720e-01, v33;
	v31 =	vadd.f32 $-4.048671720e-01, v31;
	v28 =	vmul.f32 v22, v28  }
0x1f3: {  	v34 =	vadd.f32 $-4.048671720e-01, v34;
	v35 =	vadd.f32 $-4.048671720e-01, v35;
	v30 =	vmul.f32 v37, v30  }
0x1f4: {  	s30 =	sadd.s32 $0x80, s30;
	v36 =	vadd.f32 $-4.048671720e-01, v36;
	v31 =	vmul.f32 v27, v31;
	v28 =	vadd.f32 $5.046875950e+00, v28  }
0x1f5: {  	s7 =	sadd.s32 $0x20, s30;
	s6 =	sadd.s32 $0x40, s30;
	s8 =	sadd.s32 $0x60, s30;
	v38 =	vadd.f32 $-4.048671720e-01, v38;
	v33 =	vmul.f32 v20, v33;
	v30 =	vadd.f32 $5.046875950e+00, v30  }
0x1f6: {  	v39 =	vor.u32 s8, v5;
	v26 =	vshra.s32 v26, $0x17;
	v22 =	vmul.f32 v22, v28  }
0x1f7: {  	v26 =	vadd.s32 $0xFFFFFF81, v26;
	v25 =	vshra.s32 v25, $0x17;
	v28 =	vmul.f32 v37, v30  }
0x1f8: {  	v26 =	vcvt.s32.f32 v26;
	v25 =	vadd.s32 $0xFFFFFF81, v25;
	v22 =	vadd.f32 $-2.786813020e+00, v22  }
0x1f9: {  	v25 =	vcvt.s32.f32 v25;
	v30 =	vand.u32 v14, v39;
	v28 =	vadd.f32 $-2.786813020e+00, v28  }
0x1fa: {  	v34 =	vmul.f32 v24, v34;
	v22 =	vadd.f32 v26, v22;
	v26 =	vor.u32 s8, v11  }
0x1fb: {  	v36 =	vmul.f32 v23, v36;
	v35 =	vmul.f32 v29, v35;
	v25 =	vadd.f32 v25, v28  }
0x1fc: {  	v28 =	vadd.f32 $1.593901400e+00, v31;
	v31 =	vmul.f32 v32, v38;
	v22 =	vmul.f32 $6.931471820e-01, v22  }
0x1fd: {  	v33 =	vadd.f32 $1.593901400e+00, v33;
	v34 =	vadd.f32 $1.593901400e+00, v34;
	v25 =	vmul.f32 $6.931471820e-01, v25  }
0x1fe: {  	v36 =	vadd.f32 $1.593901400e+00, v36;
	v35 =	vadd.f32 $1.593901400e+00, v35;
	v28 =	vmul.f32 v27, v28;
	[tilespmem:v30+s28+$0x0] =	vst.idx.msk $0xffff, v22  }
0x1ff: {  	v31 =	vadd.f32 $1.593901400e+00, v31;
	v22 =	vmul.f32 v20, v33;
	v30 =	vmul.f32 v24, v34;
	[tilespmem:v26+s28+$0x0] =	vst.idx.msk $0xffff, v25  }
0x200: {  	v25 =	vadd.f32 $-3.492494340e+00, v28;
	v26 =	vmul.f32 v29, v35;
	v28 =	vmul.f32 v23, v36  }
0x201: {  	v31 =	vmul.f32 v32, v31;
	v22 =	vadd.f32 $-3.492494340e+00, v22;
	v30 =	vadd.f32 $-3.492494340e+00, v30  }
0x202: {  	v25 =	vmul.f32 v27, v25;
	v26 =	vadd.f32 $-3.492494340e+00, v26;
	v28 =	vadd.f32 $-3.492494340e+00, v28  }
0x203: {  	v31 =	vadd.f32 $-3.492494340e+00, v31;
	v22 =	vmul.f32 v20, v22;
	v30 =	vmul.f32 v24, v30  }
0x204: {  	v25 =	vadd.f32 $5.046875950e+00, v25;
	v26 =	vmul.f32 v29, v26;
	v28 =	vmul.f32 v23, v28  }
0x205: {  	v31 =	vmul.f32 v32, v31;
	v22 =	vadd.f32 $5.046875950e+00, v22;
	v30 =	vadd.f32 $5.046875950e+00, v30  }
0x206: {  	v25 =	vmul.f32 v27, v25;
	v26 =	vadd.f32 $5.046875950e+00, v26;
	v27 =	vadd.f32 $5.046875950e+00, v28  }
0x207: {  	v20 =	vmul.f32 v20, v22;
	v22 =	vmul.f32 v24, v30;
	v24 =	vadd.f32 $5.046875950e+00, v31  }
0x208: {  	v15 =	vshra.s32 v15, $0x17;
	v26 =	vmul.f32 v29, v26;
	v23 =	vmul.f32 v23, v27  }
0x209: {  	v16 =	vshra.s32 v16, $0x17;
	v17 =	vshra.s32 v17, $0x17;
	v24 =	vmul.f32 v32, v24  }
0x20a: {  	v18 =	vshra.s32 v18, $0x17;
	v19 =	vshra.s32 v19, $0x17;
	v21 =	vadd.s32 $0xFFFFFF81, v21  }
0x20b: {  	v15 =	vadd.s32 $0xFFFFFF81, v15;
	v16 =	vadd.s32 $0xFFFFFF81, v16;
	v27 =	vadd.s32 $0xFFFFFF81, v17  }
.Ltmp4:
0x20c: {  	v30 =	vadd.s32 $0xFFFFFF81, v19;
	v28 =	vadd.f32 $-2.786813020e+00, v25;
	v29 =	vadd.s32 $0xFFFFFF81, v18;
	(pc) =	sbr.rel @p0 .LBB2_10-.Ltmp4, $4  }
0x20d: {  	v21 =	vcvt.s32.f32 v21;
	v17 =	vadd.f32 $-2.786813020e+00, v20;
	v20 =	vadd.f32 $-2.786813020e+00, v22  }
0x20e: {  	v18 =	vcvt.s32.f32 v15;
	v19 =	vadd.f32 $-2.786813020e+00, v26;
	v15 =	vadd.f32 $-2.786813020e+00, v23  }
0x20f: {  	v25 =	vcvt.s32.f32 v16;
	v22 =	vcvt.s32.f32 v27;
	v16 =	vadd.f32 $-2.786813020e+00, v24  }
0x210: {  	s5 =	sadd.s32 $0x40, s5;
	v23 =	vcvt.s32.f32 v29;
	v24 =	vadd.f32 v21, v28;
	v21 =	vcvt.s32.f32 v30  }
0x211: {  	v26 =	vor.u32 s7, v5  }
0x212: {  	v27 =	vor.u32 s30, v5;
	v26 =	vand.u32 v14, v26  }
0x213: {  	v20 =	vadd.f32 v25, v20;
	v60 =	vor.u32 s6, v5;
	v58 =	vand.u32 v10, v27  }
0x214: {  	v62 =	vand.u32 v14, v60  }
0x215: {  	v59 =	vor.u32 s7, v11;
	v15 =	vadd.f32 v23, v15;
	v20 =	vmul.f32 $6.931471820e-01, v20  }
0x216: {  	v19 =	vadd.f32 v22, v19;
	v28 =	vor.u32 s30, v11;
	v61 =	vmul.f32 $6.931471820e-01, v24  }
0x217: {  	v17 =	vadd.f32 v18, v17;
	v63 =	vor.u32 s6, v11;
	v15 =	vmul.f32 $6.931471820e-01, v15;
	[tilespmem:v26+s28+$0x0] =	vst.idx.msk $0xffff, v20  }
0x218: {  	v16 =	vadd.f32 v21, v16;
	v19 =	vmul.f32 $6.931471820e-01, v19;
	[tilespmem:v58+s28+$0x0] =	vst.idx.msk $0xffff, v61  }
0x219: {  	v17 =	vmul.f32 $6.931471820e-01, v17;
	[tilespmem:v62+s28+$0x0] =	vst.idx.msk $0xffff, v15  }
0x21a: {  	v16 =	vmul.f32 $6.931471820e-01, v16;
	[tilespmem:v59+s28+$0x0] =	vst.idx.msk $0xffff, v19  }
0x21b: {  	[tilespmem:v28+s28+$0x0] =	vst.idx.msk $0xffff, v17  }
0x21c: {  	[tilespmem:v63+s28+$0x0] =	vst.idx.msk $0xffff, v16  }
.LBB2_12:
0x21d: {  	v15 =	vld [tilespmem:s25+$0x0]  }
0x21e: {  	v16 =	vld [tilespmem:s25+$0x420];
	_ =	sdelay $0x3  }
0x21f: {  	v15 =	vadd.f32 $9.999999680e-21, v15  }
0x220: {  	v16 =	vadd.f32 $9.999999680e-21, v16  }
0x221: {  	v17 =	vand.u32 $0x7FFFFF, v15  }
0x222: {  	v18 =	vand.u32 $0x7FFFFF, v16;
	v17 =	vor.u32 $0x3F800000, v17  }
0x223: {  	v18 =	vor.u32 $0x3F800000, v18;
	v19 =	vmul.f32 $4.342890900e-02, v17  }
0x224: {  	v20 =	vmul.f32 $4.342890900e-02, v18  }
0x225: {  	v19 =	vadd.f32 $-4.048671720e-01, v19  }
0x226: {  	v20 =	vadd.f32 $-4.048671720e-01, v20  }
0x227: {  	v19 =	vmul.f32 v17, v19  }
0x228: {  	v20 =	vmul.f32 v18, v20  }
0x229: {  	v19 =	vadd.f32 $1.593901400e+00, v19  }
0x22a: {  	v20 =	vadd.f32 $1.593901400e+00, v20  }
0x22b: {  	v19 =	vmul.f32 v17, v19  }
0x22c: {  	v20 =	vmul.f32 v18, v20  }
0x22d: {  	v19 =	vadd.f32 $-3.492494340e+00, v19  }
0x22e: {  	v20 =	vadd.f32 $-3.492494340e+00, v20  }
0x22f: {  	v19 =	vmul.f32 v17, v19  }
0x230: {  	v20 =	vmul.f32 v18, v20  }
0x231: {  	v19 =	vadd.f32 $5.046875950e+00, v19  }
0x232: {  	v20 =	vadd.f32 $5.046875950e+00, v20  }
0x233: {  	v62 =	vor.u32 s1, v5;
	v15 =	vshra.s32 v15, $0x17;
	v17 =	vmul.f32 v17, v19  }
0x234: {  	v16 =	vshra.s32 v16, $0x17;
	v15 =	vadd.s32 $0xFFFFFF81, v15;
	v18 =	vmul.f32 v18, v20  }
0x235: {  	v16 =	vadd.s32 $0xFFFFFF81, v16;
	v15 =	vcvt.s32.f32 v15;
	v17 =	vadd.f32 $-2.786813020e+00, v17  }
0x236: {  	v16 =	vcvt.s32.f32 v16;
	v19 =	vand.u32 v14, v62;
	v18 =	vadd.f32 $-2.786813020e+00, v18  }
0x237: {  	v63 =	vor.u32 s1, v11;
	p0 =	sne.s32 s1, $0x38A0;
	v15 =	vadd.f32 v15, v17  }
.Ltmp5:
0x238: {  	v16 =	vadd.f32 v16, v18;
	(pc) =	sbr.rel @p0 .LBB2_12-.Ltmp5, $4  }
0x239: {  	v15 =	vmul.f32 $6.931471820e-01, v15  }
0x23a: {  	v16 =	vmul.f32 $6.931471820e-01, v16  }
0x23b: {  	[tilespmem:v19+s28+$0x0] =	vst.idx.msk $0xffff, v15  }
0x23c: {  	s25 =	sadd.s32 $0x10, s25;
	s1 =	sadd.s32 $0x20, s1;
	[tilespmem:v63+s28+$0x0] =	vst.idx.msk $0xffff, v16  }
0x23d: {  	s1 =	simm.s32 $0x3B10  }
0x23e: {  	v15 =	vld [tilespmem:s1+$0xFFFFFDE0]  }
0x23f: {  	v16 =	vld [tilespmem:s1+$0x0]  }
0x240: {  	v17 =	vld [tilespmem:s1+$0xFFFFFFD0]  }
0x241: {  	v18 =	vld [tilespmem:s1+$0xFFFFFDC0]  }
0x242: {  	v19 =	vld [tilespmem:s1+$0xFFFFFFE0]  }
0x243: {  	v20 =	vld [tilespmem:s1+$0xFFFFFDD0]  }
0x244: {  	v21 =	vld [tilespmem:s1+$0xFFFFFFF0]  }
0x245: {  	v22 =	vld [tilespmem:s1+$0xFFFFFDB0];
	_ =	sdelay $0x1  }
0x246: {  	v15 =	vadd.f32 $9.999999680e-21, v15;
	v16 =	vadd.f32 $9.999999680e-21, v16  }
0x247: {  	s25 =	simm.s32 $0x3920;
	v17 =	vadd.f32 $9.999999680e-21, v17;
	v18 =	vadd.f32 $9.999999680e-21, v18  }
0x248: {  	v39 =	vor.u32 s25, v5;
	v19 =	vadd.f32 $9.999999680e-21, v19;
	v20 =	vadd.f32 $9.999999680e-21, v20  }
0x249: {  	v21 =	vadd.f32 $9.999999680e-21, v21;
	v22 =	vadd.f32 $9.999999680e-21, v22;
	v23 =	vand.u32 $0x7FFFFF, v15  }
0x24a: {  	v24 =	vand.u32 $0x7FFFFF, v16;
	v26 =	vand.u32 $0x7FFFFF, v17;
	v28 =	vand.u32 $0x7FFFFF, v18  }
0x24b: {  	v29 =	vand.u32 $0x7FFFFF, v19;
	v30 =	vand.u32 $0x7FFFFF, v20;
	v31 =	vand.u32 $0x7FFFFF, v21  }
0x24c: {  	v32 =	vand.u32 $0x7FFFFF, v22;
	v22 =	vshra.s32 v22, $0x17;
	v15 =	vshra.s32 v15, $0x17  }
0x24d: {  	v16 =	vshra.s32 v16, $0x17;
	v17 =	vshra.s32 v17, $0x17;
	v18 =	vshra.s32 v18, $0x17  }
0x24e: {  	v19 =	vshra.s32 v19, $0x17;
	v20 =	vshra.s32 v20, $0x17;
	v23 =	vor.u32 $0x3F800000, v23  }
0x24f: {  	v21 =	vshra.s32 v21, $0x17;
	v24 =	vor.u32 $0x3F800000, v24;
	v25 =	vmul.f32 $4.342890900e-02, v23  }
0x250: {  	v26 =	vor.u32 $0x3F800000, v26;
	v32 =	vor.u32 $0x3F800000, v32;
	v27 =	vmul.f32 $4.342890900e-02, v24  }
0x251: {  	v28 =	vor.u32 $0x3F800000, v28;
	v29 =	vor.u32 $0x3F800000, v29;
	v25 =	vadd.f32 $-4.048671720e-01, v25  }
0x252: {  	v30 =	vor.u32 $0x3F800000, v30;
	v31 =	vor.u32 $0x3F800000, v31;
	v27 =	vadd.f32 $-4.048671720e-01, v27  }
0x253: {  	v15 =	vadd.s32 $0xFFFFFF81, v15;
	v16 =	vadd.s32 $0xFFFFFF81, v16;
	v25 =	vmul.f32 v23, v25  }
0x254: {  	v22 =	vadd.s32 $0xFFFFFF81, v22;
	v58 =	vadd.s32 $0xFFFFFF81, v17;
	v27 =	vmul.f32 v24, v27  }
0x255: {  	v59 =	vadd.s32 $0xFFFFFF81, v18;
	v33 =	vmul.f32 $4.342890900e-02, v32;
	v25 =	vadd.f32 $1.593901400e+00, v25  }
0x256: {  	v34 =	vmul.f32 $4.342890900e-02, v26;
	v35 =	vmul.f32 $4.342890900e-02, v28;
	v27 =	vadd.f32 $1.593901400e+00, v27  }
0x257: {  	v60 =	vadd.s32 $0xFFFFFF81, v19;
	v36 =	vmul.f32 $4.342890900e-02, v29;
	v25 =	vmul.f32 v23, v25  }
0x258: {  	v62 =	vadd.s32 $0xFFFFFF81, v20;
	v37 =	vmul.f32 $4.342890900e-02, v30;
	v27 =	vmul.f32 v24, v27  }
0x259: {  	v38 =	vmul.f32 $4.342890900e-02, v31;
	v15 =	vcvt.s32.f32 v15;
	v25 =	vadd.f32 $-3.492494340e+00, v25  }
0x25a: {  	v16 =	vcvt.s32.f32 v16;
	v63 =	vcvt.s32.f32 v22;
	v27 =	vadd.f32 $-3.492494340e+00, v27  }
0x25b: {  	v21 =	vadd.s32 $0xFFFFFF81, v21;
	v18 =	vcvt.s32.f32 v58;
	v25 =	vmul.f32 v23, v25  }
0x25c: {  	v33 =	vadd.f32 $-4.048671720e-01, v33;
	v34 =	vadd.f32 $-4.048671720e-01, v34;
	v27 =	vmul.f32 v24, v27  }
0x25d: {  	v22 =	vcvt.s32.f32 v60;
	v35 =	vadd.f32 $-4.048671720e-01, v35;
	v25 =	vadd.f32 $5.046875950e+00, v25  }
0x25e: {  	v21 =	vcvt.s32.f32 v21;
	v37 =	vadd.f32 $-4.048671720e-01, v37;
	v27 =	vadd.f32 $5.046875950e+00, v27  }
0x25f: {  	v36 =	vadd.f32 $-4.048671720e-01, v36;
	v33 =	vmul.f32 v32, v33;
	v23 =	vmul.f32 v23, v25  }
0x260: {  	v38 =	vadd.f32 $-4.048671720e-01, v38;
	v51 =	vmul.f32 v30, v37;
	v24 =	vmul.f32 v24, v27  }
0x261: {  	v34 =	vmul.f32 v26, v34;
	v50 =	vmul.f32 v29, v36;
	v23 =	vadd.f32 $-2.786813020e+00, v23  }
0x262: {  	v52 =	vmul.f32 v31, v38;
	v55 =	vadd.f32 $1.593901400e+00, v51;
	v24 =	vadd.f32 $-2.786813020e+00, v24  }
0x263: {  	v25 =	vand.u32 v12, v39;
	v27 =	vmul.f32 v28, v35;
	v15 =	vadd.f32 v15, v23  }
0x264: {  	v35 =	vmul.f32 v30, v55;
	v16 =	vadd.f32 v16, v24;
	v24 =	vadd.f32 $1.593901400e+00, v33  }
0x265: {  	v27 =	vadd.f32 $1.593901400e+00, v27;
	v53 =	vmul.f32 $6.931471820e-01, v15;
	v15 =	vadd.f32 $1.593901400e+00, v34  }
0x266: {  	v54 =	vmul.f32 $6.931471820e-01, v16;
	v16 =	vmul.f32 v32, v24;
	v24 =	vadd.f32 $1.593901400e+00, v50  }
0x267: {  	v27 =	vmul.f32 v28, v27;
	v33 =	vadd.f32 $1.593901400e+00, v52;
	v15 =	vmul.f32 v26, v15  }
0x268: {  	v35 =	vadd.f32 $-3.492494340e+00, v35;
	v16 =	vadd.f32 $-3.492494340e+00, v16;
	v24 =	vmul.f32 v29, v24  }
0x269: {  	v27 =	vadd.f32 $-3.492494340e+00, v27;
	v33 =	vmul.f32 v31, v33;
	v15 =	vadd.f32 $-3.492494340e+00, v15  }
0x26a: {  	v23 =	vor.u32 s25, v11;
	v16 =	vmul.f32 v32, v16;
	v24 =	vadd.f32 $-3.492494340e+00, v24  }
0x26b: {  	v27 =	vmul.f32 v28, v27;
	v33 =	vadd.f32 $-3.492494340e+00, v33;
	v15 =	vmul.f32 v26, v15  }
0x26c: {  	v35 =	vmul.f32 v30, v35;
	v16 =	vadd.f32 $5.046875950e+00, v16;
	v24 =	vmul.f32 v29, v24  }
0x26d: {  	v27 =	vadd.f32 $5.046875950e+00, v27;
	v33 =	vmul.f32 v31, v33;
	v15 =	vadd.f32 $5.046875950e+00, v15  }
0x26e: {  	v56 =	vadd.f32 $5.046875950e+00, v35;
	v16 =	vmul.f32 v32, v16;
	v24 =	vadd.f32 $5.046875950e+00, v24  }
0x26f: {  	v15 =	vmul.f32 v26, v15;
	v26 =	vmul.f32 v28, v27;
	v27 =	vadd.f32 $5.046875950e+00, v33  }
0x270: {  	v57 =	vmul.f32 v30, v56;
	v24 =	vmul.f32 v29, v24;
	v61 =	vadd.f32 $-2.786813020e+00, v16  }
0x271: {  	s30 =	simm.s32 $0x38C0;
	v27 =	vmul.f32 v31, v27;
	v17 =	vadd.f32 $-2.786813020e+00, v15;
	v20 =	vadd.f32 $-2.786813020e+00, v26  }
0x272: {  	s2 =	simm.s32 $0x0;
	s7 =	simm.s32 $0x38E0;
	s6 =	simm.s32 $0x3900;
	[tilespmem:v25+s28+$0x0] =	vst.idx.msk $0xffff, v53;
	v25 =	vcvt.s32.f32 v59;
	v19 =	vadd.f32 $-2.786813020e+00, v24;
	v15 =	vadd.f32 $-2.786813020e+00, v57  }
0x273: {  	s5 =	simm.s32 $0x3B50;
	s1 =	simm.s32 $0x3CC0;
	s25 =	simm.s32 $0x3AC0;
	[tilespmem:v23+s28+$0x0] =	vst.idx.msk $0xffff, v54;
	v23 =	vcvt.s32.f32 v62;
	v24 =	vadd.f32 v63, v61;
	v16 =	vadd.f32 $-2.786813020e+00, v27  }
.LBB2_14:
0x274: {  	v26 =	vld [tilespmem:s5+$0xFFFFFDE0];
	v17 =	vadd.f32 v18, v17;
	v18 =	vor.u32 s7, v5;
	v20 =	vadd.f32 v25, v20  }
0x275: {  	s2 =	sadd.s32 $0x4, s2;
	v19 =	vadd.f32 v22, v19;
	v25 =	vld [tilespmem:s5+$0x0];
	v24 =	vmul.f32 $6.931471820e-01, v24;
	v15 =	vadd.f32 v23, v15  }
0x276: {  	p0 =	slt.u32 s2, $0x1C;
	v16 =	vadd.f32 v21, v16;
	v22 =	vld [tilespmem:s5+$0xFFFFFFD0];
	v23 =	vmul.f32 $6.931471820e-01, v17;
	v20 =	vmul.f32 $6.931471820e-01, v20  }
0x277: {  	v21 =	vmul.f32 $6.931471820e-01, v19;
	v19 =	vor.u32 s6, v5;
	v17 =	vld [tilespmem:s5+$0xFFFFFDC0];
	v27 =	vmul.f32 $6.931471820e-01, v15  }
0x278: {  	v18 =	vand.u32 v14, v18;
	v15 =	vor.u32 s30, v5;
	v29 =	vmul.f32 $6.931471820e-01, v16;
	v28 =	vld [tilespmem:s5+$0xFFFFFFE0]  }
0x279: {  	v32 =	vand.u32 v12, v19;
	v31 =	vand.u32 v13, v15;
	v30 =	vld [tilespmem:s5+$0xFFFFFDD0];
	v26 =	vadd.f32 $9.999999680e-21, v26  }
0x27a: {  	v33 =	vor.u32 s7, v11;
	v34 =	vor.u32 s6, v11;
	v19 =	vld [tilespmem:s5+$0xFFFFFFF0];
	v25 =	vadd.f32 $9.999999680e-21, v25  }
0x27b: {  	v36 =	vor.u32 s30, v11;
	v35 =	vld [tilespmem:s5+$0xFFFFFDB0];
	v15 =	vadd.f32 $9.999999680e-21, v22;
	v22 =	vand.u32 $0x7FFFFF, v26  }
0x27c: {  	v16 =	vadd.f32 $9.999999680e-21, v17;
	v22 =	vor.u32 $0x3F800000, v22;
	v37 =	vand.u32 $0x7FFFFF, v25  }
0x27d: {  	v17 =	vadd.f32 $9.999999680e-21, v28;
	v28 =	vmul.f32 $4.342890900e-02, v22;
	v37 =	vor.u32 $0x3F800000, v37;
	[tilespmem:v18+s28+$0x0] =	vst.idx.msk $0xffff, v20  }
0x27e: {  	v20 =	vand.u32 $0x7FFFFF, v15;
	v18 =	vadd.f32 $9.999999680e-21, v30;
	v30 =	vmul.f32 $4.342890900e-02, v37;
	[tilespmem:v31+s28+$0x0] =	vst.idx.msk $0xffff, v24  }
0x27f: {  	v24 =	vand.u32 $0x7FFFFF, v16;
	v19 =	vadd.f32 $9.999999680e-21, v19;
	v28 =	vadd.f32 $-4.048671720e-01, v28;
	[tilespmem:v33+s28+$0x0] =	vst.idx.msk $0xffff, v21  }
0x280: {  	v31 =	vand.u32 $0x7FFFFF, v17;
	v21 =	vadd.f32 $9.999999680e-21, v35;
	v30 =	vadd.f32 $-4.048671720e-01, v30;
	[tilespmem:v36+s28+$0x0] =	vst.idx.msk $0xffff, v23  }
0x281: {  	v23 =	vand.u32 $0x7FFFFF, v18;
	v33 =	vand.u32 $0x7FFFFF, v19;
	v28 =	vmul.f32 v22, v28;
	[tilespmem:v32+s28+$0x0] =	vst.idx.msk $0xffff, v27  }
0x282: {  	v20 =	vor.u32 $0x3F800000, v20;
	v27 =	vand.u32 $0x7FFFFF, v21;
	v30 =	vmul.f32 v37, v30;
	[tilespmem:v34+s28+$0x0] =	vst.idx.msk $0xffff, v29  }
0x283: {  	v24 =	vor.u32 $0x3F800000, v24;
	v27 =	vor.u32 $0x3F800000, v27;
	v28 =	vadd.f32 $1.593901400e+00, v28  }
0x284: {  	v23 =	vor.u32 $0x3F800000, v23;
	v29 =	vor.u32 $0x3F800000, v31;
	v30 =	vadd.f32 $1.593901400e+00, v30  }
0x285: {  	v32 =	vor.u32 $0x3F800000, v33;
	v31 =	vmul.f32 $4.342890900e-02, v27;
	v28 =	vmul.f32 v22, v28  }
0x286: {  	v21 =	vshra.s32 v21, $0x17;
	v33 =	vmul.f32 $4.342890900e-02, v20;
	v30 =	vmul.f32 v37, v30  }
0x287: {  	v34 =	vmul.f32 $4.342890900e-02, v24;
	v35 =	vmul.f32 $4.342890900e-02, v29;
	v28 =	vadd.f32 $-3.492494340e+00, v28  }
0x288: {  	v36 =	vmul.f32 $4.342890900e-02, v23;
	v38 =	vmul.f32 $4.342890900e-02, v32;
	v30 =	vadd.f32 $-3.492494340e+00, v30  }
0x289: {  	v33 =	vadd.f32 $-4.048671720e-01, v33;
	v31 =	vadd.f32 $-4.048671720e-01, v31;
	v28 =	vmul.f32 v22, v28  }
0x28a: {  	v34 =	vadd.f32 $-4.048671720e-01, v34;
	v35 =	vadd.f32 $-4.048671720e-01, v35;
	v30 =	vmul.f32 v37, v30  }
0x28b: {  	s30 =	sadd.s32 $0x80, s30;
	v36 =	vadd.f32 $-4.048671720e-01, v36;
	v31 =	vmul.f32 v27, v31;
	v28 =	vadd.f32 $5.046875950e+00, v28  }
0x28c: {  	s7 =	sadd.s32 $0x20, s30;
	s6 =	sadd.s32 $0x40, s30;
	s8 =	sadd.s32 $0x60, s30;
	v38 =	vadd.f32 $-4.048671720e-01, v38;
	v33 =	vmul.f32 v20, v33;
	v30 =	vadd.f32 $5.046875950e+00, v30  }
0x28d: {  	v39 =	vor.u32 s8, v5;
	v26 =	vshra.s32 v26, $0x17;
	v22 =	vmul.f32 v22, v28  }
0x28e: {  	v26 =	vadd.s32 $0xFFFFFF81, v26;
	v25 =	vshra.s32 v25, $0x17;
	v28 =	vmul.f32 v37, v30  }
0x28f: {  	v26 =	vcvt.s32.f32 v26;
	v25 =	vadd.s32 $0xFFFFFF81, v25;
	v22 =	vadd.f32 $-2.786813020e+00, v22  }
0x290: {  	v25 =	vcvt.s32.f32 v25;
	v30 =	vand.u32 v12, v39;
	v28 =	vadd.f32 $-2.786813020e+00, v28  }
0x291: {  	v34 =	vmul.f32 v24, v34;
	v22 =	vadd.f32 v26, v22;
	v26 =	vor.u32 s8, v11  }
0x292: {  	v36 =	vmul.f32 v23, v36;
	v35 =	vmul.f32 v29, v35;
	v25 =	vadd.f32 v25, v28  }
0x293: {  	v28 =	vadd.f32 $1.593901400e+00, v31;
	v31 =	vmul.f32 v32, v38;
	v22 =	vmul.f32 $6.931471820e-01, v22  }
0x294: {  	v33 =	vadd.f32 $1.593901400e+00, v33;
	v34 =	vadd.f32 $1.593901400e+00, v34;
	v25 =	vmul.f32 $6.931471820e-01, v25  }
0x295: {  	v36 =	vadd.f32 $1.593901400e+00, v36;
	v35 =	vadd.f32 $1.593901400e+00, v35;
	v28 =	vmul.f32 v27, v28;
	[tilespmem:v30+s28+$0x0] =	vst.idx.msk $0xffff, v22  }
0x296: {  	v31 =	vadd.f32 $1.593901400e+00, v31;
	v22 =	vmul.f32 v20, v33;
	v30 =	vmul.f32 v24, v34;
	[tilespmem:v26+s28+$0x0] =	vst.idx.msk $0xffff, v25  }
0x297: {  	v25 =	vadd.f32 $-3.492494340e+00, v28;
	v26 =	vmul.f32 v29, v35;
	v28 =	vmul.f32 v23, v36  }
0x298: {  	v31 =	vmul.f32 v32, v31;
	v22 =	vadd.f32 $-3.492494340e+00, v22;
	v30 =	vadd.f32 $-3.492494340e+00, v30  }
0x299: {  	v25 =	vmul.f32 v27, v25;
	v26 =	vadd.f32 $-3.492494340e+00, v26;
	v28 =	vadd.f32 $-3.492494340e+00, v28  }
0x29a: {  	v31 =	vadd.f32 $-3.492494340e+00, v31;
	v22 =	vmul.f32 v20, v22;
	v30 =	vmul.f32 v24, v30  }
0x29b: {  	v25 =	vadd.f32 $5.046875950e+00, v25;
	v26 =	vmul.f32 v29, v26;
	v28 =	vmul.f32 v23, v28  }
0x29c: {  	v31 =	vmul.f32 v32, v31;
	v22 =	vadd.f32 $5.046875950e+00, v22;
	v30 =	vadd.f32 $5.046875950e+00, v30  }
0x29d: {  	v25 =	vmul.f32 v27, v25;
	v26 =	vadd.f32 $5.046875950e+00, v26;
	v27 =	vadd.f32 $5.046875950e+00, v28  }
0x29e: {  	v20 =	vmul.f32 v20, v22;
	v22 =	vmul.f32 v24, v30;
	v24 =	vadd.f32 $5.046875950e+00, v31  }
0x29f: {  	v15 =	vshra.s32 v15, $0x17;
	v26 =	vmul.f32 v29, v26;
	v23 =	vmul.f32 v23, v27  }
0x2a0: {  	v16 =	vshra.s32 v16, $0x17;
	v17 =	vshra.s32 v17, $0x17;
	v24 =	vmul.f32 v32, v24  }
0x2a1: {  	v18 =	vshra.s32 v18, $0x17;
	v19 =	vshra.s32 v19, $0x17;
	v21 =	vadd.s32 $0xFFFFFF81, v21  }
0x2a2: {  	v15 =	vadd.s32 $0xFFFFFF81, v15;
	v16 =	vadd.s32 $0xFFFFFF81, v16;
	v27 =	vadd.s32 $0xFFFFFF81, v17  }
.Ltmp6:
0x2a3: {  	v30 =	vadd.s32 $0xFFFFFF81, v19;
	v28 =	vadd.f32 $-2.786813020e+00, v25;
	v29 =	vadd.s32 $0xFFFFFF81, v18;
	(pc) =	sbr.rel @p0 .LBB2_14-.Ltmp6, $4  }
0x2a4: {  	v21 =	vcvt.s32.f32 v21;
	v17 =	vadd.f32 $-2.786813020e+00, v20;
	v20 =	vadd.f32 $-2.786813020e+00, v22  }
0x2a5: {  	v18 =	vcvt.s32.f32 v15;
	v19 =	vadd.f32 $-2.786813020e+00, v26;
	v15 =	vadd.f32 $-2.786813020e+00, v23  }
0x2a6: {  	v25 =	vcvt.s32.f32 v16;
	v22 =	vcvt.s32.f32 v27;
	v16 =	vadd.f32 $-2.786813020e+00, v24  }
0x2a7: {  	s5 =	sadd.s32 $0x40, s5;
	v23 =	vcvt.s32.f32 v29;
	v24 =	vadd.f32 v21, v28;
	v21 =	vcvt.s32.f32 v30  }
0x2a8: {  	v26 =	vor.u32 s7, v5  }
0x2a9: {  	v27 =	vor.u32 s30, v5;
	v26 =	vand.u32 v14, v26  }
0x2aa: {  	v20 =	vadd.f32 v25, v20;
	v60 =	vor.u32 s6, v5;
	v58 =	vand.u32 v13, v27  }
0x2ab: {  	v62 =	vand.u32 v12, v60  }
0x2ac: {  	v59 =	vor.u32 s7, v11;
	v15 =	vadd.f32 v23, v15;
	v20 =	vmul.f32 $6.931471820e-01, v20  }
0x2ad: {  	v19 =	vadd.f32 v22, v19;
	v28 =	vor.u32 s30, v11;
	v61 =	vmul.f32 $6.931471820e-01, v24  }
0x2ae: {  	v17 =	vadd.f32 v18, v17;
	v63 =	vor.u32 s6, v11;
	v15 =	vmul.f32 $6.931471820e-01, v15;
	[tilespmem:v26+s28+$0x0] =	vst.idx.msk $0xffff, v20  }
0x2af: {  	v16 =	vadd.f32 v21, v16;
	v19 =	vmul.f32 $6.931471820e-01, v19;
	[tilespmem:v58+s28+$0x0] =	vst.idx.msk $0xffff, v61  }
0x2b0: {  	v17 =	vmul.f32 $6.931471820e-01, v17;
	[tilespmem:v62+s28+$0x0] =	vst.idx.msk $0xffff, v15  }
0x2b1: {  	v16 =	vmul.f32 $6.931471820e-01, v16;
	[tilespmem:v59+s28+$0x0] =	vst.idx.msk $0xffff, v19  }
0x2b2: {  	[tilespmem:v28+s28+$0x0] =	vst.idx.msk $0xffff, v17  }
0x2b3: {  	[tilespmem:v63+s28+$0x0] =	vst.idx.msk $0xffff, v16  }
.LBB2_16:
0x2b4: {  	v15 =	vld [tilespmem:s25+$0x0]  }
0x2b5: {  	v16 =	vld [tilespmem:s25+$0x220];
	_ =	sdelay $0x3  }
0x2b6: {  	v15 =	vadd.f32 $9.999999680e-21, v15  }
0x2b7: {  	v16 =	vadd.f32 $9.999999680e-21, v16  }
0x2b8: {  	v17 =	vand.u32 $0x7FFFFF, v15  }
0x2b9: {  	v18 =	vand.u32 $0x7FFFFF, v16;
	v17 =	vor.u32 $0x3F800000, v17  }
0x2ba: {  	v18 =	vor.u32 $0x3F800000, v18;
	v19 =	vmul.f32 $4.342890900e-02, v17  }
0x2bb: {  	v20 =	vmul.f32 $4.342890900e-02, v18  }
0x2bc: {  	v19 =	vadd.f32 $-4.048671720e-01, v19  }
0x2bd: {  	v20 =	vadd.f32 $-4.048671720e-01, v20  }
0x2be: {  	v19 =	vmul.f32 v17, v19  }
0x2bf: {  	v20 =	vmul.f32 v18, v20  }
0x2c0: {  	v19 =	vadd.f32 $1.593901400e+00, v19  }
0x2c1: {  	v20 =	vadd.f32 $1.593901400e+00, v20  }
0x2c2: {  	v19 =	vmul.f32 v17, v19  }
0x2c3: {  	v20 =	vmul.f32 v18, v20  }
0x2c4: {  	v19 =	vadd.f32 $-3.492494340e+00, v19  }
0x2c5: {  	v20 =	vadd.f32 $-3.492494340e+00, v20  }
0x2c6: {  	v19 =	vmul.f32 v17, v19  }
0x2c7: {  	v20 =	vmul.f32 v18, v20  }
0x2c8: {  	v19 =	vadd.f32 $5.046875950e+00, v19  }
0x2c9: {  	v20 =	vadd.f32 $5.046875950e+00, v20  }
0x2ca: {  	v62 =	vor.u32 s1, v5;
	v15 =	vshra.s32 v15, $0x17;
	v17 =	vmul.f32 v17, v19  }
0x2cb: {  	v16 =	vshra.s32 v16, $0x17;
	v15 =	vadd.s32 $0xFFFFFF81, v15;
	v18 =	vmul.f32 v18, v20  }
0x2cc: {  	v16 =	vadd.s32 $0xFFFFFF81, v16;
	v15 =	vcvt.s32.f32 v15;
	v17 =	vadd.f32 $-2.786813020e+00, v17  }
0x2cd: {  	v16 =	vcvt.s32.f32 v16;
	v19 =	vand.u32 v14, v62;
	v18 =	vadd.f32 $-2.786813020e+00, v18  }
0x2ce: {  	v63 =	vor.u32 s1, v11;
	p0 =	sne.s32 s1, $0x3CE0;
	v15 =	vadd.f32 v15, v17  }
.Ltmp7:
0x2cf: {  	v16 =	vadd.f32 v16, v18;
	(pc) =	sbr.rel @p0 .LBB2_16-.Ltmp7, $4  }
0x2d0: {  	v15 =	vmul.f32 $6.931471820e-01, v15  }
0x2d1: {  	v16 =	vmul.f32 $6.931471820e-01, v16  }
0x2d2: {  	[tilespmem:v19+s28+$0x0] =	vst.idx.msk $0xffff, v15  }
0x2d3: {  	s25 =	sadd.s32 $0x10, s25;
	s1 =	sadd.s32 $0x20, s1;
	[tilespmem:v63+s28+$0x0] =	vst.idx.msk $0xffff, v16  }
0x2d4: {  	s1 =	simm.s32 $0x3E50  }
0x2d5: {  	v15 =	vld [tilespmem:s1+$0xFFFFFEE0]  }
0x2d6: {  	v16 =	vld [tilespmem:s1+$0x0]  }
0x2d7: {  	v17 =	vld [tilespmem:s1+$0xFFFFFFD0]  }
0x2d8: {  	v18 =	vld [tilespmem:s1+$0xFFFFFEC0]  }
0x2d9: {  	v19 =	vld [tilespmem:s1+$0xFFFFFFE0]  }
0x2da: {  	v20 =	vld [tilespmem:s1+$0xFFFFFED0]  }
0x2db: {  	v21 =	vld [tilespmem:s1+$0xFFFFFFF0]  }
0x2dc: {  	v22 =	vld [tilespmem:s1+$0xFFFFFEB0];
	_ =	sdelay $0x1  }
0x2dd: {  	v15 =	vadd.f32 $9.999999680e-21, v15;
	v16 =	vadd.f32 $9.999999680e-21, v16  }
0x2de: {  	s25 =	simm.s32 $0x3D60;
	v17 =	vadd.f32 $9.999999680e-21, v17;
	v18 =	vadd.f32 $9.999999680e-21, v18  }
0x2df: {  	v39 =	vor.u32 s25, v5;
	v19 =	vadd.f32 $9.999999680e-21, v19;
	v20 =	vadd.f32 $9.999999680e-21, v20  }
0x2e0: {  	v21 =	vadd.f32 $9.999999680e-21, v21;
	v22 =	vadd.f32 $9.999999680e-21, v22;
	v23 =	vand.u32 $0x7FFFFF, v15  }
0x2e1: {  	v24 =	vand.u32 $0x7FFFFF, v16;
	v26 =	vand.u32 $0x7FFFFF, v17;
	v28 =	vand.u32 $0x7FFFFF, v18  }
0x2e2: {  	v29 =	vand.u32 $0x7FFFFF, v19;
	v30 =	vand.u32 $0x7FFFFF, v20;
	v31 =	vand.u32 $0x7FFFFF, v21  }
0x2e3: {  	v32 =	vand.u32 $0x7FFFFF, v22;
	v22 =	vshra.s32 v22, $0x17;
	v15 =	vshra.s32 v15, $0x17  }
0x2e4: {  	v16 =	vshra.s32 v16, $0x17;
	v17 =	vshra.s32 v17, $0x17;
	v18 =	vshra.s32 v18, $0x17  }
0x2e5: {  	v19 =	vshra.s32 v19, $0x17;
	v20 =	vshra.s32 v20, $0x17;
	v23 =	vor.u32 $0x3F800000, v23  }
0x2e6: {  	v21 =	vshra.s32 v21, $0x17;
	v24 =	vor.u32 $0x3F800000, v24;
	v25 =	vmul.f32 $4.342890900e-02, v23  }
0x2e7: {  	v26 =	vor.u32 $0x3F800000, v26;
	v32 =	vor.u32 $0x3F800000, v32;
	v27 =	vmul.f32 $4.342890900e-02, v24  }
0x2e8: {  	v28 =	vor.u32 $0x3F800000, v28;
	v29 =	vor.u32 $0x3F800000, v29;
	v25 =	vadd.f32 $-4.048671720e-01, v25  }
0x2e9: {  	v30 =	vor.u32 $0x3F800000, v30;
	v31 =	vor.u32 $0x3F800000, v31;
	v27 =	vadd.f32 $-4.048671720e-01, v27  }
0x2ea: {  	v15 =	vadd.s32 $0xFFFFFF81, v15;
	v16 =	vadd.s32 $0xFFFFFF81, v16;
	v25 =	vmul.f32 v23, v25  }
0x2eb: {  	v22 =	vadd.s32 $0xFFFFFF81, v22;
	v58 =	vadd.s32 $0xFFFFFF81, v17;
	v27 =	vmul.f32 v24, v27  }
0x2ec: {  	v59 =	vadd.s32 $0xFFFFFF81, v18;
	v33 =	vmul.f32 $4.342890900e-02, v32;
	v25 =	vadd.f32 $1.593901400e+00, v25  }
0x2ed: {  	v34 =	vmul.f32 $4.342890900e-02, v26;
	v35 =	vmul.f32 $4.342890900e-02, v28;
	v27 =	vadd.f32 $1.593901400e+00, v27  }
0x2ee: {  	v60 =	vadd.s32 $0xFFFFFF81, v19;
	v36 =	vmul.f32 $4.342890900e-02, v29;
	v25 =	vmul.f32 v23, v25  }
0x2ef: {  	v62 =	vadd.s32 $0xFFFFFF81, v20;
	v37 =	vmul.f32 $4.342890900e-02, v30;
	v27 =	vmul.f32 v24, v27  }
0x2f0: {  	v38 =	vmul.f32 $4.342890900e-02, v31;
	v15 =	vcvt.s32.f32 v15;
	v25 =	vadd.f32 $-3.492494340e+00, v25  }
0x2f1: {  	v16 =	vcvt.s32.f32 v16;
	v63 =	vcvt.s32.f32 v22;
	v27 =	vadd.f32 $-3.492494340e+00, v27  }
0x2f2: {  	v21 =	vadd.s32 $0xFFFFFF81, v21;
	v18 =	vcvt.s32.f32 v58;
	v25 =	vmul.f32 v23, v25  }
0x2f3: {  	v33 =	vadd.f32 $-4.048671720e-01, v33;
	v34 =	vadd.f32 $-4.048671720e-01, v34;
	v27 =	vmul.f32 v24, v27  }
0x2f4: {  	v22 =	vcvt.s32.f32 v60;
	v35 =	vadd.f32 $-4.048671720e-01, v35;
	v25 =	vadd.f32 $5.046875950e+00, v25  }
0x2f5: {  	v21 =	vcvt.s32.f32 v21;
	v37 =	vadd.f32 $-4.048671720e-01, v37;
	v27 =	vadd.f32 $5.046875950e+00, v27  }
0x2f6: {  	v36 =	vadd.f32 $-4.048671720e-01, v36;
	v33 =	vmul.f32 v32, v33;
	v23 =	vmul.f32 v23, v25  }
0x2f7: {  	v38 =	vadd.f32 $-4.048671720e-01, v38;
	v51 =	vmul.f32 v30, v37;
	v24 =	vmul.f32 v24, v27  }
0x2f8: {  	v34 =	vmul.f32 v26, v34;
	v50 =	vmul.f32 v29, v36;
	v23 =	vadd.f32 $-2.786813020e+00, v23  }
0x2f9: {  	v52 =	vmul.f32 v31, v38;
	v55 =	vadd.f32 $1.593901400e+00, v51;
	v24 =	vadd.f32 $-2.786813020e+00, v24  }
0x2fa: {  	v25 =	vand.u32 v14, v39;
	v27 =	vmul.f32 v28, v35;
	v15 =	vadd.f32 v15, v23  }
0x2fb: {  	v35 =	vmul.f32 v30, v55;
	v16 =	vadd.f32 v16, v24;
	v24 =	vadd.f32 $1.593901400e+00, v33  }
0x2fc: {  	v27 =	vadd.f32 $1.593901400e+00, v27;
	v53 =	vmul.f32 $6.931471820e-01, v15;
	v15 =	vadd.f32 $1.593901400e+00, v34  }
0x2fd: {  	v54 =	vmul.f32 $6.931471820e-01, v16;
	v16 =	vmul.f32 v32, v24;
	v24 =	vadd.f32 $1.593901400e+00, v50  }
0x2fe: {  	v27 =	vmul.f32 v28, v27;
	v33 =	vadd.f32 $1.593901400e+00, v52;
	v15 =	vmul.f32 v26, v15  }
0x2ff: {  	v35 =	vadd.f32 $-3.492494340e+00, v35;
	v16 =	vadd.f32 $-3.492494340e+00, v16;
	v24 =	vmul.f32 v29, v24  }
0x300: {  	v27 =	vadd.f32 $-3.492494340e+00, v27;
	v33 =	vmul.f32 v31, v33;
	v15 =	vadd.f32 $-3.492494340e+00, v15  }
0x301: {  	v23 =	vor.u32 s25, v11;
	v16 =	vmul.f32 v32, v16;
	v24 =	vadd.f32 $-3.492494340e+00, v24  }
0x302: {  	v27 =	vmul.f32 v28, v27;
	v33 =	vadd.f32 $-3.492494340e+00, v33;
	v15 =	vmul.f32 v26, v15  }
0x303: {  	v35 =	vmul.f32 v30, v35;
	v16 =	vadd.f32 $5.046875950e+00, v16;
	v24 =	vmul.f32 v29, v24  }
0x304: {  	v27 =	vadd.f32 $5.046875950e+00, v27;
	v33 =	vmul.f32 v31, v33;
	v15 =	vadd.f32 $5.046875950e+00, v15  }
0x305: {  	v56 =	vadd.f32 $5.046875950e+00, v35;
	v16 =	vmul.f32 v32, v16;
	v24 =	vadd.f32 $5.046875950e+00, v24  }
0x306: {  	v15 =	vmul.f32 v26, v15;
	v26 =	vmul.f32 v28, v27;
	v27 =	vadd.f32 $5.046875950e+00, v33  }
0x307: {  	v57 =	vmul.f32 v30, v56;
	v24 =	vmul.f32 v29, v24;
	v61 =	vadd.f32 $-2.786813020e+00, v16  }
0x308: {  	s30 =	simm.s32 $0x3D00;
	v27 =	vmul.f32 v31, v27;
	v17 =	vadd.f32 $-2.786813020e+00, v15;
	v20 =	vadd.f32 $-2.786813020e+00, v26  }
0x309: {  	s2 =	simm.s32 $0x0;
	s7 =	simm.s32 $0x3D20;
	s6 =	simm.s32 $0x3D40;
	[tilespmem:v25+s28+$0x0] =	vst.idx.msk $0xffff, v53;
	v25 =	vcvt.s32.f32 v59;
	v19 =	vadd.f32 $-2.786813020e+00, v24;
	v15 =	vadd.f32 $-2.786813020e+00, v57  }
0x30a: {  	s5 =	simm.s32 $0x3E90;
	s1 =	simm.s32 $0x3F00;
	s25 =	simm.s32 $0x3E00;
	[tilespmem:v23+s28+$0x0] =	vst.idx.msk $0xffff, v54;
	v23 =	vcvt.s32.f32 v62;
	v24 =	vadd.f32 v63, v61;
	v16 =	vadd.f32 $-2.786813020e+00, v27  }
.LBB2_18:
0x30b: {  	v26 =	vld [tilespmem:s5+$0xFFFFFEE0];
	v17 =	vadd.f32 v18, v17;
	v18 =	vor.u32 s7, v5;
	v20 =	vadd.f32 v25, v20  }
0x30c: {  	s2 =	sadd.s32 $0x4, s2;
	v19 =	vadd.f32 v22, v19;
	v25 =	vld [tilespmem:s5+$0x0];
	v24 =	vmul.f32 $6.931471820e-01, v24;
	v15 =	vadd.f32 v23, v15  }
0x30d: {  	p0 =	slt.u32 s2, $0xC;
	v16 =	vadd.f32 v21, v16;
	v22 =	vld [tilespmem:s5+$0xFFFFFFD0];
	v23 =	vmul.f32 $6.931471820e-01, v17;
	v20 =	vmul.f32 $6.931471820e-01, v20  }
0x30e: {  	v21 =	vmul.f32 $6.931471820e-01, v19;
	v19 =	vor.u32 s6, v5;
	v17 =	vld [tilespmem:s5+$0xFFFFFEC0];
	v27 =	vmul.f32 $6.931471820e-01, v15  }
0x30f: {  	v18 =	vand.u32 v14, v18;
	v15 =	vor.u32 s30, v5;
	v29 =	vmul.f32 $6.931471820e-01, v16;
	v28 =	vld [tilespmem:s5+$0xFFFFFFE0]  }
0x310: {  	v32 =	vand.u32 v14, v19;
	v31 =	vand.u32 v10, v15;
	v30 =	vld [tilespmem:s5+$0xFFFFFED0];
	v26 =	vadd.f32 $9.999999680e-21, v26  }
0x311: {  	v33 =	vor.u32 s7, v11;
	v34 =	vor.u32 s6, v11;
	v19 =	vld [tilespmem:s5+$0xFFFFFFF0];
	v25 =	vadd.f32 $9.999999680e-21, v25  }
0x312: {  	v36 =	vor.u32 s30, v11;
	v35 =	vld [tilespmem:s5+$0xFFFFFEB0];
	v15 =	vadd.f32 $9.999999680e-21, v22;
	v22 =	vand.u32 $0x7FFFFF, v26  }
0x313: {  	v16 =	vadd.f32 $9.999999680e-21, v17;
	v22 =	vor.u32 $0x3F800000, v22;
	v37 =	vand.u32 $0x7FFFFF, v25  }
0x314: {  	v17 =	vadd.f32 $9.999999680e-21, v28;
	v28 =	vmul.f32 $4.342890900e-02, v22;
	v37 =	vor.u32 $0x3F800000, v37;
	[tilespmem:v18+s28+$0x0] =	vst.idx.msk $0xffff, v20  }
0x315: {  	v20 =	vand.u32 $0x7FFFFF, v15;
	v18 =	vadd.f32 $9.999999680e-21, v30;
	v30 =	vmul.f32 $4.342890900e-02, v37;
	[tilespmem:v31+s28+$0x0] =	vst.idx.msk $0xffff, v24  }
0x316: {  	v24 =	vand.u32 $0x7FFFFF, v16;
	v19 =	vadd.f32 $9.999999680e-21, v19;
	v28 =	vadd.f32 $-4.048671720e-01, v28;
	[tilespmem:v33+s28+$0x0] =	vst.idx.msk $0xffff, v21  }
0x317: {  	v31 =	vand.u32 $0x7FFFFF, v17;
	v21 =	vadd.f32 $9.999999680e-21, v35;
	v30 =	vadd.f32 $-4.048671720e-01, v30;
	[tilespmem:v36+s28+$0x0] =	vst.idx.msk $0xffff, v23  }
0x318: {  	v23 =	vand.u32 $0x7FFFFF, v18;
	v33 =	vand.u32 $0x7FFFFF, v19;
	v28 =	vmul.f32 v22, v28;
	[tilespmem:v32+s28+$0x0] =	vst.idx.msk $0xffff, v27  }
0x319: {  	v20 =	vor.u32 $0x3F800000, v20;
	v27 =	vand.u32 $0x7FFFFF, v21;
	v30 =	vmul.f32 v37, v30;
	[tilespmem:v34+s28+$0x0] =	vst.idx.msk $0xffff, v29  }
0x31a: {  	v24 =	vor.u32 $0x3F800000, v24;
	v27 =	vor.u32 $0x3F800000, v27;
	v28 =	vadd.f32 $1.593901400e+00, v28  }
0x31b: {  	v23 =	vor.u32 $0x3F800000, v23;
	v29 =	vor.u32 $0x3F800000, v31;
	v30 =	vadd.f32 $1.593901400e+00, v30  }
0x31c: {  	v32 =	vor.u32 $0x3F800000, v33;
	v31 =	vmul.f32 $4.342890900e-02, v27;
	v28 =	vmul.f32 v22, v28  }
0x31d: {  	v21 =	vshra.s32 v21, $0x17;
	v33 =	vmul.f32 $4.342890900e-02, v20;
	v30 =	vmul.f32 v37, v30  }
0x31e: {  	v34 =	vmul.f32 $4.342890900e-02, v24;
	v35 =	vmul.f32 $4.342890900e-02, v29;
	v28 =	vadd.f32 $-3.492494340e+00, v28  }
0x31f: {  	v36 =	vmul.f32 $4.342890900e-02, v23;
	v38 =	vmul.f32 $4.342890900e-02, v32;
	v30 =	vadd.f32 $-3.492494340e+00, v30  }
0x320: {  	v33 =	vadd.f32 $-4.048671720e-01, v33;
	v31 =	vadd.f32 $-4.048671720e-01, v31;
	v28 =	vmul.f32 v22, v28  }
0x321: {  	v34 =	vadd.f32 $-4.048671720e-01, v34;
	v35 =	vadd.f32 $-4.048671720e-01, v35;
	v30 =	vmul.f32 v37, v30  }
0x322: {  	s30 =	sadd.s32 $0x80, s30;
	v36 =	vadd.f32 $-4.048671720e-01, v36;
	v31 =	vmul.f32 v27, v31;
	v28 =	vadd.f32 $5.046875950e+00, v28  }
0x323: {  	s7 =	sadd.s32 $0x20, s30;
	s6 =	sadd.s32 $0x40, s30;
	s8 =	sadd.s32 $0x60, s30;
	v38 =	vadd.f32 $-4.048671720e-01, v38;
	v33 =	vmul.f32 v20, v33;
	v30 =	vadd.f32 $5.046875950e+00, v30  }
0x324: {  	v39 =	vor.u32 s8, v5;
	v26 =	vshra.s32 v26, $0x17;
	v22 =	vmul.f32 v22, v28  }
0x325: {  	v26 =	vadd.s32 $0xFFFFFF81, v26;
	v25 =	vshra.s32 v25, $0x17;
	v28 =	vmul.f32 v37, v30  }
0x326: {  	v26 =	vcvt.s32.f32 v26;
	v25 =	vadd.s32 $0xFFFFFF81, v25;
	v22 =	vadd.f32 $-2.786813020e+00, v22  }
0x327: {  	v25 =	vcvt.s32.f32 v25;
	v30 =	vand.u32 v14, v39;
	v28 =	vadd.f32 $-2.786813020e+00, v28  }
0x328: {  	v34 =	vmul.f32 v24, v34;
	v22 =	vadd.f32 v26, v22;
	v26 =	vor.u32 s8, v11  }
0x329: {  	v36 =	vmul.f32 v23, v36;
	v35 =	vmul.f32 v29, v35;
	v25 =	vadd.f32 v25, v28  }
0x32a: {  	v28 =	vadd.f32 $1.593901400e+00, v31;
	v31 =	vmul.f32 v32, v38;
	v22 =	vmul.f32 $6.931471820e-01, v22  }
0x32b: {  	v33 =	vadd.f32 $1.593901400e+00, v33;
	v34 =	vadd.f32 $1.593901400e+00, v34;
	v25 =	vmul.f32 $6.931471820e-01, v25  }
0x32c: {  	v36 =	vadd.f32 $1.593901400e+00, v36;
	v35 =	vadd.f32 $1.593901400e+00, v35;
	v28 =	vmul.f32 v27, v28;
	[tilespmem:v30+s28+$0x0] =	vst.idx.msk $0xffff, v22  }
0x32d: {  	v31 =	vadd.f32 $1.593901400e+00, v31;
	v22 =	vmul.f32 v20, v33;
	v30 =	vmul.f32 v24, v34;
	[tilespmem:v26+s28+$0x0] =	vst.idx.msk $0xffff, v25  }
0x32e: {  	v25 =	vadd.f32 $-3.492494340e+00, v28;
	v26 =	vmul.f32 v29, v35;
	v28 =	vmul.f32 v23, v36  }
0x32f: {  	v31 =	vmul.f32 v32, v31;
	v22 =	vadd.f32 $-3.492494340e+00, v22;
	v30 =	vadd.f32 $-3.492494340e+00, v30  }
0x330: {  	v25 =	vmul.f32 v27, v25;
	v26 =	vadd.f32 $-3.492494340e+00, v26;
	v28 =	vadd.f32 $-3.492494340e+00, v28  }
0x331: {  	v31 =	vadd.f32 $-3.492494340e+00, v31;
	v22 =	vmul.f32 v20, v22;
	v30 =	vmul.f32 v24, v30  }
0x332: {  	v25 =	vadd.f32 $5.046875950e+00, v25;
	v26 =	vmul.f32 v29, v26;
	v28 =	vmul.f32 v23, v28  }
0x333: {  	v31 =	vmul.f32 v32, v31;
	v22 =	vadd.f32 $5.046875950e+00, v22;
	v30 =	vadd.f32 $5.046875950e+00, v30  }
0x334: {  	v25 =	vmul.f32 v27, v25;
	v26 =	vadd.f32 $5.046875950e+00, v26;
	v27 =	vadd.f32 $5.046875950e+00, v28  }
0x335: {  	v20 =	vmul.f32 v20, v22;
	v22 =	vmul.f32 v24, v30;
	v24 =	vadd.f32 $5.046875950e+00, v31  }
0x336: {  	v15 =	vshra.s32 v15, $0x17;
	v26 =	vmul.f32 v29, v26;
	v23 =	vmul.f32 v23, v27  }
0x337: {  	v16 =	vshra.s32 v16, $0x17;
	v17 =	vshra.s32 v17, $0x17;
	v24 =	vmul.f32 v32, v24  }
0x338: {  	v18 =	vshra.s32 v18, $0x17;
	v19 =	vshra.s32 v19, $0x17;
	v21 =	vadd.s32 $0xFFFFFF81, v21  }
0x339: {  	v15 =	vadd.s32 $0xFFFFFF81, v15;
	v16 =	vadd.s32 $0xFFFFFF81, v16;
	v27 =	vadd.s32 $0xFFFFFF81, v17  }
.Ltmp8:
0x33a: {  	v30 =	vadd.s32 $0xFFFFFF81, v19;
	v28 =	vadd.f32 $-2.786813020e+00, v25;
	v29 =	vadd.s32 $0xFFFFFF81, v18;
	(pc) =	sbr.rel @p0 .LBB2_18-.Ltmp8, $4  }
0x33b: {  	v21 =	vcvt.s32.f32 v21;
	v17 =	vadd.f32 $-2.786813020e+00, v20;
	v20 =	vadd.f32 $-2.786813020e+00, v22  }
0x33c: {  	v18 =	vcvt.s32.f32 v15;
	v19 =	vadd.f32 $-2.786813020e+00, v26;
	v15 =	vadd.f32 $-2.786813020e+00, v23  }
0x33d: {  	v25 =	vcvt.s32.f32 v16;
	v22 =	vcvt.s32.f32 v27;
	v16 =	vadd.f32 $-2.786813020e+00, v24  }
0x33e: {  	s5 =	sadd.s32 $0x40, s5;
	v23 =	vcvt.s32.f32 v29;
	v24 =	vadd.f32 v21, v28;
	v21 =	vcvt.s32.f32 v30  }
0x33f: {  	v26 =	vor.u32 s7, v5  }
0x340: {  	v27 =	vor.u32 s30, v5;
	v26 =	vand.u32 v14, v26  }
0x341: {  	v20 =	vadd.f32 v25, v20;
	v60 =	vor.u32 s6, v5;
	v58 =	vand.u32 v10, v27  }
0x342: {  	v62 =	vand.u32 v14, v60  }
0x343: {  	v59 =	vor.u32 s7, v11;
	v15 =	vadd.f32 v23, v15;
	v20 =	vmul.f32 $6.931471820e-01, v20  }
0x344: {  	v19 =	vadd.f32 v22, v19;
	v28 =	vor.u32 s30, v11;
	v61 =	vmul.f32 $6.931471820e-01, v24  }
0x345: {  	v17 =	vadd.f32 v18, v17;
	v63 =	vor.u32 s6, v11;
	v15 =	vmul.f32 $6.931471820e-01, v15;
	[tilespmem:v26+s28+$0x0] =	vst.idx.msk $0xffff, v20  }
0x346: {  	v16 =	vadd.f32 v21, v16;
	v19 =	vmul.f32 $6.931471820e-01, v19;
	[tilespmem:v58+s28+$0x0] =	vst.idx.msk $0xffff, v61  }
0x347: {  	v17 =	vmul.f32 $6.931471820e-01, v17;
	[tilespmem:v62+s28+$0x0] =	vst.idx.msk $0xffff, v15  }
0x348: {  	v16 =	vmul.f32 $6.931471820e-01, v16;
	[tilespmem:v59+s28+$0x0] =	vst.idx.msk $0xffff, v19  }
0x349: {  	[tilespmem:v28+s28+$0x0] =	vst.idx.msk $0xffff, v17  }
0x34a: {  	[tilespmem:v63+s28+$0x0] =	vst.idx.msk $0xffff, v16  }
.LBB2_20:
0x34b: {  	v15 =	vld [tilespmem:s25+$0x0]  }
0x34c: {  	v16 =	vld [tilespmem:s25+$0x120];
	_ =	sdelay $0x3  }
0x34d: {  	v15 =	vadd.f32 $9.999999680e-21, v15  }
0x34e: {  	v16 =	vadd.f32 $9.999999680e-21, v16  }
0x34f: {  	v17 =	vand.u32 $0x7FFFFF, v15  }
0x350: {  	v18 =	vand.u32 $0x7FFFFF, v16;
	v17 =	vor.u32 $0x3F800000, v17  }
0x351: {  	v18 =	vor.u32 $0x3F800000, v18;
	v19 =	vmul.f32 $4.342890900e-02, v17  }
0x352: {  	v20 =	vmul.f32 $4.342890900e-02, v18  }
0x353: {  	v19 =	vadd.f32 $-4.048671720e-01, v19  }
0x354: {  	v20 =	vadd.f32 $-4.048671720e-01, v20  }
0x355: {  	v19 =	vmul.f32 v17, v19  }
0x356: {  	v20 =	vmul.f32 v18, v20  }
0x357: {  	v19 =	vadd.f32 $1.593901400e+00, v19  }
0x358: {  	v20 =	vadd.f32 $1.593901400e+00, v20  }
0x359: {  	v19 =	vmul.f32 v17, v19  }
0x35a: {  	v20 =	vmul.f32 v18, v20  }
0x35b: {  	v19 =	vadd.f32 $-3.492494340e+00, v19  }
0x35c: {  	v20 =	vadd.f32 $-3.492494340e+00, v20  }
0x35d: {  	v19 =	vmul.f32 v17, v19  }
0x35e: {  	v20 =	vmul.f32 v18, v20  }
0x35f: {  	v19 =	vadd.f32 $5.046875950e+00, v19  }
0x360: {  	v20 =	vadd.f32 $5.046875950e+00, v20  }
0x361: {  	v62 =	vor.u32 s1, v5;
	v15 =	vshra.s32 v15, $0x17;
	v17 =	vmul.f32 v17, v19  }
0x362: {  	v16 =	vshra.s32 v16, $0x17;
	v15 =	vadd.s32 $0xFFFFFF81, v15;
	v18 =	vmul.f32 v18, v20  }
0x363: {  	v16 =	vadd.s32 $0xFFFFFF81, v16;
	v15 =	vcvt.s32.f32 v15;
	v17 =	vadd.f32 $-2.786813020e+00, v17  }
0x364: {  	v16 =	vcvt.s32.f32 v16;
	v19 =	vand.u32 v14, v62;
	v18 =	vadd.f32 $-2.786813020e+00, v18  }
0x365: {  	v63 =	vor.u32 s1, v11;
	p0 =	sne.s32 s1, $0x3F20;
	v15 =	vadd.f32 v15, v17  }
.Ltmp9:
0x366: {  	v16 =	vadd.f32 v16, v18;
	(pc) =	sbr.rel @p0 .LBB2_20-.Ltmp9, $4  }
0x367: {  	v15 =	vmul.f32 $6.931471820e-01, v15  }
0x368: {  	v16 =	vmul.f32 $6.931471820e-01, v16  }
0x369: {  	[tilespmem:v19+s28+$0x0] =	vst.idx.msk $0xffff, v15  }
0x36a: {  	s25 =	sadd.s32 $0x10, s25;
	s1 =	sadd.s32 $0x20, s1;
	[tilespmem:v63+s28+$0x0] =	vst.idx.msk $0xffff, v16  }
0x36b: {  	s5 =	simm.s32 $0x0;
	p0 =	por $0x1, $0x1  }
.LBB2_22:
0x36c: {  	s1 =	sshll.u32 s5, $0x4  }
0x36d: {  	s1 =	sand.u32 $0x3FFFFFF0, s1  }
0x36e: {  	v15 =	vld [tilespmem:s1+$0x3F40]  }
0x36f: {  	s30 =	sor.u32 $0x2, s5;
	v16 =	vld [tilespmem:s1+$0x3FE0]  }
0x370: {  	s7 =	sshll.u32 s30, $0x4  }
0x371: {  	s6 =	sshll.u32 s5, $0x5;
	s8 =	sor.u32 $0x3, s5;
	s7 =	sand.u32 $0x3FFFFFF0, s7  }
0x372: {  	s6 =	sor.u32 $0x3F40, s6;
	s25 =	sshll.u32 s8, $0x4;
	s1 =	sor.u32 $0x1, s5;
	v26 =	vld [tilespmem:s7+$0x3F40]  }
0x373: {  	v25 =	vor.u32 s6, v5;
	v43 =	vor.u32 s6, v11;
	s6 =	sand.u32 $0x3FFFFFF0, s25;
	s2 =	sshll.u32 s1, $0x4;
	v28 =	vld [tilespmem:s7+$0x3FE0];
	v15 =	vadd.f32 $9.999999680e-21, v15  }
0x374: {  	v31 =	vld [tilespmem:s6+$0x3F40];
	s2 =	sand.u32 $0x3FFFFFF0, s2;
	v16 =	vadd.f32 $9.999999680e-21, v16  }
0x375: {  	s1 =	sshll.u32 s1, $0x5;
	v20 =	vld [tilespmem:s2+$0x3F40];
	v17 =	vand.u32 $0x7FFFFF, v15  }
0x376: {  	v25 =	vand.u32 v13, v25;
	s1 =	sor.u32 $0x3F40, s1;
	v22 =	vld [tilespmem:s2+$0x3FE0];
	s2 =	sshll.u32 s30, $0x5;
	v19 =	vand.u32 $0x7FFFFF, v16;
	v17 =	vor.u32 $0x3F800000, v17  }
0x377: {  	v32 =	vld [tilespmem:s6+$0x3FE0];
	v53 =	vor.u32 s1, v5;
	s2 =	sadd.s32 $0x3F40, s2;
	v19 =	vor.u32 $0x3F800000, v19;
	v18 =	vmul.f32 $4.342890900e-02, v17  }
0x378: {  	v55 =	vor.u32 s1, v11;
	s30 =	sshll.u32 s8, $0x5;
	v54 =	vor.u32 s2, v5;
	v21 =	vmul.f32 $4.342890900e-02, v19  }
0x379: {  	s1 =	sadd.s32 $0x3F40, s30;
	v56 =	vor.u32 s2, v11;
	v40 =	vadd.f32 $9.999999680e-21, v26;
	v18 =	vadd.f32 $-4.048671720e-01, v18  }
0x37a: {  	v57 =	vor.u32 s1, v5;
	v20 =	vadd.f32 $9.999999680e-21, v20;
	v21 =	vadd.f32 $-4.048671720e-01, v21  }
0x37b: {  	v42 =	vadd.f32 $9.999999680e-21, v28;
	v46 =	vadd.f32 $9.999999680e-21, v31;
	v18 =	vmul.f32 v17, v18  }
0x37c: {  	v47 =	vadd.f32 $9.999999680e-21, v32;
	v23 =	vand.u32 $0x7FFFFF, v20;
	v21 =	vmul.f32 v19, v21  }
0x37d: {  	v60 =	vand.u32 v12, v57;
	v23 =	vor.u32 $0x3F800000, v23;
	v18 =	vadd.f32 $1.593901400e+00, v18  }
0x37e: {  	v15 =	vshra.s32 v15, $0x17;
	v24 =	vmul.f32 $4.342890900e-02, v23;
	v21 =	vadd.f32 $1.593901400e+00, v21  }
0x37f: {  	v16 =	vshra.s32 v16, $0x17;
	v22 =	vadd.f32 $9.999999680e-21, v22;
	v18 =	vmul.f32 v17, v18  }
0x380: {  	v15 =	vadd.s32 $0xFFFFFF81, v15;
	v24 =	vadd.f32 $-4.048671720e-01, v24;
	v21 =	vmul.f32 v19, v21  }
0x381: {  	v16 =	vadd.s32 $0xFFFFFF81, v16;
	v26 =	vand.u32 $0x7FFFFF, v40;
	v18 =	vadd.f32 $-3.492494340e+00, v18  }
0x382: {  	v30 =	vand.u32 $0x7FFFFF, v42;
	v24 =	vmul.f32 v23, v24;
	v21 =	vadd.f32 $-3.492494340e+00, v21  }
0x383: {  	v49 =	vand.u32 $0x7FFFFF, v46;
	v32 =	vand.u32 $0x7FFFFF, v47;
	v18 =	vmul.f32 v17, v18  }
0x384: {  	v31 =	vshra.s32 v47, $0x17;
	v24 =	vadd.f32 $1.593901400e+00, v24;
	v21 =	vmul.f32 v19, v21  }
0x385: {  	v15 =	vcvt.s32.f32 v15;
	v26 =	vor.u32 $0x3F800000, v26;
	v18 =	vadd.f32 $5.046875950e+00, v18  }
0x386: {  	v16 =	vcvt.s32.f32 v16;
	v39 =	vmul.f32 v23, v24;
	v21 =	vadd.f32 $5.046875950e+00, v21  }
0x387: {  	v38 =	vand.u32 $0x7FFFFF, v22;
	v29 =	vmul.f32 $4.342890900e-02, v26;
	v17 =	vmul.f32 v17, v18  }
0x388: {  	v18 =	vor.u32 $0x3F800000, v38;
	v19 =	vmul.f32 v19, v21;
	v21 =	vadd.f32 $-3.492494340e+00, v39  }
0x389: {  	v30 =	vor.u32 $0x3F800000, v30;
	v32 =	vor.u32 $0x3F800000, v32;
	v27 =	vmul.f32 $4.342890900e-02, v18  }
0x38a: {  	v59 =	vadd.s32 $0xFFFFFF81, v31;
	v29 =	vadd.f32 $-4.048671720e-01, v29;
	v21 =	vmul.f32 v23, v21  }
0x38b: {  	v44 =	vmul.f32 $4.342890900e-02, v30;
	v19 =	vadd.f32 $-2.786813020e+00, v19;
	v27 =	vadd.f32 $-4.048671720e-01, v27  }
0x38c: {  	v45 =	vmul.f32 v26, v29;
	v17 =	vadd.f32 $-2.786813020e+00, v17;
	v21 =	vadd.f32 $5.046875950e+00, v21  }
0x38d: {  	v16 =	vadd.f32 v16, v19;
	v19 =	vadd.f32 $-4.048671720e-01, v44;
	v41 =	vmul.f32 v18, v27  }
0x38e: {  	v20 =	vshra.s32 v20, $0x17;
	v21 =	vmul.f32 v23, v21;
	v23 =	vadd.f32 $1.593901400e+00, v45  }
0x38f: {  	v15 =	vadd.f32 v15, v17;
	v19 =	vmul.f32 v30, v19;
	v17 =	vadd.f32 $1.593901400e+00, v41  }
0x390: {  	v22 =	vshra.s32 v22, $0x17;
	v34 =	vmul.f32 $4.342890900e-02, v32;
	v23 =	vmul.f32 v26, v23  }
0x391: {  	v48 =	vadd.f32 $1.593901400e+00, v19;
	v19 =	vor.u32 $0x3F800000, v49;
	v17 =	vmul.f32 v18, v17  }
0x392: {  	v20 =	vadd.s32 $0xFFFFFF81, v20;
	v33 =	vmul.f32 $4.342890900e-02, v19;
	v23 =	vadd.f32 $-3.492494340e+00, v23  }
0x393: {  	v22 =	vadd.s32 $0xFFFFFF81, v22;
	v20 =	vcvt.s32.f32 v20;
	v17 =	vadd.f32 $-3.492494340e+00, v17  }
0x394: {  	v22 =	vcvt.s32.f32 v22;
	v33 =	vadd.f32 $-4.048671720e-01, v33;
	v23 =	vmul.f32 v26, v23  }
0x395: {  	v34 =	vadd.f32 $-4.048671720e-01, v34;
	v29 =	vshra.s32 v46, $0x17;
	v17 =	vmul.f32 v18, v17  }
0x396: {  	v21 =	vadd.f32 $-2.786813020e+00, v21;
	v50 =	vmul.f32 v19, v33;
	v23 =	vadd.f32 $5.046875950e+00, v23  }
0x397: {  	v52 =	vmul.f32 v32, v34;
	v29 =	vadd.s32 $0xFFFFFF81, v29;
	v17 =	vadd.f32 $5.046875950e+00, v17  }
0x398: {  	v20 =	vadd.f32 v20, v21;
	v21 =	vadd.f32 $1.593901400e+00, v50;
	v51 =	vmul.f32 v26, v23  }
0x399: {  	v23 =	vadd.f32 $1.593901400e+00, v52;
	v17 =	vmul.f32 v18, v17;
	v18 =	vmul.f32 v30, v48  }
0x39a: {  	v58 =	vcvt.s32.f32 v29;
	v24 =	vshra.s32 v40, $0x17;
	v21 =	vmul.f32 v19, v21  }
0x39b: {  	v24 =	vadd.s32 $0xFFFFFF81, v24;
	v23 =	vmul.f32 v32, v23;
	v18 =	vadd.f32 $-3.492494340e+00, v18  }
0x39c: {  	v24 =	vcvt.s32.f32 v24;
	v15 =	vmul.f32 $6.931471820e-01, v15;
	v21 =	vadd.f32 $-3.492494340e+00, v21  }
0x39d: {  	v17 =	vadd.f32 $-2.786813020e+00, v17;
	v23 =	vadd.f32 $-3.492494340e+00, v23;
	v18 =	vmul.f32 v30, v18  }
0x39e: {  	v27 =	vshra.s32 v42, $0x17;
	v16 =	vmul.f32 $6.931471820e-01, v16;
	v21 =	vmul.f32 v19, v21  }
0x39f: {  	v17 =	vadd.f32 v22, v17;
	v23 =	vmul.f32 v32, v23;
	v18 =	vadd.f32 $5.046875950e+00, v18  }
0x3a0: {  	v27 =	vadd.s32 $0xFFFFFF81, v27;
	v22 =	vadd.f32 $-2.786813020e+00, v51;
	v21 =	vadd.f32 $5.046875950e+00, v21  }
0x3a1: {  	v26 =	vand.u32 v14, v53;
	v23 =	vadd.f32 $5.046875950e+00, v23;
	v18 =	vmul.f32 v30, v18  }
0x3a2: {  	v27 =	vcvt.s32.f32 v27;
	v22 =	vadd.f32 v24, v22;
	v19 =	vmul.f32 v19, v21  }
0x3a3: {  	v24 =	vand.u32 v12, v54;
	v23 =	vmul.f32 v32, v23;
	v18 =	vadd.f32 $-2.786813020e+00, v18  }
0x3a4: {  	[tilespmem:v25+s28+$0x0] =	vst.idx.msk $0xffff, v15;
	v25 =	vcvt.s32.f32 v59;
	v20 =	vmul.f32 $6.931471820e-01, v20;
	v15 =	vadd.f32 $-2.786813020e+00, v19  }
0x3a5: {  	[tilespmem:v43+s28+$0x0] =	vst.idx.msk $0xffff, v16;
	v17 =	vmul.f32 $6.931471820e-01, v17;
	v23 =	vadd.f32 $-2.786813020e+00, v23;
	v18 =	vadd.f32 v27, v18  }
0x3a6: {  	p1 =	por p0, p0;
	v62 =	vor.u32 s1, v11;
	[tilespmem:v26+s28+$0x0] =	vst.idx.msk $0xffff, v20;
	v61 =	vmul.f32 $6.931471820e-01, v22;
	v15 =	vadd.f32 v58, v15  }
.Ltmp10:
0x3a7: {  	[tilespmem:v55+s28+$0x0] =	vst.idx.msk $0xffff, v17;
	v63 =	vadd.f32 v25, v23;
	v18 =	vmul.f32 $6.931471820e-01, v18;
	(pc) =	sbr.rel @p1 .LBB2_22-.Ltmp10, $4  }
0x3a8: {  	[tilespmem:v24+s28+$0x0] =	vst.idx.msk $0xffff, v61;
	v15 =	vmul.f32 $6.931471820e-01, v15  }
0x3a9: {  	v17 =	vmul.f32 $6.931471820e-01, v63;
	[tilespmem:v56+s28+$0x0] =	vst.idx.msk $0xffff, v18  }
0x3aa: {  	p0 =	por $0x0, $0x0;
	[tilespmem:v60+s28+$0x0] =	vst.idx.msk $0xffff, v15  }
0x3ab: {  	s5 =	simm.s32 $0x4;
	s1 =	simm.s32 $0x4040;
	s2 =	simm.s32 $0x4060;
	[tilespmem:v62+s28+$0x0] =	vst.idx.msk $0xffff, v17  }
.LBB2_23:
0x3ac: {  	v15 =	vld [tilespmem:s2+$0xFFFFFF60]  }
0x3ad: {  	v16 =	vld [tilespmem:s2+$0x0];
	_ =	sdelay $0x3  }
0x3ae: {  	v15 =	vadd.f32 $9.999999680e-21, v15  }
0x3af: {  	v16 =	vadd.f32 $9.999999680e-21, v16  }
0x3b0: {  	v17 =	vand.u32 $0x7FFFFF, v15  }
0x3b1: {  	v18 =	vand.u32 $0x7FFFFF, v16;
	v17 =	vor.u32 $0x3F800000, v17  }
0x3b2: {  	v18 =	vor.u32 $0x3F800000, v18;
	v19 =	vmul.f32 $4.342890900e-02, v17  }
0x3b3: {  	v20 =	vmul.f32 $4.342890900e-02, v18  }
0x3b4: {  	v19 =	vadd.f32 $-4.048671720e-01, v19  }
0x3b5: {  	v20 =	vadd.f32 $-4.048671720e-01, v20  }
0x3b6: {  	v19 =	vmul.f32 v17, v19  }
0x3b7: {  	v20 =	vmul.f32 v18, v20  }
0x3b8: {  	v19 =	vadd.f32 $1.593901400e+00, v19  }
0x3b9: {  	v20 =	vadd.f32 $1.593901400e+00, v20  }
0x3ba: {  	v19 =	vmul.f32 v17, v19  }
0x3bb: {  	v20 =	vmul.f32 v18, v20  }
0x3bc: {  	v19 =	vadd.f32 $-3.492494340e+00, v19  }
0x3bd: {  	v20 =	vadd.f32 $-3.492494340e+00, v20  }
0x3be: {  	v19 =	vmul.f32 v17, v19  }
0x3bf: {  	v20 =	vmul.f32 v18, v20  }
0x3c0: {  	v19 =	vadd.f32 $5.046875950e+00, v19  }
0x3c1: {  	v20 =	vadd.f32 $5.046875950e+00, v20  }
0x3c2: {  	v62 =	vor.u32 s1, v5;
	v15 =	vshra.s32 v15, $0x17;
	v17 =	vmul.f32 v17, v19  }
0x3c3: {  	v16 =	vshra.s32 v16, $0x17;
	v15 =	vadd.s32 $0xFFFFFF81, v15;
	v18 =	vmul.f32 v18, v20  }
0x3c4: {  	v16 =	vadd.s32 $0xFFFFFF81, v16;
	v15 =	vcvt.s32.f32 v15;
	v17 =	vadd.f32 $-2.786813020e+00, v17  }
0x3c5: {  	v16 =	vcvt.s32.f32 v16;
	v19 =	vand.u32 v14, v62;
	v18 =	vadd.f32 $-2.786813020e+00, v18  }
0x3c6: {  	v63 =	vor.u32 s1, v11;
	p0 =	sne.s32 s1, $0x4060;
	v15 =	vadd.f32 v15, v17  }
.Ltmp11:
0x3c7: {  	v16 =	vadd.f32 v16, v18;
	(pc) =	sbr.rel @p0 .LBB2_23-.Ltmp11, $4  }
0x3c8: {  	v15 =	vmul.f32 $6.931471820e-01, v15  }
0x3c9: {  	v16 =	vmul.f32 $6.931471820e-01, v16  }
0x3ca: {  	[tilespmem:v19+s28+$0x0] =	vst.idx.msk $0xffff, v15  }
0x3cb: {  	s2 =	sadd.s32 $0x10, s2;
	s1 =	sadd.s32 $0x20, s1;
	[tilespmem:v63+s28+$0x0] =	vst.idx.msk $0xffff, v16  }
0x3cc: {  	v16 =	vld [tilespmem:$0x40E0]  }
0x3cd: {  	v15 =	vld [tilespmem:$0x4080]  }
0x3ce: {  	v17 =	vld [tilespmem:$0x4090];
	_ =	sdelay $0x2  }
0x3cf: {  	v16 =	vadd.f32 $9.999999680e-21, v16  }
0x3d0: {  	v15 =	vadd.f32 $9.999999680e-21, v15  }
0x3d1: {  	v17 =	vadd.f32 $9.999999680e-21, v17;
	v20 =	vand.u32 $0x7FFFFF, v16  }
0x3d2: {  	v18 =	vand.u32 $0x7FFFFF, v15;
	v20 =	vor.u32 $0x3F800000, v20  }
0x3d3: {  	v22 =	vand.u32 $0x7FFFFF, v17;
	v18 =	vor.u32 $0x3F800000, v18;
	v21 =	vmul.f32 $4.342890900e-02, v20  }
0x3d4: {  	v24 =	vld [tilespmem:$0x40F0];
	v22 =	vor.u32 $0x3F800000, v22;
	v19 =	vmul.f32 $4.342890900e-02, v18  }
0x3d5: {  	v25 =	vld [tilespmem:$0x40A0];
	v23 =	vmul.f32 $4.342890900e-02, v22;
	v21 =	vadd.f32 $-4.048671720e-01, v21  }
0x3d6: {  	v26 =	vld [tilespmem:$0x4100];
	v50 =	vor.u32 $0x4080, v5;
	v51 =	vor.u32 $0x4081, v5;
	v19 =	vadd.f32 $-4.048671720e-01, v19  }
0x3d7: {  	v29 =	vld [tilespmem:$0x40B0];
	v53 =	vor.u32 $0x40A0, v5;
	v23 =	vadd.f32 $-4.048671720e-01, v23;
	v21 =	vmul.f32 v20, v21  }
0x3d8: {  	v30 =	vld [tilespmem:$0x4110];
	v54 =	vor.u32 $0x40A1, v5;
	v55 =	vor.u32 $0x40C0, v5;
	v19 =	vmul.f32 v18, v19  }
0x3d9: {  	v56 =	vor.u32 $0x40C1, v5;
	v23 =	vmul.f32 v22, v23;
	v21 =	vadd.f32 $1.593901400e+00, v21  }
0x3da: {  	v59 =	vor.u32 $0x40E0, v5;
	v24 =	vadd.f32 $9.999999680e-21, v24;
	v19 =	vadd.f32 $1.593901400e+00, v19  }
0x3db: {  	v25 =	vadd.f32 $9.999999680e-21, v25;
	v23 =	vadd.f32 $1.593901400e+00, v23;
	v21 =	vmul.f32 v20, v21  }
0x3dc: {  	v26 =	vadd.f32 $9.999999680e-21, v26;
	v43 =	vadd.f32 $9.999999680e-21, v29;
	v19 =	vmul.f32 v18, v19  }
0x3dd: {  	v44 =	vadd.f32 $9.999999680e-21, v30;
	v23 =	vmul.f32 v22, v23;
	v21 =	vadd.f32 $-3.492494340e+00, v21  }
0x3de: {  	v15 =	vshra.s32 v15, $0x17;
	v37 =	vand.u32 $0x7FFFFF, v24;
	v19 =	vadd.f32 $-3.492494340e+00, v19  }
0x3df: {  	v16 =	vshra.s32 v16, $0x17;
	v23 =	vadd.f32 $-3.492494340e+00, v23;
	v21 =	vmul.f32 v20, v21  }
0x3e0: {  	v39 =	vand.u32 $0x7FFFFF, v25;
	v17 =	vshra.s32 v17, $0x17;
	v19 =	vmul.f32 v18, v19  }
0x3e1: {  	v23 =	vmul.f32 v22, v23;
	v36 =	vadd.f32 $5.046875950e+00, v21;
	v21 =	vor.u32 $0x3F800000, v37  }
0x3e2: {  	v28 =	vand.u32 $0x7FFFFF, v26;
	v19 =	vadd.f32 $5.046875950e+00, v19;
	v38 =	vmul.f32 $4.342890900e-02, v21  }
0x3e3: {  	v24 =	vshra.s32 v24, $0x17;
	v29 =	vand.u32 $0x7FFFFF, v43;
	v23 =	vadd.f32 $5.046875950e+00, v23  }
0x3e4: {  	v18 =	vmul.f32 v18, v19;
	v19 =	vmul.f32 v20, v36;
	v20 =	vadd.f32 $-4.048671720e-01, v38  }
0x3e5: {  	v30 =	vand.u32 $0x7FFFFF, v44;
	v25 =	vshra.s32 v25, $0x17;
	v26 =	vshra.s32 v26, $0x17  }
0x3e6: {  	v22 =	vmul.f32 v22, v23;
	v23 =	vor.u32 $0x3F800000, v39;
	v20 =	vmul.f32 v21, v20  }
0x3e7: {  	v15 =	vadd.s32 $0xFFFFFF81, v15;
	v16 =	vadd.s32 $0xFFFFFF81, v16;
	v27 =	vmul.f32 $4.342890900e-02, v23  }
0x3e8: {  	v17 =	vadd.s32 $0xFFFFFF81, v17;
	v28 =	vor.u32 $0x3F800000, v28;
	v20 =	vadd.f32 $1.593901400e+00, v20  }
0x3e9: {  	v29 =	vor.u32 $0x3F800000, v29;
	v30 =	vor.u32 $0x3F800000, v30;
	v27 =	vadd.f32 $-4.048671720e-01, v27  }
0x3ea: {  	v15 =	vcvt.s32.f32 v15;
	v18 =	vadd.f32 $-2.786813020e+00, v18;
	v40 =	vmul.f32 v21, v20  }
0x3eb: {  	v16 =	vcvt.s32.f32 v16;
	v19 =	vadd.f32 $-2.786813020e+00, v19;
	v42 =	vmul.f32 v23, v27  }
0x3ec: {  	v45 =	vadd.s32 $0xFFFFFF81, v24;
	v15 =	vadd.f32 v15, v18;
	v18 =	vadd.f32 $-3.492494340e+00, v40  }
0x3ed: {  	v41 =	vmul.f32 $4.342890900e-02, v28;
	v16 =	vadd.f32 v16, v19;
	v19 =	vadd.f32 $1.593901400e+00, v42  }
0x3ee: {  	v25 =	vadd.s32 $0xFFFFFF81, v25;
	v31 =	vmul.f32 $4.342890900e-02, v29;
	v18 =	vmul.f32 v21, v18  }
0x3ef: {  	v32 =	vmul.f32 $4.342890900e-02, v30;
	v20 =	vadd.f32 $-4.048671720e-01, v41;
	v19 =	vmul.f32 v23, v19  }
0x3f0: {  	v17 =	vcvt.s32.f32 v17;
	v46 =	vadd.f32 $-4.048671720e-01, v31;
	v18 =	vadd.f32 $5.046875950e+00, v18  }
0x3f1: {  	v47 =	vadd.f32 $-4.048671720e-01, v32;
	v20 =	vmul.f32 v28, v20;
	v19 =	vadd.f32 $-3.492494340e+00, v19  }
0x3f2: {  	v52 =	vadd.s32 $0xFFFFFF81, v26;
	v24 =	vmul.f32 v29, v46;
	v18 =	vmul.f32 v21, v18  }
0x3f3: {  	v31 =	vmul.f32 v30, v47;
	v20 =	vadd.f32 $1.593901400e+00, v20;
	v19 =	vmul.f32 v23, v19  }
0x3f4: {  	v48 =	vadd.f32 $1.593901400e+00, v24;
	v21 =	vcvt.s32.f32 v45;
	v18 =	vadd.f32 $-2.786813020e+00, v18  }
0x3f5: {  	v49 =	vadd.f32 $1.593901400e+00, v31;
	v20 =	vmul.f32 v28, v20;
	v19 =	vadd.f32 $5.046875950e+00, v19  }
0x3f6: {  	v22 =	vadd.f32 $-2.786813020e+00, v22;
	v18 =	vadd.f32 v21, v18;
	v21 =	vmul.f32 v29, v48  }
0x3f7: {  	v20 =	vadd.f32 $-3.492494340e+00, v20;
	v19 =	vmul.f32 v23, v19;
	v23 =	vmul.f32 v30, v49  }
0x3f8: {  	v25 =	vcvt.s32.f32 v25;
	v17 =	vadd.f32 v17, v22;
	v21 =	vadd.f32 $-3.492494340e+00, v21  }
0x3f9: {  	v22 =	vshra.s32 v43, $0x17;
	v20 =	vmul.f32 v28, v20;
	v23 =	vadd.f32 $-3.492494340e+00, v23  }
0x3fa: {  	v22 =	vadd.s32 $0xFFFFFF81, v22;
	v27 =	vshra.s32 v44, $0x17;
	v21 =	vmul.f32 v29, v21  }
0x3fb: {  	v15 =	vmul.f32 $6.931471820e-01, v15;
	v20 =	vadd.f32 $5.046875950e+00, v20;
	v23 =	vmul.f32 v30, v23  }
0x3fc: {  	v16 =	vmul.f32 $6.931471820e-01, v16;
	v19 =	vadd.f32 $-2.786813020e+00, v19;
	v21 =	vadd.f32 $5.046875950e+00, v21  }
0x3fd: {  	v17 =	vmul.f32 $6.931471820e-01, v17;
	v20 =	vmul.f32 v28, v20;
	v23 =	vadd.f32 $5.046875950e+00, v23  }
0x3fe: {  	v58 =	vadd.s32 $0xFFFFFF81, v27;
	v19 =	vadd.f32 v25, v19;
	v21 =	vmul.f32 v29, v21  }
0x3ff: {  	v25 =	vcvt.s32.f32 v52;
	v20 =	vadd.f32 $-2.786813020e+00, v20;
	v23 =	vmul.f32 v30, v23  }
0x400: {  	v57 =	vcvt.s32.f32 v22;
	v22 =	vcvt.s32.f32 v58;
	[tilespmem:v50+s28+$0x0] =	vst.idx.msk $0xffff, v15;
	v15 =	vadd.f32 $-2.786813020e+00, v21  }
0x401: {  	[tilespmem:v53+s28+$0x0] =	vst.idx.msk $0xffff, v17;
	v18 =	vmul.f32 $6.931471820e-01, v18;
	v20 =	vadd.f32 v25, v20;
	v23 =	vadd.f32 $-2.786813020e+00, v23  }
0x402: {  	v61 =	vor.u32 $0x40E1, v5;
	[tilespmem:v51+s28+$0x0] =	vst.idx.msk $0xffff, v16;
	v60 =	vmul.f32 $6.931471820e-01, v19;
	v15 =	vadd.f32 v57, v15  }
0x403: {  	[tilespmem:v54+s28+$0x0] =	vst.idx.msk $0xffff, v18;
	v20 =	vmul.f32 $6.931471820e-01, v20;
	v62 =	vadd.f32 v22, v23  }
0x404: {  	[tilespmem:v55+s28+$0x0] =	vst.idx.msk $0xffff, v60;
	v15 =	vmul.f32 $6.931471820e-01, v15  }
0x405: {  	[tilespmem:v56+s28+$0x0] =	vst.idx.msk $0xffff, v20;
	v63 =	vmul.f32 $6.931471820e-01, v62  }
0x406: {  	[tilespmem:v59+s28+$0x0] =	vst.idx.msk $0xffff, v15  }
0x407: {  	s1 =	simm.s32 $0x4100;
	s2 =	simm.s32 $0x40C0;
	[tilespmem:v61+s28+$0x0] =	vst.idx.msk $0xffff, v63  }
.LBB2_25:
0x408: {  	v15 =	vld [tilespmem:s2+$0x0]  }
0x409: {  	v16 =	vld [tilespmem:s2+$0x60];
	_ =	sdelay $0x3  }
0x40a: {  	v15 =	vadd.f32 $9.999999680e-21, v15  }
0x40b: {  	v16 =	vadd.f32 $9.999999680e-21, v16  }
0x40c: {  	v17 =	vand.u32 $0x7FFFFF, v15  }
0x40d: {  	v18 =	vand.u32 $0x7FFFFF, v16;
	v17 =	vor.u32 $0x3F800000, v17  }
0x40e: {  	v18 =	vor.u32 $0x3F800000, v18;
	v19 =	vmul.f32 $4.342890900e-02, v17  }
0x40f: {  	v20 =	vmul.f32 $4.342890900e-02, v18  }
0x410: {  	v19 =	vadd.f32 $-4.048671720e-01, v19  }
0x411: {  	v20 =	vadd.f32 $-4.048671720e-01, v20  }
0x412: {  	v19 =	vmul.f32 v17, v19  }
0x413: {  	v20 =	vmul.f32 v18, v20  }
0x414: {  	v19 =	vadd.f32 $1.593901400e+00, v19  }
0x415: {  	v20 =	vadd.f32 $1.593901400e+00, v20  }
0x416: {  	v19 =	vmul.f32 v17, v19  }
0x417: {  	v20 =	vmul.f32 v18, v20  }
0x418: {  	v19 =	vadd.f32 $-3.492494340e+00, v19  }
0x419: {  	v20 =	vadd.f32 $-3.492494340e+00, v20  }
0x41a: {  	v19 =	vmul.f32 v17, v19  }
0x41b: {  	v20 =	vmul.f32 v18, v20  }
0x41c: {  	v19 =	vadd.f32 $5.046875950e+00, v19  }
0x41d: {  	v20 =	vadd.f32 $5.046875950e+00, v20  }
0x41e: {  	v62 =	vor.u32 s1, v5;
	v15 =	vshra.s32 v15, $0x17;
	v17 =	vmul.f32 v17, v19  }
0x41f: {  	v16 =	vshra.s32 v16, $0x17;
	v15 =	vadd.s32 $0xFFFFFF81, v15;
	v18 =	vmul.f32 v18, v20  }
0x420: {  	v16 =	vadd.s32 $0xFFFFFF81, v16;
	v15 =	vcvt.s32.f32 v15;
	v17 =	vadd.f32 $-2.786813020e+00, v17  }
0x421: {  	v16 =	vcvt.s32.f32 v16;
	v19 =	vand.u32 v14, v62;
	v18 =	vadd.f32 $-2.786813020e+00, v18  }
0x422: {  	v63 =	vor.u32 s1, v11;
	p0 =	sne.s32 s1, $0x4120;
	v15 =	vadd.f32 v15, v17  }
.Ltmp12:
0x423: {  	v16 =	vadd.f32 v16, v18;
	(pc) =	sbr.rel @p0 .LBB2_25-.Ltmp12, $4  }
0x424: {  	v15 =	vmul.f32 $6.931471820e-01, v15  }
0x425: {  	v16 =	vmul.f32 $6.931471820e-01, v16  }
0x426: {  	[tilespmem:v19+s28+$0x0] =	vst.idx.msk $0xffff, v15  }
0x427: {  	s2 =	sadd.s32 $0x10, s2;
	s1 =	sadd.s32 $0x20, s1;
	[tilespmem:v63+s28+$0x0] =	vst.idx.msk $0xffff, v16  }
0x428: {  	v15 =	vld [tilespmem:$0x4140];
	_ =	sdelay $0x2  }
0x429: {  	v16 =	vld [tilespmem:$0x4180];
	_ =	sdelay $0x1  }
0x42a: {  	v15 =	vadd.f32 $9.999999680e-21, v15;
	_ =	sdelay $0x1  }
0x42b: {  	v17 =	vand.u32 $0x7FFFFF, v15  }
0x42c: {  	v16 =	vadd.f32 $9.999999680e-21, v16;
	v17 =	vor.u32 $0x3F800000, v17  }
0x42d: {  	v18 =	vmul.f32 $4.342890900e-02, v17  }
0x42e: {  	v19 =	vand.u32 $0x7FFFFF, v16  }
0x42f: {  	v19 =	vor.u32 $0x3F800000, v19;
	v18 =	vadd.f32 $-4.048671720e-01, v18  }
0x430: {  	v20 =	vmul.f32 $4.342890900e-02, v19  }
0x431: {  	v21 =	vld [tilespmem:$0x4150];
	v18 =	vmul.f32 v17, v18  }
0x432: {  	v20 =	vadd.f32 $-4.048671720e-01, v20  }
0x433: {  	v18 =	vadd.f32 $1.593901400e+00, v18  }
0x434: {  	v20 =	vmul.f32 v19, v20  }
0x435: {  	v18 =	vmul.f32 v17, v18  }
0x436: {  	v22 =	vld [tilespmem:$0x4190];
	v21 =	vadd.f32 $9.999999680e-21, v21;
	v20 =	vadd.f32 $1.593901400e+00, v20  }
0x437: {  	v18 =	vadd.f32 $-3.492494340e+00, v18  }
0x438: {  	v23 =	vand.u32 $0x7FFFFF, v21;
	v20 =	vmul.f32 v19, v20  }
0x439: {  	v23 =	vor.u32 $0x3F800000, v23;
	v18 =	vmul.f32 v17, v18  }
0x43a: {  	v24 =	vmul.f32 $4.342890900e-02, v23;
	v20 =	vadd.f32 $-3.492494340e+00, v20  }
0x43b: {  	v22 =	vadd.f32 $9.999999680e-21, v22;
	v18 =	vadd.f32 $5.046875950e+00, v18  }
0x43c: {  	v24 =	vadd.f32 $-4.048671720e-01, v24;
	v20 =	vmul.f32 v19, v20  }
0x43d: {  	v15 =	vshra.s32 v15, $0x17;
	v17 =	vmul.f32 v17, v18;
	v18 =	vand.u32 $0x7FFFFF, v22  }
0x43e: {  	v24 =	vmul.f32 v23, v24;
	v20 =	vadd.f32 $5.046875950e+00, v20;
	v18 =	vor.u32 $0x3F800000, v18  }
0x43f: {  	v16 =	vshra.s32 v16, $0x17;
	v15 =	vadd.s32 $0xFFFFFF81, v15;
	v25 =	vmul.f32 $4.342890900e-02, v18  }
0x440: {  	v28 =	vld [tilespmem:$0x4170];
	v16 =	vadd.s32 $0xFFFFFF81, v16;
	v19 =	vmul.f32 v19, v20;
	v20 =	vadd.f32 $1.593901400e+00, v24  }
0x441: {  	v15 =	vcvt.s32.f32 v15;
	v24 =	vld [tilespmem:$0x4160];
	v17 =	vadd.f32 $-2.786813020e+00, v17;
	v25 =	vadd.f32 $-4.048671720e-01, v25  }
0x442: {  	v30 =	vld [tilespmem:$0x41B0];
	v16 =	vcvt.s32.f32 v16;
	v19 =	vadd.f32 $-2.786813020e+00, v19;
	v20 =	vmul.f32 v23, v20  }
0x443: {  	v15 =	vadd.f32 v15, v17;
	v17 =	vmul.f32 v18, v25;
	v25 =	vld [tilespmem:$0x41A0]  }
0x444: {  	v16 =	vadd.f32 v16, v19;
	v19 =	vadd.f32 $-3.492494340e+00, v20  }
0x445: {  	v26 =	vor.u32 $0x4141, v5;
	v42 =	vor.u32 $0x4160, v5;
	v17 =	vadd.f32 $1.593901400e+00, v17  }
0x446: {  	v28 =	vadd.f32 $9.999999680e-21, v28;
	v20 =	vadd.f32 $9.999999680e-21, v24;
	v19 =	vmul.f32 v23, v19  }
0x447: {  	v30 =	vadd.f32 $9.999999680e-21, v30;
	v21 =	vshra.s32 v21, $0x17;
	v17 =	vmul.f32 v18, v17  }
0x448: {  	v27 =	vand.u32 $0x7FFFFF, v20;
	v19 =	vadd.f32 $5.046875950e+00, v19;
	v25 =	vadd.f32 $9.999999680e-21, v25  }
0x449: {  	v40 =	vand.u32 $0x7FFFFF, v28;
	v27 =	vor.u32 $0x3F800000, v27;
	v17 =	vadd.f32 $-3.492494340e+00, v17  }
0x44a: {  	v29 =	vmul.f32 $4.342890900e-02, v27;
	v19 =	vmul.f32 v23, v19;
	v23 =	vand.u32 $0x7FFFFF, v25  }
0x44b: {  	v32 =	vand.u32 $0x7FFFFF, v30;
	v17 =	vmul.f32 v18, v17;
	v23 =	vor.u32 $0x3F800000, v23  }
0x44c: {  	v28 =	vshra.s32 v28, $0x17;
	v29 =	vadd.f32 $-4.048671720e-01, v29;
	v31 =	vmul.f32 $4.342890900e-02, v23  }
0x44d: {  	v21 =	vadd.s32 $0xFFFFFF81, v21;
	v32 =	vor.u32 $0x3F800000, v32;
	v17 =	vadd.f32 $5.046875950e+00, v17  }
0x44e: {  	v21 =	vcvt.s32.f32 v21;
	v29 =	vmul.f32 v27, v29;
	v31 =	vadd.f32 $-4.048671720e-01, v31  }
0x44f: {  	v43 =	vshra.s32 v30, $0x17;
	v34 =	vmul.f32 $4.342890900e-02, v32;
	v17 =	vmul.f32 v18, v17  }
0x450: {  	v18 =	vadd.f32 $1.593901400e+00, v29;
	v29 =	vor.u32 $0x3F800000, v40;
	v31 =	vmul.f32 v23, v31  }
0x451: {  	v34 =	vadd.f32 $-4.048671720e-01, v34;
	v22 =	vshra.s32 v22, $0x17;
	v33 =	vmul.f32 $4.342890900e-02, v29  }
0x452: {  	v22 =	vadd.s32 $0xFFFFFF81, v22;
	v18 =	vmul.f32 v27, v18;
	v31 =	vadd.f32 $1.593901400e+00, v31  }
0x453: {  	v22 =	vcvt.s32.f32 v22;
	v19 =	vadd.f32 $-2.786813020e+00, v19;
	v33 =	vadd.f32 $-4.048671720e-01, v33  }
0x454: {  	v17 =	vadd.f32 $-2.786813020e+00, v17;
	v18 =	vadd.f32 $-3.492494340e+00, v18;
	v31 =	vmul.f32 v23, v31  }
0x455: {  	v41 =	vmul.f32 v32, v34;
	v19 =	vadd.f32 v21, v19;
	v21 =	vmul.f32 v29, v33  }
0x456: {  	v17 =	vadd.f32 v22, v17;
	v18 =	vmul.f32 v27, v18;
	v22 =	vadd.f32 $-3.492494340e+00, v31  }
0x457: {  	v28 =	vadd.s32 $0xFFFFFF81, v28;
	v24 =	vor.u32 $0x4140, v5;
	v21 =	vadd.f32 $1.593901400e+00, v21  }
0x458: {  	v31 =	vadd.f32 $1.593901400e+00, v41;
	v18 =	vadd.f32 $5.046875950e+00, v18;
	v22 =	vmul.f32 v23, v22  }
0x459: {  	v15 =	vmul.f32 $6.931471820e-01, v15;
	v20 =	vshra.s32 v20, $0x17;
	v21 =	vmul.f32 v29, v21  }
0x45a: {  	v18 =	vmul.f32 v27, v18;
	v27 =	vmul.f32 v32, v31;
	v22 =	vadd.f32 $5.046875950e+00, v22  }
0x45b: {  	v16 =	vmul.f32 $6.931471820e-01, v16;
	v20 =	vadd.s32 $0xFFFFFF81, v20;
	v21 =	vadd.f32 $-3.492494340e+00, v21  }
0x45c: {  	v20 =	vcvt.s32.f32 v20;
	v22 =	vmul.f32 v23, v22;
	v23 =	vadd.f32 $-3.492494340e+00, v27  }
0x45d: {  	[tilespmem:v24+s28+$0x0] =	vst.idx.msk $0xffff, v15;
	v24 =	vadd.s32 $0xFFFFFF81, v43;
	v18 =	vadd.f32 $-2.786813020e+00, v18;
	v21 =	vmul.f32 v29, v21  }
0x45e: {  	[tilespmem:v26+s28+$0x0] =	vst.idx.msk $0xffff, v16;
	v16 =	vor.u32 $0x41A0, v5;
	v25 =	vshra.s32 v25, $0x17;
	v23 =	vmul.f32 v32, v23  }
0x45f: {  	v25 =	vadd.s32 $0xFFFFFF81, v25;
	v18 =	vadd.f32 v20, v18;
	v20 =	vadd.f32 $5.046875950e+00, v21  }
0x460: {  	v25 =	vcvt.s32.f32 v25;
	v22 =	vadd.f32 $-2.786813020e+00, v22;
	v23 =	vadd.f32 $5.046875950e+00, v23  }
0x461: {  	v19 =	vmul.f32 $6.931471820e-01, v19;
	v27 =	vor.u32 $0x4161, v5;
	v20 =	vmul.f32 v29, v20  }
0x462: {  	v21 =	vor.u32 $0x4180, v5;
	v22 =	vadd.f32 v25, v22;
	v23 =	vmul.f32 v32, v23  }
0x463: {  	v25 =	vor.u32 $0x4181, v5;
	v15 =	vadd.f32 $-2.786813020e+00, v20;
	v20 =	vcvt.s32.f32 v28  }
0x464: {  	v24 =	vcvt.s32.f32 v24;
	v17 =	vmul.f32 $6.931471820e-01, v17;
	v23 =	vadd.f32 $-2.786813020e+00, v23  }
0x465: {  	[tilespmem:v42+s28+$0x0] =	vst.idx.msk $0xffff, v19;
	v19 =	vor.u32 $0x41A1, v5;
	v18 =	vmul.f32 $6.931471820e-01, v18;
	v15 =	vadd.f32 v20, v15  }
0x466: {  	[tilespmem:v27+s28+$0x0] =	vst.idx.msk $0xffff, v17;
	v17 =	vmul.f32 $6.931471820e-01, v22;
	v20 =	vadd.f32 v24, v23  }
0x467: {  	[tilespmem:v21+s28+$0x0] =	vst.idx.msk $0xffff, v18;
	v15 =	vmul.f32 $6.931471820e-01, v15  }
0x468: {  	[tilespmem:v25+s28+$0x0] =	vst.idx.msk $0xffff, v17;
	v17 =	vmul.f32 $6.931471820e-01, v20  }
0x469: {  	[tilespmem:v16+s28+$0x0] =	vst.idx.msk $0xffff, v15  }
0x46a: {  	s1 =	simm.s32 $0x45F0;
	[tilespmem:v19+s28+$0x0] =	vst.idx.msk $0xffff, v17  }
0x46b: {  	v15 =	vld [tilespmem:s1+$0xFFFFFC00]  }
0x46c: {  	v16 =	vld [tilespmem:s1+$0x0]  }
0x46d: {  	v17 =	vld [tilespmem:s1+$0xFFFFFFD0]  }
0x46e: {  	v18 =	vld [tilespmem:s1+$0xFFFFFBE0]  }
0x46f: {  	v19 =	vld [tilespmem:s1+$0xFFFFFFE0]  }
0x470: {  	v20 =	vld [tilespmem:s1+$0xFFFFFBF0]  }
0x471: {  	v21 =	vld [tilespmem:s1+$0xFFFFFFF0]  }
0x472: {  	v22 =	vld [tilespmem:s1+$0xFFFFFBD0];
	_ =	sdelay $0x1  }
0x473: {  	v15 =	vadd.f32 $9.999999680e-21, v15;
	v16 =	vadd.f32 $9.999999680e-21, v16  }
0x474: {  	s30 =	simm.s32 $0x4220;
	v17 =	vadd.f32 $9.999999680e-21, v17;
	v18 =	vadd.f32 $9.999999680e-21, v18  }
0x475: {  	v39 =	vor.u32 s30, v5;
	v19 =	vadd.f32 $9.999999680e-21, v19;
	v20 =	vadd.f32 $9.999999680e-21, v20  }
0x476: {  	v21 =	vadd.f32 $9.999999680e-21, v21;
	v22 =	vadd.f32 $9.999999680e-21, v22;
	v23 =	vand.u32 $0x7FFFFF, v15  }
0x477: {  	v24 =	vand.u32 $0x7FFFFF, v16;
	v26 =	vand.u32 $0x7FFFFF, v17;
	v44 =	vand.u32 $0x7FFFFF, v18  }
0x478: {  	v45 =	vand.u32 $0x7FFFFF, v19;
	v46 =	vand.u32 $0x7FFFFF, v20;
	v47 =	vand.u32 $0x7FFFFF, v21  }
0x479: {  	v48 =	vand.u32 $0x7FFFFF, v22;
	v22 =	vshra.s32 v22, $0x17;
	v15 =	vshra.s32 v15, $0x17  }
0x47a: {  	v16 =	vshra.s32 v16, $0x17;
	v17 =	vshra.s32 v17, $0x17;
	v18 =	vshra.s32 v18, $0x17  }
0x47b: {  	v19 =	vshra.s32 v19, $0x17;
	v20 =	vshra.s32 v20, $0x17;
	v21 =	vshra.s32 v21, $0x17  }
0x47c: {  	v23 =	vor.u32 $0x3F800000, v23;
	v24 =	vor.u32 $0x3F800000, v24;
	v26 =	vor.u32 $0x3F800000, v26  }
0x47d: {  	v32 =	vor.u32 $0x3F800000, v48;
	v28 =	vor.u32 $0x3F800000, v44;
	v27 =	vmul.f32 $4.342890900e-02, v24  }
0x47e: {  	v29 =	vor.u32 $0x3F800000, v45;
	v30 =	vor.u32 $0x3F800000, v46;
	v31 =	vor.u32 $0x3F800000, v47  }
0x47f: {  	v15 =	vadd.s32 $0xFFFFFF81, v15;
	v16 =	vadd.s32 $0xFFFFFF81, v16;
	v27 =	vadd.f32 $-4.048671720e-01, v27  }
0x480: {  	v22 =	vadd.s32 $0xFFFFFF81, v22;
	v17 =	vadd.s32 $0xFFFFFF81, v17;
	v25 =	vmul.f32 $4.342890900e-02, v23  }
0x481: {  	v59 =	vadd.s32 $0xFFFFFF81, v18;
	v49 =	vmul.f32 $4.342890900e-02, v32;
	v27 =	vmul.f32 v24, v27  }
0x482: {  	v19 =	vadd.s32 $0xFFFFFF81, v19;
	v50 =	vmul.f32 $4.342890900e-02, v26;
	v35 =	vmul.f32 $4.342890900e-02, v28  }
0x483: {  	v36 =	vmul.f32 $4.342890900e-02, v29;
	v37 =	vmul.f32 $4.342890900e-02, v30;
	v27 =	vadd.f32 $1.593901400e+00, v27  }
0x484: {  	v38 =	vmul.f32 $4.342890900e-02, v31;
	v25 =	vadd.f32 $-4.048671720e-01, v25;
	v34 =	vadd.f32 $-4.048671720e-01, v50  }
0x485: {  	v61 =	vadd.s32 $0xFFFFFF81, v20;
	v15 =	vcvt.s32.f32 v15;
	v27 =	vmul.f32 v24, v27  }
0x486: {  	v62 =	vadd.s32 $0xFFFFFF81, v21;
	v25 =	vmul.f32 v23, v25;
	v34 =	vmul.f32 v26, v34  }
0x487: {  	v16 =	vcvt.s32.f32 v16;
	v63 =	vcvt.s32.f32 v22;
	v27 =	vadd.f32 $-3.492494340e+00, v27  }
0x488: {  	v21 =	vcvt.s32.f32 v17;
	v25 =	vadd.f32 $1.593901400e+00, v25;
	v34 =	vadd.f32 $1.593901400e+00, v34  }
0x489: {  	v22 =	vcvt.s32.f32 v19;
	v33 =	vadd.f32 $-4.048671720e-01, v49;
	v27 =	vmul.f32 v24, v27  }
0x48a: {  	v35 =	vadd.f32 $-4.048671720e-01, v35;
	v25 =	vmul.f32 v23, v25;
	v34 =	vmul.f32 v26, v34  }
0x48b: {  	v19 =	vcvt.s32.f32 v62;
	v37 =	vadd.f32 $-4.048671720e-01, v37;
	v27 =	vadd.f32 $5.046875950e+00, v27  }
0x48c: {  	v33 =	vmul.f32 v32, v33;
	v25 =	vadd.f32 $-3.492494340e+00, v25;
	v34 =	vadd.f32 $-3.492494340e+00, v34  }
0x48d: {  	v36 =	vadd.f32 $-4.048671720e-01, v36;
	v52 =	vmul.f32 v30, v37;
	v24 =	vmul.f32 v24, v27  }
0x48e: {  	v38 =	vadd.f32 $-4.048671720e-01, v38;
	v25 =	vmul.f32 v23, v25;
	v34 =	vmul.f32 v26, v34  }
0x48f: {  	v51 =	vmul.f32 v29, v36;
	v55 =	vadd.f32 $1.593901400e+00, v52;
	v24 =	vadd.f32 $-2.786813020e+00, v24  }
0x490: {  	v25 =	vadd.f32 $5.046875950e+00, v25;
	v34 =	vadd.f32 $5.046875950e+00, v34;
	v27 =	vmul.f32 v28, v35  }
0x491: {  	v53 =	vmul.f32 v31, v38;
	v16 =	vadd.f32 v16, v24;
	v24 =	vadd.f32 $1.593901400e+00, v33  }
0x492: {  	v23 =	vmul.f32 v23, v25;
	v35 =	vmul.f32 v30, v55;
	v27 =	vadd.f32 $1.593901400e+00, v27  }
0x493: {  	v54 =	vmul.f32 $6.931471820e-01, v16;
	v16 =	vmul.f32 v32, v24;
	v24 =	vadd.f32 $1.593901400e+00, v51  }
0x494: {  	v25 =	vand.u32 v12, v39;
	v27 =	vmul.f32 v28, v27;
	v33 =	vadd.f32 $1.593901400e+00, v53  }
0x495: {  	v23 =	vadd.f32 $-2.786813020e+00, v23;
	v35 =	vadd.f32 $-3.492494340e+00, v35;
	v24 =	vmul.f32 v29, v24  }
0x496: {  	v27 =	vadd.f32 $-3.492494340e+00, v27;
	v33 =	vmul.f32 v31, v33;
	v16 =	vadd.f32 $-3.492494340e+00, v16  }
0x497: {  	v26 =	vmul.f32 v26, v34;
	v15 =	vadd.f32 v15, v23;
	v24 =	vadd.f32 $-3.492494340e+00, v24  }
0x498: {  	v27 =	vmul.f32 v28, v27;
	v33 =	vadd.f32 $-3.492494340e+00, v33;
	v16 =	vmul.f32 v32, v16  }
0x499: {  	v23 =	vor.u32 s30, v11;
	v35 =	vmul.f32 v30, v35;
	v24 =	vmul.f32 v29, v24  }
0x49a: {  	v27 =	vadd.f32 $5.046875950e+00, v27;
	v33 =	vmul.f32 v31, v33;
	v16 =	vadd.f32 $5.046875950e+00, v16  }
0x49b: {  	v15 =	vmul.f32 $6.931471820e-01, v15;
	v56 =	vadd.f32 $5.046875950e+00, v35;
	v24 =	vadd.f32 $5.046875950e+00, v24  }
0x49c: {  	v27 =	vmul.f32 v28, v27;
	v57 =	vadd.f32 $5.046875950e+00, v33;
	v16 =	vmul.f32 v32, v16  }
0x49d: {  	v20 =	vadd.f32 $-2.786813020e+00, v26;
	v58 =	vmul.f32 v30, v56;
	v24 =	vmul.f32 v29, v24  }
0x49e: {  	v28 =	vmul.f32 v31, v57;
	v18 =	vadd.f32 $-2.786813020e+00, v27;
	v60 =	vadd.f32 $-2.786813020e+00, v16  }
0x49f: {  	s25 =	simm.s32 $0x41C0;
	s2 =	simm.s32 $0x0;
	s7 =	simm.s32 $0x41E0;
	[tilespmem:v25+s28+$0x0] =	vst.idx.msk $0xffff, v15;
	v16 =	vadd.f32 $-2.786813020e+00, v58;
	v17 =	vadd.f32 $-2.786813020e+00, v24;
	v24 =	vcvt.s32.f32 v59  }
0x4a0: {  	s6 =	simm.s32 $0x4200;
	s5 =	simm.s32 $0x4630;
	s1 =	simm.s32 $0x9390;
	[tilespmem:v23+s28+$0x0] =	vst.idx.msk $0xffff, v54;
	v23 =	vcvt.s32.f32 v61;
	v15 =	vadd.f32 $-2.786813020e+00, v28;
	v25 =	vadd.f32 v63, v60  }
.LBB2_27:
0x4a1: {  	v26 =	vld [tilespmem:s5+$0xFFFFFC00];
	v20 =	vadd.f32 v21, v20;
	v21 =	vor.u32 s7, v5;
	v18 =	vadd.f32 v24, v18  }
0x4a2: {  	s2 =	sadd.s32 $0x4, s2;
	v17 =	vadd.f32 v22, v17;
	v24 =	vld [tilespmem:s5+$0x0];
	v25 =	vmul.f32 $6.931471820e-01, v25;
	v16 =	vadd.f32 v23, v16  }
0x4a3: {  	p0 =	slt.u32 s2, $0x3C;
	v15 =	vadd.f32 v19, v15;
	v22 =	vld [tilespmem:s5+$0xFFFFFFD0];
	v20 =	vmul.f32 $6.931471820e-01, v20;
	v18 =	vmul.f32 $6.931471820e-01, v18  }
0x4a4: {  	v23 =	vmul.f32 $6.931471820e-01, v17;
	v17 =	vor.u32 s6, v5;
	v19 =	vld [tilespmem:s5+$0xFFFFFBE0];
	v27 =	vmul.f32 $6.931471820e-01, v16  }
0x4a5: {  	v21 =	vand.u32 v14, v21;
	v16 =	vor.u32 s25, v5;
	v29 =	vmul.f32 $6.931471820e-01, v15;
	v28 =	vld [tilespmem:s5+$0xFFFFFFE0]  }
0x4a6: {  	v32 =	vand.u32 v12, v17;
	v31 =	vand.u32 v13, v16;
	v30 =	vld [tilespmem:s5+$0xFFFFFBF0];
	v26 =	vadd.f32 $9.999999680e-21, v26  }
0x4a7: {  	v34 =	vor.u32 s7, v11;
	v35 =	vor.u32 s6, v11;
	v33 =	vld [tilespmem:s5+$0xFFFFFFF0];
	v24 =	vadd.f32 $9.999999680e-21, v24  }
0x4a8: {  	v36 =	vld [tilespmem:s5+$0xFFFFFBD0];
	v15 =	vadd.f32 $9.999999680e-21, v22;
	v17 =	vand.u32 $0x7FFFFF, v26;
	v22 =	vor.u32 s25, v11  }
0x4a9: {  	v16 =	vadd.f32 $9.999999680e-21, v19;
	v37 =	vor.u32 $0x3F800000, v17;
	v19 =	vand.u32 $0x7FFFFF, v24  }
0x4aa: {  	v17 =	vadd.f32 $9.999999680e-21, v28;
	v28 =	vmul.f32 $4.342890900e-02, v37;
	v38 =	vor.u32 $0x3F800000, v19;
	[tilespmem:v21+s28+$0x0] =	vst.idx.msk $0xffff, v18  }
0x4ab: {  	v21 =	vand.u32 $0x7FFFFF, v15;
	v18 =	vadd.f32 $9.999999680e-21, v30;
	v30 =	vmul.f32 $4.342890900e-02, v38;
	[tilespmem:v31+s28+$0x0] =	vst.idx.msk $0xffff, v25  }
0x4ac: {  	v25 =	vand.u32 $0x7FFFFF, v16;
	v19 =	vadd.f32 $9.999999680e-21, v33;
	v28 =	vadd.f32 $-4.048671720e-01, v28;
	[tilespmem:v34+s28+$0x0] =	vst.idx.msk $0xffff, v23  }
0x4ad: {  	v31 =	vand.u32 $0x7FFFFF, v17;
	v23 =	vadd.f32 $9.999999680e-21, v36;
	v30 =	vadd.f32 $-4.048671720e-01, v30;
	[tilespmem:v22+s28+$0x0] =	vst.idx.msk $0xffff, v20  }
0x4ae: {  	v20 =	vand.u32 $0x7FFFFF, v18;
	v22 =	vand.u32 $0x7FFFFF, v19;
	v28 =	vmul.f32 v37, v28;
	[tilespmem:v32+s28+$0x0] =	vst.idx.msk $0xffff, v27  }
0x4af: {  	v21 =	vor.u32 $0x3F800000, v21;
	v27 =	vand.u32 $0x7FFFFF, v23;
	v30 =	vmul.f32 v38, v30;
	[tilespmem:v35+s28+$0x0] =	vst.idx.msk $0xffff, v29  }
0x4b0: {  	v25 =	vor.u32 $0x3F800000, v25;
	v27 =	vor.u32 $0x3F800000, v27;
	v28 =	vadd.f32 $1.593901400e+00, v28  }
0x4b1: {  	v20 =	vor.u32 $0x3F800000, v20;
	v29 =	vor.u32 $0x3F800000, v31;
	v30 =	vadd.f32 $1.593901400e+00, v30  }
0x4b2: {  	v22 =	vor.u32 $0x3F800000, v22;
	v31 =	vmul.f32 $4.342890900e-02, v27;
	v28 =	vmul.f32 v37, v28  }
0x4b3: {  	v32 =	vmul.f32 $4.342890900e-02, v21;
	v23 =	vshra.s32 v23, $0x17;
	v30 =	vmul.f32 v38, v30  }
0x4b4: {  	v33 =	vmul.f32 $4.342890900e-02, v25;
	v34 =	vmul.f32 $4.342890900e-02, v29;
	v28 =	vadd.f32 $-3.492494340e+00, v28  }
0x4b5: {  	v35 =	vmul.f32 $4.342890900e-02, v20;
	v36 =	vmul.f32 $4.342890900e-02, v22;
	v30 =	vadd.f32 $-3.492494340e+00, v30  }
0x4b6: {  	v32 =	vadd.f32 $-4.048671720e-01, v32;
	v31 =	vadd.f32 $-4.048671720e-01, v31;
	v28 =	vmul.f32 v37, v28  }
0x4b7: {  	v33 =	vadd.f32 $-4.048671720e-01, v33;
	v34 =	vadd.f32 $-4.048671720e-01, v34;
	v30 =	vmul.f32 v38, v30  }
0x4b8: {  	s25 =	sadd.s32 $0x80, s25;
	v35 =	vadd.f32 $-4.048671720e-01, v35;
	v31 =	vmul.f32 v27, v31;
	v28 =	vadd.f32 $5.046875950e+00, v28  }
0x4b9: {  	s7 =	sadd.s32 $0x20, s25;
	s6 =	sadd.s32 $0x40, s25;
	s8 =	sadd.s32 $0x60, s25;
	v32 =	vmul.f32 v21, v32;
	v36 =	vadd.f32 $-4.048671720e-01, v36;
	v30 =	vadd.f32 $5.046875950e+00, v30  }
0x4ba: {  	v26 =	vshra.s32 v26, $0x17;
	v39 =	vor.u32 s8, v5;
	v28 =	vmul.f32 v37, v28  }
0x4bb: {  	v26 =	vadd.s32 $0xFFFFFF81, v26;
	v24 =	vshra.s32 v24, $0x17;
	v30 =	vmul.f32 v38, v30  }
0x4bc: {  	v26 =	vcvt.s32.f32 v26;
	v24 =	vadd.s32 $0xFFFFFF81, v24;
	v28 =	vadd.f32 $-2.786813020e+00, v28  }
0x4bd: {  	v24 =	vcvt.s32.f32 v24;
	v37 =	vand.u32 v12, v39;
	v30 =	vadd.f32 $-2.786813020e+00, v30  }
0x4be: {  	v33 =	vmul.f32 v25, v33;
	v26 =	vadd.f32 v26, v28;
	v28 =	vor.u32 s8, v11  }
0x4bf: {  	v35 =	vmul.f32 v20, v35;
	v34 =	vmul.f32 v29, v34;
	v24 =	vadd.f32 v24, v30  }
0x4c0: {  	v30 =	vadd.f32 $1.593901400e+00, v31;
	v31 =	vmul.f32 v22, v36;
	v26 =	vmul.f32 $6.931471820e-01, v26  }
0x4c1: {  	v33 =	vadd.f32 $1.593901400e+00, v33;
	v32 =	vadd.f32 $1.593901400e+00, v32;
	v24 =	vmul.f32 $6.931471820e-01, v24  }
0x4c2: {  	v35 =	vadd.f32 $1.593901400e+00, v35;
	v34 =	vadd.f32 $1.593901400e+00, v34;
	v30 =	vmul.f32 v27, v30;
	[tilespmem:v37+s28+$0x0] =	vst.idx.msk $0xffff, v26  }
0x4c3: {  	v31 =	vadd.f32 $1.593901400e+00, v31;
	v26 =	vmul.f32 v21, v32;
	v32 =	vmul.f32 v25, v33;
	[tilespmem:v28+s28+$0x0] =	vst.idx.msk $0xffff, v24  }
0x4c4: {  	v24 =	vadd.f32 $-3.492494340e+00, v30;
	v28 =	vmul.f32 v29, v34;
	v30 =	vmul.f32 v20, v35  }
0x4c5: {  	v31 =	vmul.f32 v22, v31;
	v26 =	vadd.f32 $-3.492494340e+00, v26;
	v32 =	vadd.f32 $-3.492494340e+00, v32  }
0x4c6: {  	v24 =	vmul.f32 v27, v24;
	v28 =	vadd.f32 $-3.492494340e+00, v28;
	v30 =	vadd.f32 $-3.492494340e+00, v30  }
0x4c7: {  	v31 =	vadd.f32 $-3.492494340e+00, v31;
	v26 =	vmul.f32 v21, v26;
	v32 =	vmul.f32 v25, v32  }
0x4c8: {  	v24 =	vadd.f32 $5.046875950e+00, v24;
	v28 =	vmul.f32 v29, v28;
	v30 =	vmul.f32 v20, v30  }
0x4c9: {  	v31 =	vmul.f32 v22, v31;
	v26 =	vadd.f32 $5.046875950e+00, v26;
	v32 =	vadd.f32 $5.046875950e+00, v32  }
0x4ca: {  	v24 =	vmul.f32 v27, v24;
	v27 =	vadd.f32 $5.046875950e+00, v28;
	v28 =	vadd.f32 $5.046875950e+00, v30  }
0x4cb: {  	v21 =	vmul.f32 v21, v26;
	v25 =	vmul.f32 v25, v32;
	v26 =	vadd.f32 $5.046875950e+00, v31  }
0x4cc: {  	v15 =	vshra.s32 v15, $0x17;
	v27 =	vmul.f32 v29, v27;
	v28 =	vmul.f32 v20, v28  }
0x4cd: {  	v16 =	vshra.s32 v16, $0x17;
	v17 =	vshra.s32 v17, $0x17;
	v26 =	vmul.f32 v22, v26  }
0x4ce: {  	v18 =	vshra.s32 v18, $0x17;
	v19 =	vshra.s32 v19, $0x17;
	v20 =	vadd.s32 $0xFFFFFF81, v23  }
0x4cf: {  	v15 =	vadd.s32 $0xFFFFFF81, v15;
	v23 =	vadd.s32 $0xFFFFFF81, v17;
	v22 =	vadd.s32 $0xFFFFFF81, v16  }
.Ltmp13:
0x4d0: {  	v19 =	vadd.s32 $0xFFFFFF81, v19;
	v30 =	vadd.s32 $0xFFFFFF81, v18;
	v29 =	vadd.f32 $-2.786813020e+00, v24;
	(pc) =	sbr.rel @p0 .LBB2_27-.Ltmp13, $4  }
0x4d1: {  	v31 =	vcvt.s32.f32 v20;
	v20 =	vadd.f32 $-2.786813020e+00, v21;
	v18 =	vadd.f32 $-2.786813020e+00, v25  }
0x4d2: {  	v21 =	vcvt.s32.f32 v15;
	v17 =	vadd.f32 $-2.786813020e+00, v27;
	v16 =	vadd.f32 $-2.786813020e+00, v28  }
0x4d3: {  	v24 =	vcvt.s32.f32 v22;
	v22 =	vcvt.s32.f32 v23;
	v15 =	vadd.f32 $-2.786813020e+00, v26  }
0x4d4: {  	s5 =	sadd.s32 $0x40, s5;
	v19 =	vcvt.s32.f32 v19;
	v23 =	vcvt.s32.f32 v30;
	v25 =	vadd.f32 v31, v29  }
0x4d5: {  	v26 =	vor.u32 s7, v5  }
0x4d6: {  	v27 =	vor.u32 s25, v5;
	v26 =	vand.u32 v14, v26  }
0x4d7: {  	v20 =	vadd.f32 v21, v20;
	v18 =	vadd.f32 v24, v18;
	v21 =	vand.u32 v13, v27  }
0x4d8: {  	v17 =	vadd.f32 v22, v17;
	v22 =	vor.u32 s7, v11;
	v24 =	vmul.f32 $6.931471820e-01, v25  }
0x4d9: {  	v25 =	vor.u32 s6, v5;
	v27 =	vor.u32 s25, v11;
	v18 =	vmul.f32 $6.931471820e-01, v18  }
0x4da: {  	v16 =	vadd.f32 v23, v16;
	v15 =	vadd.f32 v19, v15;
	v23 =	vand.u32 v12, v25  }
0x4db: {  	s2 =	sadd.s32 $0xFFFFFFF0, s23;
	v17 =	vmul.f32 $6.931471820e-01, v17;
	v25 =	vor.u32 s6, v11;
	[tilespmem:v26+s28+$0x0] =	vst.idx.msk $0xffff, v18;
	v18 =	vor.u32 s23, v1  }
0x4dc: {  	v19 =	vor.u32 s2, v1;
	v20 =	vmul.f32 $6.931471820e-01, v20;
	[tilespmem:v21+s28+$0x0] =	vst.idx.msk $0xffff, v24;
	v21 =	vadd.s32 v0, v18  }
0x4dd: {  	v16 =	vmul.f32 $6.931471820e-01, v16;
	[tilespmem:v22+s28+$0x0] =	vst.idx.msk $0xffff, v17;
	v17 =	vadd.s32 v0, v19;
	v22 =	vshrl.u32 v18, $0x1  }
0x4de: {  	v15 =	vmul.f32 $6.931471820e-01, v15;
	[tilespmem:v27+s28+$0x0] =	vst.idx.msk $0xffff, v20;
	v20 =	vshrl.u32 v19, $0x1;
	v22 =	vadd.s32 v2, v22  }
0x4df: {  	[tilespmem:v23+s28+$0x0] =	vst.idx.msk $0xffff, v16;
	v16 =	vshrl.u32 v18, $0x2;
	v20 =	vadd.s32 v2, v20  }
0x4e0: {  	v26 =	vmov s2;
	[tilespmem:v25+s28+$0x0] =	vst.idx.msk $0xffff, v15;
	v15 =	vadd.s32 v3, v16;
	v16 =	vshrl.u32 v19, $0x2  }
0x4e1: {  	v23 =	vmov s23;
	v18 =	vshrl.u32 v18, $0x3;
	v16 =	vadd.s32 v3, v16;
	v21 =	vld.idx.msk [tilespmem:v21+s28+$0x0], $0xffff  }
0x4e2: {  	v27 =	vshrl.u32 v26, $0x4;
	v18 =	vadd.s32 v4, v18;
	v19 =	vshrl.u32 v19, $0x3;
	v17 =	vld.idx.msk [tilespmem:v17+s28+$0x0], $0xffff  }
0x4e3: {  	v29 =	vshrl.u32 v26, $0x5;
	v24 =	vshrl.u32 v23, $0x4;
	v19 =	vadd.s32 v4, v19;
	v22 =	vld.idx.msk [tilespmem:v22+s28+$0x0], $0xffff  }
0x4e4: {  	v31 =	vshrl.u32 v26, $0x6;
	v25 =	vshrl.u32 v23, $0x5;
	v24 =	vadd.s32 $0x45BE, v24;
	v20 =	vld.idx.msk [tilespmem:v20+s28+$0x0], $0xffff  }
0x4e5: {  	v28 =	vshrl.u32 v23, $0x6;
	v27 =	vadd.s32 $0x45BE, v27;
	v30 =	vshrl.u32 v23, $0x7;
	v15 =	vld.idx.msk [tilespmem:v15+s28+$0x0], $0xffff  }
0x4e6: {  	v29 =	vadd.s32 $0x43BE, v29;
	v25 =	vadd.s32 $0x43BE, v25;
	v16 =	vld.idx.msk [tilespmem:v16+s28+$0x0], $0xffff;
	v21 =	vadd.f32 $1.247664930e+01, v21  }
0x4e7: {  	v32 =	vshrl.u32 v23, $0x8;
	v31 =	vadd.s32 $0x42BE, v31;
	v18 =	vld.idx.msk [tilespmem:v18+s28+$0x0], $0xffff;
	v17 =	vadd.f32 $1.247664930e+01, v17  }
0x4e8: {  	v44 =	vshrl.u32 v23, $0x9;
	v28 =	vadd.s32 $0x42BE, v28;
	v19 =	vld.idx.msk [tilespmem:v19+s28+$0x0], $0xffff;
	v21 =	vadd.f32 v22, v21  }
0x4e9: {  	v45 =	vshrl.u32 v23, $0xA;
	v46 =	vshrl.u32 v23, $0xB;
	v22 =	vld.idx.msk [tilespmem:v24+s28+$0x0], $0xffff;
	v17 =	vadd.f32 v20, v17  }
0x4ea: {  	v30 =	vadd.s32 $0x423E, v30;
	v27 =	vld.idx.msk [tilespmem:v27+s28+$0x0], $0xffff;
	v20 =	vshrl.u32 v26, $0x7;
	v15 =	vadd.f32 v15, v21  }
0x4eb: {  	v48 =	vshrl.u32 v23, $0xC;
	v20 =	vadd.s32 $0x423E, v20;
	v21 =	vld.idx.msk [tilespmem:v25+s28+$0x0], $0xffff;
	v16 =	vadd.f32 v16, v17  }
0x4ec: {  	v29 =	vld.idx.msk [tilespmem:v29+s28+$0x0], $0xffff;
	v24 =	vadd.s32 $0x41FE, v32;
	v17 =	vshrl.u32 v26, $0x8;
	v15 =	vadd.f32 v18, v15  }
0x4ed: {  	v23 =	vshrl.u32 v23, $0xD;
	v17 =	vadd.s32 $0x41FE, v17;
	v18 =	vld.idx.msk [tilespmem:v28+s28+$0x0], $0xffff;
	v16 =	vadd.f32 v19, v16  }
0x4ee: {  	v31 =	vld.idx.msk [tilespmem:v31+s28+$0x0], $0xffff;
	v25 =	vadd.s32 $0x41DE, v44;
	v19 =	vshrl.u32 v26, $0x9;
	v15 =	vadd.f32 v22, v15  }
0x4ef: {  	v47 =	vadd.s32 $0x41C6, v46;
	v19 =	vadd.s32 $0x41DE, v19;
	v22 =	vld.idx.msk [tilespmem:v30+s28+$0x0], $0xffff;
	v16 =	vadd.f32 v27, v16  }
0x4f0: {  	v28 =	vadd.s32 $0x41CE, v45;
	v27 =	vshrl.u32 v26, $0xA;
	v20 =	vld.idx.msk [tilespmem:v20+s28+$0x0], $0xffff;
	v15 =	vadd.f32 v21, v15  }
0x4f1: {  	v27 =	vadd.s32 $0x41CE, v27;
	v21 =	vld.idx.msk [tilespmem:v24+s28+$0x0], $0xffff;
	v16 =	vadd.f32 v29, v16;
	v24 =	vshrl.u32 v26, $0xB  }
0x4f2: {  	v23 =	vand.u32 $0x3FFFF, v23;
	v17 =	vld.idx.msk [tilespmem:v17+s28+$0x0], $0xffff;
	v24 =	vadd.s32 $0x41C6, v24;
	v15 =	vadd.f32 v18, v15  }
0x4f3: {  	v23 =	vadd.s32 $0x41C0, v23;
	v29 =	vadd.s32 $0x41C2, v48;
	v18 =	vld.idx.msk [tilespmem:v25+s28+$0x0], $0xffff;
	v16 =	vadd.f32 v31, v16  }
0x4f4: {  	s5 =	sadd.s32 $0x20, s23;
	v25 =	vshrl.u32 v26, $0xC;
	v19 =	vld.idx.msk [tilespmem:v19+s28+$0x0], $0xffff;
	v26 =	vshrl.u32 v26, $0xD;
	v15 =	vadd.f32 v22, v15  }
0x4f5: {  	s30 =	sadd.s32 $0xFFFFFFF0, s5;
	v25 =	vadd.s32 $0x41C2, v25;
	v22 =	vld.idx.msk [tilespmem:v28+s28+$0x0], $0xffff;
	v16 =	vadd.f32 v20, v16;
	v20 =	vand.u32 $0x7FFF, v26  }
0x4f6: {  	v26 =	vld.idx.msk [tilespmem:v27+s28+$0x0], $0xffff;
	v28 =	vor.u32 s30, v1;
	v20 =	vadd.s32 $0x41C0, v20;
	v15 =	vadd.f32 v21, v15  }
0x4f7: {  	v16 =	vadd.f32 v17, v16;
	v17 =	vor.u32 s5, v1;
	v21 =	vld.idx.msk [tilespmem:v24+s28+$0x0], $0xffff;
	v24 =	vmov s5  }
0x4f8: {  	v33 =	vld.idx.msk [tilespmem:v23+s28+$0x0], $0xffff;
	v49 =	vadd.s32 v0, v17;
	v50 =	vshrl.u32 v17, $0x1;
	v51 =	vshrl.u32 v17, $0x2  }
0x4f9: {  	v27 =	vld.idx.msk [tilespmem:v47+s28+$0x0], $0xffff;
	v17 =	vshrl.u32 v17, $0x3;
	v16 =	vadd.f32 v19, v16;
	v19 =	vadd.s32 v0, v28  }
0x4fa: {  	v15 =	vadd.f32 v18, v15;
	v18 =	vld.idx.msk [tilespmem:v25+s28+$0x0], $0xffff;
	v25 =	vshrl.u32 v28, $0x1;
	v31 =	vadd.s32 v2, v50  }
0x4fb: {  	v29 =	vld.idx.msk [tilespmem:v29+s28+$0x0], $0xffff;
	v52 =	vshrl.u32 v24, $0x4;
	v23 =	vadd.s32 v2, v25;
	v16 =	vadd.f32 v26, v16  }
0x4fc: {  	v53 =	vshrl.u32 v24, $0x5;
	v25 =	vadd.s32 v3, v51;
	v20 =	vld.idx.msk [tilespmem:v20+s28+$0x0], $0xffff;
	v26 =	vshrl.u32 v28, $0x2  }
0x4fd: {  	v35 =	vshrl.u32 v24, $0x6;
	v16 =	vadd.f32 v21, v16;
	v21 =	vadd.s32 v3, v26;
	v26 =	vld.idx.msk [tilespmem:v49+s28+$0x0], $0xffff  }
0x4fe: {  	v54 =	vshrl.u32 v24, $0x7;
	v17 =	vadd.s32 v4, v17;
	v28 =	vshrl.u32 v28, $0x3;
	v19 =	vld.idx.msk [tilespmem:v19+s28+$0x0], $0xffff  }
0x4ff: {  	v28 =	vadd.s32 v4, v28;
	v31 =	vld.idx.msk [tilespmem:v31+s28+$0x0], $0xffff;
	v16 =	vadd.f32 v18, v16;
	v18 =	vmov s30  }
0x500: {  	v37 =	vshrl.u32 v24, $0x8;
	v30 =	vadd.s32 $0x45BE, v52;
	v23 =	vld.idx.msk [tilespmem:v23+s28+$0x0], $0xffff;
	v34 =	vshrl.u32 v18, $0x4  }
0x501: {  	v56 =	vshrl.u32 v24, $0x9;
	v36 =	vadd.f32 v20, v16;
	v16 =	vadd.s32 $0x45BE, v34;
	v20 =	vld.idx.msk [tilespmem:v25+s28+$0x0], $0xffff  }
0x502: {  	v32 =	vadd.s32 $0x43BE, v53;
	v55 =	vshrl.u32 v18, $0x5;
	v25 =	vadd.s32 $0x42BE, v35;
	v21 =	vld.idx.msk [tilespmem:v21+s28+$0x0], $0xffff  }
0x503: {  	v17 =	vld.idx.msk [tilespmem:v17+s28+$0x0], $0xffff;
	v35 =	vadd.s32 $0x43BE, v55;
	v26 =	vadd.f32 $1.247664930e+01, v26;
	v19 =	vadd.f32 $1.247664930e+01, v19  }
0x504: {  	v57 =	vshrl.u32 v24, $0xA;
	v61 =	vshrl.u32 v24, $0xC;
	v38 =	vshrl.u32 v18, $0x6;
	v28 =	vld.idx.msk [tilespmem:v28+s28+$0x0], $0xffff  }
0x505: {  	v30 =	vld.idx.msk [tilespmem:v30+s28+$0x0], $0xffff;
	v34 =	vadd.s32 $0x423E, v54;
	v26 =	vadd.f32 v31, v26;
	v19 =	vadd.f32 v23, v19  }
0x506: {  	v58 =	vshrl.u32 v18, $0x8;
	v38 =	vadd.s32 $0x42BE, v38;
	v23 =	vshrl.u32 v18, $0x7;
	v16 =	vld.idx.msk [tilespmem:v16+s28+$0x0], $0xffff  }
0x507: {  	v23 =	vadd.s32 $0x423E, v23;
	v20 =	vadd.f32 v20, v26;
	v26 =	vld.idx.msk [tilespmem:v32+s28+$0x0], $0xffff;
	v19 =	vadd.f32 v21, v19  }
0x508: {  	v37 =	vadd.s32 $0x41FE, v37;
	v59 =	vshrl.u32 v18, $0x9;
	v21 =	vld.idx.msk [tilespmem:v35+s28+$0x0], $0xffff;
	v35 =	vadd.s32 $0x41FE, v58  }
0x509: {  	v17 =	vadd.f32 v17, v20;
	v20 =	vld.idx.msk [tilespmem:v25+s28+$0x0], $0xffff;
	v25 =	vshrl.u32 v24, $0xB;
	v19 =	vadd.f32 v28, v19  }
0x50a: {  	v62 =	vshrl.u32 v18, $0xA;
	v60 =	vld.idx.msk [tilespmem:v34+s28+$0x0], $0xffff;
	v39 =	vadd.s32 $0x41C6, v25;
	v25 =	vadd.s32 $0x41DE, v59  }
0x50b: {  	v31 =	vadd.s32 $0x41DE, v56;
	v28 =	vld.idx.msk [tilespmem:v38+s28+$0x0], $0xffff;
	v17 =	vadd.f32 v30, v17;
	v16 =	vadd.f32 v16, v19  }
0x50c: {  	v15 =	vadd.f32 v22, v15;
	v63 =	vadd.s32 $0x41CE, v62;
	v32 =	vadd.s32 $0x41CE, v57;
	v23 =	vld.idx.msk [tilespmem:v23+s28+$0x0], $0xffff  }
0x50d: {  	v17 =	vadd.f32 v26, v17;
	v26 =	vld.idx.msk [tilespmem:v37+s28+$0x0], $0xffff;
	v16 =	vadd.f32 v21, v16;
	v21 =	vshrl.u32 v18, $0xB  }
0x50e: {  	v22 =	vshrl.u32 v24, $0xD;
	v19 =	vadd.s32 $0x41C2, v61;
	v35 =	vld.idx.msk [tilespmem:v35+s28+$0x0], $0xffff;
	v24 =	vadd.s32 $0x41C6, v21  }
0x50f: {  	v17 =	vadd.f32 v20, v17;
	v20 =	vand.u32 $0x3FFFF, v22;
	v22 =	vld.idx.msk [tilespmem:v25+s28+$0x0], $0xffff;
	v25 =	vadd.f32 v27, v15  }
0x510: {  	v21 =	vld.idx.msk [tilespmem:v31+s28+$0x0], $0xffff;
	v27 =	vshrl.u32 v18, $0xC;
	v18 =	vshrl.u32 v18, $0xD;
	v16 =	vadd.f32 v28, v16  }
0x511: {  	v15 =	vld.idx.msk [tilespmem:v32+s28+$0x0], $0xffff;
	v17 =	vadd.f32 v60, v17;
	v29 =	vadd.f32 v29, v25;
	v25 =	vadd.s32 $0x41C2, v27  }
0x512: {  	v20 =	vadd.s32 $0x41C0, v20;
	v18 =	vand.u32 $0x7FFF, v18;
	v28 =	vadd.f32 v23, v16;
	v23 =	vld.idx.msk [tilespmem:v63+s28+$0x0], $0xffff  }
0x513: {  	v16 =	vld.idx.msk [tilespmem:v39+s28+$0x0], $0xffff;
	v17 =	vadd.f32 v26, v17;
	v26 =	vadd.s32 $0x41C0, v18  }
0x514: {  	s2 =	simm.s32 $0x2;
	s5 =	sadd.s32 $0x20, s5;
	[tilespmem:s1+$0xFFFFFFF0] =	vst v36;
	v18 =	vadd.f32 v33, v29;
	v27 =	vadd.f32 v35, v28;
	v24 =	vld.idx.msk [tilespmem:v24+s28+$0x0], $0xffff  }
.LBB2_29:
0x515: {  	s6 =	sadd.s32 $0xFFFFFFF0, s5;
	v28 =	vmov s5;
	v29 =	vor.u32 s5, v1;
	s2 =	sadd.s32 $0x2, s2;
	v21 =	vadd.f32 v21, v17;
	v17 =	vld.idx.msk [tilespmem:v19+s28+$0x0], $0xffff  }
0x516: {  	v19 =	vor.u32 s6, v1;
	v30 =	vadd.s32 v0, v29;
	p0 =	slt.u32 s2, $0x1E;
	v22 =	vadd.f32 v22, v27;
	v25 =	vld.idx.msk [tilespmem:v25+s28+$0x0], $0xffff;
	[tilespmem:s1+$0x0] =	vst v18  }
0x517: {  	v31 =	vshrl.u32 v29, $0x1;
	v32 =	vshrl.u32 v29, $0x2;
	v27 =	vadd.s32 v0, v19;
	v18 =	vld.idx.msk [tilespmem:v20+s28+$0x0], $0xffff  }
0x518: {  	v20 =	vshrl.u32 v19, $0x1;
	v31 =	vadd.s32 v2, v31;
	v22 =	vadd.f32 v23, v22;
	v23 =	vld.idx.msk [tilespmem:v26+s28+$0x0], $0xffff  }
0x519: {  	v29 =	vshrl.u32 v29, $0x3;
	v20 =	vadd.s32 v2, v20;
	v26 =	vadd.s32 v3, v32  }
0x51a: {  	v29 =	vadd.s32 v4, v29;
	v32 =	vshrl.u32 v19, $0x2;
	v22 =	vadd.f32 v24, v22  }
0x51b: {  	v33 =	vshrl.u32 v28, $0x5;
	v24 =	vadd.s32 v3, v32;
	v32 =	vshrl.u32 v28, $0x4;
	v30 =	vld.idx.msk [tilespmem:v30+s28+$0x0], $0xffff  }
0x51c: {  	v19 =	vshrl.u32 v19, $0x3;
	v32 =	vadd.s32 $0x45BE, v32;
	v27 =	vld.idx.msk [tilespmem:v27+s28+$0x0], $0xffff;
	v22 =	vadd.f32 v25, v22  }
0x51d: {  	v34 =	vmov s6;
	v19 =	vadd.s32 v4, v19;
	v25 =	vld.idx.msk [tilespmem:v31+s28+$0x0], $0xffff;
	v31 =	vadd.s32 $0x43BE, v33  }
0x51e: {  	v35 =	vshrl.u32 v28, $0x6;
	v33 =	vshrl.u32 v34, $0x4;
	v20 =	vld.idx.msk [tilespmem:v20+s28+$0x0], $0xffff;
	v22 =	vadd.f32 v23, v22  }
0x51f: {  	s1 =	sadd.s32 $0x20, s1;
	v23 =	vadd.s32 $0x45BE, v33;
	v33 =	vadd.s32 $0x42BE, v35;
	v35 =	vshrl.u32 v28, $0x7;
	v26 =	vld.idx.msk [tilespmem:v26+s28+$0x0], $0xffff  }
0x520: {  	v37 =	vshrl.u32 v28, $0x8;
	v36 =	vshrl.u32 v34, $0x5;
	v35 =	vadd.s32 $0x423E, v35;
	v24 =	vld.idx.msk [tilespmem:v24+s28+$0x0], $0xffff;
	[tilespmem:s1+$0xFFFFFFF0] =	vst v22  }
0x521: {  	v22 =	vadd.s32 $0x43BE, v36;
	v30 =	vadd.f32 $1.247664930e+01, v30;
	v36 =	vadd.s32 $0x41FE, v37;
	v29 =	vld.idx.msk [tilespmem:v29+s28+$0x0], $0xffff  }
0x522: {  	v38 =	vshrl.u32 v28, $0x9;
	v37 =	vshrl.u32 v34, $0x6;
	v27 =	vadd.f32 $1.247664930e+01, v27;
	v19 =	vld.idx.msk [tilespmem:v19+s28+$0x0], $0xffff  }
0x523: {  	v37 =	vadd.s32 $0x42BE, v37;
	v25 =	vadd.f32 v25, v30;
	v30 =	vld.idx.msk [tilespmem:v32+s28+$0x0], $0xffff;
	v32 =	vadd.s32 $0x41DE, v38  }
0x524: {  	v20 =	vadd.f32 v20, v27;
	v27 =	vshrl.u32 v34, $0x7;
	v38 =	vshrl.u32 v28, $0xA;
	v23 =	vld.idx.msk [tilespmem:v23+s28+$0x0], $0xffff  }
0x525: {  	v27 =	vadd.s32 $0x423E, v27;
	v25 =	vadd.f32 v26, v25;
	v26 =	vld.idx.msk [tilespmem:v31+s28+$0x0], $0xffff;
	v31 =	vadd.s32 $0x41CE, v38  }
0x526: {  	v20 =	vadd.f32 v24, v20;
	v24 =	vshrl.u32 v34, $0x8;
	v38 =	vshrl.u32 v28, $0xB;
	v22 =	vld.idx.msk [tilespmem:v22+s28+$0x0], $0xffff  }
0x527: {  	v24 =	vadd.s32 $0x41FE, v24;
	v25 =	vadd.f32 v29, v25;
	v29 =	vld.idx.msk [tilespmem:v33+s28+$0x0], $0xffff;
	v33 =	vadd.s32 $0x41C6, v38  }
0x528: {  	v20 =	vadd.f32 v19, v20;
	v19 =	vshrl.u32 v34, $0x9;
	v38 =	vshrl.u32 v28, $0xC;
	v37 =	vld.idx.msk [tilespmem:v37+s28+$0x0], $0xffff  }
0x529: {  	v39 =	vadd.s32 $0x41DE, v19;
	v25 =	vadd.f32 v30, v25;
	v19 =	vadd.s32 $0x41C2, v38;
	v30 =	vld.idx.msk [tilespmem:v35+s28+$0x0], $0xffff  }
0x52a: {  	v28 =	vshrl.u32 v28, $0xD;
	v20 =	vadd.f32 v23, v20;
	v23 =	vld.idx.msk [tilespmem:v27+s28+$0x0], $0xffff;
	v27 =	vshrl.u32 v34, $0xA  }
0x52b: {  	v25 =	vadd.f32 v26, v25;
	v26 =	vand.u32 $0x3FFFF, v28;
	v27 =	vadd.s32 $0x41CE, v27;
	v35 =	vld.idx.msk [tilespmem:v36+s28+$0x0], $0xffff  }
0x52c: {  	v15 =	vadd.f32 v15, v21;
	v22 =	vadd.f32 v22, v20;
	v20 =	vshrl.u32 v34, $0xB;
	v24 =	vld.idx.msk [tilespmem:v24+s28+$0x0], $0xffff  }
0x52d: {  	v28 =	vadd.s32 $0x41C6, v20;
	v29 =	vadd.f32 v29, v25;
	v20 =	vadd.s32 $0x41C0, v26;
	v21 =	vld.idx.msk [tilespmem:v32+s28+$0x0], $0xffff  }
.Ltmp14:
0x52e: {  	v16 =	vadd.f32 v16, v15;
	v25 =	vshrl.u32 v34, $0xC;
	v26 =	vadd.f32 v37, v22;
	v22 =	vld.idx.msk [tilespmem:v39+s28+$0x0], $0xffff;
	(pc) =	sbr.rel @p0 .LBB2_29-.Ltmp14, $4  }
0x52f: {  	v25 =	vadd.s32 $0x41C2, v25;
	v32 =	vshrl.u32 v34, $0xD;
	v29 =	vadd.f32 v30, v29;
	v15 =	vld.idx.msk [tilespmem:v31+s28+$0x0], $0xffff  }
0x530: {  	v30 =	vadd.f32 v23, v26;
	v26 =	vand.u32 $0x7FFF, v32;
	v31 =	vadd.f32 v17, v16;
	v23 =	vld.idx.msk [tilespmem:v27+s28+$0x0], $0xffff  }
0x531: {  	v26 =	vadd.s32 $0x41C0, v26;
	v17 =	vadd.f32 v35, v29;
	v16 =	vld.idx.msk [tilespmem:v33+s28+$0x0], $0xffff  }
0x532: {  	s5 =	sadd.s32 $0x20, s5;
	v27 =	vadd.f32 v24, v30;
	v18 =	vadd.f32 v18, v31;
	v24 =	vld.idx.msk [tilespmem:v28+s28+$0x0], $0xffff  }
0x533: {  	_ =	sdelay $0x2  }
0x534: {  	v17 =	vadd.f32 v21, v17  }
0x535: {  	v19 =	vld.idx.msk [tilespmem:v19+s28+$0x0], $0xffff;
	v22 =	vadd.f32 v22, v27  }
0x536: {  	v58 =	vld.idx.msk [tilespmem:v25+s28+$0x0], $0xffff;
	v15 =	vadd.f32 v15, v17  }
0x537: {  	v60 =	vld.idx.msk [tilespmem:v20+s28+$0x0], $0xffff;
	v22 =	vadd.f32 v23, v22  }
0x538: {  	v59 =	vld.idx.msk [tilespmem:v26+s28+$0x0], $0xffff;
	v15 =	vadd.f32 v16, v15  }
0x539: {  	v61 =	vadd.f32 v24, v22  }
0x53a: {  	p3 =	por $0x1, $0x1;
	v15 =	vadd.f32 v19, v15  }
.Ltmp15:
0x53b: {  	v62 =	vadd.f32 v58, v61;
	(pc) =	sbr.rel @!p3 .LBB2_31-.Ltmp15, $4  }
0x53c: {  	v15 =	vadd.f32 v60, v15  }
0x53d: {  	s5 =	sadd.s32 $0x20, s1;
	s2 =	simm.s32 $0x0;
	[tilespmem:s1+$0x0] =	vst v18;
	v16 =	vadd.f32 v59, v62  }
0x53e: {  	s6 =	simm.s32 $0x1;
	p0 =	por $0x0, $0x0;
	p1 =	por $0x0, $0x0;
	v63 =	vmov s2;
	[tilespmem:s5+$0x0] =	vst v15  }
0x53f: {  	p2 =	por $0x0, $0x0;
	s1 =	simm.s32 $0x9590;
	s2 =	simm.s32 $0x2;
	v32 =	vand.u32 $0xFFFFFFFE, v63;
	v24 =	vmov s6;
	[tilespmem:s5+$0xFFFFFFF0] =	vst v16  }
0x540: {  	v16 =	vbroadcast v32, $0x0  }
0x541: {  	s5 =	sadd.s32 $0xFFFFFFF0, s24;
	v17 =	vor.u32 s24, v1  }
0x542: {  	v21 =	vor.u32 s5, v1;
	v25 =	vadd.s32 v6, v17  }
0x543: {  	v22 =	vadd.s32 v6, v21;
	v15 =	vshrl.u32 v21, $0x1  }
0x544: {  	p3 =	por $0x1, $0x1;
	v26 =	vadd.s32 v7, v15  }
.Ltmp16:
0x545: {  	v18 =	vshrl.u32 v17, $0x1;
	v15 =	vld.idx.msk [tilespmem:v24+s29+$0x0], $0xffff;
	(pc) =	sbr.rel @!p3 .LBB2_33-.Ltmp16, $4  }
0x546: {  	v23 =	vshrl.u32 v17, $0x3;
	v20 =	vadd.s32 v7, v18;
	v18 =	vshrl.u32 v17, $0x2;
	v17 =	vld.idx.msk [tilespmem:v16+s29+$0x0], $0xffff  }
0x547: {  	v19 =	vadd.s32 v8, v18;
	v18 =	vadd.s32 v9, v23;
	v16 =	vshrl.u32 v21, $0x2;
	v25 =	vld.idx.msk [tilespmem:v25+s28+$0x0], $0xffff  }
0x548: {  	s30 =	simm.s32 $0x3;
	v23 =	vld.idx.msk [tilespmem:v22+s28+$0x0], $0xffff;
	v27 =	vadd.s32 v8, v16;
	v16 =	vshrl.u32 v21, $0x3;
	v21 =	vmov s2  }
0x549: {  	p0 =	por $0x1, $0x1;
	s5 =	simm.s32 $0x4;
	v24 =	vmov s30;
	s2 =	sadd.s32 $0x20, s24;
	v28 =	vadd.s32 v9, v16;
	v32 =	vand.u32 $0xFFFFFFFE, v21;
	v26 =	vld.idx.msk [tilespmem:v26+s28+$0x0], $0xffff  }
0x54a: {  	_ =	sdelay $0x3  }
0x54b: {  	s6 =	sadd.s32 $0xFFFFFFF0, s2;
	v21 =	vbroadcast v32, $0x0;
	v22 =	vld.idx.msk [tilespmem:v20+s28+$0x0], $0xffff  }
0x54c: {  	v29 =	vor.u32 s2, v1;
	v31 =	vld.idx.msk [tilespmem:v27+s28+$0x0], $0xffff;
	v30 =	vor.u32 s6, v1  }
0x54d: {  	v34 =	vld.idx.msk [tilespmem:v19+s28+$0x0], $0xffff;
	v63 =	vadd.s32 v6, v29;
	v16 =	vshrl.u32 v29, $0x1;
	v33 =	vadd.s32 v6, v30  }
0x54e: {  	v35 =	vld.idx.msk [tilespmem:v28+s28+$0x0], $0xffff;
	v20 =	vadd.s32 v7, v16;
	v16 =	vshrl.u32 v30, $0x1;
	v17 =	vadd.f32 v23, v17  }
0x54f: {  	p3 =	por $0x1, $0x1;
	v19 =	vshrl.u32 v29, $0x2;
	v36 =	vadd.s32 v7, v16;
	v23 =	vadd.f32 v25, v15;
	v16 =	vld.idx.msk [tilespmem:v18+s28+$0x0], $0xffff  }
.Ltmp17:
0x550: {  	v19 =	vadd.s32 v8, v19;
	v18 =	vshrl.u32 v29, $0x3;
	v15 =	vld.idx.msk [tilespmem:v24+s29+$0x0], $0xffff;
	v24 =	vadd.f32 v26, v17;
	(pc) =	sbr.rel @!p3 .LBB2_35-.Ltmp17, $4  }
0x551: {  	v25 =	vshrl.u32 v30, $0x2;
	v18 =	vadd.s32 v9, v18;
	v17 =	vld.idx.msk [tilespmem:v21+s29+$0x0], $0xffff;
	v21 =	vadd.f32 v22, v23  }
0x552: {  	v27 =	vadd.s32 v8, v25;
	v22 =	vshrl.u32 v30, $0x3;
	v25 =	vld.idx.msk [tilespmem:v63+s28+$0x0], $0xffff;
	v29 =	vadd.f32 v31, v24  }
0x553: {  	s30 =	simm.s32 $0x5;
	v23 =	vld.idx.msk [tilespmem:v33+s28+$0x0], $0xffff;
	v24 =	vmov s5;
	v28 =	vadd.s32 v9, v22;
	v21 =	vadd.f32 v34, v21  }
0x554: {  	s2 =	sadd.s32 $0x20, s2;
	p1 =	por $0x1, $0x1;
	s5 =	simm.s32 $0x6;
	v32 =	vand.u32 $0xFFFFFFFE, v24;
	v24 =	vmov s30;
	v26 =	vld.idx.msk [tilespmem:v36+s28+$0x0], $0xffff;
	v22 =	vadd.f32 v35, v29  }
0x555: {  	_ =	sdelay $0x3  }
0x556: {  	s6 =	sadd.s32 $0xFFFFFFF0, s2;
	v30 =	vbroadcast v32, $0x0;
	v31 =	vld.idx.msk [tilespmem:v20+s28+$0x0], $0xffff  }
0x557: {  	v63 =	vor.u32 s2, v1;
	v33 =	vadd.f32 v16, v21;
	v35 =	vld.idx.msk [tilespmem:v27+s28+$0x0], $0xffff;
	v34 =	vor.u32 s6, v1  }
0x558: {  	v38 =	vld.idx.msk [tilespmem:v19+s28+$0x0], $0xffff;
	v36 =	vadd.s32 v6, v63;
	v20 =	vshrl.u32 v63, $0x1;
	v37 =	vadd.s32 v6, v34  }
0x559: {  	v39 =	vld.idx.msk [tilespmem:v28+s28+$0x0], $0xffff;
	v20 =	vadd.s32 v7, v20;
	v19 =	vshrl.u32 v34, $0x1;
	v17 =	vadd.f32 v23, v17  }
0x55a: {  	v29 =	vld.idx.msk [tilespmem:v18+s28+$0x0], $0xffff;
	p3 =	por $0x1, $0x1;
	v25 =	vadd.f32 v25, v15;
	v23 =	vshrl.u32 v63, $0x2;
	v40 =	vadd.s32 v7, v19  }
.Ltmp18:
0x55b: {  	v15 =	vld.idx.msk [tilespmem:v24+s29+$0x0], $0xffff;
	v19 =	vadd.s32 v8, v23;
	v23 =	vshrl.u32 v34, $0x2;
	v24 =	vadd.f32 v26, v17;
	(pc) =	sbr.rel @!p3 .LBB2_37-.Ltmp18, $4  }
0x55c: {  	v26 =	vadd.f32 v31, v25;
	v27 =	vadd.s32 v8, v23;
	v25 =	vshrl.u32 v34, $0x3;
	v17 =	vld.idx.msk [tilespmem:v30+s29+$0x0], $0xffff  }
0x55d: {  	v18 =	vshrl.u32 v63, $0x3;
	v28 =	vadd.s32 v9, v25;
	v25 =	vld.idx.msk [tilespmem:v36+s28+$0x0], $0xffff;
	v31 =	vadd.f32 v35, v24  }
0x55e: {  	s30 =	simm.s32 $0x7;
	s2 =	sadd.s32 $0x20, s2;
	[tilespmem:s1+$0xFFFFFFF0] =	vst v22;
	v18 =	vadd.s32 v9, v18;
	v23 =	vld.idx.msk [tilespmem:v37+s28+$0x0], $0xffff;
	v24 =	vmov s5;
	v30 =	vadd.f32 v38, v26  }
0x55f: {  	p2 =	por $0x1, $0x1;
	s6 =	simm.s32 $0x8;
	[tilespmem:s1+$0x0] =	vst v33;
	s5 =	simm.s32 $0x9590;
	v32 =	vand.u32 $0xFFFFFFFE, v24;
	v24 =	vmov s30;
	v26 =	vld.idx.msk [tilespmem:v40+s28+$0x0], $0xffff;
	v31 =	vadd.f32 v39, v31  }
.LBB2_38:
0x560: {  	p3 =	slt.u32 s6, $0x1FE;
	s7 =	sadd.s32 $0xFFFFFFF0, s2;
	v32 =	vbroadcast v32, $0x0;
	v33 =	vor.u32 s2, v1;
	v34 =	vld.idx.msk [tilespmem:v20+s28+$0x0], $0xffff;
	v29 =	vadd.f32 v29, v30;
	s5 =	sadd.s32 $0x20, s5  }
0x561: {  	v30 =	vor.u32 s7, v1;
	v35 =	vadd.s32 v6, v33;
	v20 =	vshrl.u32 v33, $0x1;
	v36 =	vld.idx.msk [tilespmem:v27+s28+$0x0], $0xffff;
	[tilespmem:s5+$0xFFFFFFF0] =	vst v31  }
0x562: {  	v27 =	vshrl.u32 v33, $0x2;
	v31 =	vadd.s32 v6, v30;
	v20 =	vadd.s32 v7, v20;
	v37 =	vld.idx.msk [tilespmem:v19+s28+$0x0], $0xffff;
	[tilespmem:s5+$0x0] =	vst v29  }
0x563: {  	v29 =	vshrl.u32 v30, $0x1;
	v19 =	vadd.s32 v8, v27;
	v17 =	vadd.f32 v23, v17;
	v38 =	vld.idx.msk [tilespmem:v28+s28+$0x0], $0xffff  }
0x564: {  	v23 =	vshrl.u32 v33, $0x3;
	v39 =	vadd.s32 v7, v29;
	v25 =	vadd.f32 v25, v15;
	v29 =	vld.idx.msk [tilespmem:v18+s28+$0x0], $0xffff  }
.Ltmp19:
0x565: {  	v27 =	vshrl.u32 v30, $0x2;
	v18 =	vadd.s32 v9, v23;
	v15 =	vld.idx.msk [tilespmem:v24+s29+$0x0], $0xffff;
	v24 =	vadd.f32 v26, v17;
	(pc) =	sbr.rel @p3 .LBB2_38-.Ltmp19, $4  }
0x566: {  	v27 =	vadd.s32 v8, v27;
	v26 =	vadd.f32 v34, v25;
	v17 =	vld.idx.msk [tilespmem:v32+s29+$0x0], $0xffff  }
0x567: {  	v25 =	vshrl.u32 v30, $0x3;
	v23 =	vld.idx.msk [tilespmem:v31+s28+$0x0], $0xffff;
	v31 =	vadd.f32 v36, v24  }
0x568: {  	s7 =	sadd.s32 $0x1, s6;
	v28 =	vadd.s32 v9, v25;
	v24 =	vmov s6;
	v30 =	vadd.f32 v37, v26;
	v25 =	vld.idx.msk [tilespmem:v35+s28+$0x0], $0xffff  }
0x569: {  	s2 =	sadd.s32 $0x20, s2;
	s6 =	sadd.s32 $0x2, s6;
	v32 =	vand.u32 $0xFFFFFFFE, v24;
	v24 =	vmov s7;
	v26 =	vld.idx.msk [tilespmem:v39+s28+$0x0], $0xffff;
	v31 =	vadd.f32 v38, v31  }
.LBB2_39:
0x56a: {  	_ =	sdelay $0x3  }
0x56b: {  	v32 =	vbroadcast v32, $0x0;
	v20 =	vld.idx.msk @p0 [tilespmem:v20+s28+$0x0], $0xffff  }
0x56c: {  	s6 =	sadd.s32 $0xFFFFFFF0, s2;
	v27 =	vld.idx.msk @p0 [tilespmem:v27+s28+$0x0], $0xffff;
	v34 =	vor.u32 s2, v1  }
0x56d: {  	v19 =	vld.idx.msk @p0 [tilespmem:v19+s28+$0x0], $0xffff;
	v33 =	vor.u32 s6, v1;
	v36 =	vadd.s32 v6, v34  }
0x56e: {  	v28 =	vld.idx.msk @p0 [tilespmem:v28+s28+$0x0], $0xffff;
	v38 =	vshrl.u32 v34, $0x1;
	v35 =	vadd.s32 v6, v33  }
0x56f: {  	v18 =	vld.idx.msk @p0 [tilespmem:v18+s28+$0x0], $0xffff;
	v37 =	vshrl.u32 v33, $0x1;
	v38 =	vadd.s32 v7, v38  }
0x570: {  	v24 =	vld.idx.msk [tilespmem:v24+s29+$0x0], $0xffff;
	v40 =	vshrl.u32 v34, $0x2;
	v37 =	vadd.s32 v7, v37  }
0x571: {  	v39 =	vshrl.u32 v33, $0x2;
	v40 =	vadd.s32 v8, v40;
	v32 =	vld.idx.msk [tilespmem:v32+s29+$0x0], $0xffff  }
0x572: {  	v34 =	vshrl.u32 v34, $0x3;
	v39 =	vadd.s32 v8, v39;
	v36 =	vld.idx.msk [tilespmem:v36+s28+$0x0], $0xffff  }
0x573: {  	v33 =	vshrl.u32 v33, $0x3;
	v17 =	vadd.f32 @p0 v23, v17;
	v52 =	vadd.s32 v9, v34;
	v35 =	vld.idx.msk [tilespmem:v35+s28+$0x0], $0xffff  }
0x574: {  	v33 =	vadd.s32 v9, v33;
	v15 =	vadd.f32 @p0 v25, v15;
	v54 =	vld.idx.msk [tilespmem:v38+s28+$0x0], $0xffff  }
0x575: {  	v17 =	vadd.f32 @p0 v26, v17;
	v53 =	vld.idx.msk [tilespmem:v37+s28+$0x0], $0xffff  }
0x576: {  	v15 =	vadd.f32 @p0 v20, v15;
	v56 =	vld.idx.msk [tilespmem:v40+s28+$0x0], $0xffff  }
0x577: {  	v17 =	vadd.f32 @p0 v27, v17;
	v55 =	vld.idx.msk [tilespmem:v39+s28+$0x0], $0xffff;
	v24 =	vadd.f32 v36, v24  }
0x578: {  	v15 =	vadd.f32 @p0 v19, v15;
	v59 =	vld.idx.msk [tilespmem:v52+s28+$0x0], $0xffff;
	v57 =	vadd.f32 v35, v32  }
0x579: {  	v29 =	vadd.f32 @p1 v29, v30;
	s2 =	sadd.s32 @p2 $0x20, s5;
	s5 =	simm.s32 $0x9590;
	v16 =	vpsel p0, v18, v16;
	v58 =	vld.idx.msk [tilespmem:v33+s28+$0x0], $0xffff;
	v24 =	vadd.f32 v54, v24  }
0x57a: {  	s5 =	smov.u32 @p2 s2;
	v17 =	vadd.f32 @p0 v28, v17;
	v15 =	vpsel p0, v15, v21;
	v60 =	vadd.f32 v53, v57  }
0x57b: {  	s6 =	simm.s32 $0x9590;
	[tilespmem:s5+$0xFFFFFFF0] =	vst @p1 v31;
	s2 =	sadd.s32 @p1 $0x20, s5;
	v15 =	vadd.f32 @p0 v16, v15;
	v62 =	vadd.f32 v56, v24  }
0x57c: {  	[tilespmem:s5+$0x0] =	vst @p1 v29;
	s6 =	smov.u32 @p1 s2;
	v61 =	vadd.f32 v55, v60  }
0x57d: {  	s2 =	sadd.s32 @p0 $0x20, s6;
	v17 =	vpsel p0, v17, v22;
	[tilespmem:s6+$0x0] =	vst @p0 v15;
	v15 =	vadd.f32 v59, v62  }
0x57e: {  	s1 =	smov.u32 @p0 s2;
	[tilespmem:s6+$0xFFFFFFF0] =	vst @p0 v17;
	v63 =	vadd.f32 v58, v61  }
0x57f: {  	s0 =	sadd.s32 $0x1, s0;
	[tilespmem:s1+$0x0] =	vst v15  }
0x580: {  	s30 =	simm.s32 $0x9580;
	p0 =	sne.s32 s0, s22;
	[tilespmem:s1+$0xFFFFFFF0] =	vst v63  }
0x581: {  	[hbm4b:s21+s3] =	stream.linear.scatter [tilespmem:s30], [sflag:$0x2], $0x2000, $0x38;
	[tilespmem:$0xB580] =	vst v63  }
.Ltmp20:
0x582: {  	_ = 	snop;
	(pc) =	sbr.rel @p0 .LBB2_1-.Ltmp20, $4  }
.Ltmp21:
0x583: {  	_ = 	snop;
	(pc) =	sbr.rel @!p0 .LBB2_40-.Ltmp21, $4  }
0x584: {  	_ =	swait.ge [sflag:s31], $0x2000  }
0x585: {  	[sflag:s31] =	ssyncset.done $0x0  }
0x586: {  	[sflag:s31] =	ssyncadd.s32 $0xFFFFE000  }
0x587: {  	_ = 	snop  }
.LBB2_31:
.Ltmp22:
0x588: {  	(pc) =	sbr.rel .LBB2_39-.Ltmp22, $2  }
0x589: {  	_ =	sdelay $0x2  }
0x58a: {  	s2 =	smov.u32 s24;
	s5 =	simm.s32 $0x9590  }
.LBB2_33:
.Ltmp23:
0x58b: {  	(pc) =	sbr.rel .LBB2_39-.Ltmp23, $2  }
0x58c: {  	_ =	sdelay $0x2  }
0x58d: {  	s5 =	simm.s32 $0x9590  }
.LBB2_35:
.Ltmp24:
0x58e: {  	(pc) =	sbr.rel .LBB2_39-.Ltmp24, $2  }
0x58f: {  	_ =	sdelay $0x2  }
0x590: {  	v30 =	vmov v21;
	v29 =	vmov v16;
	s5 =	simm.s32 $0x9590;
	v31 =	vmov v22  }
.LBB2_37:
.Ltmp25:
0x591: {  	(pc) =	sbr.rel .LBB2_39-.Ltmp25, $2  }
0x592: {  	_ =	sdelay $0x2  }
0x593: {  	s5 =	simm.s32 $0x9590  }
.LBB2_40:
0x594: {  	_ =	sfence.sel $0x180000  }
0x595: {  	[bflag:$0x0] =	sbarrier.arrive $0xFFFF  }
0x596: {  	_ =	strace $0x90000047  }
0x597: {  	s0 =	stileid.u32;
	[bflag:$0x2] =	sbarrier.arrive $0xFFFF  }
0x598: {  	p0 =	sne.s32 s0, $0x0;
	s0 =	rddreg [dreg:$0x2]  }
0x599: {  	s0 =	sadd.s32 @!p0 $0x100000, s0  }
0x59a: {  	[sflag:s0] =	ssyncadd.tile.s32 @!p0 $0x1;
	_ =	shalt  }
.Lfunc_end2:
_tile_overlayer_lowered:
.L_overlay_start_2:
0x59b: {  	(tag) =	ssettag $0x2  }
0x59c: {  	s0 =	rddreg [dreg:$0x0];
	s2 =	stileid.u32  }
0x59d: {  	s1 =	rddreg [dreg:$0x1];
	p0 =	sne.s32 s2, $0x0  }
0x59e: {  	s3 =	rddreg [dreg:$0x2];
	[bflag:$0x3] =	sbarrier.arrive $0xFFFF;
	s2 =	simm.s32 @!p0 $0x1C02  }
0x59f: {  	[timem:s3], [sflag:s2] =	dma.local @!p0 [hbm:s0], s1  }
0x5a0: {  	s0 =	simm.s32 @!p0 $0x2  }
0x5a1: {  	_ =	swait.ge @!p0 [sflag:s0], s1  }
0x5a2: {  	s1 =	ssub.s32 @!p0 $0x0, s1;
	[sflag:s0] =	ssyncset.done @!p0 $0x0  }
0x5a3: {  	[sflag:s0] =	ssyncadd.s32 @!p0 s1  }
0x5a4: {  	[bflag:$0x3] =	sbarrier.arrive $0xFFFF  }
0x5a5: {  	_ =	shalt  }

// kernel: kernel.7.cloned.1.call-start
scs
__scs_entry_jumppad:
0x0: {  	(pc) =	sbr.rel $0x88, $3  }
0x1: {  	(tag) =	ssettag $0x0;
	lr =	simm.s32 $0x1  }
0x2: {  	[smem:$0x3F9F] =	sst lr;
	_ =	strace $0xD0000000  }
0x3: {  	_ = 	snop  }
0x4: {  	_ = 	snop  }
0x5: {  	_ = 	snop  }
0x6: {  	_ = 	snop  }
0x7: {  	_ = 	snop  }
__scs_overlays_trampoline_lowered:
0x8: {  	[smem:$0x3FAE] =	sst s0  }
0x9: {  	[smem:$0x3FAF] =	sst s1  }
0xa: {  	[smem:$0x3FB0] =	sst s2  }
0xb: {  	[smem:$0x3FB1] =	sst s3  }
0xc: {  	[smem:$0x3FB2] =	sst s4  }
0xd: {  	[smem:$0x3FB3] =	sst s5  }
0xe: {  	[smem:$0x3FB4] =	sst s6  }
0xf: {  	[smem:$0x3FB5] =	sst s7  }
0x10: {  	[smem:$0x3FB6] =	sst s8  }
0x11: {  	[smem:$0x3FB7] =	sst s9;
	s0 =	simm.s32 @!p0 $0x0  }
0x12: {  	s1 =	sld [smem:$0x3F9D];
	s0 =	simm.s32 @p0 $0x1  }
0x13: {  	[smem:$0x3FB8] =	sst s0;
	s0 =	simm.s32 @!p1 $0x0  }
0x14: {  	s2 =	sld [smem:$0x3F9C];
	s0 =	simm.s32 @p1 $0x1  }
0x15: {  	[smem:$0x3FB9] =	sst s0;
	s0 =	simm.s32 @!p2 $0x0  }
0x16: {  	s3 =	sld [smem:$0x3FDB];
	s0 =	simm.s32 @p2 $0x1  }
0x17: {  	s4 =	simm.s32 $0x1BF5;
	[smem:$0x3FBB] =	sst s0  }
0x18: {  	s0 =	sld [smem:$0x3F9E];
	_ =	swait.ge [sflag:s4], $0x0  }
0x19: {  	s7 =	sld [smem:$0x3F9F]  }
0x1a: {  	s8 =	sadd.s32 $0xFFFFE003, lr  }
0x1b: {  	s9 =	sadd.s32 $0xFFFFFEF7, lr;
	s5 =	simm.s32 $0xFFFFFFFF;
	p2 =	slt.u32 s8, $0xFFFFF086  }
0x1c: {  	p1 =	slt.u32 s9, $0xF7A;
	s5 =	simm.s32 @!p2 $0x0  }
0x1d: {  	s5 =	simm.s32 @p1 $0x1;
	p0 =	seq.s32 s7, s2  }
0x1e: {  	s7 =	smul.u32 @!p0 $0xF7A, s2;
	p2 =	seq.s32 @!p0 s5, $0x0  }
0x1f: {  	s9 =	smul.u32 $0xF7A, s1;
	s8 =	simm.s32 @!p0 $0x1BF5;
	p2 =	por !p2, p0  }
0x20: {  	[sflag:s8] =	ssyncset.s32 @!p0 $0xFFFFF086;
	s6 =	sadd.s32 @!p0 s3, s7;
	s7 =	simm.s32 @!p0 $0x108  }
0x21: {  	s3 =	sadd.s32 s3, s9;
	s6 =	sadd.s32 @!p0 $0x88, s6;
	s7 =	simm.s32 @p2 $0x1082  }
0x22: {  	[simem:s7], [sflag:s8] =	dma.local @!p0 [hbm:s6], $0xF7A  }
0x23: {  	s9 =	sor.u32 $0xD0000000, s2;
	s6 =	simm.s32 $0x108;
	_ =	swait.ge @!p0 [sflag:s8], $0x0  }
0x24: {  	s3 =	sadd.s32 $0x88, s3;
	s6 =	simm.s32 @!p1 $0x1082;
	[sflag:s4] =	ssyncset.s32 $0xFFFFF086  }
0x25: {  	[simem:s6], [sflag:s4] =	dma.local [hbm:s3], $0xF7A  }
0x26: {  	[smem:$0x3F9F] =	sst s1;
	(tag) =	ssettag s2;
	_ =	strace s9  }
0x27: {  	s1 =	sld [smem:$0x3FAF]  }
0x28: {  	s2 =	sld [smem:$0x3FB0]  }
0x29: {  	s4 =	sld [smem:$0x3FB2]  }
0x2a: {  	p0 =	seq.s32 s5, $0x0;
	s5 =	sld [smem:$0x3FB3]  }
0x2b: {  	s6 =	sld [smem:$0x3FB4]  }
0x2c: {  	s7 =	sld [smem:$0x3FB5]  }
0x2d: {  	s3 =	simm.s32 $0x108;
	s8 =	sld [smem:$0x3FB6]  }
0x2e: {  	s3 =	simm.s32 @!p0 $0x1082;
	s9 =	sld [smem:$0x3FB7]  }
0x2f: {  	lr =	sadd.s32 s0, s3;
	s0 =	sld [smem:$0x3FAE]  }
0x30: {  	s3 =	sld [smem:$0x3FB1]  }
0x31: {  	[smem:$0x3FBA] =	sst s10  }
0x32: {  	s10 =	sld [smem:$0x3FB8];
	_ =	sdelay $0x3  }
0x33: {  	p0 =	seq.s32 s10, $0x1;
	s10 =	sld [smem:$0x3FBA];
	_ =	sdelay $0x3  }
0x34: {  	[smem:$0x3FBA] =	sst s10  }
0x35: {  	s10 =	sld [smem:$0x3FB9];
	_ =	sdelay $0x3  }
0x36: {  	p1 =	seq.s32 s10, $0x1;
	s10 =	sld [smem:$0x3FBA];
	_ =	sdelay $0x3  }
0x37: {  	[smem:$0x3FBA] =	sst s10  }
0x38: {  	s10 =	sld [smem:$0x3FBB]  }
0x39: {  	_ = 	snop;
	(pc) =	sbr.ind lr, $3  }
0x3a: {  	_ = 	snop  }
0x3b: {  	_ = 	snop  }
0x3c: {  	p2 =	seq.s32 s10, $0x1;
	s10 =	sld [smem:$0x3FBA]  }
0x3d: {  	_ =	shalt  }
0x3e: {  	_ =	shalt  }
0x3f: {  	_ =	shalt  }
0x40: {  	_ =	shalt  }
0x41: {  	_ =	shalt  }
0x42: {  	_ =	shalt  }
0x43: {  	_ =	shalt  }
0x44: {  	_ =	shalt  }
0x45: {  	_ =	shalt  }
0x46: {  	_ =	shalt  }
0x47: {  	_ =	shalt  }
0x48: {  	_ =	shalt  }
0x49: {  	_ =	shalt  }
0x4a: {  	_ =	shalt  }
0x4b: {  	_ =	shalt  }
0x4c: {  	_ =	shalt  }
0x4d: {  	_ =	shalt  }
0x4e: {  	_ =	shalt  }
0x4f: {  	_ =	shalt  }
0x50: {  	_ =	shalt  }
0x51: {  	_ =	shalt  }
0x52: {  	_ =	shalt  }
0x53: {  	_ =	shalt  }
0x54: {  	_ =	shalt  }
0x55: {  	_ =	shalt  }
0x56: {  	_ =	shalt  }
0x57: {  	_ =	shalt  }
0x58: {  	_ =	shalt  }
0x59: {  	_ =	shalt  }
0x5a: {  	_ =	shalt  }
0x5b: {  	_ =	shalt  }
0x5c: {  	_ =	shalt  }
0x5d: {  	_ =	shalt  }
0x5e: {  	_ =	shalt  }
0x5f: {  	_ =	shalt  }
0x60: {  	_ =	shalt  }
0x61: {  	_ =	shalt  }
0x62: {  	_ =	shalt  }
0x63: {  	_ =	shalt  }
0x64: {  	_ =	shalt  }
0x65: {  	_ =	shalt  }
0x66: {  	_ =	shalt  }
0x67: {  	_ =	shalt  }
0x68: {  	_ =	shalt  }
0x69: {  	_ =	shalt  }
0x6a: {  	_ =	shalt  }
0x6b: {  	_ =	shalt  }
0x6c: {  	_ =	shalt  }
0x6d: {  	_ =	shalt  }
0x6e: {  	_ =	shalt  }
0x6f: {  	_ =	shalt  }
0x70: {  	_ =	shalt  }
0x71: {  	_ =	shalt  }
0x72: {  	_ =	shalt  }
0x73: {  	_ =	shalt  }
0x74: {  	_ =	shalt  }
0x75: {  	_ =	shalt  }
0x76: {  	_ =	shalt  }
0x77: {  	_ =	shalt  }
0x78: {  	_ =	shalt  }
0x79: {  	_ =	shalt  }
0x7a: {  	_ =	shalt  }
0x7b: {  	_ =	shalt  }
0x7c: {  	_ =	shalt  }
0x7d: {  	_ =	shalt  }
0x7e: {  	_ =	shalt  }
0x7f: {  	_ =	shalt  }
0x80: {  	_ =	shalt  }
0x81: {  	_ =	shalt  }
0x82: {  	_ =	shalt  }
0x83: {  	_ =	shalt  }
0x84: {  	_ =	shalt  }
0x85: {  	_ =	shalt  }
0x86: {  	_ =	shalt  }
0x87: {  	_ =	shalt  }
.Lfunc_end0:
.L_simem_size_0:
called_computation.1_lowered:
.L_overlay_start_0:
0x88: {  	s2 =	sld [smem:$0x3FD9]  }
0x89: {  	s3 =	sld [smem:$0x3FFE];
	_ =	sdelay $0x1  }
0x8a: {  	s1 =	srdreg.scid  }
0x8b: {  	s0 =	sand.u32 $0x1, s1  }
0x8c: {  	s17 =	sshll.u32 s0, $0xA;
	s2 =	sadd.s32 s3, s2  }
0x8d: {  	s2 =	sadd.s32 s2, s17  }
0x8e: {  	[smem:$0x3FC6] =	sst s2  }
0x8f: {  	_ = 	snop  }
0x90: {  	s2 =	sld [smem:$0x3FC9]  }
0x91: {  	s18 =	sld [smem:$0x3FD0];
	(tm) =	ssettm $0x1  }
0x92: {  	s4 =	sld [smem:$0x3FFB];
	_ =	sdelay $0x3  }
0x93: {  	_ =	strace s4  }
0x94: {  	s4 =	sld [smem:$0x3FFC];
	_ =	sdelay $0x3  }
0x95: {  	_ =	strace s4  }
0x96: {  	s4 =	sld [smem:$0x3FFD];
	_ =	sdelay $0x3  }
0x97: {  	_ =	strace s4  }
0x98: {  	_ =	strace $0x8FFFFFFF  }
0x99: {  	s19 =	sld [smem:$0x3FDB];
	_ =	sdelay $0x1  }
0x9a: {  	s5 =	simm.s32 $_scs_section_size  }
0x9b: {  	s6 =	simm.s32 $_size__tile_overlayer_lowered;
	s7 =	simm.s32 $_tile_overlayer_lowered  }
0x9c: {  	s22 =	simm.s32 $0x1BFF;
	s21 =	sshll.u32 s7, $0x1;
	s4 =	sadd.s32 s5, s19  }
0x9d: {  	s8 =	simm.s32 $0x0;
	s20 =	sshll.u32 s6, $0x1;
	s6 =	sadd.s32 s21, s4  }
0x9e: {  	[timem:s8], [sflag:s22] =	dma.local [hbm:s6], s20  }
0x9f: {  	_ =	swait.ge [sflag:s22], s20  }
0xa0: {  	s5 =	ssub.s32 $0x0, s20;
	[sflag:s22] =	ssyncset.done $0x0  }
0xa1: {  	[sflag:s22] =	ssyncadd.s32 s5;
	_ =	sdelay $0x1  }
0xa2: {  	s23 =	simm.s32 $0x1B8B  }
0xa3: {  	_ =	swait.ge [sflag:s23], $0x1  }
0xa4: {  	[sflag:s23] =	ssyncset.done $0x0  }
0xa5: {  	s25 =	simm.s32 $0x1B8E;
	s24 =	sld [smem:$0x3FFE];
	[sflag:s23] =	ssyncadd.s32 $0xFFFFFFFF  }
0xa6: {  	s26 =	simm.s32 $execute0_lowered;
	[smem:$0x3FD2] =	sst s25  }
0xa7: {  	s6 =	sshll.u32 s26, $0x1;
	_ =	strace $0x80000049;
	[dreg:$0x1] =	wrdreg $0xFFFFFFFF  }
0xa8: {  	s28 =	simm.s32 $_size_execute0_lowered;
	s4 =	sadd.s32 s4, s6;
	[dreg:$0x0] =	wrdreg $0x0  }
0xa9: {  	s6 =	sshll.u32 s28, $0x1;
	[dreg:$0x2] =	wrdreg s4  }
0xaa: {  	[dreg:$0x3] =	wrdreg s6  }
0xab: {  	[dreg:$0x4] =	wrdreg $0xC0  }
0xac: {  	_ =	task [dreg:s8], $0x5FFFF  }
0xad: {  	[dreg:$0x1] =	wrdreg $0xFFFFFFFF  }
0xae: {  	[dreg:$0x0] =	wrdreg $0x60  }
0xaf: {  	[dreg:$0x2] =	wrdreg s2  }
0xb0: {  	[dreg:$0x3] =	wrdreg s24  }
0xb1: {  	[dreg:$0x4] =	wrdreg s18  }
0xb2: {  	[dreg:$0x5] =	wrdreg $0xBB800  }
0xb3: {  	[dreg:$0x6] =	wrdreg $0x9  }
0xb4: {  	_ =	task.clear_ibuf [dreg:s8], $0x7FFFF;
	_ =	strace $0x90000049  }
0xb5: {  	s29 =	simm.s32 $0x9;
	_ =	strace $0x8000004B  }
0xb6: {  	_ =	swait.ge [sflag:s29], $0x1  }
0xb7: {  	[sflag:s29] =	ssyncadd.s32 $0xFFFFFFFF  }
0xb8: {  	_ =	strace $0x9000004B  }
0xb9: {  	_ =	sfence  }
0xba: {  	s30 =	sld [smem:$0x0];
	_ =	sdelay $0x2  }
0xbb: {  	s31 =	sshll.u32 s1, $0xD;
	s1 =	sshrl.u32 s1, $0x2  }
0xbc: {  	s3 =	sand.u32 $0x4000, s31;
	s1 =	sadd.s32 s1, s30  }
0xbd: {  	s0 =	sor.u32 s3, s0;
	s1 =	sshll.u32 s1, $0x11  }
0xbe: {  	s0 =	sor.u32 s1, s0  }
0xbf: {  	s0 =	sadd.s32 $0x8F2B, s0  }
0xc0: {  	[sflag:s0] =	ssyncadd.remote.s32 $0x1  }
0xc1: {  	_ =	sfence.sel $0xFFFF  }
0xc2: {  	[dreg:$0x0] =	wrdreg $0xFFFFFFFF;
	(pc) =	sbr.abs _section_cstart, $3  }
0xc3: {  	[dreg:$0x1] =	wrdreg $0xFFFFFFFF  }
0xc4: {  	_ =	task.clear_ibuf [dreg:s8], $0x2FFFF;
	_ =	strace $0x9FFFFFFF  }
0xc5: {  	(tm) =	ssettm $0x7FFFFFFF  }
tec
execute0_lowered:
.L_overlay_start_1:
0x0: {  	(tag) =	ssettag $0x1  }
0x1: {  	s0 =	rddreg [dreg:$0x0]  }
0x2: {  	s2 =	rddreg [dreg:$0x1]  }
0x3: {  	s4 =	rddreg [dreg:$0x2]  }
0x4: {  	s1 =	rddreg [dreg:$0x3];
	s3 =	simm.s32 $0x0;
	s5 =	srdreg.scid  }
0x5: {  	s12 =	stileid.u32;
	s28 =	simm.s32 $0x3E80;
	s29 =	simm.s32 $0x7D00  }
0x6: {  	s30 =	simm.s32 $0x2;
	s31 =	simm.s32 $0x3;
	[smem:$0x7FF] =	sst s3  }
0x7: {  	s5 =	sand.u32 $0x1, s5;
	s6 =	sshll.u32 s12, $0xB;
	s8 =	sshll.u32 s12, $0x1  }
0x8: {  	s19 =	sshll.u32 s12, $0xE;
	s20 =	sshll.u32 s12, $0x6;
	p0 =	slt.u32 s12, $0xD  }
0x9: {  	_ =	strace $0x8000004A;
	s7 =	ssub.s32 $0x2, s5;
	s2 =	sadd.s32 s6, s2  }
0xa: {  	s5 =	sor.u32 s5, s8;
	s18 =	sshrl.u32 s7, $0x1;
	s2 =	sadd.s32 $0x8A00, s2  }
0xb: {  	s8 =	smul.u32 $0x3E8, s5;
	[dreg:$0x5] =	wrdreg s2;
	s2 =	sor.u32 $0x1C06, s20  }
0xc: {  	s6 =	ssub.s32 s7, s18;
	s7 =	sadd.s32 s19, s1;
	[dreg:$0x6] =	wrdreg s2  }
0xd: {  	s21 =	sadd.s32 s0, s8;
	s22 =	sadd.s32 $0x7D00, s8;
	s23 =	sadd.s32 $0xFA00, s8  }
0xe: {  	s10 =	sadd.s32 $0x17700, s8;
	s24 =	sadd.s32 s4, s8;
	s26 =	sadd.s32 $0x1F400, s8  }
0xf: {  	s8 =	sadd.s32 $0x27100, s8;
	[dreg:$0x7] =	wrdreg s21;
	s9 =	sadd.s32 s0, s22  }
0x10: {  	s11 =	sadd.s32 s0, s23;
	[dreg:$0xa] =	wrdreg s24;
	s25 =	sadd.s32 s0, s10  }
0x11: {  	s2 =	sadd.s32 s4, s22;
	s12 =	sadd.s32 s0, s26;
	s13 =	sadd.s32 s4, s23  }
0x12: {  	s14 =	sadd.s32 s0, s8;
	s15 =	sadd.s32 s4, s10;
	s17 =	sadd.s32 s4, s26  }
0x13: {  	s19 =	sadd.s32 s4, s8;
	s22 =	smax.u32 s6, $0x1;
	s23 =	sshrl.u32 s7, $0x3  }
0x14: {  	s24 =	simm.s32 $0x6;
	s26 =	simm.s32 $0x1;
	[dreg:$0x8] =	wrdreg s9  }
0x15: {  	[dreg:$0x9] =	wrdreg s11;
	s11 =	sor.u32 $0xC0, s5;
	s5 =	sor.u32 $0xE0, s5  }
0x16: {  	[dreg:$0xb] =	wrdreg s25;
	s20 =	smul.u32 $0x3E8, s11;
	s11 =	smov.u32 @p0 s5  }
0x17: {  	s6 =	simm.s32 $0x0;
	[dreg:$0xc] =	wrdreg s2;
	s5 =	smul.u32 $0x3E8, s11  }
0x18: {  	s25 =	simm.s32 $0x1F40;
	s2 =	simm.s32 $0x9C40;
	s16 =	sadd.s32 s0, s20  }
0x19: {  	s20 =	sadd.s32 s4, s20;
	s18 =	sadd.s32 s0, s5;
	s21 =	sadd.s32 s4, s5  }
0x1a: {  	s0 =	simm.s32 $0x5DC0;
	s4 =	simm.s32 $0x4;
	s5 =	simm.s32 $0x5  }
.LBB2_1:
0x1b: {  	s7 =	rddreg [dreg:$0x5]  }
0x1c: {  	s8 =	rddreg [dreg:$0x6]  }
0x1d: {  	[spmem:s23], [sflag:s8] =	dma.local [hbm:s7], $0x800  }
0x1e: {  	_ =	swait.ge [sflag:s24], $0x800  }
0x1f: {  	[sflag:s24] =	ssyncset.done $0x0  }
0x20: {  	[sflag:s24] =	ssyncadd.s32 $0xFFFFF800  }
0x21: {  	[bflag:$0x0] =	sbarrier.arrive $0xFFFF  }
0x22: {  	s8 =	rddreg [dreg:$0x7]  }
0x23: {  	[tilespmem:s3], [sflag:$0x1] =	stream.linear.gather [hbm4b:s8+s3], $0x1F40, $0x38;
	[tilespmem:$0xFB80] =	vst v63  }
0x24: {  	s9 =	rddreg [dreg:$0x8]  }
0x25: {  	[tilespmem:s25], [sflag:$0x2] =	stream.linear.gather [hbm4b:s9+s3], $0x1F40, $0x38;
	[tilespmem:$0xFB80] =	vst v63  }
0x26: {  	_ =	swait.ge [sflag:s26], $0x1F40  }
0x27: {  	[sflag:s26] =	ssyncset.done $0x0  }
0x28: {  	s10 =	simm.s32 $0x40;
	[sflag:s26] =	ssyncadd.s32 $0xFFFFE0C0  }
0x29: {  	v0 =	vld [tilespmem:s10+$0x30]  }
0x2a: {  	v1 =	vld [tilespmem:s10+$0xFFFFFFD0]  }
0x2b: {  	v2 =	vld [tilespmem:s10+$0xFFFFFFE0]  }
0x2c: {  	v3 =	vld [tilespmem:s10+$0xFFFFFFF0]  }
0x2d: {  	v4 =	vld [tilespmem:s10+$0x0]  }
0x2e: {  	v5 =	vld [tilespmem:s10+$0x10]  }
0x2f: {  	v6 =	vld [tilespmem:s10+$0x20]  }
0x30: {  	s11 =	simm.s32 $0xC0;
	v7 =	vld [tilespmem:s10+$0xFFFFFFC0]  }
0x31: {  	v8 =	vld [tilespmem:s11+$0x30]  }
0x32: {  	v10 =	vld [tilespmem:s11+$0xFFFFFFE0]  }
0x33: {  	v13 =	vld [tilespmem:s11+$0x10];
	v0 =	vmul.f32 $2.621440000e+05, v0  }
0x34: {  	v1 =	vmul.f32 $2.621440000e+05, v1;
	v2 =	vmul.f32 $2.621440000e+05, v2  }
0x35: {  	v3 =	vmul.f32 $2.621440000e+05, v3;
	v4 =	vmul.f32 $2.621440000e+05, v4  }
0x36: {  	v5 =	vmul.f32 $2.621440000e+05, v5;
	v6 =	vmul.f32 $2.621440000e+05, v6  }
0x37: {  	v7 =	vmul.f32 $2.621440000e+05, v7;
	v8 =	vmul.f32 $2.621440000e+05, v8  }
0x38: {  	v10 =	vmul.f32 $2.621440000e+05, v10;
	v63 =	vmul.f32 $2.621440000e+05, v13  }
0x39: {  	v0 =	vtrunc.f32 v0;
	v1 =	vtrunc.f32 v1  }
0x3a: {  	v2 =	vtrunc.f32 v2;
	v3 =	vtrunc.f32 v3  }
0x3b: {  	v4 =	vtrunc.f32 v4;
	v5 =	vtrunc.f32 v5  }
0x3c: {  	v6 =	vtrunc.f32 v6;
	v7 =	vtrunc.f32 v7  }
0x3d: {  	v8 =	vtrunc.f32 v8;
	v10 =	vtrunc.f32 v10  }
0x3e: {  	v0 =	vcvt.f32.s32 v0;
	v1 =	vcvt.f32.s32 v1  }
0x3f: {  	v7 =	vcvt.f32.s32 v7;
	v2 =	vcvt.f32.s32 v2  }
0x40: {  	v3 =	vcvt.f32.s32 v3;
	v4 =	vcvt.f32.s32 v4  }
0x41: {  	v5 =	vcvt.f32.s32 v5;
	v6 =	vcvt.f32.s32 v6  }
0x42: {  	v8 =	vcvt.f32.s32 v8;
	vm0 =	vgt.s32 v0, $0x0;
	vm13 =	vgt.s32 v1, $0x0  }
0x43: {  	v9 =	vld [tilespmem:s11+$0xFFFFFFD0];
	vm1 =	vgt.s32 v7, $0x0;
	vm2 =	vgt.s32 v2, $0x0;
	vm3 =	vgt.s32 v3, $0x0  }
0x44: {  	v11 =	vld [tilespmem:s11+$0xFFFFFFF0];
	vm4 =	vgt.s32 v4, $0x0;
	vm14 =	vgt.s32 v5, $0x0;
	vm5 =	vgt.s32 v6, $0x0  }
0x45: {  	v12 =	vld [tilespmem:s11+$0x0];
	vm15 =	vgt.s32 v8, $0x0;
	v0 =	vnsel vm0, $0x0, v0;
	v7 =	vnsel vm1, $0x0, v7  }
0x46: {  	v1 =	vnsel vm13, $0x0, v1;
	v2 =	vnsel vm2, $0x0, v2;
	v15 =	vnsel vm14, $0x0, v5;
	v5 =	vld [tilespmem:s11+$0x20]  }
0x47: {  	s8 =	simm.s32 $0x3EC0;
	v3 =	vnsel vm3, $0x0, v3;
	v62 =	vnsel vm5, $0x0, v6;
	v6 =	vld [tilespmem:s11+$0xFFFFFFC0];
	v0 =	vmin.u32 v0, $0x3FFFF  }
0x48: {  	v14 =	vnsel vm4, $0x0, v4;
	v4 =	vmul.f32 $2.621440000e+05, v9;
	v7 =	vmin.u32 v7, $0x3FFFF;
	[tilespmem:s8+$0x30] =	vst v0  }
0x49: {  	v1 =	vmin.u32 v1, $0x3FFFF;
	v2 =	vmin.u32 v2, $0x3FFFF;
	v0 =	vmul.f32 $2.621440000e+05, v11;
	[tilespmem:s8+$0xFFFFFFC0] =	vst v7  }
0x4a: {  	v3 =	vmin.u32 v3, $0x3FFFF;
	v7 =	vtrunc.f32 v4;
	v4 =	vmul.f32 $2.621440000e+05, v12;
	[tilespmem:s8+$0xFFFFFFD0] =	vst v1  }
0x4b: {  	[tilespmem:s8+$0xFFFFFFE0] =	vst v2;
	v2 =	vnsel vm15, $0x0, v8;
	v1 =	vtrunc.f32 v0;
	v0 =	vmul.f32 $2.621440000e+05, v5  }
0x4c: {  	s7 =	simm.s32 $0x3F40;
	[tilespmem:s8+$0xFFFFFFF0] =	vst v3;
	v3 =	vtrunc.f32 v63;
	v2 =	vmin.u32 v2, $0x3FFFF;
	v6 =	vmul.f32 $2.621440000e+05, v6  }
0x4d: {  	[tilespmem:s7+$0x30] =	vst v2;
	v2 =	vmin.u32 v14, $0x3FFFF;
	v5 =	vtrunc.f32 v4;
	v4 =	vtrunc.f32 v0  }
0x4e: {  	[tilespmem:s8+$0x0] =	vst v2;
	v6 =	vtrunc.f32 v6;
	v0 =	vcvt.f32.s32 v7;
	v7 =	vmin.u32 v15, $0x3FFFF  }
0x4f: {  	s9 =	simm.s32 $0x8;
	s10 =	simm.s32 $0x140;
	v2 =	vcvt.f32.s32 v10;
	v6 =	vcvt.f32.s32 v6;
	[tilespmem:s8+$0x10] =	vst v7;
	v7 =	vmin.u32 v62, $0x3FFFF  }
.LBB2_2:
0x50: {  	v8 =	vld [tilespmem:s10+$0x30];
	s9 =	sadd.s32 $0x8, s9;
	vm0 =	vgt.s32 v0, $0x0;
	v1 =	vcvt.f32.s32 v1;
	v5 =	vcvt.f32.s32 v5;
	[tilespmem:s8+$0x20] =	vst v7;
	s8 =	smov.u32 s7  }
0x51: {  	v3 =	vcvt.f32.s32 v3;
	v4 =	vcvt.f32.s32 v4;
	v7 =	vld [tilespmem:s10+$0xFFFFFFD0];
	p0 =	slt.u32 s9, $0x1E8;
	vm1 =	vgt.s32 v6, $0x0  }
0x52: {  	vm2 =	vgt.s32 v2, $0x0;
	v9 =	vld [tilespmem:s10+$0xFFFFFFE0];
	vm3 =	vgt.s32 v1, $0x0;
	vm4 =	vgt.s32 v5, $0x0  }
0x53: {  	v6 =	vnsel vm1, $0x0, v6;
	vm1 =	vgt.s32 v3, $0x0;
	vm5 =	vgt.s32 v4, $0x0;
	v10 =	vld [tilespmem:s10+$0xFFFFFFF0]  }
0x54: {  	v0 =	vnsel vm0, $0x0, v0;
	v2 =	vnsel vm2, $0x0, v2;
	v1 =	vnsel vm3, $0x0, v1;
	v11 =	vld [tilespmem:s10+$0x0]  }
0x55: {  	v13 =	vnsel vm4, $0x0, v5;
	v14 =	vnsel vm1, $0x0, v3;
	v12 =	vld [tilespmem:s10+$0x10];
	v8 =	vmul.f32 $2.621440000e+05, v8  }
0x56: {  	v6 =	vmin.u32 v6, $0x3FFFF;
	v3 =	vmul.f32 $2.621440000e+05, v7;
	v5 =	vld [tilespmem:s10+$0x20];
	v7 =	vnsel vm5, $0x0, v4  }
0x57: {  	v0 =	vmin.u32 v0, $0x3FFFF;
	v4 =	vld [tilespmem:s10+$0xFFFFFFC0];
	v9 =	vmul.f32 $2.621440000e+05, v9;
	v8 =	vtrunc.f32 v8;
	[tilespmem:s7+$0xFFFFFFC0] =	vst v6  }
0x58: {  	v6 =	vmul.f32 $2.621440000e+05, v10;
	v8 =	vcvt.f32.s32 v8;
	[tilespmem:s7+$0xFFFFFFD0] =	vst v0;
	v0 =	vmin.u32 v2, $0x3FFFF  }
0x59: {  	v2 =	vtrunc.f32 v3;
	v3 =	vmul.f32 $2.621440000e+05, v11;
	[tilespmem:s7+$0xFFFFFFE0] =	vst v0;
	v0 =	vmin.u32 v1, $0x3FFFF  }
0x5a: {  	v9 =	vtrunc.f32 v9;
	v10 =	vmul.f32 $2.621440000e+05, v12;
	vm0 =	vgt.s32 v8, $0x0;
	[tilespmem:s7+$0xFFFFFFF0] =	vst v0  }
.Ltmp0:
0x5b: {  	v1 =	vtrunc.f32 v6;
	v0 =	vmul.f32 $2.621440000e+05, v5;
	v6 =	vnsel vm0, $0x0, v8;
	(pc) =	sbr.rel @p0 .LBB2_2-.Ltmp0, $4  }
0x5c: {  	s7 =	sadd.s32 $0x80, s7;
	v5 =	vtrunc.f32 v3;
	v8 =	vmul.f32 $2.621440000e+05, v4;
	v6 =	vmin.u32 v6, $0x3FFFF  }
0x5d: {  	s11 =	simm.s32 $0x0;
	v3 =	vtrunc.f32 v10;
	v4 =	vtrunc.f32 v0;
	[tilespmem:s7+$0x30] =	vst v6;
	v6 =	vmin.u32 v13, $0x3FFFF  }
0x5e: {  	v10 =	vmin.u32 v14, $0x3FFFF;
	v0 =	vcvt.f32.s32 v2;
	v8 =	vtrunc.f32 v8;
	[tilespmem:s8+$0x0] =	vst v6  }
0x5f: {  	s10 =	sadd.s32 $0x80, s10;
	v7 =	vmin.u32 v7, $0x3FFFF;
	v2 =	vcvt.f32.s32 v9;
	v6 =	vcvt.f32.s32 v8;
	[tilespmem:s8+$0x10] =	vst v10  }
0x60: {  	v1 =	vcvt.f32.s32 v1  }
0x61: {  	vm0 =	vgt.s32 v0, $0x0;
	v5 =	vcvt.f32.s32 v5;
	v3 =	vcvt.f32.s32 v3  }
0x62: {  	v4 =	vcvt.f32.s32 v4;
	vm1 =	vgt.s32 v6, $0x0;
	v0 =	vnsel vm0, $0x0, v0  }
0x63: {  	[tilespmem:s8+$0x20] =	vst v7;
	vm11 =	vgt.s32 v2, $0x0;
	v6 =	vnsel vm1, $0x0, v6;
	v0 =	vmin.u32 v0, $0x3FFFF  }
0x64: {  	vm12 =	vgt.s32 v1, $0x0;
	v2 =	vnsel vm11, $0x0, v2;
	v6 =	vmin.u32 v6, $0x3FFFF;
	[tilespmem:s7+$0xFFFFFFD0] =	vst v0  }
0x65: {  	vm13 =	vgt.s32 v5, $0x0;
	v1 =	vnsel vm12, $0x0, v1;
	v56 =	vmin.u32 v2, $0x3FFFF;
	[tilespmem:s7+$0xFFFFFFC0] =	vst v6  }
0x66: {  	vm14 =	vgt.s32 v3, $0x0;
	v57 =	vnsel vm13, $0x0, v5;
	[tilespmem:s7+$0xFFFFFFE0] =	vst v56;
	v58 =	vmin.u32 v1, $0x3FFFF  }
0x67: {  	vm15 =	vgt.s32 v4, $0x0;
	v59 =	vnsel vm14, $0x0, v3;
	v60 =	vmin.u32 v57, $0x3FFFF;
	[tilespmem:s7+$0xFFFFFFF0] =	vst v58  }
0x68: {  	v61 =	vnsel vm15, $0x0, v4;
	v62 =	vmin.u32 v59, $0x3FFFF;
	[tilespmem:s7+$0x0] =	vst v60  }
0x69: {  	v63 =	vmin.u32 v61, $0x3FFFF;
	[tilespmem:s7+$0x10] =	vst v62  }
0x6a: {  	[tilespmem:s7+$0x20] =	vst v63  }
.LBB2_4:
0x6b: {  	s7 =	sshra.s32 s11, $0x2  }
0x6c: {  	v0 =	vld [tilespmem:s7+$0x1F00];
	_ =	sdelay $0x4  }
0x6d: {  	v0 =	vmul.f32 $2.621440000e+05, v0;
	_ =	sdelay $0x1  }
0x6e: {  	v0 =	vtrunc.f32 v0  }
0x6f: {  	p0 =	sne.s32 s11, $0xC0;
	v0 =	vcvt.f32.s32 v0  }
.Ltmp1:
0x70: {  	_ = 	snop;
	(pc) =	sbr.rel @p0 .LBB2_4-.Ltmp1, $4  }
0x71: {  	vm0 =	vgt.s32 v0, $0x0  }
0x72: {  	v0 =	vnsel vm0, $0x0, v0  }
0x73: {  	v0 =	vmin.u32 v0, $0x3FFFF  }
0x74: {  	s11 =	sadd.s32 $0x40, s11;
	[tilespmem:s7+$0x5D80] =	vst v0  }
0x75: {  	[tilespmem:s29], [sflag:$0x3] =	stream.indirect.gather [spmem:s1], $0x1, s28, s25, $0xb8;
	[tilespmem:$0xFB80] =	vst v63  }
0x76: {  	s7 =	rddreg [dreg:$0x9]  }
0x77: {  	[tilespmem:s3], [sflag:$0x1] =	stream.linear.gather [hbm4b:s7+s3], $0x1F40, $0x38;
	[tilespmem:$0xFB80] =	vst v63  }
0x78: {  	_ =	swait.ge [sflag:s30], $0x1F40  }
0x79: {  	[sflag:s30] =	ssyncset.done $0x0  }
0x7a: {  	s10 =	simm.s32 $0x1F80;
	[sflag:s30] =	ssyncadd.s32 $0xFFFFE0C0  }
0x7b: {  	v0 =	vld [tilespmem:s10+$0x30]  }
0x7c: {  	v1 =	vld [tilespmem:s10+$0xFFFFFFD0]  }
0x7d: {  	v2 =	vld [tilespmem:s10+$0xFFFFFFE0]  }
0x7e: {  	v3 =	vld [tilespmem:s10+$0xFFFFFFF0]  }
0x7f: {  	v4 =	vld [tilespmem:s10+$0x0]  }
0x80: {  	v5 =	vld [tilespmem:s10+$0x10]  }
0x81: {  	v6 =	vld [tilespmem:s10+$0x20]  }
0x82: {  	s11 =	simm.s32 $0x2000;
	v7 =	vld [tilespmem:s10+$0xFFFFFFC0]  }
0x83: {  	v8 =	vld [tilespmem:s11+$0x30]  }
0x84: {  	v10 =	vld [tilespmem:s11+$0xFFFFFFE0]  }
0x85: {  	v13 =	vld [tilespmem:s11+$0x10];
	v0 =	vmul.f32 $2.621440000e+05, v0  }
0x86: {  	v1 =	vmul.f32 $2.621440000e+05, v1;
	v2 =	vmul.f32 $2.621440000e+05, v2  }
0x87: {  	v3 =	vmul.f32 $2.621440000e+05, v3;
	v4 =	vmul.f32 $2.621440000e+05, v4  }
0x88: {  	v5 =	vmul.f32 $2.621440000e+05, v5;
	v6 =	vmul.f32 $2.621440000e+05, v6  }
0x89: {  	v7 =	vmul.f32 $2.621440000e+05, v7;
	v8 =	vmul.f32 $2.621440000e+05, v8  }
0x8a: {  	v10 =	vmul.f32 $2.621440000e+05, v10;
	v63 =	vmul.f32 $2.621440000e+05, v13  }
0x8b: {  	v0 =	vtrunc.f32 v0;
	v1 =	vtrunc.f32 v1  }
0x8c: {  	v2 =	vtrunc.f32 v2;
	v3 =	vtrunc.f32 v3  }
0x8d: {  	v4 =	vtrunc.f32 v4;
	v5 =	vtrunc.f32 v5  }
0x8e: {  	v6 =	vtrunc.f32 v6;
	v7 =	vtrunc.f32 v7  }
0x8f: {  	v8 =	vtrunc.f32 v8;
	v10 =	vtrunc.f32 v10  }
0x90: {  	v0 =	vcvt.f32.s32 v0;
	v1 =	vcvt.f32.s32 v1  }
0x91: {  	v7 =	vcvt.f32.s32 v7;
	v2 =	vcvt.f32.s32 v2  }
0x92: {  	v3 =	vcvt.f32.s32 v3;
	v4 =	vcvt.f32.s32 v4  }
0x93: {  	v5 =	vcvt.f32.s32 v5;
	v6 =	vcvt.f32.s32 v6  }
0x94: {  	v8 =	vcvt.f32.s32 v8;
	vm0 =	vgt.s32 v0, $0x0;
	vm13 =	vgt.s32 v1, $0x0  }
0x95: {  	v9 =	vld [tilespmem:s11+$0xFFFFFFD0];
	vm1 =	vgt.s32 v7, $0x0;
	vm2 =	vgt.s32 v2, $0x0;
	vm3 =	vgt.s32 v3, $0x0  }
0x96: {  	v11 =	vld [tilespmem:s11+$0xFFFFFFF0];
	vm4 =	vgt.s32 v4, $0x0;
	vm14 =	vgt.s32 v5, $0x0;
	vm5 =	vgt.s32 v6, $0x0  }
0x97: {  	v12 =	vld [tilespmem:s11+$0x0];
	vm15 =	vgt.s32 v8, $0x0;
	v0 =	vnsel vm0, $0x0, v0;
	v7 =	vnsel vm1, $0x0, v7  }
0x98: {  	v1 =	vnsel vm13, $0x0, v1;
	v2 =	vnsel vm2, $0x0, v2;
	v15 =	vnsel vm14, $0x0, v5;
	v5 =	vld [tilespmem:s11+$0x20]  }
0x99: {  	s8 =	simm.s32 $0x5E00;
	v3 =	vnsel vm3, $0x0, v3;
	v62 =	vnsel vm5, $0x0, v6;
	v6 =	vld [tilespmem:s11+$0xFFFFFFC0];
	v0 =	vmin.u32 v0, $0x3FFFF  }
0x9a: {  	v14 =	vnsel vm4, $0x0, v4;
	v4 =	vmul.f32 $2.621440000e+05, v9;
	v7 =	vmin.u32 v7, $0x3FFFF;
	[tilespmem:s8+$0x30] =	vst v0  }
0x9b: {  	v1 =	vmin.u32 v1, $0x3FFFF;
	v2 =	vmin.u32 v2, $0x3FFFF;
	v0 =	vmul.f32 $2.621440000e+05, v11;
	[tilespmem:s8+$0xFFFFFFC0] =	vst v7  }
0x9c: {  	v3 =	vmin.u32 v3, $0x3FFFF;
	v7 =	vtrunc.f32 v4;
	v4 =	vmul.f32 $2.621440000e+05, v12;
	[tilespmem:s8+$0xFFFFFFD0] =	vst v1  }
0x9d: {  	[tilespmem:s8+$0xFFFFFFE0] =	vst v2;
	v2 =	vnsel vm15, $0x0, v8;
	v1 =	vtrunc.f32 v0;
	v0 =	vmul.f32 $2.621440000e+05, v5  }
0x9e: {  	s7 =	simm.s32 $0x5E80;
	[tilespmem:s8+$0xFFFFFFF0] =	vst v3;
	v3 =	vtrunc.f32 v63;
	v2 =	vmin.u32 v2, $0x3FFFF;
	v6 =	vmul.f32 $2.621440000e+05, v6  }
0x9f: {  	[tilespmem:s7+$0x30] =	vst v2;
	v2 =	vmin.u32 v14, $0x3FFFF;
	v5 =	vtrunc.f32 v4;
	v4 =	vtrunc.f32 v0  }
0xa0: {  	[tilespmem:s8+$0x0] =	vst v2;
	v6 =	vtrunc.f32 v6;
	v0 =	vcvt.f32.s32 v7;
	v7 =	vmin.u32 v15, $0x3FFFF  }
0xa1: {  	s9 =	simm.s32 $0x8;
	s10 =	simm.s32 $0x2080;
	v2 =	vcvt.f32.s32 v10;
	v6 =	vcvt.f32.s32 v6;
	[tilespmem:s8+$0x10] =	vst v7;
	v7 =	vmin.u32 v62, $0x3FFFF  }
.LBB2_6:
0xa2: {  	v8 =	vld [tilespmem:s10+$0x30];
	s9 =	sadd.s32 $0x8, s9;
	vm0 =	vgt.s32 v0, $0x0;
	v1 =	vcvt.f32.s32 v1;
	v5 =	vcvt.f32.s32 v5;
	[tilespmem:s8+$0x20] =	vst v7;
	s8 =	smov.u32 s7  }
0xa3: {  	v3 =	vcvt.f32.s32 v3;
	v4 =	vcvt.f32.s32 v4;
	v7 =	vld [tilespmem:s10+$0xFFFFFFD0];
	p0 =	slt.u32 s9, $0x1E8;
	vm1 =	vgt.s32 v6, $0x0  }
0xa4: {  	vm2 =	vgt.s32 v2, $0x0;
	v9 =	vld [tilespmem:s10+$0xFFFFFFE0];
	vm3 =	vgt.s32 v1, $0x0;
	vm4 =	vgt.s32 v5, $0x0  }
0xa5: {  	v6 =	vnsel vm1, $0x0, v6;
	vm1 =	vgt.s32 v3, $0x0;
	vm5 =	vgt.s32 v4, $0x0;
	v10 =	vld [tilespmem:s10+$0xFFFFFFF0]  }
0xa6: {  	v0 =	vnsel vm0, $0x0, v0;
	v2 =	vnsel vm2, $0x0, v2;
	v1 =	vnsel vm3, $0x0, v1;
	v11 =	vld [tilespmem:s10+$0x0]  }
0xa7: {  	v13 =	vnsel vm4, $0x0, v5;
	v14 =	vnsel vm1, $0x0, v3;
	v12 =	vld [tilespmem:s10+$0x10];
	v8 =	vmul.f32 $2.621440000e+05, v8  }
0xa8: {  	v6 =	vmin.u32 v6, $0x3FFFF;
	v3 =	vmul.f32 $2.621440000e+05, v7;
	v5 =	vld [tilespmem:s10+$0x20];
	v7 =	vnsel vm5, $0x0, v4  }
0xa9: {  	v0 =	vmin.u32 v0, $0x3FFFF;
	v4 =	vld [tilespmem:s10+$0xFFFFFFC0];
	v9 =	vmul.f32 $2.621440000e+05, v9;
	v8 =	vtrunc.f32 v8;
	[tilespmem:s7+$0xFFFFFFC0] =	vst v6  }
0xaa: {  	v6 =	vmul.f32 $2.621440000e+05, v10;
	v8 =	vcvt.f32.s32 v8;
	[tilespmem:s7+$0xFFFFFFD0] =	vst v0;
	v0 =	vmin.u32 v2, $0x3FFFF  }
0xab: {  	v2 =	vtrunc.f32 v3;
	v3 =	vmul.f32 $2.621440000e+05, v11;
	[tilespmem:s7+$0xFFFFFFE0] =	vst v0;
	v0 =	vmin.u32 v1, $0x3FFFF  }
0xac: {  	v9 =	vtrunc.f32 v9;
	v10 =	vmul.f32 $2.621440000e+05, v12;
	vm0 =	vgt.s32 v8, $0x0;
	[tilespmem:s7+$0xFFFFFFF0] =	vst v0  }
.Ltmp2:
0xad: {  	v1 =	vtrunc.f32 v6;
	v0 =	vmul.f32 $2.621440000e+05, v5;
	v6 =	vnsel vm0, $0x0, v8;
	(pc) =	sbr.rel @p0 .LBB2_6-.Ltmp2, $4  }
0xae: {  	s7 =	sadd.s32 $0x80, s7;
	v5 =	vtrunc.f32 v3;
	v8 =	vmul.f32 $2.621440000e+05, v4;
	v6 =	vmin.u32 v6, $0x3FFFF  }
0xaf: {  	s11 =	simm.s32 $0x0;
	v3 =	vtrunc.f32 v10;
	v4 =	vtrunc.f32 v0;
	[tilespmem:s7+$0x30] =	vst v6;
	v6 =	vmin.u32 v13, $0x3FFFF  }
0xb0: {  	v10 =	vmin.u32 v14, $0x3FFFF;
	v0 =	vcvt.f32.s32 v2;
	v8 =	vtrunc.f32 v8;
	[tilespmem:s8+$0x0] =	vst v6  }
0xb1: {  	s10 =	sadd.s32 $0x80, s10;
	v7 =	vmin.u32 v7, $0x3FFFF;
	v2 =	vcvt.f32.s32 v9;
	v6 =	vcvt.f32.s32 v8;
	[tilespmem:s8+$0x10] =	vst v10  }
0xb2: {  	v1 =	vcvt.f32.s32 v1  }
0xb3: {  	vm0 =	vgt.s32 v0, $0x0;
	v5 =	vcvt.f32.s32 v5;
	v3 =	vcvt.f32.s32 v3  }
0xb4: {  	v4 =	vcvt.f32.s32 v4;
	vm1 =	vgt.s32 v6, $0x0;
	v0 =	vnsel vm0, $0x0, v0  }
0xb5: {  	[tilespmem:s8+$0x20] =	vst v7;
	vm11 =	vgt.s32 v2, $0x0;
	v6 =	vnsel vm1, $0x0, v6;
	v0 =	vmin.u32 v0, $0x3FFFF  }
0xb6: {  	vm12 =	vgt.s32 v1, $0x0;
	v2 =	vnsel vm11, $0x0, v2;
	v6 =	vmin.u32 v6, $0x3FFFF;
	[tilespmem:s7+$0xFFFFFFD0] =	vst v0  }
0xb7: {  	vm13 =	vgt.s32 v5, $0x0;
	v1 =	vnsel vm12, $0x0, v1;
	v56 =	vmin.u32 v2, $0x3FFFF;
	[tilespmem:s7+$0xFFFFFFC0] =	vst v6  }
0xb8: {  	vm14 =	vgt.s32 v3, $0x0;
	v57 =	vnsel vm13, $0x0, v5;
	[tilespmem:s7+$0xFFFFFFE0] =	vst v56;
	v58 =	vmin.u32 v1, $0x3FFFF  }
0xb9: {  	vm15 =	vgt.s32 v4, $0x0;
	v59 =	vnsel vm14, $0x0, v3;
	v60 =	vmin.u32 v57, $0x3FFFF;
	[tilespmem:s7+$0xFFFFFFF0] =	vst v58  }
0xba: {  	v61 =	vnsel vm15, $0x0, v4;
	v62 =	vmin.u32 v59, $0x3FFFF;
	[tilespmem:s7+$0x0] =	vst v60  }
0xbb: {  	v63 =	vmin.u32 v61, $0x3FFFF;
	[tilespmem:s7+$0x10] =	vst v62  }
0xbc: {  	[tilespmem:s7+$0x20] =	vst v63  }
.LBB2_8:
0xbd: {  	s7 =	sshra.s32 s11, $0x2  }
0xbe: {  	v0 =	vld [tilespmem:s7+$0x3E40];
	_ =	sdelay $0x4  }
0xbf: {  	v0 =	vmul.f32 $2.621440000e+05, v0;
	_ =	sdelay $0x1  }
0xc0: {  	v0 =	vtrunc.f32 v0  }
0xc1: {  	p0 =	sne.s32 s11, $0xC0;
	v0 =	vcvt.f32.s32 v0  }
.Ltmp3:
0xc2: {  	_ = 	snop;
	(pc) =	sbr.rel @p0 .LBB2_8-.Ltmp3, $4  }
0xc3: {  	vm0 =	vgt.s32 v0, $0x0  }
0xc4: {  	v0 =	vnsel vm0, $0x0, v0  }
0xc5: {  	v0 =	vmin.u32 v0, $0x3FFFF  }
0xc6: {  	s11 =	sadd.s32 $0x40, s11;
	[tilespmem:s7+$0x7CC0] =	vst v0  }
0xc7: {  	_ =	swait.ge [sflag:s31], $0x1F40  }
0xc8: {  	[sflag:s31] =	ssyncset.done $0x0  }
0xc9: {  	s7 =	rddreg [dreg:$0xa];
	[sflag:s31] =	ssyncadd.s32 $0xFFFFE0C0  }
0xca: {  	[hbm4b:s7+s3] =	stream.linear.scatter [tilespmem:s29], [sflag:$0x4], $0x1F40, $0x38;
	[tilespmem:$0xFB80] =	vst v63  }
0xcb: {  	_ = 	snop  }
0xcc: {  	[tilespmem:s2], [sflag:$0x3] =	stream.indirect.gather [spmem:s1], $0x1, s0, s25, $0xb8;
	[tilespmem:$0xFB80] =	vst v63  }
0xcd: {  	s9 =	rddreg [dreg:$0xb]  }
0xce: {  	[tilespmem:s25], [sflag:$0x2] =	stream.linear.gather [hbm4b:s9+s3], $0x1F40, $0x38;
	[tilespmem:$0xFB80] =	vst v63  }
0xcf: {  	_ =	swait.ge [sflag:s26], $0x1F40  }
0xd0: {  	[sflag:s26] =	ssyncset.done $0x0  }
0xd1: {  	s10 =	simm.s32 $0x40;
	[sflag:s26] =	ssyncadd.s32 $0xFFFFE0C0  }
0xd2: {  	v0 =	vld [tilespmem:s10+$0x30]  }
0xd3: {  	v1 =	vld [tilespmem:s10+$0xFFFFFFD0]  }
0xd4: {  	v2 =	vld [tilespmem:s10+$0xFFFFFFE0]  }
0xd5: {  	v3 =	vld [tilespmem:s10+$0xFFFFFFF0]  }
0xd6: {  	v4 =	vld [tilespmem:s10+$0x0]  }
0xd7: {  	v5 =	vld [tilespmem:s10+$0x10]  }
0xd8: {  	v6 =	vld [tilespmem:s10+$0x20]  }
0xd9: {  	s11 =	simm.s32 $0xC0;
	v7 =	vld [tilespmem:s10+$0xFFFFFFC0]  }
0xda: {  	v8 =	vld [tilespmem:s11+$0x30]  }
0xdb: {  	v10 =	vld [tilespmem:s11+$0xFFFFFFE0]  }
0xdc: {  	v13 =	vld [tilespmem:s11+$0x10];
	v0 =	vmul.f32 $2.621440000e+05, v0  }
0xdd: {  	v1 =	vmul.f32 $2.621440000e+05, v1;
	v2 =	vmul.f32 $2.621440000e+05, v2  }
0xde: {  	v3 =	vmul.f32 $2.621440000e+05, v3;
	v4 =	vmul.f32 $2.621440000e+05, v4  }
0xdf: {  	v5 =	vmul.f32 $2.621440000e+05, v5;
	v6 =	vmul.f32 $2.621440000e+05, v6  }
0xe0: {  	v7 =	vmul.f32 $2.621440000e+05, v7;
	v8 =	vmul.f32 $2.621440000e+05, v8  }
0xe1: {  	v10 =	vmul.f32 $2.621440000e+05, v10;
	v63 =	vmul.f32 $2.621440000e+05, v13  }
0xe2: {  	v0 =	vtrunc.f32 v0;
	v1 =	vtrunc.f32 v1  }
0xe3: {  	v2 =	vtrunc.f32 v2;
	v3 =	vtrunc.f32 v3  }
0xe4: {  	v4 =	vtrunc.f32 v4;
	v5 =	vtrunc.f32 v5  }
0xe5: {  	v6 =	vtrunc.f32 v6;
	v7 =	vtrunc.f32 v7  }
0xe6: {  	v8 =	vtrunc.f32 v8;
	v10 =	vtrunc.f32 v10  }
0xe7: {  	v0 =	vcvt.f32.s32 v0;
	v1 =	vcvt.f32.s32 v1  }
0xe8: {  	v7 =	vcvt.f32.s32 v7;
	v2 =	vcvt.f32.s32 v2  }
0xe9: {  	v3 =	vcvt.f32.s32 v3;
	v4 =	vcvt.f32.s32 v4  }
0xea: {  	v5 =	vcvt.f32.s32 v5;
	v6 =	vcvt.f32.s32 v6  }
0xeb: {  	v8 =	vcvt.f32.s32 v8;
	vm0 =	vgt.s32 v0, $0x0;
	vm13 =	vgt.s32 v1, $0x0  }
0xec: {  	v9 =	vld [tilespmem:s11+$0xFFFFFFD0];
	vm1 =	vgt.s32 v7, $0x0;
	vm2 =	vgt.s32 v2, $0x0;
	vm3 =	vgt.s32 v3, $0x0  }
0xed: {  	v11 =	vld [tilespmem:s11+$0xFFFFFFF0];
	vm4 =	vgt.s32 v4, $0x0;
	vm14 =	vgt.s32 v5, $0x0;
	vm5 =	vgt.s32 v6, $0x0  }
0xee: {  	v12 =	vld [tilespmem:s11+$0x0];
	vm15 =	vgt.s32 v8, $0x0;
	v0 =	vnsel vm0, $0x0, v0;
	v7 =	vnsel vm1, $0x0, v7  }
0xef: {  	v1 =	vnsel vm13, $0x0, v1;
	v2 =	vnsel vm2, $0x0, v2;
	v15 =	vnsel vm14, $0x0, v5;
	v5 =	vld [tilespmem:s11+$0x20]  }
0xf0: {  	s8 =	simm.s32 $0x3EC0;
	v3 =	vnsel vm3, $0x0, v3;
	v62 =	vnsel vm5, $0x0, v6;
	v6 =	vld [tilespmem:s11+$0xFFFFFFC0];
	v0 =	vmin.u32 v0, $0x3FFFF  }
0xf1: {  	v14 =	vnsel vm4, $0x0, v4;
	v4 =	vmul.f32 $2.621440000e+05, v9;
	v7 =	vmin.u32 v7, $0x3FFFF;
	[tilespmem:s8+$0x30] =	vst v0  }
0xf2: {  	v1 =	vmin.u32 v1, $0x3FFFF;
	v2 =	vmin.u32 v2, $0x3FFFF;
	v0 =	vmul.f32 $2.621440000e+05, v11;
	[tilespmem:s8+$0xFFFFFFC0] =	vst v7  }
0xf3: {  	v3 =	vmin.u32 v3, $0x3FFFF;
	v7 =	vtrunc.f32 v4;
	v4 =	vmul.f32 $2.621440000e+05, v12;
	[tilespmem:s8+$0xFFFFFFD0] =	vst v1  }
0xf4: {  	[tilespmem:s8+$0xFFFFFFE0] =	vst v2;
	v2 =	vnsel vm15, $0x0, v8;
	v1 =	vtrunc.f32 v0;
	v0 =	vmul.f32 $2.621440000e+05, v5  }
0xf5: {  	s7 =	simm.s32 $0x3F40;
	[tilespmem:s8+$0xFFFFFFF0] =	vst v3;
	v3 =	vtrunc.f32 v63;
	v2 =	vmin.u32 v2, $0x3FFFF;
	v6 =	vmul.f32 $2.621440000e+05, v6  }
0xf6: {  	[tilespmem:s7+$0x30] =	vst v2;
	v2 =	vmin.u32 v14, $0x3FFFF;
	v5 =	vtrunc.f32 v4;
	v4 =	vtrunc.f32 v0  }
0xf7: {  	[tilespmem:s8+$0x0] =	vst v2;
	v6 =	vtrunc.f32 v6;
	v0 =	vcvt.f32.s32 v7;
	v7 =	vmin.u32 v15, $0x3FFFF  }
0xf8: {  	s9 =	simm.s32 $0x8;
	s10 =	simm.s32 $0x140;
	v2 =	vcvt.f32.s32 v10;
	v6 =	vcvt.f32.s32 v6;
	[tilespmem:s8+$0x10] =	vst v7;
	v7 =	vmin.u32 v62, $0x3FFFF  }
.LBB2_10:
0xf9: {  	v8 =	vld [tilespmem:s10+$0x30];
	s9 =	sadd.s32 $0x8, s9;
	vm0 =	vgt.s32 v0, $0x0;
	v1 =	vcvt.f32.s32 v1;
	v5 =	vcvt.f32.s32 v5;
	[tilespmem:s8+$0x20] =	vst v7;
	s8 =	smov.u32 s7  }
0xfa: {  	v3 =	vcvt.f32.s32 v3;
	v4 =	vcvt.f32.s32 v4;
	v7 =	vld [tilespmem:s10+$0xFFFFFFD0];
	p0 =	slt.u32 s9, $0x1E8;
	vm1 =	vgt.s32 v6, $0x0  }
0xfb: {  	vm2 =	vgt.s32 v2, $0x0;
	v9 =	vld [tilespmem:s10+$0xFFFFFFE0];
	vm3 =	vgt.s32 v1, $0x0;
	vm4 =	vgt.s32 v5, $0x0  }
0xfc: {  	v6 =	vnsel vm1, $0x0, v6;
	vm1 =	vgt.s32 v3, $0x0;
	vm5 =	vgt.s32 v4, $0x0;
	v10 =	vld [tilespmem:s10+$0xFFFFFFF0]  }
0xfd: {  	v0 =	vnsel vm0, $0x0, v0;
	v2 =	vnsel vm2, $0x0, v2;
	v1 =	vnsel vm3, $0x0, v1;
	v11 =	vld [tilespmem:s10+$0x0]  }
0xfe: {  	v13 =	vnsel vm4, $0x0, v5;
	v14 =	vnsel vm1, $0x0, v3;
	v12 =	vld [tilespmem:s10+$0x10];
	v8 =	vmul.f32 $2.621440000e+05, v8  }
0xff: {  	v6 =	vmin.u32 v6, $0x3FFFF;
	v3 =	vmul.f32 $2.621440000e+05, v7;
	v5 =	vld [tilespmem:s10+$0x20];
	v7 =	vnsel vm5, $0x0, v4  }
0x100: {  	v0 =	vmin.u32 v0, $0x3FFFF;
	v4 =	vld [tilespmem:s10+$0xFFFFFFC0];
	v9 =	vmul.f32 $2.621440000e+05, v9;
	v8 =	vtrunc.f32 v8;
	[tilespmem:s7+$0xFFFFFFC0] =	vst v6  }
0x101: {  	v6 =	vmul.f32 $2.621440000e+05, v10;
	v8 =	vcvt.f32.s32 v8;
	[tilespmem:s7+$0xFFFFFFD0] =	vst v0;
	v0 =	vmin.u32 v2, $0x3FFFF  }
0x102: {  	v2 =	vtrunc.f32 v3;
	v3 =	vmul.f32 $2.621440000e+05, v11;
	[tilespmem:s7+$0xFFFFFFE0] =	vst v0;
	v0 =	vmin.u32 v1, $0x3FFFF  }
0x103: {  	v9 =	vtrunc.f32 v9;
	v10 =	vmul.f32 $2.621440000e+05, v12;
	vm0 =	vgt.s32 v8, $0x0;
	[tilespmem:s7+$0xFFFFFFF0] =	vst v0  }
.Ltmp4:
0x104: {  	v1 =	vtrunc.f32 v6;
	v0 =	vmul.f32 $2.621440000e+05, v5;
	v6 =	vnsel vm0, $0x0, v8;
	(pc) =	sbr.rel @p0 .LBB2_10-.Ltmp4, $4  }
0x105: {  	s7 =	sadd.s32 $0x80, s7;
	v5 =	vtrunc.f32 v3;
	v8 =	vmul.f32 $2.621440000e+05, v4;
	v6 =	vmin.u32 v6, $0x3FFFF  }
0x106: {  	s11 =	simm.s32 $0x0;
	v3 =	vtrunc.f32 v10;
	v4 =	vtrunc.f32 v0;
	[tilespmem:s7+$0x30] =	vst v6;
	v6 =	vmin.u32 v13, $0x3FFFF  }
0x107: {  	v10 =	vmin.u32 v14, $0x3FFFF;
	v0 =	vcvt.f32.s32 v2;
	v8 =	vtrunc.f32 v8;
	[tilespmem:s8+$0x0] =	vst v6  }
0x108: {  	s10 =	sadd.s32 $0x80, s10;
	v7 =	vmin.u32 v7, $0x3FFFF;
	v2 =	vcvt.f32.s32 v9;
	v6 =	vcvt.f32.s32 v8;
	[tilespmem:s8+$0x10] =	vst v10  }
0x109: {  	v1 =	vcvt.f32.s32 v1  }
0x10a: {  	vm0 =	vgt.s32 v0, $0x0;
	v5 =	vcvt.f32.s32 v5;
	v3 =	vcvt.f32.s32 v3  }
0x10b: {  	v4 =	vcvt.f32.s32 v4;
	vm1 =	vgt.s32 v6, $0x0;
	v0 =	vnsel vm0, $0x0, v0  }
0x10c: {  	[tilespmem:s8+$0x20] =	vst v7;
	vm11 =	vgt.s32 v2, $0x0;
	v6 =	vnsel vm1, $0x0, v6;
	v0 =	vmin.u32 v0, $0x3FFFF  }
0x10d: {  	vm12 =	vgt.s32 v1, $0x0;
	v2 =	vnsel vm11, $0x0, v2;
	v6 =	vmin.u32 v6, $0x3FFFF;
	[tilespmem:s7+$0xFFFFFFD0] =	vst v0  }
0x10e: {  	vm13 =	vgt.s32 v5, $0x0;
	v1 =	vnsel vm12, $0x0, v1;
	v56 =	vmin.u32 v2, $0x3FFFF;
	[tilespmem:s7+$0xFFFFFFC0] =	vst v6  }
0x10f: {  	vm14 =	vgt.s32 v3, $0x0;
	v57 =	vnsel vm13, $0x0, v5;
	[tilespmem:s7+$0xFFFFFFE0] =	vst v56;
	v58 =	vmin.u32 v1, $0x3FFFF  }
0x110: {  	vm15 =	vgt.s32 v4, $0x0;
	v59 =	vnsel vm14, $0x0, v3;
	v60 =	vmin.u32 v57, $0x3FFFF;
	[tilespmem:s7+$0xFFFFFFF0] =	vst v58  }
0x111: {  	v61 =	vnsel vm15, $0x0, v4;
	v62 =	vmin.u32 v59, $0x3FFFF;
	[tilespmem:s7+$0x0] =	vst v60  }
0x112: {  	v63 =	vmin.u32 v61, $0x3FFFF;
	[tilespmem:s7+$0x10] =	vst v62  }
0x113: {  	[tilespmem:s7+$0x20] =	vst v63  }
.LBB2_12:
0x114: {  	s7 =	sshra.s32 s11, $0x2  }
0x115: {  	v0 =	vld [tilespmem:s7+$0x1F00];
	_ =	sdelay $0x4  }
0x116: {  	v0 =	vmul.f32 $2.621440000e+05, v0;
	_ =	sdelay $0x1  }
0x117: {  	v0 =	vtrunc.f32 v0  }
0x118: {  	p0 =	sne.s32 s11, $0xC0;
	v0 =	vcvt.f32.s32 v0  }
.Ltmp5:
0x119: {  	_ = 	snop;
	(pc) =	sbr.rel @p0 .LBB2_12-.Ltmp5, $4  }
0x11a: {  	vm0 =	vgt.s32 v0, $0x0  }
0x11b: {  	v0 =	vnsel vm0, $0x0, v0  }
0x11c: {  	v0 =	vmin.u32 v0, $0x3FFFF  }
0x11d: {  	s11 =	sadd.s32 $0x40, s11;
	[tilespmem:s7+$0x5D80] =	vst v0  }
0x11e: {  	_ =	swait.ge [sflag:s31], $0x1F40  }
0x11f: {  	[sflag:s31] =	ssyncset.done $0x0  }
0x120: {  	s7 =	rddreg [dreg:$0xc];
	[sflag:s31] =	ssyncadd.s32 $0xFFFFE0C0  }
0x121: {  	[hbm4b:s7+s3] =	stream.linear.scatter [tilespmem:s2], [sflag:$0x5], $0x1F40, $0x38;
	[tilespmem:$0xFB80] =	vst v63  }
0x122: {  	_ =	swait.ge [sflag:s4], $0x1F40  }
0x123: {  	[sflag:s4] =	ssyncset.done $0x0  }
0x124: {  	[sflag:s4] =	ssyncadd.s32 $0xFFFFE0C0  }
0x125: {  	[tilespmem:s29], [sflag:$0x3] =	stream.indirect.gather [spmem:s1], $0x1, s28, s25, $0xb8;
	[tilespmem:$0xFB80] =	vst v63  }
0x126: {  	_ = 	snop  }
0x127: {  	[tilespmem:s3], [sflag:$0x1] =	stream.linear.gather [hbm4b:s12+s3], $0x1F40, $0x38;
	[tilespmem:$0xFB80] =	vst v63  }
0x128: {  	_ =	swait.ge [sflag:s30], $0x1F40  }
0x129: {  	[sflag:s30] =	ssyncset.done $0x0  }
0x12a: {  	s10 =	simm.s32 $0x1F80;
	[sflag:s30] =	ssyncadd.s32 $0xFFFFE0C0  }
0x12b: {  	v0 =	vld [tilespmem:s10+$0x30]  }
0x12c: {  	v1 =	vld [tilespmem:s10+$0xFFFFFFD0]  }
0x12d: {  	v2 =	vld [tilespmem:s10+$0xFFFFFFE0]  }
0x12e: {  	v3 =	vld [tilespmem:s10+$0xFFFFFFF0]  }
0x12f: {  	v4 =	vld [tilespmem:s10+$0x0]  }
0x130: {  	v5 =	vld [tilespmem:s10+$0x10]  }
0x131: {  	v6 =	vld [tilespmem:s10+$0x20]  }
0x132: {  	s11 =	simm.s32 $0x2000;
	v7 =	vld [tilespmem:s10+$0xFFFFFFC0]  }
0x133: {  	v8 =	vld [tilespmem:s11+$0x30]  }
0x134: {  	v10 =	vld [tilespmem:s11+$0xFFFFFFE0]  }
0x135: {  	v13 =	vld [tilespmem:s11+$0x10];
	v0 =	vmul.f32 $2.621440000e+05, v0  }
0x136: {  	v1 =	vmul.f32 $2.621440000e+05, v1;
	v2 =	vmul.f32 $2.621440000e+05, v2  }
0x137: {  	v3 =	vmul.f32 $2.621440000e+05, v3;
	v4 =	vmul.f32 $2.621440000e+05, v4  }
0x138: {  	v5 =	vmul.f32 $2.621440000e+05, v5;
	v6 =	vmul.f32 $2.621440000e+05, v6  }
0x139: {  	v7 =	vmul.f32 $2.621440000e+05, v7;
	v8 =	vmul.f32 $2.621440000e+05, v8  }
0x13a: {  	v10 =	vmul.f32 $2.621440000e+05, v10;
	v63 =	vmul.f32 $2.621440000e+05, v13  }
0x13b: {  	v0 =	vtrunc.f32 v0;
	v1 =	vtrunc.f32 v1  }
0x13c: {  	v2 =	vtrunc.f32 v2;
	v3 =	vtrunc.f32 v3  }
0x13d: {  	v4 =	vtrunc.f32 v4;
	v5 =	vtrunc.f32 v5  }
0x13e: {  	v6 =	vtrunc.f32 v6;
	v7 =	vtrunc.f32 v7  }
0x13f: {  	v8 =	vtrunc.f32 v8;
	v10 =	vtrunc.f32 v10  }
0x140: {  	v0 =	vcvt.f32.s32 v0;
	v1 =	vcvt.f32.s32 v1  }
0x141: {  	v7 =	vcvt.f32.s32 v7;
	v2 =	vcvt.f32.s32 v2  }
0x142: {  	v3 =	vcvt.f32.s32 v3;
	v4 =	vcvt.f32.s32 v4  }
0x143: {  	v5 =	vcvt.f32.s32 v5;
	v6 =	vcvt.f32.s32 v6  }
0x144: {  	v8 =	vcvt.f32.s32 v8;
	vm0 =	vgt.s32 v0, $0x0;
	vm13 =	vgt.s32 v1, $0x0  }
0x145: {  	v9 =	vld [tilespmem:s11+$0xFFFFFFD0];
	vm1 =	vgt.s32 v7, $0x0;
	vm2 =	vgt.s32 v2, $0x0;
	vm3 =	vgt.s32 v3, $0x0  }
0x146: {  	v11 =	vld [tilespmem:s11+$0xFFFFFFF0];
	vm4 =	vgt.s32 v4, $0x0;
	vm14 =	vgt.s32 v5, $0x0;
	vm5 =	vgt.s32 v6, $0x0  }
0x147: {  	v12 =	vld [tilespmem:s11+$0x0];
	vm15 =	vgt.s32 v8, $0x0;
	v0 =	vnsel vm0, $0x0, v0;
	v7 =	vnsel vm1, $0x0, v7  }
0x148: {  	v1 =	vnsel vm13, $0x0, v1;
	v2 =	vnsel vm2, $0x0, v2;
	v15 =	vnsel vm14, $0x0, v5;
	v5 =	vld [tilespmem:s11+$0x20]  }
0x149: {  	s8 =	simm.s32 $0x5E00;
	v3 =	vnsel vm3, $0x0, v3;
	v62 =	vnsel vm5, $0x0, v6;
	v6 =	vld [tilespmem:s11+$0xFFFFFFC0];
	v0 =	vmin.u32 v0, $0x3FFFF  }
0x14a: {  	v14 =	vnsel vm4, $0x0, v4;
	v4 =	vmul.f32 $2.621440000e+05, v9;
	v7 =	vmin.u32 v7, $0x3FFFF;
	[tilespmem:s8+$0x30] =	vst v0  }
0x14b: {  	v1 =	vmin.u32 v1, $0x3FFFF;
	v2 =	vmin.u32 v2, $0x3FFFF;
	v0 =	vmul.f32 $2.621440000e+05, v11;
	[tilespmem:s8+$0xFFFFFFC0] =	vst v7  }
0x14c: {  	v3 =	vmin.u32 v3, $0x3FFFF;
	v7 =	vtrunc.f32 v4;
	v4 =	vmul.f32 $2.621440000e+05, v12;
	[tilespmem:s8+$0xFFFFFFD0] =	vst v1  }
0x14d: {  	[tilespmem:s8+$0xFFFFFFE0] =	vst v2;
	v2 =	vnsel vm15, $0x0, v8;
	v1 =	vtrunc.f32 v0;
	v0 =	vmul.f32 $2.621440000e+05, v5  }
0x14e: {  	s7 =	simm.s32 $0x5E80;
	[tilespmem:s8+$0xFFFFFFF0] =	vst v3;
	v3 =	vtrunc.f32 v63;
	v2 =	vmin.u32 v2, $0x3FFFF;
	v6 =	vmul.f32 $2.621440000e+05, v6  }
0x14f: {  	[tilespmem:s7+$0x30] =	vst v2;
	v2 =	vmin.u32 v14, $0x3FFFF;
	v5 =	vtrunc.f32 v4;
	v4 =	vtrunc.f32 v0  }
0x150: {  	[tilespmem:s8+$0x0] =	vst v2;
	v6 =	vtrunc.f32 v6;
	v0 =	vcvt.f32.s32 v7;
	v7 =	vmin.u32 v15, $0x3FFFF  }
0x151: {  	s9 =	simm.s32 $0x8;
	s10 =	simm.s32 $0x2080;
	v2 =	vcvt.f32.s32 v10;
	v6 =	vcvt.f32.s32 v6;
	[tilespmem:s8+$0x10] =	vst v7;
	v7 =	vmin.u32 v62, $0x3FFFF  }
.LBB2_14:
0x152: {  	v8 =	vld [tilespmem:s10+$0x30];
	s9 =	sadd.s32 $0x8, s9;
	vm0 =	vgt.s32 v0, $0x0;
	v1 =	vcvt.f32.s32 v1;
	v5 =	vcvt.f32.s32 v5;
	[tilespmem:s8+$0x20] =	vst v7;
	s8 =	smov.u32 s7  }
0x153: {  	v3 =	vcvt.f32.s32 v3;
	v4 =	vcvt.f32.s32 v4;
	v7 =	vld [tilespmem:s10+$0xFFFFFFD0];
	p0 =	slt.u32 s9, $0x1E8;
	vm1 =	vgt.s32 v6, $0x0  }
0x154: {  	vm2 =	vgt.s32 v2, $0x0;
	v9 =	vld [tilespmem:s10+$0xFFFFFFE0];
	vm3 =	vgt.s32 v1, $0x0;
	vm4 =	vgt.s32 v5, $0x0  }
0x155: {  	v6 =	vnsel vm1, $0x0, v6;
	vm1 =	vgt.s32 v3, $0x0;
	vm5 =	vgt.s32 v4, $0x0;
	v10 =	vld [tilespmem:s10+$0xFFFFFFF0]  }
0x156: {  	v0 =	vnsel vm0, $0x0, v0;
	v2 =	vnsel vm2, $0x0, v2;
	v1 =	vnsel vm3, $0x0, v1;
	v11 =	vld [tilespmem:s10+$0x0]  }
0x157: {  	v13 =	vnsel vm4, $0x0, v5;
	v14 =	vnsel vm1, $0x0, v3;
	v12 =	vld [tilespmem:s10+$0x10];
	v8 =	vmul.f32 $2.621440000e+05, v8  }
0x158: {  	v6 =	vmin.u32 v6, $0x3FFFF;
	v3 =	vmul.f32 $2.621440000e+05, v7;
	v5 =	vld [tilespmem:s10+$0x20];
	v7 =	vnsel vm5, $0x0, v4  }
0x159: {  	v0 =	vmin.u32 v0, $0x3FFFF;
	v4 =	vld [tilespmem:s10+$0xFFFFFFC0];
	v9 =	vmul.f32 $2.621440000e+05, v9;
	v8 =	vtrunc.f32 v8;
	[tilespmem:s7+$0xFFFFFFC0] =	vst v6  }
0x15a: {  	v6 =	vmul.f32 $2.621440000e+05, v10;
	v8 =	vcvt.f32.s32 v8;
	[tilespmem:s7+$0xFFFFFFD0] =	vst v0;
	v0 =	vmin.u32 v2, $0x3FFFF  }
0x15b: {  	v2 =	vtrunc.f32 v3;
	v3 =	vmul.f32 $2.621440000e+05, v11;
	[tilespmem:s7+$0xFFFFFFE0] =	vst v0;
	v0 =	vmin.u32 v1, $0x3FFFF  }
0x15c: {  	v9 =	vtrunc.f32 v9;
	v10 =	vmul.f32 $2.621440000e+05, v12;
	vm0 =	vgt.s32 v8, $0x0;
	[tilespmem:s7+$0xFFFFFFF0] =	vst v0  }
.Ltmp6:
0x15d: {  	v1 =	vtrunc.f32 v6;
	v0 =	vmul.f32 $2.621440000e+05, v5;
	v6 =	vnsel vm0, $0x0, v8;
	(pc) =	sbr.rel @p0 .LBB2_14-.Ltmp6, $4  }
0x15e: {  	s7 =	sadd.s32 $0x80, s7;
	v5 =	vtrunc.f32 v3;
	v8 =	vmul.f32 $2.621440000e+05, v4;
	v6 =	vmin.u32 v6, $0x3FFFF  }
0x15f: {  	s11 =	simm.s32 $0x0;
	v3 =	vtrunc.f32 v10;
	v4 =	vtrunc.f32 v0;
	[tilespmem:s7+$0x30] =	vst v6;
	v6 =	vmin.u32 v13, $0x3FFFF  }
0x160: {  	v10 =	vmin.u32 v14, $0x3FFFF;
	v0 =	vcvt.f32.s32 v2;
	v8 =	vtrunc.f32 v8;
	[tilespmem:s8+$0x0] =	vst v6  }
0x161: {  	s10 =	sadd.s32 $0x80, s10;
	v7 =	vmin.u32 v7, $0x3FFFF;
	v2 =	vcvt.f32.s32 v9;
	v6 =	vcvt.f32.s32 v8;
	[tilespmem:s8+$0x10] =	vst v10  }
0x162: {  	v1 =	vcvt.f32.s32 v1  }
0x163: {  	vm0 =	vgt.s32 v0, $0x0;
	v5 =	vcvt.f32.s32 v5;
	v3 =	vcvt.f32.s32 v3  }
0x164: {  	v4 =	vcvt.f32.s32 v4;
	vm1 =	vgt.s32 v6, $0x0;
	v0 =	vnsel vm0, $0x0, v0  }
0x165: {  	[tilespmem:s8+$0x20] =	vst v7;
	vm11 =	vgt.s32 v2, $0x0;
	v6 =	vnsel vm1, $0x0, v6;
	v0 =	vmin.u32 v0, $0x3FFFF  }
0x166: {  	vm12 =	vgt.s32 v1, $0x0;
	v2 =	vnsel vm11, $0x0, v2;
	v6 =	vmin.u32 v6, $0x3FFFF;
	[tilespmem:s7+$0xFFFFFFD0] =	vst v0  }
0x167: {  	vm13 =	vgt.s32 v5, $0x0;
	v1 =	vnsel vm12, $0x0, v1;
	v56 =	vmin.u32 v2, $0x3FFFF;
	[tilespmem:s7+$0xFFFFFFC0] =	vst v6  }
0x168: {  	vm14 =	vgt.s32 v3, $0x0;
	v57 =	vnsel vm13, $0x0, v5;
	[tilespmem:s7+$0xFFFFFFE0] =	vst v56;
	v58 =	vmin.u32 v1, $0x3FFFF  }
0x169: {  	vm15 =	vgt.s32 v4, $0x0;
	v59 =	vnsel vm14, $0x0, v3;
	v60 =	vmin.u32 v57, $0x3FFFF;
	[tilespmem:s7+$0xFFFFFFF0] =	vst v58  }
0x16a: {  	v61 =	vnsel vm15, $0x0, v4;
	v62 =	vmin.u32 v59, $0x3FFFF;
	[tilespmem:s7+$0x0] =	vst v60  }
0x16b: {  	v63 =	vmin.u32 v61, $0x3FFFF;
	[tilespmem:s7+$0x10] =	vst v62  }
0x16c: {  	[tilespmem:s7+$0x20] =	vst v63  }
.LBB2_16:
0x16d: {  	s7 =	sshra.s32 s11, $0x2  }
0x16e: {  	v0 =	vld [tilespmem:s7+$0x3E40];
	_ =	sdelay $0x4  }
0x16f: {  	v0 =	vmul.f32 $2.621440000e+05, v0;
	_ =	sdelay $0x1  }
0x170: {  	v0 =	vtrunc.f32 v0  }
0x171: {  	p0 =	sne.s32 s11, $0xC0;
	v0 =	vcvt.f32.s32 v0  }
.Ltmp7:
0x172: {  	_ = 	snop;
	(pc) =	sbr.rel @p0 .LBB2_16-.Ltmp7, $4  }
0x173: {  	vm0 =	vgt.s32 v0, $0x0  }
0x174: {  	v0 =	vnsel vm0, $0x0, v0  }
0x175: {  	v0 =	vmin.u32 v0, $0x3FFFF  }
0x176: {  	s11 =	sadd.s32 $0x40, s11;
	[tilespmem:s7+$0x7CC0] =	vst v0  }
0x177: {  	_ =	swait.ge [sflag:s31], $0x1F40  }
0x178: {  	[sflag:s31] =	ssyncset.done $0x0  }
0x179: {  	[sflag:s31] =	ssyncadd.s32 $0xFFFFE0C0  }
0x17a: {  	[hbm4b:s13+s3] =	stream.linear.scatter [tilespmem:s29], [sflag:$0x4], $0x1F40, $0x38;
	[tilespmem:$0xFB80] =	vst v63  }
0x17b: {  	_ =	swait.ge [sflag:s5], $0x1F40  }
0x17c: {  	[sflag:s5] =	ssyncset.done $0x0  }
0x17d: {  	[sflag:s5] =	ssyncadd.s32 $0xFFFFE0C0  }
0x17e: {  	[tilespmem:s2], [sflag:$0x3] =	stream.indirect.gather [spmem:s1], $0x1, s0, s25, $0xb8;
	[tilespmem:$0xFB80] =	vst v63  }
0x17f: {  	_ = 	snop  }
0x180: {  	[tilespmem:s25], [sflag:$0x2] =	stream.linear.gather [hbm4b:s14+s3], $0x1F40, $0x38;
	[tilespmem:$0xFB80] =	vst v63  }
0x181: {  	_ =	swait.ge [sflag:s26], $0x1F40  }
0x182: {  	[sflag:s26] =	ssyncset.done $0x0  }
0x183: {  	s7 =	simm.s32 $0x40;
	[sflag:s26] =	ssyncadd.s32 $0xFFFFE0C0  }
0x184: {  	v0 =	vld [tilespmem:s7+$0x30]  }
0x185: {  	v1 =	vld [tilespmem:s7+$0xFFFFFFD0]  }
0x186: {  	v2 =	vld [tilespmem:s7+$0xFFFFFFE0]  }
0x187: {  	v3 =	vld [tilespmem:s7+$0xFFFFFFF0]  }
0x188: {  	v4 =	vld [tilespmem:s7+$0x0]  }
0x189: {  	v5 =	vld [tilespmem:s7+$0x10]  }
0x18a: {  	v6 =	vld [tilespmem:s7+$0x20]  }
0x18b: {  	s11 =	simm.s32 $0xC0;
	v7 =	vld [tilespmem:s7+$0xFFFFFFC0]  }
0x18c: {  	v8 =	vld [tilespmem:s11+$0x30]  }
0x18d: {  	v10 =	vld [tilespmem:s11+$0xFFFFFFE0]  }
0x18e: {  	v13 =	vld [tilespmem:s11+$0x10];
	v0 =	vmul.f32 $2.621440000e+05, v0  }
0x18f: {  	v1 =	vmul.f32 $2.621440000e+05, v1;
	v2 =	vmul.f32 $2.621440000e+05, v2  }
0x190: {  	v3 =	vmul.f32 $2.621440000e+05, v3;
	v4 =	vmul.f32 $2.621440000e+05, v4  }
0x191: {  	v5 =	vmul.f32 $2.621440000e+05, v5;
	v6 =	vmul.f32 $2.621440000e+05, v6  }
0x192: {  	v7 =	vmul.f32 $2.621440000e+05, v7;
	v8 =	vmul.f32 $2.621440000e+05, v8  }
0x193: {  	v10 =	vmul.f32 $2.621440000e+05, v10;
	v63 =	vmul.f32 $2.621440000e+05, v13  }
0x194: {  	v0 =	vtrunc.f32 v0;
	v1 =	vtrunc.f32 v1  }
0x195: {  	v2 =	vtrunc.f32 v2;
	v3 =	vtrunc.f32 v3  }
0x196: {  	v4 =	vtrunc.f32 v4;
	v5 =	vtrunc.f32 v5  }
0x197: {  	v6 =	vtrunc.f32 v6;
	v7 =	vtrunc.f32 v7  }
0x198: {  	v8 =	vtrunc.f32 v8;
	v10 =	vtrunc.f32 v10  }
0x199: {  	v0 =	vcvt.f32.s32 v0;
	v1 =	vcvt.f32.s32 v1  }
0x19a: {  	v7 =	vcvt.f32.s32 v7;
	v2 =	vcvt.f32.s32 v2  }
0x19b: {  	v3 =	vcvt.f32.s32 v3;
	v4 =	vcvt.f32.s32 v4  }
0x19c: {  	v5 =	vcvt.f32.s32 v5;
	v6 =	vcvt.f32.s32 v6  }
0x19d: {  	v8 =	vcvt.f32.s32 v8;
	vm0 =	vgt.s32 v0, $0x0;
	vm13 =	vgt.s32 v1, $0x0  }
0x19e: {  	v9 =	vld [tilespmem:s11+$0xFFFFFFD0];
	vm1 =	vgt.s32 v7, $0x0;
	vm2 =	vgt.s32 v2, $0x0;
	vm3 =	vgt.s32 v3, $0x0  }
0x19f: {  	v11 =	vld [tilespmem:s11+$0xFFFFFFF0];
	vm4 =	vgt.s32 v4, $0x0;
	vm14 =	vgt.s32 v5, $0x0;
	vm5 =	vgt.s32 v6, $0x0  }
0x1a0: {  	v12 =	vld [tilespmem:s11+$0x0];
	vm15 =	vgt.s32 v8, $0x0;
	v0 =	vnsel vm0, $0x0, v0;
	v7 =	vnsel vm1, $0x0, v7  }
0x1a1: {  	v1 =	vnsel vm13, $0x0, v1;
	v2 =	vnsel vm2, $0x0, v2;
	v15 =	vnsel vm14, $0x0, v5;
	v5 =	vld [tilespmem:s11+$0x20]  }
0x1a2: {  	s8 =	simm.s32 $0x3EC0;
	v3 =	vnsel vm3, $0x0, v3;
	v62 =	vnsel vm5, $0x0, v6;
	v6 =	vld [tilespmem:s11+$0xFFFFFFC0];
	v0 =	vmin.u32 v0, $0x3FFFF  }
0x1a3: {  	v14 =	vnsel vm4, $0x0, v4;
	v4 =	vmul.f32 $2.621440000e+05, v9;
	v7 =	vmin.u32 v7, $0x3FFFF;
	[tilespmem:s8+$0x30] =	vst v0  }
0x1a4: {  	v1 =	vmin.u32 v1, $0x3FFFF;
	v2 =	vmin.u32 v2, $0x3FFFF;
	v0 =	vmul.f32 $2.621440000e+05, v11;
	[tilespmem:s8+$0xFFFFFFC0] =	vst v7  }
0x1a5: {  	v3 =	vmin.u32 v3, $0x3FFFF;
	v7 =	vtrunc.f32 v4;
	v4 =	vmul.f32 $2.621440000e+05, v12;
	[tilespmem:s8+$0xFFFFFFD0] =	vst v1  }
0x1a6: {  	[tilespmem:s8+$0xFFFFFFE0] =	vst v2;
	v2 =	vnsel vm15, $0x0, v8;
	v1 =	vtrunc.f32 v0;
	v0 =	vmul.f32 $2.621440000e+05, v5  }
0x1a7: {  	s7 =	simm.s32 $0x3F40;
	[tilespmem:s8+$0xFFFFFFF0] =	vst v3;
	v3 =	vtrunc.f32 v63;
	v2 =	vmin.u32 v2, $0x3FFFF;
	v6 =	vmul.f32 $2.621440000e+05, v6  }
0x1a8: {  	[tilespmem:s7+$0x30] =	vst v2;
	v2 =	vmin.u32 v14, $0x3FFFF;
	v5 =	vtrunc.f32 v4;
	v4 =	vtrunc.f32 v0  }
0x1a9: {  	[tilespmem:s8+$0x0] =	vst v2;
	v6 =	vtrunc.f32 v6;
	v0 =	vcvt.f32.s32 v7;
	v7 =	vmin.u32 v15, $0x3FFFF  }
0x1aa: {  	s9 =	simm.s32 $0x8;
	s10 =	simm.s32 $0x140;
	v2 =	vcvt.f32.s32 v10;
	v6 =	vcvt.f32.s32 v6;
	[tilespmem:s8+$0x10] =	vst v7;
	v7 =	vmin.u32 v62, $0x3FFFF  }
.LBB2_18:
0x1ab: {  	v8 =	vld [tilespmem:s10+$0x30];
	s9 =	sadd.s32 $0x8, s9;
	vm0 =	vgt.s32 v0, $0x0;
	v1 =	vcvt.f32.s32 v1;
	v5 =	vcvt.f32.s32 v5;
	[tilespmem:s8+$0x20] =	vst v7;
	s8 =	smov.u32 s7  }
0x1ac: {  	v3 =	vcvt.f32.s32 v3;
	v4 =	vcvt.f32.s32 v4;
	v7 =	vld [tilespmem:s10+$0xFFFFFFD0];
	p0 =	slt.u32 s9, $0x1E8;
	vm1 =	vgt.s32 v6, $0x0  }
0x1ad: {  	vm2 =	vgt.s32 v2, $0x0;
	v9 =	vld [tilespmem:s10+$0xFFFFFFE0];
	vm3 =	vgt.s32 v1, $0x0;
	vm4 =	vgt.s32 v5, $0x0  }
0x1ae: {  	v6 =	vnsel vm1, $0x0, v6;
	vm1 =	vgt.s32 v3, $0x0;
	vm5 =	vgt.s32 v4, $0x0;
	v10 =	vld [tilespmem:s10+$0xFFFFFFF0]  }
0x1af: {  	v0 =	vnsel vm0, $0x0, v0;
	v2 =	vnsel vm2, $0x0, v2;
	v1 =	vnsel vm3, $0x0, v1;
	v11 =	vld [tilespmem:s10+$0x0]  }
0x1b0: {  	v13 =	vnsel vm4, $0x0, v5;
	v14 =	vnsel vm1, $0x0, v3;
	v12 =	vld [tilespmem:s10+$0x10];
	v8 =	vmul.f32 $2.621440000e+05, v8  }
0x1b1: {  	v6 =	vmin.u32 v6, $0x3FFFF;
	v3 =	vmul.f32 $2.621440000e+05, v7;
	v5 =	vld [tilespmem:s10+$0x20];
	v7 =	vnsel vm5, $0x0, v4  }
0x1b2: {  	v0 =	vmin.u32 v0, $0x3FFFF;
	v4 =	vld [tilespmem:s10+$0xFFFFFFC0];
	v9 =	vmul.f32 $2.621440000e+05, v9;
	v8 =	vtrunc.f32 v8;
	[tilespmem:s7+$0xFFFFFFC0] =	vst v6  }
0x1b3: {  	v6 =	vmul.f32 $2.621440000e+05, v10;
	v8 =	vcvt.f32.s32 v8;
	[tilespmem:s7+$0xFFFFFFD0] =	vst v0;
	v0 =	vmin.u32 v2, $0x3FFFF  }
0x1b4: {  	v2 =	vtrunc.f32 v3;
	v3 =	vmul.f32 $2.621440000e+05, v11;
	[tilespmem:s7+$0xFFFFFFE0] =	vst v0;
	v0 =	vmin.u32 v1, $0x3FFFF  }
0x1b5: {  	v9 =	vtrunc.f32 v9;
	v10 =	vmul.f32 $2.621440000e+05, v12;
	vm0 =	vgt.s32 v8, $0x0;
	[tilespmem:s7+$0xFFFFFFF0] =	vst v0  }
.Ltmp8:
0x1b6: {  	v1 =	vtrunc.f32 v6;
	v0 =	vmul.f32 $2.621440000e+05, v5;
	v6 =	vnsel vm0, $0x0, v8;
	(pc) =	sbr.rel @p0 .LBB2_18-.Ltmp8, $4  }
0x1b7: {  	s7 =	sadd.s32 $0x80, s7;
	v5 =	vtrunc.f32 v3;
	v8 =	vmul.f32 $2.621440000e+05, v4;
	v6 =	vmin.u32 v6, $0x3FFFF  }
0x1b8: {  	s11 =	simm.s32 $0x0;
	v3 =	vtrunc.f32 v10;
	v4 =	vtrunc.f32 v0;
	[tilespmem:s7+$0x30] =	vst v6;
	v6 =	vmin.u32 v13, $0x3FFFF  }
0x1b9: {  	v10 =	vmin.u32 v14, $0x3FFFF;
	v0 =	vcvt.f32.s32 v2;
	v8 =	vtrunc.f32 v8;
	[tilespmem:s8+$0x0] =	vst v6  }
0x1ba: {  	s10 =	sadd.s32 $0x80, s10;
	v7 =	vmin.u32 v7, $0x3FFFF;
	v2 =	vcvt.f32.s32 v9;
	v6 =	vcvt.f32.s32 v8;
	[tilespmem:s8+$0x10] =	vst v10  }
0x1bb: {  	v1 =	vcvt.f32.s32 v1  }
0x1bc: {  	vm0 =	vgt.s32 v0, $0x0;
	v5 =	vcvt.f32.s32 v5;
	v3 =	vcvt.f32.s32 v3  }
0x1bd: {  	v4 =	vcvt.f32.s32 v4;
	vm1 =	vgt.s32 v6, $0x0;
	v0 =	vnsel vm0, $0x0, v0  }
0x1be: {  	[tilespmem:s8+$0x20] =	vst v7;
	vm11 =	vgt.s32 v2, $0x0;
	v6 =	vnsel vm1, $0x0, v6;
	v0 =	vmin.u32 v0, $0x3FFFF  }
0x1bf: {  	vm12 =	vgt.s32 v1, $0x0;
	v2 =	vnsel vm11, $0x0, v2;
	v6 =	vmin.u32 v6, $0x3FFFF;
	[tilespmem:s7+$0xFFFFFFD0] =	vst v0  }
0x1c0: {  	vm13 =	vgt.s32 v5, $0x0;
	v1 =	vnsel vm12, $0x0, v1;
	v56 =	vmin.u32 v2, $0x3FFFF;
	[tilespmem:s7+$0xFFFFFFC0] =	vst v6  }
0x1c1: {  	vm14 =	vgt.s32 v3, $0x0;
	v57 =	vnsel vm13, $0x0, v5;
	[tilespmem:s7+$0xFFFFFFE0] =	vst v56;
	v58 =	vmin.u32 v1, $0x3FFFF  }
0x1c2: {  	vm15 =	vgt.s32 v4, $0x0;
	v59 =	vnsel vm14, $0x0, v3;
	v60 =	vmin.u32 v57, $0x3FFFF;
	[tilespmem:s7+$0xFFFFFFF0] =	vst v58  }
0x1c3: {  	v61 =	vnsel vm15, $0x0, v4;
	v62 =	vmin.u32 v59, $0x3FFFF;
	[tilespmem:s7+$0x0] =	vst v60  }
0x1c4: {  	v63 =	vmin.u32 v61, $0x3FFFF;
	[tilespmem:s7+$0x10] =	vst v62  }
0x1c5: {  	[tilespmem:s7+$0x20] =	vst v63  }
.LBB2_20:
0x1c6: {  	s7 =	sshra.s32 s11, $0x2  }
0x1c7: {  	v0 =	vld [tilespmem:s7+$0x1F00];
	_ =	sdelay $0x4  }
0x1c8: {  	v0 =	vmul.f32 $2.621440000e+05, v0;
	_ =	sdelay $0x1  }
0x1c9: {  	v0 =	vtrunc.f32 v0  }
0x1ca: {  	p0 =	sne.s32 s11, $0xC0;
	v0 =	vcvt.f32.s32 v0  }
.Ltmp9:
0x1cb: {  	_ = 	snop;
	(pc) =	sbr.rel @p0 .LBB2_20-.Ltmp9, $4  }
0x1cc: {  	vm0 =	vgt.s32 v0, $0x0  }
0x1cd: {  	v0 =	vnsel vm0, $0x0, v0  }
0x1ce: {  	v0 =	vmin.u32 v0, $0x3FFFF  }
0x1cf: {  	s11 =	sadd.s32 $0x40, s11;
	[tilespmem:s7+$0x5D80] =	vst v0  }
0x1d0: {  	_ =	swait.ge [sflag:s31], $0x1F40  }
0x1d1: {  	[sflag:s31] =	ssyncset.done $0x0  }
0x1d2: {  	[sflag:s31] =	ssyncadd.s32 $0xFFFFE0C0  }
0x1d3: {  	[hbm4b:s15+s3] =	stream.linear.scatter [tilespmem:s2], [sflag:$0x5], $0x1F40, $0x38;
	[tilespmem:$0xFB80] =	vst v63  }
0x1d4: {  	_ =	swait.ge [sflag:s4], $0x1F40  }
0x1d5: {  	[sflag:s4] =	ssyncset.done $0x0  }
0x1d6: {  	[sflag:s4] =	ssyncadd.s32 $0xFFFFE0C0  }
0x1d7: {  	[tilespmem:s29], [sflag:$0x3] =	stream.indirect.gather [spmem:s1], $0x1, s28, s25, $0xb8;
	[tilespmem:$0xFB80] =	vst v63  }
0x1d8: {  	_ = 	snop  }
0x1d9: {  	[tilespmem:s3], [sflag:$0x1] =	stream.linear.gather [hbm4b:s16+s3], $0x1F40, $0x38;
	[tilespmem:$0xFB80] =	vst v63  }
0x1da: {  	_ =	swait.ge [sflag:s30], $0x1F40  }
0x1db: {  	[sflag:s30] =	ssyncset.done $0x0  }
0x1dc: {  	s7 =	simm.s32 $0x1F80;
	[sflag:s30] =	ssyncadd.s32 $0xFFFFE0C0  }
0x1dd: {  	v0 =	vld [tilespmem:s7+$0x30]  }
0x1de: {  	v1 =	vld [tilespmem:s7+$0xFFFFFFD0]  }
0x1df: {  	v2 =	vld [tilespmem:s7+$0xFFFFFFE0]  }
0x1e0: {  	v3 =	vld [tilespmem:s7+$0xFFFFFFF0]  }
0x1e1: {  	v4 =	vld [tilespmem:s7+$0x0]  }
0x1e2: {  	v5 =	vld [tilespmem:s7+$0x10]  }
0x1e3: {  	v6 =	vld [tilespmem:s7+$0x20]  }
0x1e4: {  	s11 =	simm.s32 $0x2000;
	v7 =	vld [tilespmem:s7+$0xFFFFFFC0]  }
0x1e5: {  	v8 =	vld [tilespmem:s11+$0x30]  }
0x1e6: {  	v10 =	vld [tilespmem:s11+$0xFFFFFFE0]  }
0x1e7: {  	v13 =	vld [tilespmem:s11+$0x10];
	v0 =	vmul.f32 $2.621440000e+05, v0  }
0x1e8: {  	v1 =	vmul.f32 $2.621440000e+05, v1;
	v2 =	vmul.f32 $2.621440000e+05, v2  }
0x1e9: {  	v3 =	vmul.f32 $2.621440000e+05, v3;
	v4 =	vmul.f32 $2.621440000e+05, v4  }
0x1ea: {  	v5 =	vmul.f32 $2.621440000e+05, v5;
	v6 =	vmul.f32 $2.621440000e+05, v6  }
0x1eb: {  	v7 =	vmul.f32 $2.621440000e+05, v7;
	v8 =	vmul.f32 $2.621440000e+05, v8  }
0x1ec: {  	v10 =	vmul.f32 $2.621440000e+05, v10;
	v63 =	vmul.f32 $2.621440000e+05, v13  }
0x1ed: {  	v0 =	vtrunc.f32 v0;
	v1 =	vtrunc.f32 v1  }
0x1ee: {  	v2 =	vtrunc.f32 v2;
	v3 =	vtrunc.f32 v3  }
0x1ef: {  	v4 =	vtrunc.f32 v4;
	v5 =	vtrunc.f32 v5  }
0x1f0: {  	v6 =	vtrunc.f32 v6;
	v7 =	vtrunc.f32 v7  }
0x1f1: {  	v8 =	vtrunc.f32 v8;
	v10 =	vtrunc.f32 v10  }
0x1f2: {  	v0 =	vcvt.f32.s32 v0;
	v1 =	vcvt.f32.s32 v1  }
0x1f3: {  	v7 =	vcvt.f32.s32 v7;
	v2 =	vcvt.f32.s32 v2  }
0x1f4: {  	v3 =	vcvt.f32.s32 v3;
	v4 =	vcvt.f32.s32 v4  }
0x1f5: {  	v5 =	vcvt.f32.s32 v5;
	v6 =	vcvt.f32.s32 v6  }
0x1f6: {  	v8 =	vcvt.f32.s32 v8;
	vm0 =	vgt.s32 v0, $0x0;
	vm13 =	vgt.s32 v1, $0x0  }
0x1f7: {  	v9 =	vld [tilespmem:s11+$0xFFFFFFD0];
	vm1 =	vgt.s32 v7, $0x0;
	vm2 =	vgt.s32 v2, $0x0;
	vm3 =	vgt.s32 v3, $0x0  }
0x1f8: {  	v11 =	vld [tilespmem:s11+$0xFFFFFFF0];
	vm4 =	vgt.s32 v4, $0x0;
	vm14 =	vgt.s32 v5, $0x0;
	vm5 =	vgt.s32 v6, $0x0  }
0x1f9: {  	v12 =	vld [tilespmem:s11+$0x0];
	vm15 =	vgt.s32 v8, $0x0;
	v0 =	vnsel vm0, $0x0, v0;
	v7 =	vnsel vm1, $0x0, v7  }
0x1fa: {  	v1 =	vnsel vm13, $0x0, v1;
	v2 =	vnsel vm2, $0x0, v2;
	v15 =	vnsel vm14, $0x0, v5;
	v5 =	vld [tilespmem:s11+$0x20]  }
0x1fb: {  	s8 =	simm.s32 $0x5E00;
	v3 =	vnsel vm3, $0x0, v3;
	v62 =	vnsel vm5, $0x0, v6;
	v6 =	vld [tilespmem:s11+$0xFFFFFFC0];
	v0 =	vmin.u32 v0, $0x3FFFF  }
0x1fc: {  	v14 =	vnsel vm4, $0x0, v4;
	v4 =	vmul.f32 $2.621440000e+05, v9;
	v7 =	vmin.u32 v7, $0x3FFFF;
	[tilespmem:s8+$0x30] =	vst v0  }
0x1fd: {  	v1 =	vmin.u32 v1, $0x3FFFF;
	v2 =	vmin.u32 v2, $0x3FFFF;
	v0 =	vmul.f32 $2.621440000e+05, v11;
	[tilespmem:s8+$0xFFFFFFC0] =	vst v7  }
0x1fe: {  	v3 =	vmin.u32 v3, $0x3FFFF;
	v7 =	vtrunc.f32 v4;
	v4 =	vmul.f32 $2.621440000e+05, v12;
	[tilespmem:s8+$0xFFFFFFD0] =	vst v1  }
0x1ff: {  	[tilespmem:s8+$0xFFFFFFE0] =	vst v2;
	v2 =	vnsel vm15, $0x0, v8;
	v1 =	vtrunc.f32 v0;
	v0 =	vmul.f32 $2.621440000e+05, v5  }
0x200: {  	s7 =	simm.s32 $0x5E80;
	[tilespmem:s8+$0xFFFFFFF0] =	vst v3;
	v3 =	vtrunc.f32 v63;
	v2 =	vmin.u32 v2, $0x3FFFF;
	v6 =	vmul.f32 $2.621440000e+05, v6  }
0x201: {  	[tilespmem:s7+$0x30] =	vst v2;
	v2 =	vmin.u32 v14, $0x3FFFF;
	v5 =	vtrunc.f32 v4;
	v4 =	vtrunc.f32 v0  }
0x202: {  	[tilespmem:s8+$0x0] =	vst v2;
	v6 =	vtrunc.f32 v6;
	v0 =	vcvt.f32.s32 v7;
	v7 =	vmin.u32 v15, $0x3FFFF  }
0x203: {  	s9 =	simm.s32 $0x8;
	s10 =	simm.s32 $0x2080;
	v2 =	vcvt.f32.s32 v10;
	v6 =	vcvt.f32.s32 v6;
	[tilespmem:s8+$0x10] =	vst v7;
	v7 =	vmin.u32 v62, $0x3FFFF  }
.LBB2_22:
0x204: {  	v8 =	vld [tilespmem:s10+$0x30];
	s9 =	sadd.s32 $0x8, s9;
	vm0 =	vgt.s32 v0, $0x0;
	v1 =	vcvt.f32.s32 v1;
	v5 =	vcvt.f32.s32 v5;
	[tilespmem:s8+$0x20] =	vst v7;
	s8 =	smov.u32 s7  }
0x205: {  	v3 =	vcvt.f32.s32 v3;
	v4 =	vcvt.f32.s32 v4;
	v7 =	vld [tilespmem:s10+$0xFFFFFFD0];
	p0 =	slt.u32 s9, $0x1E8;
	vm1 =	vgt.s32 v6, $0x0  }
0x206: {  	vm2 =	vgt.s32 v2, $0x0;
	v9 =	vld [tilespmem:s10+$0xFFFFFFE0];
	vm3 =	vgt.s32 v1, $0x0;
	vm4 =	vgt.s32 v5, $0x0  }
0x207: {  	v6 =	vnsel vm1, $0x0, v6;
	vm1 =	vgt.s32 v3, $0x0;
	vm5 =	vgt.s32 v4, $0x0;
	v10 =	vld [tilespmem:s10+$0xFFFFFFF0]  }
0x208: {  	v0 =	vnsel vm0, $0x0, v0;
	v2 =	vnsel vm2, $0x0, v2;
	v1 =	vnsel vm3, $0x0, v1;
	v11 =	vld [tilespmem:s10+$0x0]  }
0x209: {  	v13 =	vnsel vm4, $0x0, v5;
	v14 =	vnsel vm1, $0x0, v3;
	v12 =	vld [tilespmem:s10+$0x10];
	v8 =	vmul.f32 $2.621440000e+05, v8  }
0x20a: {  	v6 =	vmin.u32 v6, $0x3FFFF;
	v3 =	vmul.f32 $2.621440000e+05, v7;
	v5 =	vld [tilespmem:s10+$0x20];
	v7 =	vnsel vm5, $0x0, v4  }
0x20b: {  	v0 =	vmin.u32 v0, $0x3FFFF;
	v4 =	vld [tilespmem:s10+$0xFFFFFFC0];
	v9 =	vmul.f32 $2.621440000e+05, v9;
	v8 =	vtrunc.f32 v8;
	[tilespmem:s7+$0xFFFFFFC0] =	vst v6  }
0x20c: {  	v6 =	vmul.f32 $2.621440000e+05, v10;
	v8 =	vcvt.f32.s32 v8;
	[tilespmem:s7+$0xFFFFFFD0] =	vst v0;
	v0 =	vmin.u32 v2, $0x3FFFF  }
0x20d: {  	v2 =	vtrunc.f32 v3;
	v3 =	vmul.f32 $2.621440000e+05, v11;
	[tilespmem:s7+$0xFFFFFFE0] =	vst v0;
	v0 =	vmin.u32 v1, $0x3FFFF  }
0x20e: {  	v9 =	vtrunc.f32 v9;
	v10 =	vmul.f32 $2.621440000e+05, v12;
	vm0 =	vgt.s32 v8, $0x0;
	[tilespmem:s7+$0xFFFFFFF0] =	vst v0  }
.Ltmp10:
0x20f: {  	v1 =	vtrunc.f32 v6;
	v0 =	vmul.f32 $2.621440000e+05, v5;
	v6 =	vnsel vm0, $0x0, v8;
	(pc) =	sbr.rel @p0 .LBB2_22-.Ltmp10, $4  }
0x210: {  	s7 =	sadd.s32 $0x80, s7;
	v5 =	vtrunc.f32 v3;
	v8 =	vmul.f32 $2.621440000e+05, v4;
	v6 =	vmin.u32 v6, $0x3FFFF  }
0x211: {  	s11 =	simm.s32 $0x0;
	v3 =	vtrunc.f32 v10;
	v4 =	vtrunc.f32 v0;
	[tilespmem:s7+$0x30] =	vst v6;
	v6 =	vmin.u32 v13, $0x3FFFF  }
0x212: {  	v10 =	vmin.u32 v14, $0x3FFFF;
	v0 =	vcvt.f32.s32 v2;
	v8 =	vtrunc.f32 v8;
	[tilespmem:s8+$0x0] =	vst v6  }
0x213: {  	s10 =	sadd.s32 $0x80, s10;
	v7 =	vmin.u32 v7, $0x3FFFF;
	v2 =	vcvt.f32.s32 v9;
	v6 =	vcvt.f32.s32 v8;
	[tilespmem:s8+$0x10] =	vst v10  }
0x214: {  	v1 =	vcvt.f32.s32 v1  }
0x215: {  	vm0 =	vgt.s32 v0, $0x0;
	v5 =	vcvt.f32.s32 v5;
	v3 =	vcvt.f32.s32 v3  }
0x216: {  	v4 =	vcvt.f32.s32 v4;
	vm1 =	vgt.s32 v6, $0x0;
	v0 =	vnsel vm0, $0x0, v0  }
0x217: {  	[tilespmem:s8+$0x20] =	vst v7;
	vm11 =	vgt.s32 v2, $0x0;
	v6 =	vnsel vm1, $0x0, v6;
	v0 =	vmin.u32 v0, $0x3FFFF  }
0x218: {  	vm12 =	vgt.s32 v1, $0x0;
	v2 =	vnsel vm11, $0x0, v2;
	v6 =	vmin.u32 v6, $0x3FFFF;
	[tilespmem:s7+$0xFFFFFFD0] =	vst v0  }
0x219: {  	vm13 =	vgt.s32 v5, $0x0;
	v1 =	vnsel vm12, $0x0, v1;
	v56 =	vmin.u32 v2, $0x3FFFF;
	[tilespmem:s7+$0xFFFFFFC0] =	vst v6  }
0x21a: {  	vm14 =	vgt.s32 v3, $0x0;
	v57 =	vnsel vm13, $0x0, v5;
	[tilespmem:s7+$0xFFFFFFE0] =	vst v56;
	v58 =	vmin.u32 v1, $0x3FFFF  }
0x21b: {  	vm15 =	vgt.s32 v4, $0x0;
	v59 =	vnsel vm14, $0x0, v3;
	v60 =	vmin.u32 v57, $0x3FFFF;
	[tilespmem:s7+$0xFFFFFFF0] =	vst v58  }
0x21c: {  	v61 =	vnsel vm15, $0x0, v4;
	v62 =	vmin.u32 v59, $0x3FFFF;
	[tilespmem:s7+$0x0] =	vst v60  }
0x21d: {  	v63 =	vmin.u32 v61, $0x3FFFF;
	[tilespmem:s7+$0x10] =	vst v62  }
0x21e: {  	[tilespmem:s7+$0x20] =	vst v63  }
.LBB2_24:
0x21f: {  	s7 =	sshra.s32 s11, $0x2  }
0x220: {  	v0 =	vld [tilespmem:s7+$0x3E40];
	_ =	sdelay $0x4  }
0x221: {  	v0 =	vmul.f32 $2.621440000e+05, v0;
	_ =	sdelay $0x1  }
0x222: {  	v0 =	vtrunc.f32 v0  }
0x223: {  	p0 =	sne.s32 s11, $0xC0;
	v0 =	vcvt.f32.s32 v0  }
.Ltmp11:
0x224: {  	_ = 	snop;
	(pc) =	sbr.rel @p0 .LBB2_24-.Ltmp11, $4  }
0x225: {  	vm0 =	vgt.s32 v0, $0x0  }
0x226: {  	v0 =	vnsel vm0, $0x0, v0  }
0x227: {  	v0 =	vmin.u32 v0, $0x3FFFF  }
0x228: {  	s11 =	sadd.s32 $0x40, s11;
	[tilespmem:s7+$0x7CC0] =	vst v0  }
0x229: {  	_ =	swait.ge [sflag:s31], $0x1F40  }
0x22a: {  	[sflag:s31] =	ssyncset.done $0x0  }
0x22b: {  	[sflag:s31] =	ssyncadd.s32 $0xFFFFE0C0  }
0x22c: {  	[hbm4b:s17+s3] =	stream.linear.scatter [tilespmem:s29], [sflag:$0x4], $0x1F40, $0x38;
	[tilespmem:$0xFB80] =	vst v63  }
0x22d: {  	_ =	swait.ge [sflag:s5], $0x1F40  }
0x22e: {  	[sflag:s5] =	ssyncset.done $0x0  }
0x22f: {  	[sflag:s5] =	ssyncadd.s32 $0xFFFFE0C0  }
0x230: {  	[tilespmem:s2], [sflag:$0x3] =	stream.indirect.gather [spmem:s1], $0x1, s0, s25, $0xb8;
	[tilespmem:$0xFB80] =	vst v63  }
0x231: {  	_ = 	snop  }
0x232: {  	[tilespmem:s25], [sflag:$0x2] =	stream.linear.gather [hbm4b:s18+s3], $0x1F40, $0x38;
	[tilespmem:$0xFB80] =	vst v63  }
0x233: {  	_ =	swait.ge [sflag:s26], $0x1F40  }
0x234: {  	[sflag:s26] =	ssyncset.done $0x0  }
0x235: {  	s7 =	simm.s32 $0x40;
	[sflag:s26] =	ssyncadd.s32 $0xFFFFE0C0  }
0x236: {  	v0 =	vld [tilespmem:s7+$0x30]  }
0x237: {  	v1 =	vld [tilespmem:s7+$0xFFFFFFD0]  }
0x238: {  	v2 =	vld [tilespmem:s7+$0xFFFFFFE0]  }
0x239: {  	v3 =	vld [tilespmem:s7+$0xFFFFFFF0]  }
0x23a: {  	v4 =	vld [tilespmem:s7+$0x0]  }
0x23b: {  	v5 =	vld [tilespmem:s7+$0x10]  }
0x23c: {  	v6 =	vld [tilespmem:s7+$0x20]  }
0x23d: {  	s11 =	simm.s32 $0xC0;
	v7 =	vld [tilespmem:s7+$0xFFFFFFC0]  }
0x23e: {  	v8 =	vld [tilespmem:s11+$0x30]  }
0x23f: {  	v10 =	vld [tilespmem:s11+$0xFFFFFFE0]  }
0x240: {  	v13 =	vld [tilespmem:s11+$0x10];
	v0 =	vmul.f32 $2.621440000e+05, v0  }
0x241: {  	v1 =	vmul.f32 $2.621440000e+05, v1;
	v2 =	vmul.f32 $2.621440000e+05, v2  }
0x242: {  	v3 =	vmul.f32 $2.621440000e+05, v3;
	v4 =	vmul.f32 $2.621440000e+05, v4  }
0x243: {  	v5 =	vmul.f32 $2.621440000e+05, v5;
	v6 =	vmul.f32 $2.621440000e+05, v6  }
0x244: {  	v7 =	vmul.f32 $2.621440000e+05, v7;
	v8 =	vmul.f32 $2.621440000e+05, v8  }
0x245: {  	v10 =	vmul.f32 $2.621440000e+05, v10;
	v63 =	vmul.f32 $2.621440000e+05, v13  }
0x246: {  	v0 =	vtrunc.f32 v0;
	v1 =	vtrunc.f32 v1  }
0x247: {  	v2 =	vtrunc.f32 v2;
	v3 =	vtrunc.f32 v3  }
0x248: {  	v4 =	vtrunc.f32 v4;
	v5 =	vtrunc.f32 v5  }
0x249: {  	v6 =	vtrunc.f32 v6;
	v7 =	vtrunc.f32 v7  }
0x24a: {  	v8 =	vtrunc.f32 v8;
	v10 =	vtrunc.f32 v10  }
0x24b: {  	v0 =	vcvt.f32.s32 v0;
	v1 =	vcvt.f32.s32 v1  }
0x24c: {  	v7 =	vcvt.f32.s32 v7;
	v2 =	vcvt.f32.s32 v2  }
0x24d: {  	v3 =	vcvt.f32.s32 v3;
	v4 =	vcvt.f32.s32 v4  }
0x24e: {  	v5 =	vcvt.f32.s32 v5;
	v6 =	vcvt.f32.s32 v6  }
0x24f: {  	v8 =	vcvt.f32.s32 v8;
	vm0 =	vgt.s32 v0, $0x0;
	vm13 =	vgt.s32 v1, $0x0  }
0x250: {  	v9 =	vld [tilespmem:s11+$0xFFFFFFD0];
	vm1 =	vgt.s32 v7, $0x0;
	vm2 =	vgt.s32 v2, $0x0;
	vm3 =	vgt.s32 v3, $0x0  }
0x251: {  	v11 =	vld [tilespmem:s11+$0xFFFFFFF0];
	vm4 =	vgt.s32 v4, $0x0;
	vm14 =	vgt.s32 v5, $0x0;
	vm5 =	vgt.s32 v6, $0x0  }
0x252: {  	v12 =	vld [tilespmem:s11+$0x0];
	vm15 =	vgt.s32 v8, $0x0;
	v0 =	vnsel vm0, $0x0, v0;
	v7 =	vnsel vm1, $0x0, v7  }
0x253: {  	v1 =	vnsel vm13, $0x0, v1;
	v2 =	vnsel vm2, $0x0, v2;
	v15 =	vnsel vm14, $0x0, v5;
	v5 =	vld [tilespmem:s11+$0x20]  }
0x254: {  	s8 =	simm.s32 $0x3EC0;
	v3 =	vnsel vm3, $0x0, v3;
	v62 =	vnsel vm5, $0x0, v6;
	v6 =	vld [tilespmem:s11+$0xFFFFFFC0];
	v0 =	vmin.u32 v0, $0x3FFFF  }
0x255: {  	v14 =	vnsel vm4, $0x0, v4;
	v4 =	vmul.f32 $2.621440000e+05, v9;
	v7 =	vmin.u32 v7, $0x3FFFF;
	[tilespmem:s8+$0x30] =	vst v0  }
0x256: {  	v1 =	vmin.u32 v1, $0x3FFFF;
	v2 =	vmin.u32 v2, $0x3FFFF;
	v0 =	vmul.f32 $2.621440000e+05, v11;
	[tilespmem:s8+$0xFFFFFFC0] =	vst v7  }
0x257: {  	v3 =	vmin.u32 v3, $0x3FFFF;
	v7 =	vtrunc.f32 v4;
	v4 =	vmul.f32 $2.621440000e+05, v12;
	[tilespmem:s8+$0xFFFFFFD0] =	vst v1  }
0x258: {  	[tilespmem:s8+$0xFFFFFFE0] =	vst v2;
	v2 =	vnsel vm15, $0x0, v8;
	v1 =	vtrunc.f32 v0;
	v0 =	vmul.f32 $2.621440000e+05, v5  }
0x259: {  	s7 =	simm.s32 $0x3F40;
	[tilespmem:s8+$0xFFFFFFF0] =	vst v3;
	v3 =	vtrunc.f32 v63;
	v2 =	vmin.u32 v2, $0x3FFFF;
	v6 =	vmul.f32 $2.621440000e+05, v6  }
0x25a: {  	[tilespmem:s7+$0x30] =	vst v2;
	v2 =	vmin.u32 v14, $0x3FFFF;
	v5 =	vtrunc.f32 v4;
	v4 =	vtrunc.f32 v0  }
0x25b: {  	[tilespmem:s8+$0x0] =	vst v2;
	v6 =	vtrunc.f32 v6;
	v0 =	vcvt.f32.s32 v7;
	v7 =	vmin.u32 v15, $0x3FFFF  }
0x25c: {  	s9 =	simm.s32 $0x8;
	s10 =	simm.s32 $0x140;
	v2 =	vcvt.f32.s32 v10;
	v6 =	vcvt.f32.s32 v6;
	[tilespmem:s8+$0x10] =	vst v7;
	v7 =	vmin.u32 v62, $0x3FFFF  }
.LBB2_26:
0x25d: {  	v8 =	vld [tilespmem:s10+$0x30];
	s9 =	sadd.s32 $0x8, s9;
	vm0 =	vgt.s32 v0, $0x0;
	v1 =	vcvt.f32.s32 v1;
	v5 =	vcvt.f32.s32 v5;
	[tilespmem:s8+$0x20] =	vst v7;
	s8 =	smov.u32 s7  }
0x25e: {  	v3 =	vcvt.f32.s32 v3;
	v4 =	vcvt.f32.s32 v4;
	v7 =	vld [tilespmem:s10+$0xFFFFFFD0];
	p0 =	slt.u32 s9, $0x1E8;
	vm1 =	vgt.s32 v6, $0x0  }
0x25f: {  	vm2 =	vgt.s32 v2, $0x0;
	v9 =	vld [tilespmem:s10+$0xFFFFFFE0];
	vm3 =	vgt.s32 v1, $0x0;
	vm4 =	vgt.s32 v5, $0x0  }
0x260: {  	v6 =	vnsel vm1, $0x0, v6;
	vm1 =	vgt.s32 v3, $0x0;
	vm5 =	vgt.s32 v4, $0x0;
	v10 =	vld [tilespmem:s10+$0xFFFFFFF0]  }
0x261: {  	v0 =	vnsel vm0, $0x0, v0;
	v2 =	vnsel vm2, $0x0, v2;
	v1 =	vnsel vm3, $0x0, v1;
	v11 =	vld [tilespmem:s10+$0x0]  }
0x262: {  	v13 =	vnsel vm4, $0x0, v5;
	v14 =	vnsel vm1, $0x0, v3;
	v12 =	vld [tilespmem:s10+$0x10];
	v8 =	vmul.f32 $2.621440000e+05, v8  }
0x263: {  	v6 =	vmin.u32 v6, $0x3FFFF;
	v3 =	vmul.f32 $2.621440000e+05, v7;
	v5 =	vld [tilespmem:s10+$0x20];
	v7 =	vnsel vm5, $0x0, v4  }
0x264: {  	v0 =	vmin.u32 v0, $0x3FFFF;
	v4 =	vld [tilespmem:s10+$0xFFFFFFC0];
	v9 =	vmul.f32 $2.621440000e+05, v9;
	v8 =	vtrunc.f32 v8;
	[tilespmem:s7+$0xFFFFFFC0] =	vst v6  }
0x265: {  	v6 =	vmul.f32 $2.621440000e+05, v10;
	v8 =	vcvt.f32.s32 v8;
	[tilespmem:s7+$0xFFFFFFD0] =	vst v0;
	v0 =	vmin.u32 v2, $0x3FFFF  }
0x266: {  	v2 =	vtrunc.f32 v3;
	v3 =	vmul.f32 $2.621440000e+05, v11;
	[tilespmem:s7+$0xFFFFFFE0] =	vst v0;
	v0 =	vmin.u32 v1, $0x3FFFF  }
0x267: {  	v9 =	vtrunc.f32 v9;
	v10 =	vmul.f32 $2.621440000e+05, v12;
	vm0 =	vgt.s32 v8, $0x0;
	[tilespmem:s7+$0xFFFFFFF0] =	vst v0  }
.Ltmp12:
0x268: {  	v1 =	vtrunc.f32 v6;
	v0 =	vmul.f32 $2.621440000e+05, v5;
	v6 =	vnsel vm0, $0x0, v8;
	(pc) =	sbr.rel @p0 .LBB2_26-.Ltmp12, $4  }
0x269: {  	s7 =	sadd.s32 $0x80, s7;
	v5 =	vtrunc.f32 v3;
	v8 =	vmul.f32 $2.621440000e+05, v4;
	v6 =	vmin.u32 v6, $0x3FFFF  }
0x26a: {  	s11 =	simm.s32 $0x0;
	v3 =	vtrunc.f32 v10;
	v4 =	vtrunc.f32 v0;
	[tilespmem:s7+$0x30] =	vst v6;
	v6 =	vmin.u32 v13, $0x3FFFF  }
0x26b: {  	v10 =	vmin.u32 v14, $0x3FFFF;
	v0 =	vcvt.f32.s32 v2;
	v8 =	vtrunc.f32 v8;
	[tilespmem:s8+$0x0] =	vst v6  }
0x26c: {  	s10 =	sadd.s32 $0x80, s10;
	v7 =	vmin.u32 v7, $0x3FFFF;
	v2 =	vcvt.f32.s32 v9;
	v6 =	vcvt.f32.s32 v8;
	[tilespmem:s8+$0x10] =	vst v10  }
0x26d: {  	v1 =	vcvt.f32.s32 v1  }
0x26e: {  	vm0 =	vgt.s32 v0, $0x0;
	v5 =	vcvt.f32.s32 v5;
	v3 =	vcvt.f32.s32 v3  }
0x26f: {  	v4 =	vcvt.f32.s32 v4;
	vm1 =	vgt.s32 v6, $0x0;
	v0 =	vnsel vm0, $0x0, v0  }
0x270: {  	[tilespmem:s8+$0x20] =	vst v7;
	vm11 =	vgt.s32 v2, $0x0;
	v6 =	vnsel vm1, $0x0, v6;
	v0 =	vmin.u32 v0, $0x3FFFF  }
0x271: {  	vm12 =	vgt.s32 v1, $0x0;
	v2 =	vnsel vm11, $0x0, v2;
	v6 =	vmin.u32 v6, $0x3FFFF;
	[tilespmem:s7+$0xFFFFFFD0] =	vst v0  }
0x272: {  	vm13 =	vgt.s32 v5, $0x0;
	v1 =	vnsel vm12, $0x0, v1;
	v56 =	vmin.u32 v2, $0x3FFFF;
	[tilespmem:s7+$0xFFFFFFC0] =	vst v6  }
0x273: {  	vm14 =	vgt.s32 v3, $0x0;
	v57 =	vnsel vm13, $0x0, v5;
	[tilespmem:s7+$0xFFFFFFE0] =	vst v56;
	v58 =	vmin.u32 v1, $0x3FFFF  }
0x274: {  	vm15 =	vgt.s32 v4, $0x0;
	v59 =	vnsel vm14, $0x0, v3;
	v60 =	vmin.u32 v57, $0x3FFFF;
	[tilespmem:s7+$0xFFFFFFF0] =	vst v58  }
0x275: {  	v61 =	vnsel vm15, $0x0, v4;
	v62 =	vmin.u32 v59, $0x3FFFF;
	[tilespmem:s7+$0x0] =	vst v60  }
0x276: {  	v63 =	vmin.u32 v61, $0x3FFFF;
	[tilespmem:s7+$0x10] =	vst v62  }
0x277: {  	[tilespmem:s7+$0x20] =	vst v63  }
.LBB2_28:
0x278: {  	s7 =	sshra.s32 s11, $0x2  }
0x279: {  	v0 =	vld [tilespmem:s7+$0x1F00];
	_ =	sdelay $0x4  }
0x27a: {  	v0 =	vmul.f32 $2.621440000e+05, v0;
	_ =	sdelay $0x1  }
0x27b: {  	v0 =	vtrunc.f32 v0  }
0x27c: {  	p0 =	sne.s32 s11, $0xC0;
	v0 =	vcvt.f32.s32 v0  }
.Ltmp13:
0x27d: {  	_ = 	snop;
	(pc) =	sbr.rel @p0 .LBB2_28-.Ltmp13, $4  }
0x27e: {  	vm0 =	vgt.s32 v0, $0x0  }
0x27f: {  	v0 =	vnsel vm0, $0x0, v0  }
0x280: {  	v0 =	vmin.u32 v0, $0x3FFFF  }
0x281: {  	s11 =	sadd.s32 $0x40, s11;
	[tilespmem:s7+$0x5D80] =	vst v0  }
0x282: {  	_ =	swait.ge [sflag:s31], $0x1F40  }
0x283: {  	[sflag:s31] =	ssyncset.done $0x0  }
0x284: {  	[sflag:s31] =	ssyncadd.s32 $0xFFFFE0C0  }
0x285: {  	[hbm4b:s19+s3] =	stream.linear.scatter [tilespmem:s2], [sflag:$0x5], $0x1F40, $0x38;
	[tilespmem:$0xFB80] =	vst v63  }
0x286: {  	_ =	swait.ge [sflag:s4], $0x1F40  }
0x287: {  	[sflag:s4] =	ssyncset.done $0x0  }
0x288: {  	[sflag:s4] =	ssyncadd.s32 $0xFFFFE0C0  }
0x289: {  	[tilespmem:s29], [sflag:$0x3] =	stream.indirect.gather [spmem:s1], $0x1, s28, s25, $0xb8;
	[tilespmem:$0xFB80] =	vst v63  }
0x28a: {  	_ =	swait.ge [sflag:s30], $0x1F40  }
0x28b: {  	[sflag:s30] =	ssyncset.done $0x0  }
0x28c: {  	s7 =	simm.s32 $0x1F80;
	[sflag:s30] =	ssyncadd.s32 $0xFFFFE0C0  }
0x28d: {  	v0 =	vld [tilespmem:s7+$0x30]  }
0x28e: {  	v1 =	vld [tilespmem:s7+$0xFFFFFFD0]  }
0x28f: {  	v2 =	vld [tilespmem:s7+$0xFFFFFFE0]  }
0x290: {  	v3 =	vld [tilespmem:s7+$0xFFFFFFF0]  }
0x291: {  	v4 =	vld [tilespmem:s7+$0x0]  }
0x292: {  	v5 =	vld [tilespmem:s7+$0x10]  }
0x293: {  	v6 =	vld [tilespmem:s7+$0x20]  }
0x294: {  	s11 =	simm.s32 $0x2000;
	v7 =	vld [tilespmem:s7+$0xFFFFFFC0]  }
0x295: {  	v8 =	vld [tilespmem:s11+$0x30]  }
0x296: {  	v10 =	vld [tilespmem:s11+$0xFFFFFFE0]  }
0x297: {  	v13 =	vld [tilespmem:s11+$0x10];
	v0 =	vmul.f32 $2.621440000e+05, v0  }
0x298: {  	v1 =	vmul.f32 $2.621440000e+05, v1;
	v2 =	vmul.f32 $2.621440000e+05, v2  }
0x299: {  	v3 =	vmul.f32 $2.621440000e+05, v3;
	v4 =	vmul.f32 $2.621440000e+05, v4  }
0x29a: {  	v5 =	vmul.f32 $2.621440000e+05, v5;
	v6 =	vmul.f32 $2.621440000e+05, v6  }
0x29b: {  	v7 =	vmul.f32 $2.621440000e+05, v7;
	v8 =	vmul.f32 $2.621440000e+05, v8  }
0x29c: {  	v10 =	vmul.f32 $2.621440000e+05, v10;
	v63 =	vmul.f32 $2.621440000e+05, v13  }
0x29d: {  	v0 =	vtrunc.f32 v0;
	v1 =	vtrunc.f32 v1  }
0x29e: {  	v2 =	vtrunc.f32 v2;
	v3 =	vtrunc.f32 v3  }
0x29f: {  	v4 =	vtrunc.f32 v4;
	v5 =	vtrunc.f32 v5  }
0x2a0: {  	v6 =	vtrunc.f32 v6;
	v7 =	vtrunc.f32 v7  }
0x2a1: {  	v8 =	vtrunc.f32 v8;
	v10 =	vtrunc.f32 v10  }
0x2a2: {  	v0 =	vcvt.f32.s32 v0;
	v1 =	vcvt.f32.s32 v1  }
0x2a3: {  	v7 =	vcvt.f32.s32 v7;
	v2 =	vcvt.f32.s32 v2  }
0x2a4: {  	v3 =	vcvt.f32.s32 v3;
	v4 =	vcvt.f32.s32 v4  }
0x2a5: {  	v5 =	vcvt.f32.s32 v5;
	v6 =	vcvt.f32.s32 v6  }
0x2a6: {  	v8 =	vcvt.f32.s32 v8;
	vm0 =	vgt.s32 v0, $0x0;
	vm13 =	vgt.s32 v1, $0x0  }
0x2a7: {  	v9 =	vld [tilespmem:s11+$0xFFFFFFD0];
	vm1 =	vgt.s32 v7, $0x0;
	vm2 =	vgt.s32 v2, $0x0;
	vm3 =	vgt.s32 v3, $0x0  }
0x2a8: {  	v11 =	vld [tilespmem:s11+$0xFFFFFFF0];
	vm4 =	vgt.s32 v4, $0x0;
	vm14 =	vgt.s32 v5, $0x0;
	vm5 =	vgt.s32 v6, $0x0  }
0x2a9: {  	v12 =	vld [tilespmem:s11+$0x0];
	vm15 =	vgt.s32 v8, $0x0;
	v0 =	vnsel vm0, $0x0, v0;
	v7 =	vnsel vm1, $0x0, v7  }
0x2aa: {  	v1 =	vnsel vm13, $0x0, v1;
	v2 =	vnsel vm2, $0x0, v2;
	v15 =	vnsel vm14, $0x0, v5;
	v5 =	vld [tilespmem:s11+$0x20]  }
0x2ab: {  	s8 =	simm.s32 $0x5E00;
	v3 =	vnsel vm3, $0x0, v3;
	v62 =	vnsel vm5, $0x0, v6;
	v6 =	vld [tilespmem:s11+$0xFFFFFFC0];
	v0 =	vmin.u32 v0, $0x3FFFF  }
0x2ac: {  	v14 =	vnsel vm4, $0x0, v4;
	v4 =	vmul.f32 $2.621440000e+05, v9;
	v7 =	vmin.u32 v7, $0x3FFFF;
	[tilespmem:s8+$0x30] =	vst v0  }
0x2ad: {  	v1 =	vmin.u32 v1, $0x3FFFF;
	v2 =	vmin.u32 v2, $0x3FFFF;
	v0 =	vmul.f32 $2.621440000e+05, v11;
	[tilespmem:s8+$0xFFFFFFC0] =	vst v7  }
0x2ae: {  	v3 =	vmin.u32 v3, $0x3FFFF;
	v7 =	vtrunc.f32 v4;
	v4 =	vmul.f32 $2.621440000e+05, v12;
	[tilespmem:s8+$0xFFFFFFD0] =	vst v1  }
0x2af: {  	[tilespmem:s8+$0xFFFFFFE0] =	vst v2;
	v2 =	vnsel vm15, $0x0, v8;
	v1 =	vtrunc.f32 v0;
	v0 =	vmul.f32 $2.621440000e+05, v5  }
0x2b0: {  	s7 =	simm.s32 $0x5E80;
	[tilespmem:s8+$0xFFFFFFF0] =	vst v3;
	v3 =	vtrunc.f32 v63;
	v2 =	vmin.u32 v2, $0x3FFFF;
	v6 =	vmul.f32 $2.621440000e+05, v6  }
0x2b1: {  	[tilespmem:s7+$0x30] =	vst v2;
	v2 =	vmin.u32 v14, $0x3FFFF;
	v5 =	vtrunc.f32 v4;
	v4 =	vtrunc.f32 v0  }
0x2b2: {  	[tilespmem:s8+$0x0] =	vst v2;
	v6 =	vtrunc.f32 v6;
	v0 =	vcvt.f32.s32 v7;
	v7 =	vmin.u32 v15, $0x3FFFF  }
0x2b3: {  	s9 =	simm.s32 $0x8;
	s10 =	simm.s32 $0x2080;
	v2 =	vcvt.f32.s32 v10;
	v6 =	vcvt.f32.s32 v6;
	[tilespmem:s8+$0x10] =	vst v7;
	v7 =	vmin.u32 v62, $0x3FFFF  }
.LBB2_30:
0x2b4: {  	v8 =	vld [tilespmem:s10+$0x30];
	s9 =	sadd.s32 $0x8, s9;
	vm0 =	vgt.s32 v0, $0x0;
	v1 =	vcvt.f32.s32 v1;
	v5 =	vcvt.f32.s32 v5;
	[tilespmem:s8+$0x20] =	vst v7;
	s8 =	smov.u32 s7  }
0x2b5: {  	v3 =	vcvt.f32.s32 v3;
	v4 =	vcvt.f32.s32 v4;
	v7 =	vld [tilespmem:s10+$0xFFFFFFD0];
	p0 =	slt.u32 s9, $0x1E8;
	vm1 =	vgt.s32 v6, $0x0  }
0x2b6: {  	vm2 =	vgt.s32 v2, $0x0;
	v9 =	vld [tilespmem:s10+$0xFFFFFFE0];
	vm3 =	vgt.s32 v1, $0x0;
	vm4 =	vgt.s32 v5, $0x0  }
0x2b7: {  	v6 =	vnsel vm1, $0x0, v6;
	vm1 =	vgt.s32 v3, $0x0;
	vm5 =	vgt.s32 v4, $0x0;
	v10 =	vld [tilespmem:s10+$0xFFFFFFF0]  }
0x2b8: {  	v0 =	vnsel vm0, $0x0, v0;
	v2 =	vnsel vm2, $0x0, v2;
	v1 =	vnsel vm3, $0x0, v1;
	v11 =	vld [tilespmem:s10+$0x0]  }
0x2b9: {  	v13 =	vnsel vm4, $0x0, v5;
	v14 =	vnsel vm1, $0x0, v3;
	v12 =	vld [tilespmem:s10+$0x10];
	v8 =	vmul.f32 $2.621440000e+05, v8  }
0x2ba: {  	v6 =	vmin.u32 v6, $0x3FFFF;
	v3 =	vmul.f32 $2.621440000e+05, v7;
	v5 =	vld [tilespmem:s10+$0x20];
	v7 =	vnsel vm5, $0x0, v4  }
0x2bb: {  	v0 =	vmin.u32 v0, $0x3FFFF;
	v4 =	vld [tilespmem:s10+$0xFFFFFFC0];
	v9 =	vmul.f32 $2.621440000e+05, v9;
	v8 =	vtrunc.f32 v8;
	[tilespmem:s7+$0xFFFFFFC0] =	vst v6  }
0x2bc: {  	v6 =	vmul.f32 $2.621440000e+05, v10;
	v8 =	vcvt.f32.s32 v8;
	[tilespmem:s7+$0xFFFFFFD0] =	vst v0;
	v0 =	vmin.u32 v2, $0x3FFFF  }
0x2bd: {  	v2 =	vtrunc.f32 v3;
	v3 =	vmul.f32 $2.621440000e+05, v11;
	[tilespmem:s7+$0xFFFFFFE0] =	vst v0;
	v0 =	vmin.u32 v1, $0x3FFFF  }
0x2be: {  	v9 =	vtrunc.f32 v9;
	v10 =	vmul.f32 $2.621440000e+05, v12;
	vm0 =	vgt.s32 v8, $0x0;
	[tilespmem:s7+$0xFFFFFFF0] =	vst v0  }
.Ltmp14:
0x2bf: {  	v1 =	vtrunc.f32 v6;
	v0 =	vmul.f32 $2.621440000e+05, v5;
	v6 =	vnsel vm0, $0x0, v8;
	(pc) =	sbr.rel @p0 .LBB2_30-.Ltmp14, $4  }
0x2c0: {  	s7 =	sadd.s32 $0x80, s7;
	v5 =	vtrunc.f32 v3;
	v8 =	vmul.f32 $2.621440000e+05, v4;
	v6 =	vmin.u32 v6, $0x3FFFF  }
0x2c1: {  	s11 =	simm.s32 $0x0;
	v3 =	vtrunc.f32 v10;
	v4 =	vtrunc.f32 v0;
	[tilespmem:s7+$0x30] =	vst v6;
	v6 =	vmin.u32 v13, $0x3FFFF  }
0x2c2: {  	v10 =	vmin.u32 v14, $0x3FFFF;
	v0 =	vcvt.f32.s32 v2;
	v8 =	vtrunc.f32 v8;
	[tilespmem:s8+$0x0] =	vst v6  }
0x2c3: {  	s10 =	sadd.s32 $0x80, s10;
	v7 =	vmin.u32 v7, $0x3FFFF;
	v2 =	vcvt.f32.s32 v9;
	v6 =	vcvt.f32.s32 v8;
	[tilespmem:s8+$0x10] =	vst v10  }
0x2c4: {  	v1 =	vcvt.f32.s32 v1  }
0x2c5: {  	vm0 =	vgt.s32 v0, $0x0;
	v5 =	vcvt.f32.s32 v5;
	v3 =	vcvt.f32.s32 v3  }
0x2c6: {  	v4 =	vcvt.f32.s32 v4;
	vm1 =	vgt.s32 v6, $0x0;
	v0 =	vnsel vm0, $0x0, v0  }
0x2c7: {  	[tilespmem:s8+$0x20] =	vst v7;
	vm11 =	vgt.s32 v2, $0x0;
	v6 =	vnsel vm1, $0x0, v6;
	v0 =	vmin.u32 v0, $0x3FFFF  }
0x2c8: {  	vm12 =	vgt.s32 v1, $0x0;
	v2 =	vnsel vm11, $0x0, v2;
	v6 =	vmin.u32 v6, $0x3FFFF;
	[tilespmem:s7+$0xFFFFFFD0] =	vst v0  }
0x2c9: {  	vm13 =	vgt.s32 v5, $0x0;
	v1 =	vnsel vm12, $0x0, v1;
	v56 =	vmin.u32 v2, $0x3FFFF;
	[tilespmem:s7+$0xFFFFFFC0] =	vst v6  }
0x2ca: {  	vm14 =	vgt.s32 v3, $0x0;
	v57 =	vnsel vm13, $0x0, v5;
	[tilespmem:s7+$0xFFFFFFE0] =	vst v56;
	v58 =	vmin.u32 v1, $0x3FFFF  }
0x2cb: {  	vm15 =	vgt.s32 v4, $0x0;
	v59 =	vnsel vm14, $0x0, v3;
	v60 =	vmin.u32 v57, $0x3FFFF;
	[tilespmem:s7+$0xFFFFFFF0] =	vst v58  }
0x2cc: {  	v61 =	vnsel vm15, $0x0, v4;
	v62 =	vmin.u32 v59, $0x3FFFF;
	[tilespmem:s7+$0x0] =	vst v60  }
0x2cd: {  	v63 =	vmin.u32 v61, $0x3FFFF;
	[tilespmem:s7+$0x10] =	vst v62  }
0x2ce: {  	[tilespmem:s7+$0x20] =	vst v63  }
.LBB2_32:
0x2cf: {  	s7 =	sshra.s32 s11, $0x2  }
0x2d0: {  	v0 =	vld [tilespmem:s7+$0x3E40];
	_ =	sdelay $0x4  }
0x2d1: {  	v0 =	vmul.f32 $2.621440000e+05, v0;
	_ =	sdelay $0x1  }
0x2d2: {  	v0 =	vtrunc.f32 v0  }
0x2d3: {  	p0 =	sne.s32 s11, $0xC0;
	v0 =	vcvt.f32.s32 v0  }
.Ltmp15:
0x2d4: {  	_ = 	snop;
	(pc) =	sbr.rel @p0 .LBB2_32-.Ltmp15, $4  }
0x2d5: {  	vm0 =	vgt.s32 v0, $0x0  }
0x2d6: {  	v0 =	vnsel vm0, $0x0, v0  }
0x2d7: {  	v0 =	vmin.u32 v0, $0x3FFFF  }
0x2d8: {  	s11 =	sadd.s32 $0x40, s11;
	[tilespmem:s7+$0x7CC0] =	vst v0  }
0x2d9: {  	_ =	swait.ge [sflag:s31], $0x1F40  }
0x2da: {  	[sflag:s31] =	ssyncset.done $0x0  }
0x2db: {  	[sflag:s31] =	ssyncadd.s32 $0xFFFFE0C0  }
0x2dc: {  	[hbm4b:s20+s3] =	stream.linear.scatter [tilespmem:s29], [sflag:$0x4], $0x1F40, $0x38;
	[tilespmem:$0xFB80] =	vst v63  }
0x2dd: {  	_ =	swait.ge [sflag:s5], $0x1F40  }
0x2de: {  	[sflag:s5] =	ssyncset.done $0x0  }
0x2df: {  	[sflag:s5] =	ssyncadd.s32 $0xFFFFE0C0  }
0x2e0: {  	[tilespmem:s2], [sflag:$0x3] =	stream.indirect.gather [spmem:s1], $0x1, s0, s25, $0xb8;
	[tilespmem:$0xFB80] =	vst v63  }
0x2e1: {  	_ =	swait.ge [sflag:s31], $0x1F40  }
0x2e2: {  	[sflag:s31] =	ssyncset.done $0x0  }
0x2e3: {  	s6 =	sadd.s32 $0x1, s6;
	[sflag:s31] =	ssyncadd.s32 $0xFFFFE0C0  }
0x2e4: {  	[hbm4b:s21+s3] =	stream.linear.scatter [tilespmem:s2], [sflag:$0x5], $0x1F40, $0x38;
	[tilespmem:$0xFB80] =	vst v63  }
0x2e5: {  	p0 =	sne.s32 s6, s22;
	_ =	swait.ge [sflag:s4], $0x1F40  }
.Ltmp16:
0x2e6: {  	[sflag:s4] =	ssyncset.done $0x0;
	(pc) =	sbr.rel @p0 .LBB2_1-.Ltmp16, $4  }
0x2e7: {  	[sflag:s4] =	ssyncadd.s32 $0xFFFFE0C0  }
0x2e8: {  	_ =	swait.ge [sflag:s5], $0x1F40  }
0x2e9: {  	[sflag:s5] =	ssyncset.done $0x0  }
0x2ea: {  	[sflag:s5] =	ssyncadd.s32 $0xFFFFE0C0  }
0x2eb: {  	_ =	sfence.sel $0x180000  }
0x2ec: {  	[bflag:$0x0] =	sbarrier.arrive $0xFFFF  }
0x2ed: {  	_ =	strace $0x9000004A  }
0x2ee: {  	s0 =	stileid.u32;
	[bflag:$0x2] =	sbarrier.arrive $0xFFFF  }
0x2ef: {  	p0 =	sne.s32 s0, $0x0;
	s0 =	rddreg [dreg:$0x4]  }
0x2f0: {  	s0 =	sadd.s32 @!p0 $0x100000, s0  }
0x2f1: {  	[sflag:s0] =	ssyncadd.tile.s32 @!p0 $0x1;
	_ =	shalt  }
.Lfunc_end2:
_tile_overlayer_lowered:
.L_overlay_start_2:
0x2f2: {  	(tag) =	ssettag $0x2  }
0x2f3: {  	s0 =	rddreg [dreg:$0x0];
	s2 =	stileid.u32  }
0x2f4: {  	s1 =	rddreg [dreg:$0x1];
	p0 =	sne.s32 s2, $0x0  }
0x2f5: {  	s3 =	rddreg [dreg:$0x2];
	[bflag:$0x3] =	sbarrier.arrive $0xFFFF;
	s2 =	simm.s32 @!p0 $0x1C06  }
0x2f6: {  	[timem:s3], [sflag:s2] =	dma.local @!p0 [hbm:s0], s1  }
0x2f7: {  	s0 =	simm.s32 @!p0 $0x6  }
0x2f8: {  	_ =	swait.ge @!p0 [sflag:s0], s1  }
0x2f9: {  	s1 =	ssub.s32 @!p0 $0x0, s1;
	[sflag:s0] =	ssyncset.done @!p0 $0x0  }
0x2fa: {  	[sflag:s0] =	ssyncadd.s32 @!p0 s1  }
0x2fb: {  	[bflag:$0x3] =	sbarrier.arrive $0xFFFF  }
0x2fc: {  	_ =	shalt  }

</sc_bundles>
